<compile_context>
chip_gen: v7x
topology: tpu7x:2x2x1
jax: 0.10.2.dev20260603
libtpu: 0.0.44.dev20260713+nightly
codegen_flags: <defaults>
</compile_context>

<pallas_src>
import jax
import jax.numpy as jnp
from jax import lax
from jax.experimental import pallas as pl
from jax.experimental.pallas import tpu as pltpu
from jax.experimental.pallas import tpu_sc as plsc

B = 16384
D = 16
NC, NS = 2, 16
NW = NC * NS
CHUNK = B // NW
NT = 1000000
NB = CHUNK // D
EPW = CHUNK * D
NXF = EPW // 128


def _gmf_body(guser_hbm, gitem_hbm, utab_hbm, itab_hbm, wb_hbm, out_hbm,
         gu_v, gi_v, ur_v, ir_v, out_v, wb_v,
         sem_u, sem_i):
    wid = lax.axis_index("s") * NC + lax.axis_index("c")
    base = wid * CHUNK

    pltpu.sync_copy(wb_hbm, wb_v)
    pltpu.sync_copy(guser_hbm.at[pl.ds(base * D, EPW)], gu_v)
    pltpu.sync_copy(gitem_hbm.at[pl.ds(base * D, EPW)], gi_v)

    copies = []
    for g in range(NXF):
        sl = pl.ds(g * 128, 128)
        copies.append(pltpu.async_copy(
            utab_hbm.at[gu_v.at[sl]], ur_v.at[sl], sem_u))
        copies.append(pltpu.async_copy(
            itab_hbm.at[gi_v.at[sl]], ir_v.at[sl], sem_i))
    for c in copies:
        c.wait()

    bias_v = wb_v[pl.ds(D, D)]
    lane = lax.iota(jnp.int32, D)
    wsplat = [plsc.load_gather(wb_v, [jnp.full((D,), c, jnp.int32)])
              for c in range(D)]

    def block(jb, carry):
        bb = jb * D * D
        acc = bias_v
        for c in range(D):
            ut = ur_v[pl.ds(bb + c * D, D)]
            it = ir_v[pl.ds(bb + c * D, D)]
            acc = acc + ut * it * wsplat[c]
        out_v[pl.ds(jb * D, D)] = jnp.maximum(acc, 0.0)
        return carry
    lax.fori_loop(0, NB, block, 0)
    pltpu.sync_copy(out_v, out_hbm.at[pl.ds(base, CHUNK)])


def kernel(user, item, user_table, item_table, W, b):
    u32 = user.astype(jnp.int32)
    i32_ = item.astype(jnp.int32)
    cofs = jnp.arange(D, dtype=jnp.int32) * NT
    gu = (u32.reshape(B // D, 1, D) + cofs.reshape(1, D, 1)).reshape(B * D)
    gi = (i32_.reshape(B // D, 1, D) + cofs.reshape(1, D, 1)).reshape(B * D)
    ut = user_table.T.reshape(D * NT)
    it = item_table.T.reshape(D * NT)
    wb = jnp.concatenate([W.reshape(D), jnp.broadcast_to(b, (D,))])
    mesh = plsc.VectorSubcoreMesh(core_axis_name="c", subcore_axis_name="s",
                                  num_cores=NC, num_subcores=NS)
    run = pl.kernel(
        _gmf_body,
        out_type=jax.ShapeDtypeStruct((B,), jnp.float32),
        mesh=mesh,
        compiler_params=pltpu.CompilerParams(
            needs_layout_passes=False, use_tc_tiling_on_sc=False),
        scratch_types=[
            pltpu.VMEM((EPW,), jnp.int32),
            pltpu.VMEM((EPW,), jnp.int32),
            pltpu.VMEM((EPW,), jnp.float32),
            pltpu.VMEM((EPW,), jnp.float32),
            pltpu.VMEM((CHUNK,), jnp.float32),
            pltpu.VMEM((2 * D,), jnp.float32),
            pltpu.SemaphoreType.DMA,
            pltpu.SemaphoreType.DMA,
        ],
    )
    out = run(gu, gi, ut, it, wb)
    return out.reshape(B, 1)

# --- scband reference (transcript-rebuilt; emitter-appended) ---
"""Pipeline reference for scband-gmf-31748398252658 (READ-ONLY COPY).

The authoritative reference and input builder live on the scoring server;
editing this copy changes nothing except your own understanding.
"""

import jax, jax.numpy as jnp
import numpy as np

NUM_USERS = 1000000
NUM_ITEMS = 1000000
EMBED_DIM = 16
BATCH = 16384

def setup_inputs(seed: int = 0) -> dict:
    key = jax.random.key(seed)
    k1, k2, k3, k4, k5, k6 = jax.random.split(key, 6)
    user = jax.random.randint(k1, (BATCH,), 0, NUM_USERS, dtype=jnp.int64 if jax.config.jax_enable_x64 else jnp.int32)
    item = jax.random.randint(k2, (BATCH,), 0, NUM_ITEMS, dtype=jnp.int64 if jax.config.jax_enable_x64 else jnp.int32)
    user_table = jax.random.normal(k3, (NUM_USERS, EMBED_DIM), dtype=jnp.float32)
    item_table = jax.random.normal(k4, (NUM_ITEMS, EMBED_DIM), dtype=jnp.float32)
    # nn.Linear(16, 1): weight [1, 16], bias [1]
    W = jax.random.normal(k5, (1, EMBED_DIM), dtype=jnp.float32) * (1.0 / np.sqrt(EMBED_DIM))
    b = jax.random.normal(k6, (1,), dtype=jnp.float32) * 0.01
    return {"user": user, "item": item, "user_table": user_table, "item_table": item_table, "W": W, "b": b}

def reference(user, item, user_table, item_table, W, b):
    u_emb = jnp.take(user_table, user, axis=0)      # [B, 16]
    i_emb = jnp.take(item_table, item, axis=0)      # [B, 16]
    embedding_vec = u_emb * i_emb                    # elementwise mul
    pred = embedding_vec @ W.T + b                   # [B, 1]
    outputs = jax.nn.relu(pred)
    return outputs

if __name__ == "__main__":
    import jax
    _d = setup_inputs()
    print(jax.jit(kernel)(*tuple(_d.values())))

</pallas_src>

<mosaic_0001>
#map = affine_map<(d0, d1) -> (0)>
module attributes {stable_mosaic.version = 14 : i64} {
  func.func @_gmf_body(%arg0: i32, %arg1: i32, %arg2: memref<262144xi32, #tpu.memory_space<hbm>>, %arg3: memref<262144xi32, #tpu.memory_space<hbm>>, %arg4: memref<16000000xf32, #tpu.memory_space<hbm>>, %arg5: memref<16000000xf32, #tpu.memory_space<hbm>>, %arg6: memref<32xf32, #tpu.memory_space<hbm>>, %arg7: memref<16384xf32, #tpu.memory_space<hbm>>, %arg8: memref<8192xi32, #tpu.memory_space<vmem>>, %arg9: memref<8192xi32, #tpu.memory_space<vmem>>, %arg10: memref<8192xf32, #tpu.memory_space<vmem>>, %arg11: memref<8192xf32, #tpu.memory_space<vmem>>, %arg12: memref<512xf32, #tpu.memory_space<vmem>>, %arg13: memref<32xf32, #tpu.memory_space<vmem>>, %arg14: memref<!tpu.dma_semaphore, #tpu.memory_space<semaphore_mem>>, %arg15: memref<!tpu.dma_semaphore, #tpu.memory_space<semaphore_mem>>) attributes {dimension_semantics = [#tpu.dimension_semantics<core_parallel>, #tpu.dimension_semantics<subcore_parallel>], iteration_bounds = array<i64: 2, 16>, scalar_prefetch = 0 : i64, scratch_operands = 8 : i64, tpu.core_type = #tpu.core_type<sc_vector_subcore>, window_params = [{transform_indices = #map}, {transform_indices = #map}, {transform_indices = #map}, {transform_indices = #map}, {transform_indices = #map}, {transform_indices = #map}]} {
    %mul3A = arith.constant 2 : i32
    %mul3A_0 = arith.muli %arg1, %mul3A : i32
    %add3A = arith.addi %mul3A_0, %arg0 : i32
    %mul3A_1 = arith.constant 512 : i32
    %mul3A_2 = arith.muli %add3A, %mul3A_1 : i32
    "tpu.region"() ({
      %run_scoped3A = tpu.sem_alloc : memref<!tpu.dma_semaphore, #tpu.memory_space<semaphore_mem>>
      tpu.enqueue_dma source(%arg6 : memref<32xf32, #tpu.memory_space<hbm>>) target(%arg13 : memref<32xf32, #tpu.memory_space<vmem>>) target_semaphore(%run_scoped3A : memref<!tpu.dma_semaphore, #tpu.memory_space<semaphore_mem>>)
      tpu.wait_dma2 semaphore(%run_scoped3A : memref<!tpu.dma_semaphore, #tpu.memory_space<semaphore_mem>>) src(%arg6 : memref<32xf32, #tpu.memory_space<hbm>>) dst(%arg13 : memref<32xf32, #tpu.memory_space<vmem>>)
      tpu.yield
    }) : () -> ()
    %mul3A_3 = arith.constant 16 : i32
    %mul3A_4 = arith.muli %mul3A_2, %mul3A_3 : i32
    "tpu.region"() ({
      %run_scoped3A = tpu.sem_alloc : memref<!tpu.dma_semaphore, #tpu.memory_space<semaphore_mem>>
      %dma_start3A_1593 = tpu.memref_slice %arg2[%mul3A_4] : memref<262144xi32, #tpu.memory_space<hbm>> -> memref<8192xi32, #tpu.memory_space<hbm>>
      %dma_start3A_1594 = tpu.memref_slice %arg2[%mul3A_4] : memref<262144xi32, #tpu.memory_space<hbm>> -> memref<8192xi32, #tpu.memory_space<hbm>>
      tpu.enqueue_dma source(%dma_start3A_1594 : memref<8192xi32, #tpu.memory_space<hbm>>) target(%arg8 : memref<8192xi32, #tpu.memory_space<vmem>>) target_semaphore(%run_scoped3A : memref<!tpu.dma_semaphore, #tpu.memory_space<semaphore_mem>>)
      %dma_wait3A_1595 = tpu.memref_slice %arg2[%mul3A_4] : memref<262144xi32, #tpu.memory_space<hbm>> -> memref<8192xi32, #tpu.memory_space<hbm>>
      %dma_wait3A_1596 = tpu.memref_slice %arg2[%mul3A_4] : memref<262144xi32, #tpu.memory_space<hbm>> -> memref<8192xi32, #tpu.memory_space<hbm>>
      tpu.wait_dma2 semaphore(%run_scoped3A : memref<!tpu.dma_semaphore, #tpu.memory_space<semaphore_mem>>) src(%dma_wait3A_1596 : memref<8192xi32, #tpu.memory_space<hbm>>) dst(%arg8 : memref<8192xi32, #tpu.memory_space<vmem>>)
      tpu.yield
    }) : () -> ()
    %mul3A_5 = arith.constant 16 : i32
    %mul3A_6 = arith.muli %mul3A_2, %mul3A_5 : i32
    "tpu.region"() ({
      %run_scoped3A = tpu.sem_alloc : memref<!tpu.dma_semaphore, #tpu.memory_space<semaphore_mem>>
      %dma_start3A_1593 = tpu.memref_slice %arg3[%mul3A_6] : memref<262144xi32, #tpu.memory_space<hbm>> -> memref<8192xi32, #tpu.memory_space<hbm>>
      %dma_start3A_1594 = tpu.memref_slice %arg3[%mul3A_6] : memref<262144xi32, #tpu.memory_space<hbm>> -> memref<8192xi32, #tpu.memory_space<hbm>>
      tpu.enqueue_dma source(%dma_start3A_1594 : memref<8192xi32, #tpu.memory_space<hbm>>) target(%arg9 : memref<8192xi32, #tpu.memory_space<vmem>>) target_semaphore(%run_scoped3A : memref<!tpu.dma_semaphore, #tpu.memory_space<semaphore_mem>>)
      %dma_wait3A_1595 = tpu.memref_slice %arg3[%mul3A_6] : memref<262144xi32, #tpu.memory_space<hbm>> -> memref<8192xi32, #tpu.memory_space<hbm>>
      %dma_wait3A_1596 = tpu.memref_slice %arg3[%mul3A_6] : memref<262144xi32, #tpu.memory_space<hbm>> -> memref<8192xi32, #tpu.memory_space<hbm>>
      tpu.wait_dma2 semaphore(%run_scoped3A : memref<!tpu.dma_semaphore, #tpu.memory_space<semaphore_mem>>) src(%dma_wait3A_1596 : memref<8192xi32, #tpu.memory_space<hbm>>) dst(%arg9 : memref<8192xi32, #tpu.memory_space<vmem>>)
      tpu.yield
    }) : () -> ()
    %dma_start3A = arith.constant 0 : i32
    %dma_start3A_7 = tpu.memref_slice %arg10[%dma_start3A] : memref<8192xf32, #tpu.memory_space<vmem>> -> memref<128xf32, #tpu.memory_space<vmem>>
    %dma_start3A_8 = arith.constant 0 : i32
    %dma_start3A_9 = tpu.memref_slice %arg8[%dma_start3A_8] : memref<8192xi32, #tpu.memory_space<vmem>> -> memref<128xi32, #tpu.memory_space<vmem>>
    %dma_start3A_10 = arith.constant 0 : i32
    %dma_start3A_11 = tpu.memref_slice %arg4[%dma_start3A_10] : memref<16000000xf32, #tpu.memory_space<hbm>> -> memref<16000000xf32, #tpu.memory_space<hbm>>
    tpu.enqueue_indirect_dma source(%dma_start3A_11 : memref<16000000xf32, #tpu.memory_space<hbm>>) target(%dma_start3A_7 : memref<128xf32, #tpu.memory_space<vmem>>) offsets(%dma_start3A_9 : memref<128xi32, #tpu.memory_space<vmem>>) semaphore(%arg14 : memref<!tpu.dma_semaphore, #tpu.memory_space<semaphore_mem>>)
    %dma_start3A_12 = arith.constant 0 : i32
    %dma_start3A_13 = tpu.memref_slice %arg11[%dma_start3A_12] : memref<8192xf32, #tpu.memory_space<vmem>> -> memref<128xf32, #tpu.memory_space<vmem>>
    %dma_start3A_14 = arith.constant 0 : i32
    %dma_start3A_15 = tpu.memref_slice %arg9[%dma_start3A_14] : memref<8192xi32, #tpu.memory_space<vmem>> -> memref<128xi32, #tpu.memory_space<vmem>>
    %dma_start3A_16 = arith.constant 0 : i32
    %dma_start3A_17 = tpu.memref_slice %arg5[%dma_start3A_16] : memref<16000000xf32, #tpu.memory_space<hbm>> -> memref<16000000xf32, #tpu.memory_space<hbm>>
    tpu.enqueue_indirect_dma source(%dma_start3A_17 : memref<16000000xf32, #tpu.memory_space<hbm>>) target(%dma_start3A_13 : memref<128xf32, #tpu.memory_space<vmem>>) offsets(%dma_start3A_15 : memref<128xi32, #tpu.memory_space<vmem>>) semaphore(%arg15 : memref<!tpu.dma_semaphore, #tpu.memory_space<semaphore_mem>>)
    %dma_start3A_18 = arith.constant 128 : i32
    %dma_start3A_19 = tpu.memref_slice %arg10[%dma_start3A_18] : memref<8192xf32, #tpu.memory_space<vmem>> -> memref<128xf32, #tpu.memory_space<vmem>>
    %dma_start3A_20 = arith.constant 128 : i32
    %dma_start3A_21 = tpu.memref_slice %arg8[%dma_start3A_20] : memref<8192xi32, #tpu.memory_space<vmem>> -> memref<128xi32, #tpu.memory_space<vmem>>
    %dma_start3A_22 = arith.constant 0 : i32
    %dma_start3A_23 = tpu.memref_slice %arg4[%dma_start3A_22] : memref<16000000xf32, #tpu.memory_space<hbm>> -> memref<16000000xf32, #tpu.memory_space<hbm>>
    tpu.enqueue_indirect_dma source(%dma_start3A_23 : memref<16000000xf32, #tpu.memory_space<hbm>>) target(%dma_start3A_19 : memref<128xf32, #tpu.memory_space<vmem>>) offsets(%dma_start3A_21 : memref<128xi32, #tpu.memory_space<vmem>>) semaphore(%arg14 : memref<!tpu.dma_semaphore, #tpu.memory_space<semaphore_mem>>)
    %dma_start3A_24 = arith.constant 128 : i32
    %dma_start3A_25 = tpu.memref_slice %arg11[%dma_start3A_24] : memref<8192xf32, #tpu.memory_space<vmem>> -> memref<128xf32, #tpu.memory_space<vmem>>
    %dma_start3A_26 = arith.constant 128 : i32
    %dma_start3A_27 = tpu.memref_slice %arg9[%dma_start3A_26] : memref<8192xi32, #tpu.memory_space<vmem>> -> memref<128xi32, #tpu.memory_space<vmem>>
    %dma_start3A_28 = arith.constant 0 : i32
    %dma_start3A_29 = tpu.memref_slice %arg5[%dma_start3A_28] : memref<16000000xf32, #tpu.memory_space<hbm>> -> memref<16000000xf32, #tpu.memory_space<hbm>>
    tpu.enqueue_indirect_dma source(%dma_start3A_29 : memref<16000000xf32, #tpu.memory_space<hbm>>) target(%dma_start3A_25 : memref<128xf32, #tpu.memory_space<vmem>>) offsets(%dma_start3A_27 : memref<128xi32, #tpu.memory_space<vmem>>) semaphore(%arg15 : memref<!tpu.dma_semaphore, #tpu.memory_space<semaphore_mem>>)
    %dma_start3A_30 = arith.constant 256 : i32
    %dma_start3A_31 = tpu.memref_slice %arg10[%dma_start3A_30] : memref<8192xf32, #tpu.memory_space<vmem>> -> memref<128xf32, #tpu.memory_space<vmem>>
    %dma_start3A_32 = arith.constant 256 : i32
    %dma_start3A_33 = tpu.memref_slice %arg8[%dma_start3A_32] : memref<8192xi32, #tpu.memory_space<vmem>> -> memref<128xi32, #tpu.memory_space<vmem>>
    %dma_start3A_34 = arith.constant 0 : i32
    %dma_start3A_35 = tpu.memref_slice %arg4[%dma_start3A_34] : memref<16000000xf32, #tpu.memory_space<hbm>> -> memref<16000000xf32, #tpu.memory_space<hbm>>
    tpu.enqueue_indirect_dma source(%dma_start3A_35 : memref<16000000xf32, #tpu.memory_space<hbm>>) target(%dma_start3A_31 : memref<128xf32, #tpu.memory_space<vmem>>) offsets(%dma_start3A_33 : memref<128xi32, #tpu.memory_space<vmem>>) semaphore(%arg14 : memref<!tpu.dma_semaphore, #tpu.memory_space<semaphore_mem>>)
    %dma_start3A_36 = arith.constant 256 : i32
    %dma_start3A_37 = tpu.memref_slice %arg11[%dma_start3A_36] : memref<8192xf32, #tpu.memory_space<vmem>> -> memref<128xf32, #tpu.memory_space<vmem>>
    %dma_start3A_38 = arith.constant 256 : i32
    %dma_start3A_39 = tpu.memref_slice %arg9[%dma_start3A_38] : memref<8192xi32, #tpu.memory_space<vmem>> -> memref<128xi32, #tpu.memory_space<vmem>>
    %dma_start3A_40 = arith.constant 0 : i32
    %dma_start3A_41 = tpu.memref_slice %arg5[%dma_start3A_40] : memref<16000000xf32, #tpu.memory_space<hbm>> -> memref<16000000xf32, #tpu.memory_space<hbm>>
    tpu.enqueue_indirect_dma source(%dma_start3A_41 : memref<16000000xf32, #tpu.memory_space<hbm>>) target(%dma_start3A_37 : memref<128xf32, #tpu.memory_space<vmem>>) offsets(%dma_start3A_39 : memref<128xi32, #tpu.memory_space<vmem>>) semaphore(%arg15 : memref<!tpu.dma_semaphore, #tpu.memory_space<semaphore_mem>>)
    %dma_start3A_42 = arith.constant 384 : i32
    %dma_start3A_43 = tpu.memref_slice %arg10[%dma_start3A_42] : memref<8192xf32, #tpu.memory_space<vmem>> -> memref<128xf32, #tpu.memory_space<vmem>>
    %dma_start3A_44 = arith.constant 384 : i32
    %dma_start3A_45 = tpu.memref_slice %arg8[%dma_start3A_44] : memref<8192xi32, #tpu.memory_space<vmem>> -> memref<128xi32, #tpu.memory_space<vmem>>
    %dma_start3A_46 = arith.constant 0 : i32
    %dma_start3A_47 = tpu.memref_slice %arg4[%dma_start3A_46] : memref<16000000xf32, #tpu.memory_space<hbm>> -> memref<16000000xf32, #tpu.memory_space<hbm>>
    tpu.enqueue_indirect_dma source(%dma_start3A_47 : memref<16000000xf32, #tpu.memory_space<hbm>>) target(%dma_start3A_43 : memref<128xf32, #tpu.memory_space<vmem>>) offsets(%dma_start3A_45 : memref<128xi32, #tpu.memory_space<vmem>>) semaphore(%arg14 : memref<!tpu.dma_semaphore, #tpu.memory_space<semaphore_mem>>)
    %dma_start3A_48 = arith.constant 384 : i32
    %dma_start3A_49 = tpu.memref_slice %arg11[%dma_start3A_48] : memref<8192xf32, #tpu.memory_space<vmem>> -> memref<128xf32, #tpu.memory_space<vmem>>
    %dma_start3A_50 = arith.constant 384 : i32
    %dma_start3A_51 = tpu.memref_slice %arg9[%dma_start3A_50] : memref<8192xi32, #tpu.memory_space<vmem>> -> memref<128xi32, #tpu.memory_space<vmem>>
    %dma_start3A_52 = arith.constant 0 : i32
    %dma_start3A_53 = tpu.memref_slice %arg5[%dma_start3A_52] : memref<16000000xf32, #tpu.memory_space<hbm>> -> memref<16000000xf32, #tpu.memory_space<hbm>>
    tpu.enqueue_indirect_dma source(%dma_start3A_53 : memref<16000000xf32, #tpu.memory_space<hbm>>) target(%dma_start3A_49 : memref<128xf32, #tpu.memory_space<vmem>>) offsets(%dma_start3A_51 : memref<128xi32, #tpu.memory_space<vmem>>) semaphore(%arg15 : memref<!tpu.dma_semaphore, #tpu.memory_space<semaphore_mem>>)
    %dma_start3A_54 = arith.constant 512 : i32
    %dma_start3A_55 = tpu.memref_slice %arg10[%dma_start3A_54] : memref<8192xf32, #tpu.memory_space<vmem>> -> memref<128xf32, #tpu.memory_space<vmem>>
    %dma_start3A_56 = arith.constant 512 : i32
    %dma_start3A_57 = tpu.memref_slice %arg8[%dma_start3A_56] : memref<8192xi32, #tpu.memory_space<vmem>> -> memref<128xi32, #tpu.memory_space<vmem>>
    %dma_start3A_58 = arith.constant 0 : i32
    %dma_start3A_59 = tpu.memref_slice %arg4[%dma_start3A_58] : memref<16000000xf32, #tpu.memory_space<hbm>> -> memref<16000000xf32, #tpu.memory_space<hbm>>
    tpu.enqueue_indirect_dma source(%dma_start3A_59 : memref<16000000xf32, #tpu.memory_space<hbm>>) target(%dma_start3A_55 : memref<128xf32, #tpu.memory_space<vmem>>) offsets(%dma_start3A_57 : memref<128xi32, #tpu.memory_space<vmem>>) semaphore(%arg14 : memref<!tpu.dma_semaphore, #tpu.memory_space<semaphore_mem>>)
    %dma_start3A_60 = arith.constant 512 : i32
    %dma_start3A_61 = tpu.memref_slice %arg11[%dma_start3A_60] : memref<8192xf32, #tpu.memory_space<vmem>> -> memref<128xf32, #tpu.memory_space<vmem>>
    %dma_start3A_62 = arith.constant 512 : i32
    %dma_start3A_63 = tpu.memref_slice %arg9[%dma_start3A_62] : memref<8192xi32, #tpu.memory_space<vmem>> -> memref<128xi32, #tpu.memory_space<vmem>>
    %dma_start3A_64 = arith.constant 0 : i32
    %dma_start3A_65 = tpu.memref_slice %arg5[%dma_start3A_64] : memref<16000000xf32, #tpu.memory_space<hbm>> -> memref<16000000xf32, #tpu.memory_space<hbm>>
    tpu.enqueue_indirect_dma source(%dma_start3A_65 : memref<16000000xf32, #tpu.memory_space<hbm>>) target(%dma_start3A_61 : memref<128xf32, #tpu.memory_space<vmem>>) offsets(%dma_start3A_63 : memref<128xi32, #tpu.memory_space<vmem>>) semaphore(%arg15 : memref<!tpu.dma_semaphore, #tpu.memory_space<semaphore_mem>>)
    %dma_start3A_66 = arith.constant 640 : i32
    %dma_start3A_67 = tpu.memref_slice %arg10[%dma_start3A_66] : memref<8192xf32, #tpu.memory_space<vmem>> -> memref<128xf32, #tpu.memory_space<vmem>>
    %dma_start3A_68 = arith.constant 640 : i32
    %dma_start3A_69 = tpu.memref_slice %arg8[%dma_start3A_68] : memref<8192xi32, #tpu.memory_space<vmem>> -> memref<128xi32, #tpu.memory_space<vmem>>
    %dma_start3A_70 = arith.constant 0 : i32
    %dma_start3A_71 = tpu.memref_slice %arg4[%dma_start3A_70] : memref<16000000xf32, #tpu.memory_space<hbm>> -> memref<16000000xf32, #tpu.memory_space<hbm>>
    tpu.enqueue_indirect_dma source(%dma_start3A_71 : memref<16000000xf32, #tpu.memory_space<hbm>>) target(%dma_start3A_67 : memref<128xf32, #tpu.memory_space<vmem>>) offsets(%dma_start3A_69 : memref<128xi32, #tpu.memory_space<vmem>>) semaphore(%arg14 : memref<!tpu.dma_semaphore, #tpu.memory_space<semaphore_mem>>)
    %dma_start3A_72 = arith.constant 640 : i32
    %dma_start3A_73 = tpu.memref_slice %arg11[%dma_start3A_72] : memref<8192xf32, #tpu.memory_space<vmem>> -> memref<128xf32, #tpu.memory_space<vmem>>
    %dma_start3A_74 = arith.constant 640 : i32
    %dma_start3A_75 = tpu.memref_slice %arg9[%dma_start3A_74] : memref<8192xi32, #tpu.memory_space<vmem>> -> memref<128xi32, #tpu.memory_space<vmem>>
    %dma_start3A_76 = arith.constant 0 : i32
    %dma_start3A_77 = tpu.memref_slice %arg5[%dma_start3A_76] : memref<16000000xf32, #tpu.memory_space<hbm>> -> memref<16000000xf32, #tpu.memory_space<hbm>>
    tpu.enqueue_indirect_dma source(%dma_start3A_77 : memref<16000000xf32, #tpu.memory_space<hbm>>) target(%dma_start3A_73 : memref<128xf32, #tpu.memory_space<vmem>>) offsets(%dma_start3A_75 : memref<128xi32, #tpu.memory_space<vmem>>) semaphore(%arg15 : memref<!tpu.dma_semaphore, #tpu.memory_space<semaphore_mem>>)
    %dma_start3A_78 = arith.constant 768 : i32
    %dma_start3A_79 = tpu.memref_slice %arg10[%dma_start3A_78] : memref<8192xf32, #tpu.memory_space<vmem>> -> memref<128xf32, #tpu.memory_space<vmem>>
    %dma_start3A_80 = arith.constant 768 : i32
    %dma_start3A_81 = tpu.memref_slice %arg8[%dma_start3A_80] : memref<8192xi32, #tpu.memory_space<vmem>> -> memref<128xi32, #tpu.memory_space<vmem>>
    %dma_start3A_82 = arith.constant 0 : i32
    %dma_start3A_83 = tpu.memref_slice %arg4[%dma_start3A_82] : memref<16000000xf32, #tpu.memory_space<hbm>> -> memref<16000000xf32, #tpu.memory_space<hbm>>
    tpu.enqueue_indirect_dma source(%dma_start3A_83 : memref<16000000xf32, #tpu.memory_space<hbm>>) target(%dma_start3A_79 : memref<128xf32, #tpu.memory_space<vmem>>) offsets(%dma_start3A_81 : memref<128xi32, #tpu.memory_space<vmem>>) semaphore(%arg14 : memref<!tpu.dma_semaphore, #tpu.memory_space<semaphore_mem>>)
    %dma_start3A_84 = arith.constant 768 : i32
    %dma_start3A_85 = tpu.memref_slice %arg11[%dma_start3A_84] : memref<8192xf32, #tpu.memory_space<vmem>> -> memref<128xf32, #tpu.memory_space<vmem>>
    %dma_start3A_86 = arith.constant 768 : i32
    %dma_start3A_87 = tpu.memref_slice %arg9[%dma_start3A_86] : memref<8192xi32, #tpu.memory_space<vmem>> -> memref<128xi32, #tpu.memory_space<vmem>>
    %dma_start3A_88 = arith.constant 0 : i32
    %dma_start3A_89 = tpu.memref_slice %arg5[%dma_start3A_88] : memref<16000000xf32, #tpu.memory_space<hbm>> -> memref<16000000xf32, #tpu.memory_space<hbm>>
    tpu.enqueue_indirect_dma source(%dma_start3A_89 : memref<16000000xf32, #tpu.memory_space<hbm>>) target(%dma_start3A_85 : memref<128xf32, #tpu.memory_space<vmem>>) offsets(%dma_start3A_87 : memref<128xi32, #tpu.memory_space<vmem>>) semaphore(%arg15 : memref<!tpu.dma_semaphore, #tpu.memory_space<semaphore_mem>>)
    %dma_start3A_90 = arith.constant 896 : i32
    %dma_start3A_91 = tpu.memref_slice %arg10[%dma_start3A_90] : memref<8192xf32, #tpu.memory_space<vmem>> -> memref<128xf32, #tpu.memory_space<vmem>>
    %dma_start3A_92 = arith.constant 896 : i32
    %dma_start3A_93 = tpu.memref_slice %arg8[%dma_start3A_92] : memref<8192xi32, #tpu.memory_space<vmem>> -> memref<128xi32, #tpu.memory_space<vmem>>
    %dma_start3A_94 = arith.constant 0 : i32
    %dma_start3A_95 = tpu.memref_slice %arg4[%dma_start3A_94] : memref<16000000xf32, #tpu.memory_space<hbm>> -> memref<16000000xf32, #tpu.memory_space<hbm>>
    tpu.enqueue_indirect_dma source(%dma_start3A_95 : memref<16000000xf32, #tpu.memory_space<hbm>>) target(%dma_start3A_91 : memref<128xf32, #tpu.memory_space<vmem>>) offsets(%dma_start3A_93 : memref<128xi32, #tpu.memory_space<vmem>>) semaphore(%arg14 : memref<!tpu.dma_semaphore, #tpu.memory_space<semaphore_mem>>)
    %dma_start3A_96 = arith.constant 896 : i32
    %dma_start3A_97 = tpu.memref_slice %arg11[%dma_start3A_96] : memref<8192xf32, #tpu.memory_space<vmem>> -> memref<128xf32, #tpu.memory_space<vmem>>
    %dma_start3A_98 = arith.constant 896 : i32
    %dma_start3A_99 = tpu.memref_slice %arg9[%dma_start3A_98] : memref<8192xi32, #tpu.memory_space<vmem>> -> memref<128xi32, #tpu.memory_space<vmem>>
    %dma_start3A_100 = arith.constant 0 : i32
    %dma_start3A_101 = tpu.memref_slice %arg5[%dma_start3A_100] : memref<16000000xf32, #tpu.memory_space<hbm>> -> memref<16000000xf32, #tpu.memory_space<hbm>>
    tpu.enqueue_indirect_dma source(%dma_start3A_101 : memref<16000000xf32, #tpu.memory_space<hbm>>) target(%dma_start3A_97 : memref<128xf32, #tpu.memory_space<vmem>>) offsets(%dma_start3A_99 : memref<128xi32, #tpu.memory_space<vmem>>) semaphore(%arg15 : memref<!tpu.dma_semaphore, #tpu.memory_space<semaphore_mem>>)
    %dma_start3A_102 = arith.constant 1024 : i32
    %dma_start3A_103 = tpu.memref_slice %arg10[%dma_start3A_102] : memref<8192xf32, #tpu.memory_space<vmem>> -> memref<128xf32, #tpu.memory_space<vmem>>
    %dma_start3A_104 = arith.constant 1024 : i32
    %dma_start3A_105 = tpu.memref_slice %arg8[%dma_start3A_104] : memref<8192xi32, #tpu.memory_space<vmem>> -> memref<128xi32, #tpu.memory_space<vmem>>
    %dma_start3A_106 = arith.constant 0 : i32
    %dma_start3A_107 = tpu.memref_slice %arg4[%dma_start3A_106] : memref<16000000xf32, #tpu.memory_space<hbm>> -> memref<16000000xf32, #tpu.memory_space<hbm>>
    tpu.enqueue_indirect_dma source(%dma_start3A_107 : memref<16000000xf32, #tpu.memory_space<hbm>>) target(%dma_start3A_103 : memref<128xf32, #tpu.memory_space<vmem>>) offsets(%dma_start3A_105 : memref<128xi32, #tpu.memory_space<vmem>>) semaphore(%arg14 : memref<!tpu.dma_semaphore, #tpu.memory_space<semaphore_mem>>)
    %dma_start3A_108 = arith.constant 1024 : i32
    %dma_start3A_109 = tpu.memref_slice %arg11[%dma_start3A_108] : memref<8192xf32, #tpu.memory_space<vmem>> -> memref<128xf32, #tpu.memory_space<vmem>>
    %dma_start3A_110 = arith.constant 1024 : i32
    %dma_start3A_111 = tpu.memref_slice %arg9[%dma_start3A_110] : memref<8192xi32, #tpu.memory_space<vmem>> -> memref<128xi32, #tpu.memory_space<vmem>>
    %dma_start3A_112 = arith.constant 0 : i32
    %dma_start3A_113 = tpu.memref_slice %arg5[%dma_start3A_112] : memref<16000000xf32, #tpu.memory_space<hbm>> -> memref<16000000xf32, #tpu.memory_space<hbm>>
    tpu.enqueue_indirect_dma source(%dma_start3A_113 : memref<16000000xf32, #tpu.memory_space<hbm>>) target(%dma_start3A_109 : memref<128xf32, #tpu.memory_space<vmem>>) offsets(%dma_start3A_111 : memref<128xi32, #tpu.memory_space<vmem>>) semaphore(%arg15 : memref<!tpu.dma_semaphore, #tpu.memory_space<semaphore_mem>>)
    %dma_start3A_114 = arith.constant 1152 : i32
    %dma_start3A_115 = tpu.memref_slice %arg10[%dma_start3A_114] : memref<8192xf32, #tpu.memory_space<vmem>> -> memref<128xf32, #tpu.memory_space<vmem>>
    %dma_start3A_116 = arith.constant 1152 : i32
    %dma_start3A_117 = tpu.memref_slice %arg8[%dma_start3A_116] : memref<8192xi32, #tpu.memory_space<vmem>> -> memref<128xi32, #tpu.memory_space<vmem>>
    %dma_start3A_118 = arith.constant 0 : i32
    %dma_start3A_119 = tpu.memref_slice %arg4[%dma_start3A_118] : memref<16000000xf32, #tpu.memory_space<hbm>> -> memref<16000000xf32, #tpu.memory_space<hbm>>
    tpu.enqueue_indirect_dma source(%dma_start3A_119 : memref<16000000xf32, #tpu.memory_space<hbm>>) target(%dma_start3A_115 : memref<128xf32, #tpu.memory_space<vmem>>) offsets(%dma_start3A_117 : memref<128xi32, #tpu.memory_space<vmem>>) semaphore(%arg14 : memref<!tpu.dma_semaphore, #tpu.memory_space<semaphore_mem>>)
    %dma_start3A_120 = arith.constant 1152 : i32
    %dma_start3A_121 = tpu.memref_slice %arg11[%dma_start3A_120] : memref<8192xf32, #tpu.memory_space<vmem>> -> memref<128xf32, #tpu.memory_space<vmem>>
    %dma_start3A_122 = arith.constant 1152 : i32
    %dma_start3A_123 = tpu.memref_slice %arg9[%dma_start3A_122] : memref<8192xi32, #tpu.memory_space<vmem>> -> memref<128xi32, #tpu.memory_space<vmem>>
    %dma_start3A_124 = arith.constant 0 : i32
    %dma_start3A_125 = tpu.memref_slice %arg5[%dma_start3A_124] : memref<16000000xf32, #tpu.memory_space<hbm>> -> memref<16000000xf32, #tpu.memory_space<hbm>>
    tpu.enqueue_indirect_dma source(%dma_start3A_125 : memref<16000000xf32, #tpu.memory_space<hbm>>) target(%dma_start3A_121 : memref<128xf32, #tpu.memory_space<vmem>>) offsets(%dma_start3A_123 : memref<128xi32, #tpu.memory_space<vmem>>) semaphore(%arg15 : memref<!tpu.dma_semaphore, #tpu.memory_space<semaphore_mem>>)
    %dma_start3A_126 = arith.constant 1280 : i32
    %dma_start3A_127 = tpu.memref_slice %arg10[%dma_start3A_126] : memref<8192xf32, #tpu.memory_space<vmem>> -> memref<128xf32, #tpu.memory_space<vmem>>
    %dma_start3A_128 = arith.constant 1280 : i32
    %dma_start3A_129 = tpu.memref_slice %arg8[%dma_start3A_128] : memref<8192xi32, #tpu.memory_space<vmem>> -> memref<128xi32, #tpu.memory_space<vmem>>
    %dma_start3A_130 = arith.constant 0 : i32
    %dma_start3A_131 = tpu.memref_slice %arg4[%dma_start3A_130] : memref<16000000xf32, #tpu.memory_space<hbm>> -> memref<16000000xf32, #tpu.memory_space<hbm>>
    tpu.enqueue_indirect_dma source(%dma_start3A_131 : memref<16000000xf32, #tpu.memory_space<hbm>>) target(%dma_start3A_127 : memref<128xf32, #tpu.memory_space<vmem>>) offsets(%dma_start3A_129 : memref<128xi32, #tpu.memory_space<vmem>>) semaphore(%arg14 : memref<!tpu.dma_semaphore, #tpu.memory_space<semaphore_mem>>)
    %dma_start3A_132 = arith.constant 1280 : i32
    %dma_start3A_133 = tpu.memref_slice %arg11[%dma_start3A_132] : memref<8192xf32, #tpu.memory_space<vmem>> -> memref<128xf32, #tpu.memory_space<vmem>>
    %dma_start3A_134 = arith.constant 1280 : i32
    %dma_start3A_135 = tpu.memref_slice %arg9[%dma_start3A_134] : memref<8192xi32, #tpu.memory_space<vmem>> -> memref<128xi32, #tpu.memory_space<vmem>>
    %dma_start3A_136 = arith.constant 0 : i32
    %dma_start3A_137 = tpu.memref_slice %arg5[%dma_start3A_136] : memref<16000000xf32, #tpu.memory_space<hbm>> -> memref<16000000xf32, #tpu.memory_space<hbm>>
    tpu.enqueue_indirect_dma source(%dma_start3A_137 : memref<16000000xf32, #tpu.memory_space<hbm>>) target(%dma_start3A_133 : memref<128xf32, #tpu.memory_space<vmem>>) offsets(%dma_start3A_135 : memref<128xi32, #tpu.memory_space<vmem>>) semaphore(%arg15 : memref<!tpu.dma_semaphore, #tpu.memory_space<semaphore_mem>>)
    %dma_start3A_138 = arith.constant 1408 : i32
    %dma_start3A_139 = tpu.memref_slice %arg10[%dma_start3A_138] : memref<8192xf32, #tpu.memory_space<vmem>> -> memref<128xf32, #tpu.memory_space<vmem>>
    %dma_start3A_140 = arith.constant 1408 : i32
    %dma_start3A_141 = tpu.memref_slice %arg8[%dma_start3A_140] : memref<8192xi32, #tpu.memory_space<vmem>> -> memref<128xi32, #tpu.memory_space<vmem>>
    %dma_start3A_142 = arith.constant 0 : i32
    %dma_start3A_143 = tpu.memref_slice %arg4[%dma_start3A_142] : memref<16000000xf32, #tpu.memory_space<hbm>> -> memref<16000000xf32, #tpu.memory_space<hbm>>
    tpu.enqueue_indirect_dma source(%dma_start3A_143 : memref<16000000xf32, #tpu.memory_space<hbm>>) target(%dma_start3A_139 : memref<128xf32, #tpu.memory_space<vmem>>) offsets(%dma_start3A_141 : memref<128xi32, #tpu.memory_space<vmem>>) semaphore(%arg14 : memref<!tpu.dma_semaphore, #tpu.memory_space<semaphore_mem>>)
    %dma_start3A_144 = arith.constant 1408 : i32
    %dma_start3A_145 = tpu.memref_slice %arg11[%dma_start3A_144] : memref<8192xf32, #tpu.memory_space<vmem>> -> memref<128xf32, #tpu.memory_space<vmem>>
    %dma_start3A_146 = arith.constant 1408 : i32
    %dma_start3A_147 = tpu.memref_slice %arg9[%dma_start3A_146] : memref<8192xi32, #tpu.memory_space<vmem>> -> memref<128xi32, #tpu.memory_space<vmem>>
    %dma_start3A_148 = arith.constant 0 : i32
    %dma_start3A_149 = tpu.memref_slice %arg5[%dma_start3A_148] : memref<16000000xf32, #tpu.memory_space<hbm>> -> memref<16000000xf32, #tpu.memory_space<hbm>>
    tpu.enqueue_indirect_dma source(%dma_start3A_149 : memref<16000000xf32, #tpu.memory_space<hbm>>) target(%dma_start3A_145 : memref<128xf32, #tpu.memory_space<vmem>>) offsets(%dma_start3A_147 : memref<128xi32, #tpu.memory_space<vmem>>) semaphore(%arg15 : memref<!tpu.dma_semaphore, #tpu.memory_space<semaphore_mem>>)
    %dma_start3A_150 = arith.constant 1536 : i32
    %dma_start3A_151 = tpu.memref_slice %arg10[%dma_start3A_150] : memref<8192xf32, #tpu.memory_space<vmem>> -> memref<128xf32, #tpu.memory_space<vmem>>
    %dma_start3A_152 = arith.constant 1536 : i32
    %dma_start3A_153 = tpu.memref_slice %arg8[%dma_start3A_152] : memref<8192xi32, #tpu.memory_space<vmem>> -> memref<128xi32, #tpu.memory_space<vmem>>
    %dma_start3A_154 = arith.constant 0 : i32
    %dma_start3A_155 = tpu.memref_slice %arg4[%dma_start3A_154] : memref<16000000xf32, #tpu.memory_space<hbm>> -> memref<16000000xf32, #tpu.memory_space<hbm>>
    tpu.enqueue_indirect_dma source(%dma_start3A_155 : memref<16000000xf32, #tpu.memory_space<hbm>>) target(%dma_start3A_151 : memref<128xf32, #tpu.memory_space<vmem>>) offsets(%dma_start3A_153 : memref<128xi32, #tpu.memory_space<vmem>>) semaphore(%arg14 : memref<!tpu.dma_semaphore, #tpu.memory_space<semaphore_mem>>)
    %dma_start3A_156 = arith.constant 1536 : i32
    %dma_start3A_157 = tpu.memref_slice %arg11[%dma_start3A_156] : memref<8192xf32, #tpu.memory_space<vmem>> -> memref<128xf32, #tpu.memory_space<vmem>>
    %dma_start3A_158 = arith.constant 1536 : i32
    %dma_start3A_159 = tpu.memref_slice %arg9[%dma_start3A_158] : memref<8192xi32, #tpu.memory_space<vmem>> -> memref<128xi32, #tpu.memory_space<vmem>>
    %dma_start3A_160 = arith.constant 0 : i32
    %dma_start3A_161 = tpu.memref_slice %arg5[%dma_start3A_160] : memref<16000000xf32, #tpu.memory_space<hbm>> -> memref<16000000xf32, #tpu.memory_space<hbm>>
    tpu.enqueue_indirect_dma source(%dma_start3A_161 : memref<16000000xf32, #tpu.memory_space<hbm>>) target(%dma_start3A_157 : memref<128xf32, #tpu.memory_space<vmem>>) offsets(%dma_start3A_159 : memref<128xi32, #tpu.memory_space<vmem>>) semaphore(%arg15 : memref<!tpu.dma_semaphore, #tpu.memory_space<semaphore_mem>>)
    %dma_start3A_162 = arith.constant 1664 : i32
    %dma_start3A_163 = tpu.memref_slice %arg10[%dma_start3A_162] : memref<8192xf32, #tpu.memory_space<vmem>> -> memref<128xf32, #tpu.memory_space<vmem>>
    %dma_start3A_164 = arith.constant 1664 : i32
    %dma_start3A_165 = tpu.memref_slice %arg8[%dma_start3A_164] : memref<8192xi32, #tpu.memory_space<vmem>> -> memref<128xi32, #tpu.memory_space<vmem>>
    %dma_start3A_166 = arith.constant 0 : i32
    %dma_start3A_167 = tpu.memref_slice %arg4[%dma_start3A_166] : memref<16000000xf32, #tpu.memory_space<hbm>> -> memref<16000000xf32, #tpu.memory_space<hbm>>
    tpu.enqueue_indirect_dma source(%dma_start3A_167 : memref<16000000xf32, #tpu.memory_space<hbm>>) target(%dma_start3A_163 : memref<128xf32, #tpu.memory_space<vmem>>) offsets(%dma_start3A_165 : memref<128xi32, #tpu.memory_space<vmem>>) semaphore(%arg14 : memref<!tpu.dma_semaphore, #tpu.memory_space<semaphore_mem>>)
    %dma_start3A_168 = arith.constant 1664 : i32
    %dma_start3A_169 = tpu.memref_slice %arg11[%dma_start3A_168] : memref<8192xf32, #tpu.memory_space<vmem>> -> memref<128xf32, #tpu.memory_space<vmem>>
    %dma_start3A_170 = arith.constant 1664 : i32
    %dma_start3A_171 = tpu.memref_slice %arg9[%dma_start3A_170] : memref<8192xi32, #tpu.memory_space<vmem>> -> memref<128xi32, #tpu.memory_space<vmem>>
    %dma_start3A_172 = arith.constant 0 : i32
    %dma_start3A_173 = tpu.memref_slice %arg5[%dma_start3A_172] : memref<16000000xf32, #tpu.memory_space<hbm>> -> memref<16000000xf32, #tpu.memory_space<hbm>>
    tpu.enqueue_indirect_dma source(%dma_start3A_173 : memref<16000000xf32, #tpu.memory_space<hbm>>) target(%dma_start3A_169 : memref<128xf32, #tpu.memory_space<vmem>>) offsets(%dma_start3A_171 : memref<128xi32, #tpu.memory_space<vmem>>) semaphore(%arg15 : memref<!tpu.dma_semaphore, #tpu.memory_space<semaphore_mem>>)
    %dma_start3A_174 = arith.constant 1792 : i32
    %dma_start3A_175 = tpu.memref_slice %arg10[%dma_start3A_174] : memref<8192xf32, #tpu.memory_space<vmem>> -> memref<128xf32, #tpu.memory_space<vmem>>
    %dma_start3A_176 = arith.constant 1792 : i32
    %dma_start3A_177 = tpu.memref_slice %arg8[%dma_start3A_176] : memref<8192xi32, #tpu.memory_space<vmem>> -> memref<128xi32, #tpu.memory_space<vmem>>
    %dma_start3A_178 = arith.constant 0 : i32
    %dma_start3A_179 = tpu.memref_slice %arg4[%dma_start3A_178] : memref<16000000xf32, #tpu.memory_space<hbm>> -> memref<16000000xf32, #tpu.memory_space<hbm>>
    tpu.enqueue_indirect_dma source(%dma_start3A_179 : memref<16000000xf32, #tpu.memory_space<hbm>>) target(%dma_start3A_175 : memref<128xf32, #tpu.memory_space<vmem>>) offsets(%dma_start3A_177 : memref<128xi32, #tpu.memory_space<vmem>>) semaphore(%arg14 : memref<!tpu.dma_semaphore, #tpu.memory_space<semaphore_mem>>)
    %dma_start3A_180 = arith.constant 1792 : i32
    %dma_start3A_181 = tpu.memref_slice %arg11[%dma_start3A_180] : memref<8192xf32, #tpu.memory_space<vmem>> -> memref<128xf32, #tpu.memory_space<vmem>>
    %dma_start3A_182 = arith.constant 1792 : i32
    %dma_start3A_183 = tpu.memref_slice %arg9[%dma_start3A_182] : memref<8192xi32, #tpu.memory_space<vmem>> -> memref<128xi32, #tpu.memory_space<vmem>>
    %dma_start3A_184 = arith.constant 0 : i32
    %dma_start3A_185 = tpu.memref_slice %arg5[%dma_start3A_184] : memref<16000000xf32, #tpu.memory_space<hbm>> -> memref<16000000xf32, #tpu.memory_space<hbm>>
    tpu.enqueue_indirect_dma source(%dma_start3A_185 : memref<16000000xf32, #tpu.memory_space<hbm>>) target(%dma_start3A_181 : memref<128xf32, #tpu.memory_space<vmem>>) offsets(%dma_start3A_183 : memref<128xi32, #tpu.memory_space<vmem>>) semaphore(%arg15 : memref<!tpu.dma_semaphore, #tpu.memory_space<semaphore_mem>>)
    %dma_start3A_186 = arith.constant 1920 : i32
    %dma_start3A_187 = tpu.memref_slice %arg10[%dma_start3A_186] : memref<8192xf32, #tpu.memory_space<vmem>> -> memref<128xf32, #tpu.memory_space<vmem>>
    %dma_start3A_188 = arith.constant 1920 : i32
    %dma_start3A_189 = tpu.memref_slice %arg8[%dma_start3A_188] : memref<8192xi32, #tpu.memory_space<vmem>> -> memref<128xi32, #tpu.memory_space<vmem>>
    %dma_start3A_190 = arith.constant 0 : i32
    %dma_start3A_191 = tpu.memref_slice %arg4[%dma_start3A_190] : memref<16000000xf32, #tpu.memory_space<hbm>> -> memref<16000000xf32, #tpu.memory_space<hbm>>
    tpu.enqueue_indirect_dma source(%dma_start3A_191 : memref<16000000xf32, #tpu.memory_space<hbm>>) target(%dma_start3A_187 : memref<128xf32, #tpu.memory_space<vmem>>) offsets(%dma_start3A_189 : memref<128xi32, #tpu.memory_space<vmem>>) semaphore(%arg14 : memref<!tpu.dma_semaphore, #tpu.memory_space<semaphore_mem>>)
    %dma_start3A_192 = arith.constant 1920 : i32
    %dma_start3A_193 = tpu.memref_slice %arg11[%dma_start3A_192] : memref<8192xf32, #tpu.memory_space<vmem>> -> memref<128xf32, #tpu.memory_space<vmem>>
    %dma_start3A_194 = arith.constant 1920 : i32
    %dma_start3A_195 = tpu.memref_slice %arg9[%dma_start3A_194] : memref<8192xi32, #tpu.memory_space<vmem>> -> memref<128xi32, #tpu.memory_space<vmem>>
    %dma_start3A_196 = arith.constant 0 : i32
    %dma_start3A_197 = tpu.memref_slice %arg5[%dma_start3A_196] : memref<16000000xf32, #tpu.memory_space<hbm>> -> memref<16000000xf32, #tpu.memory_space<hbm>>
    tpu.enqueue_indirect_dma source(%dma_start3A_197 : memref<16000000xf32, #tpu.memory_space<hbm>>) target(%dma_start3A_193 : memref<128xf32, #tpu.memory_space<vmem>>) offsets(%dma_start3A_195 : memref<128xi32, #tpu.memory_space<vmem>>) semaphore(%arg15 : memref<!tpu.dma_semaphore, #tpu.memory_space<semaphore_mem>>)
    %dma_start3A_198 = arith.constant 2048 : i32
    %dma_start3A_199 = tpu.memref_slice %arg10[%dma_start3A_198] : memref<8192xf32, #tpu.memory_space<vmem>> -> memref<128xf32, #tpu.memory_space<vmem>>
    %dma_start3A_200 = arith.constant 2048 : i32
    %dma_start3A_201 = tpu.memref_slice %arg8[%dma_start3A_200] : memref<8192xi32, #tpu.memory_space<vmem>> -> memref<128xi32, #tpu.memory_space<vmem>>
    %dma_start3A_202 = arith.constant 0 : i32
    %dma_start3A_203 = tpu.memref_slice %arg4[%dma_start3A_202] : memref<16000000xf32, #tpu.memory_space<hbm>> -> memref<16000000xf32, #tpu.memory_space<hbm>>
    tpu.enqueue_indirect_dma source(%dma_start3A_203 : memref<16000000xf32, #tpu.memory_space<hbm>>) target(%dma_start3A_199 : memref<128xf32, #tpu.memory_space<vmem>>) offsets(%dma_start3A_201 : memref<128xi32, #tpu.memory_space<vmem>>) semaphore(%arg14 : memref<!tpu.dma_semaphore, #tpu.memory_space<semaphore_mem>>)
    %dma_start3A_204 = arith.constant 2048 : i32
    %dma_start3A_205 = tpu.memref_slice %arg11[%dma_start3A_204] : memref<8192xf32, #tpu.memory_space<vmem>> -> memref<128xf32, #tpu.memory_space<vmem>>
    %dma_start3A_206 = arith.constant 2048 : i32
    %dma_start3A_207 = tpu.memref_slice %arg9[%dma_start3A_206] : memref<8192xi32, #tpu.memory_space<vmem>> -> memref<128xi32, #tpu.memory_space<vmem>>
    %dma_start3A_208 = arith.constant 0 : i32
    %dma_start3A_209 = tpu.memref_slice %arg5[%dma_start3A_208] : memref<16000000xf32, #tpu.memory_space<hbm>> -> memref<16000000xf32, #tpu.memory_space<hbm>>
    tpu.enqueue_indirect_dma source(%dma_start3A_209 : memref<16000000xf32, #tpu.memory_space<hbm>>) target(%dma_start3A_205 : memref<128xf32, #tpu.memory_space<vmem>>) offsets(%dma_start3A_207 : memref<128xi32, #tpu.memory_space<vmem>>) semaphore(%arg15 : memref<!tpu.dma_semaphore, #tpu.memory_space<semaphore_mem>>)
    %dma_start3A_210 = arith.constant 2176 : i32
    %dma_start3A_211 = tpu.memref_slice %arg10[%dma_start3A_210] : memref<8192xf32, #tpu.memory_space<vmem>> -> memref<128xf32, #tpu.memory_space<vmem>>
    %dma_start3A_212 = arith.constant 2176 : i32
    %dma_start3A_213 = tpu.memref_slice %arg8[%dma_start3A_212] : memref<8192xi32, #tpu.memory_space<vmem>> -> memref<128xi32, #tpu.memory_space<vmem>>
    %dma_start3A_214 = arith.constant 0 : i32
    %dma_start3A_215 = tpu.memref_slice %arg4[%dma_start3A_214] : memref<16000000xf32, #tpu.memory_space<hbm>> -> memref<16000000xf32, #tpu.memory_space<hbm>>
    tpu.enqueue_indirect_dma source(%dma_start3A_215 : memref<16000000xf32, #tpu.memory_space<hbm>>) target(%dma_start3A_211 : memref<128xf32, #tpu.memory_space<vmem>>) offsets(%dma_start3A_213 : memref<128xi32, #tpu.memory_space<vmem>>) semaphore(%arg14 : memref<!tpu.dma_semaphore, #tpu.memory_space<semaphore_mem>>)
    %dma_start3A_216 = arith.constant 2176 : i32
    %dma_start3A_217 = tpu.memref_slice %arg11[%dma_start3A_216] : memref<8192xf32, #tpu.memory_space<vmem>> -> memref<128xf32, #tpu.memory_space<vmem>>
    %dma_start3A_218 = arith.constant 2176 : i32
    %dma_start3A_219 = tpu.memref_slice %arg9[%dma_start3A_218] : memref<8192xi32, #tpu.memory_space<vmem>> -> memref<128xi32, #tpu.memory_space<vmem>>
    %dma_start3A_220 = arith.constant 0 : i32
    %dma_start3A_221 = tpu.memref_slice %arg5[%dma_start3A_220] : memref<16000000xf32, #tpu.memory_space<hbm>> -> memref<16000000xf32, #tpu.memory_space<hbm>>
    tpu.enqueue_indirect_dma source(%dma_start3A_221 : memref<16000000xf32, #tpu.memory_space<hbm>>) target(%dma_start3A_217 : memref<128xf32, #tpu.memory_space<vmem>>) offsets(%dma_start3A_219 : memref<128xi32, #tpu.memory_space<vmem>>) semaphore(%arg15 : memref<!tpu.dma_semaphore, #tpu.memory_space<semaphore_mem>>)
    %dma_start3A_222 = arith.constant 2304 : i32
    %dma_start3A_223 = tpu.memref_slice %arg10[%dma_start3A_222] : memref<8192xf32, #tpu.memory_space<vmem>> -> memref<128xf32, #tpu.memory_space<vmem>>
    %dma_start3A_224 = arith.constant 2304 : i32
    %dma_start3A_225 = tpu.memref_slice %arg8[%dma_start3A_224] : memref<8192xi32, #tpu.memory_space<vmem>> -> memref<128xi32, #tpu.memory_space<vmem>>
    %dma_start3A_226 = arith.constant 0 : i32
    %dma_start3A_227 = tpu.memref_slice %arg4[%dma_start3A_226] : memref<16000000xf32, #tpu.memory_space<hbm>> -> memref<16000000xf32, #tpu.memory_space<hbm>>
    tpu.enqueue_indirect_dma source(%dma_start3A_227 : memref<16000000xf32, #tpu.memory_space<hbm>>) target(%dma_start3A_223 : memref<128xf32, #tpu.memory_space<vmem>>) offsets(%dma_start3A_225 : memref<128xi32, #tpu.memory_space<vmem>>) semaphore(%arg14 : memref<!tpu.dma_semaphore, #tpu.memory_space<semaphore_mem>>)
    %dma_start3A_228 = arith.constant 2304 : i32
    %dma_start3A_229 = tpu.memref_slice %arg11[%dma_start3A_228] : memref<8192xf32, #tpu.memory_space<vmem>> -> memref<128xf32, #tpu.memory_space<vmem>>
    %dma_start3A_230 = arith.constant 2304 : i32
    %dma_start3A_231 = tpu.memref_slice %arg9[%dma_start3A_230] : memref<8192xi32, #tpu.memory_space<vmem>> -> memref<128xi32, #tpu.memory_space<vmem>>
    %dma_start3A_232 = arith.constant 0 : i32
    %dma_start3A_233 = tpu.memref_slice %arg5[%dma_start3A_232] : memref<16000000xf32, #tpu.memory_space<hbm>> -> memref<16000000xf32, #tpu.memory_space<hbm>>
    tpu.enqueue_indirect_dma source(%dma_start3A_233 : memref<16000000xf32, #tpu.memory_space<hbm>>) target(%dma_start3A_229 : memref<128xf32, #tpu.memory_space<vmem>>) offsets(%dma_start3A_231 : memref<128xi32, #tpu.memory_space<vmem>>) semaphore(%arg15 : memref<!tpu.dma_semaphore, #tpu.memory_space<semaphore_mem>>)
    %dma_start3A_234 = arith.constant 2432 : i32
    %dma_start3A_235 = tpu.memref_slice %arg10[%dma_start3A_234] : memref<8192xf32, #tpu.memory_space<vmem>> -> memref<128xf32, #tpu.memory_space<vmem>>
    %dma_start3A_236 = arith.constant 2432 : i32
    %dma_start3A_237 = tpu.memref_slice %arg8[%dma_start3A_236] : memref<8192xi32, #tpu.memory_space<vmem>> -> memref<128xi32, #tpu.memory_space<vmem>>
    %dma_start3A_238 = arith.constant 0 : i32
    %dma_start3A_239 = tpu.memref_slice %arg4[%dma_start3A_238] : memref<16000000xf32, #tpu.memory_space<hbm>> -> memref<16000000xf32, #tpu.memory_space<hbm>>
    tpu.enqueue_indirect_dma source(%dma_start3A_239 : memref<16000000xf32, #tpu.memory_space<hbm>>) target(%dma_start3A_235 : memref<128xf32, #tpu.memory_space<vmem>>) offsets(%dma_start3A_237 : memref<128xi32, #tpu.memory_space<vmem>>) semaphore(%arg14 : memref<!tpu.dma_semaphore, #tpu.memory_space<semaphore_mem>>)
    %dma_start3A_240 = arith.constant 2432 : i32
    %dma_start3A_241 = tpu.memref_slice %arg11[%dma_start3A_240] : memref<8192xf32, #tpu.memory_space<vmem>> -> memref<128xf32, #tpu.memory_space<vmem>>
    %dma_start3A_242 = arith.constant 2432 : i32
    %dma_start3A_243 = tpu.memref_slice %arg9[%dma_start3A_242] : memref<8192xi32, #tpu.memory_space<vmem>> -> memref<128xi32, #tpu.memory_space<vmem>>
    %dma_start3A_244 = arith.constant 0 : i32
    %dma_start3A_245 = tpu.memref_slice %arg5[%dma_start3A_244] : memref<16000000xf32, #tpu.memory_space<hbm>> -> memref<16000000xf32, #tpu.memory_space<hbm>>
    tpu.enqueue_indirect_dma source(%dma_start3A_245 : memref<16000000xf32, #tpu.memory_space<hbm>>) target(%dma_start3A_241 : memref<128xf32, #tpu.memory_space<vmem>>) offsets(%dma_start3A_243 : memref<128xi32, #tpu.memory_space<vmem>>) semaphore(%arg15 : memref<!tpu.dma_semaphore, #tpu.memory_space<semaphore_mem>>)
    %dma_start3A_246 = arith.constant 2560 : i32
    %dma_start3A_247 = tpu.memref_slice %arg10[%dma_start3A_246] : memref<8192xf32, #tpu.memory_space<vmem>> -> memref<128xf32, #tpu.memory_space<vmem>>
    %dma_start3A_248 = arith.constant 2560 : i32
    %dma_start3A_249 = tpu.memref_slice %arg8[%dma_start3A_248] : memref<8192xi32, #tpu.memory_space<vmem>> -> memref<128xi32, #tpu.memory_space<vmem>>
    %dma_start3A_250 = arith.constant 0 : i32
    %dma_start3A_251 = tpu.memref_slice %arg4[%dma_start3A_250] : memref<16000000xf32, #tpu.memory_space<hbm>> -> memref<16000000xf32, #tpu.memory_space<hbm>>
    tpu.enqueue_indirect_dma source(%dma_start3A_251 : memref<16000000xf32, #tpu.memory_space<hbm>>) target(%dma_start3A_247 : memref<128xf32, #tpu.memory_space<vmem>>) offsets(%dma_start3A_249 : memref<128xi32, #tpu.memory_space<vmem>>) semaphore(%arg14 : memref<!tpu.dma_semaphore, #tpu.memory_space<semaphore_mem>>)
    %dma_start3A_252 = arith.constant 2560 : i32
    %dma_start3A_253 = tpu.memref_slice %arg11[%dma_start3A_252] : memref<8192xf32, #tpu.memory_space<vmem>> -> memref<128xf32, #tpu.memory_space<vmem>>
    %dma_start3A_254 = arith.constant 2560 : i32
    %dma_start3A_255 = tpu.memref_slice %arg9[%dma_start3A_254] : memref<8192xi32, #tpu.memory_space<vmem>> -> memref<128xi32, #tpu.memory_space<vmem>>
    %dma_start3A_256 = arith.constant 0 : i32
    %dma_start3A_257 = tpu.memref_slice %arg5[%dma_start3A_256] : memref<16000000xf32, #tpu.memory_space<hbm>> -> memref<16000000xf32, #tpu.memory_space<hbm>>
    tpu.enqueue_indirect_dma source(%dma_start3A_257 : memref<16000000xf32, #tpu.memory_space<hbm>>) target(%dma_start3A_253 : memref<128xf32, #tpu.memory_space<vmem>>) offsets(%dma_start3A_255 : memref<128xi32, #tpu.memory_space<vmem>>) semaphore(%arg15 : memref<!tpu.dma_semaphore, #tpu.memory_space<semaphore_mem>>)
    %dma_start3A_258 = arith.constant 2688 : i32
    %dma_start3A_259 = tpu.memref_slice %arg10[%dma_start3A_258] : memref<8192xf32, #tpu.memory_space<vmem>> -> memref<128xf32, #tpu.memory_space<vmem>>
    %dma_start3A_260 = arith.constant 2688 : i32
    %dma_start3A_261 = tpu.memref_slice %arg8[%dma_start3A_260] : memref<8192xi32, #tpu.memory_space<vmem>> -> memref<128xi32, #tpu.memory_space<vmem>>
    %dma_start3A_262 = arith.constant 0 : i32
    %dma_start3A_263 = tpu.memref_slice %arg4[%dma_start3A_262] : memref<16000000xf32, #tpu.memory_space<hbm>> -> memref<16000000xf32, #tpu.memory_space<hbm>>
    tpu.enqueue_indirect_dma source(%dma_start3A_263 : memref<16000000xf32, #tpu.memory_space<hbm>>) target(%dma_start3A_259 : memref<128xf32, #tpu.memory_space<vmem>>) offsets(%dma_start3A_261 : memref<128xi32, #tpu.memory_space<vmem>>) semaphore(%arg14 : memref<!tpu.dma_semaphore, #tpu.memory_space<semaphore_mem>>)
    %dma_start3A_264 = arith.constant 2688 : i32
    %dma_start3A_265 = tpu.memref_slice %arg11[%dma_start3A_264] : memref<8192xf32, #tpu.memory_space<vmem>> -> memref<128xf32, #tpu.memory_space<vmem>>
    %dma_start3A_266 = arith.constant 2688 : i32
    %dma_start3A_267 = tpu.memref_slice %arg9[%dma_start3A_266] : memref<8192xi32, #tpu.memory_space<vmem>> -> memref<128xi32, #tpu.memory_space<vmem>>
    %dma_start3A_268 = arith.constant 0 : i32
    %dma_start3A_269 = tpu.memref_slice %arg5[%dma_start3A_268] : memref<16000000xf32, #tpu.memory_space<hbm>> -> memref<16000000xf32, #tpu.memory_space<hbm>>
    tpu.enqueue_indirect_dma source(%dma_start3A_269 : memref<16000000xf32, #tpu.memory_space<hbm>>) target(%dma_start3A_265 : memref<128xf32, #tpu.memory_space<vmem>>) offsets(%dma_start3A_267 : memref<128xi32, #tpu.memory_space<vmem>>) semaphore(%arg15 : memref<!tpu.dma_semaphore, #tpu.memory_space<semaphore_mem>>)
    %dma_start3A_270 = arith.constant 2816 : i32
    %dma_start3A_271 = tpu.memref_slice %arg10[%dma_start3A_270] : memref<8192xf32, #tpu.memory_space<vmem>> -> memref<128xf32, #tpu.memory_space<vmem>>
    %dma_start3A_272 = arith.constant 2816 : i32
    %dma_start3A_273 = tpu.memref_slice %arg8[%dma_start3A_272] : memref<8192xi32, #tpu.memory_space<vmem>> -> memref<128xi32, #tpu.memory_space<vmem>>
    %dma_start3A_274 = arith.constant 0 : i32
    %dma_start3A_275 = tpu.memref_slice %arg4[%dma_start3A_274] : memref<16000000xf32, #tpu.memory_space<hbm>> -> memref<16000000xf32, #tpu.memory_space<hbm>>
    tpu.enqueue_indirect_dma source(%dma_start3A_275 : memref<16000000xf32, #tpu.memory_space<hbm>>) target(%dma_start3A_271 : memref<128xf32, #tpu.memory_space<vmem>>) offsets(%dma_start3A_273 : memref<128xi32, #tpu.memory_space<vmem>>) semaphore(%arg14 : memref<!tpu.dma_semaphore, #tpu.memory_space<semaphore_mem>>)
    %dma_start3A_276 = arith.constant 2816 : i32
    %dma_start3A_277 = tpu.memref_slice %arg11[%dma_start3A_276] : memref<8192xf32, #tpu.memory_space<vmem>> -> memref<128xf32, #tpu.memory_space<vmem>>
    %dma_start3A_278 = arith.constant 2816 : i32
    %dma_start3A_279 = tpu.memref_slice %arg9[%dma_start3A_278] : memref<8192xi32, #tpu.memory_space<vmem>> -> memref<128xi32, #tpu.memory_space<vmem>>
    %dma_start3A_280 = arith.constant 0 : i32
    %dma_start3A_281 = tpu.memref_slice %arg5[%dma_start3A_280] : memref<16000000xf32, #tpu.memory_space<hbm>> -> memref<16000000xf32, #tpu.memory_space<hbm>>
    tpu.enqueue_indirect_dma source(%dma_start3A_281 : memref<16000000xf32, #tpu.memory_space<hbm>>) target(%dma_start3A_277 : memref<128xf32, #tpu.memory_space<vmem>>) offsets(%dma_start3A_279 : memref<128xi32, #tpu.memory_space<vmem>>) semaphore(%arg15 : memref<!tpu.dma_semaphore, #tpu.memory_space<semaphore_mem>>)
    %dma_start3A_282 = arith.constant 2944 : i32
    %dma_start3A_283 = tpu.memref_slice %arg10[%dma_start3A_282] : memref<8192xf32, #tpu.memory_space<vmem>> -> memref<128xf32, #tpu.memory_space<vmem>>
    %dma_start3A_284 = arith.constant 2944 : i32
    %dma_start3A_285 = tpu.memref_slice %arg8[%dma_start3A_284] : memref<8192xi32, #tpu.memory_space<vmem>> -> memref<128xi32, #tpu.memory_space<vmem>>
    %dma_start3A_286 = arith.constant 0 : i32
    %dma_start3A_287 = tpu.memref_slice %arg4[%dma_start3A_286] : memref<16000000xf32, #tpu.memory_space<hbm>> -> memref<16000000xf32, #tpu.memory_space<hbm>>
    tpu.enqueue_indirect_dma source(%dma_start3A_287 : memref<16000000xf32, #tpu.memory_space<hbm>>) target(%dma_start3A_283 : memref<128xf32, #tpu.memory_space<vmem>>) offsets(%dma_start3A_285 : memref<128xi32, #tpu.memory_space<vmem>>) semaphore(%arg14 : memref<!tpu.dma_semaphore, #tpu.memory_space<semaphore_mem>>)
    %dma_start3A_288 = arith.constant 2944 : i32
    %dma_start3A_289 = tpu.memref_slice %arg11[%dma_start3A_288] : memref<8192xf32, #tpu.memory_space<vmem>> -> memref<128xf32, #tpu.memory_space<vmem>>
    %dma_start3A_290 = arith.constant 2944 : i32
    %dma_start3A_291 = tpu.memref_slice %arg9[%dma_start3A_290] : memref<8192xi32, #tpu.memory_space<vmem>> -> memref<128xi32, #tpu.memory_space<vmem>>
    %dma_start3A_292 = arith.constant 0 : i32
    %dma_start3A_293 = tpu.memref_slice %arg5[%dma_start3A_292] : memref<16000000xf32, #tpu.memory_space<hbm>> -> memref<16000000xf32, #tpu.memory_space<hbm>>
    tpu.enqueue_indirect_dma source(%dma_start3A_293 : memref<16000000xf32, #tpu.memory_space<hbm>>) target(%dma_start3A_289 : memref<128xf32, #tpu.memory_space<vmem>>) offsets(%dma_start3A_291 : memref<128xi32, #tpu.memory_space<vmem>>) semaphore(%arg15 : memref<!tpu.dma_semaphore, #tpu.memory_space<semaphore_mem>>)
    %dma_start3A_294 = arith.constant 3072 : i32
    %dma_start3A_295 = tpu.memref_slice %arg10[%dma_start3A_294] : memref<8192xf32, #tpu.memory_space<vmem>> -> memref<128xf32, #tpu.memory_space<vmem>>
    %dma_start3A_296 = arith.constant 3072 : i32
    %dma_start3A_297 = tpu.memref_slice %arg8[%dma_start3A_296] : memref<8192xi32, #tpu.memory_space<vmem>> -> memref<128xi32, #tpu.memory_space<vmem>>
    %dma_start3A_298 = arith.constant 0 : i32
    %dma_start3A_299 = tpu.memref_slice %arg4[%dma_start3A_298] : memref<16000000xf32, #tpu.memory_space<hbm>> -> memref<16000000xf32, #tpu.memory_space<hbm>>
    tpu.enqueue_indirect_dma source(%dma_start3A_299 : memref<16000000xf32, #tpu.memory_space<hbm>>) target(%dma_start3A_295 : memref<128xf32, #tpu.memory_space<vmem>>) offsets(%dma_start3A_297 : memref<128xi32, #tpu.memory_space<vmem>>) semaphore(%arg14 : memref<!tpu.dma_semaphore, #tpu.memory_space<semaphore_mem>>)
    %dma_start3A_300 = arith.constant 3072 : i32
    %dma_start3A_301 = tpu.memref_slice %arg11[%dma_start3A_300] : memref<8192xf32, #tpu.memory_space<vmem>> -> memref<128xf32, #tpu.memory_space<vmem>>
    %dma_start3A_302 = arith.constant 3072 : i32
    %dma_start3A_303 = tpu.memref_slice %arg9[%dma_start3A_302] : memref<8192xi32, #tpu.memory_space<vmem>> -> memref<128xi32, #tpu.memory_space<vmem>>
    %dma_start3A_304 = arith.constant 0 : i32
    %dma_start3A_305 = tpu.memref_slice %arg5[%dma_start3A_304] : memref<16000000xf32, #tpu.memory_space<hbm>> -> memref<16000000xf32, #tpu.memory_space<hbm>>
    tpu.enqueue_indirect_dma source(%dma_start3A_305 : memref<16000000xf32, #tpu.memory_space<hbm>>) target(%dma_start3A_301 : memref<128xf32, #tpu.memory_space<vmem>>) offsets(%dma_start3A_303 : memref<128xi32, #tpu.memory_space<vmem>>) semaphore(%arg15 : memref<!tpu.dma_semaphore, #tpu.memory_space<semaphore_mem>>)
    %dma_start3A_306 = arith.constant 3200 : i32
    %dma_start3A_307 = tpu.memref_slice %arg10[%dma_start3A_306] : memref<8192xf32, #tpu.memory_space<vmem>> -> memref<128xf32, #tpu.memory_space<vmem>>
    %dma_start3A_308 = arith.constant 3200 : i32
    %dma_start3A_309 = tpu.memref_slice %arg8[%dma_start3A_308] : memref<8192xi32, #tpu.memory_space<vmem>> -> memref<128xi32, #tpu.memory_space<vmem>>
    %dma_start3A_310 = arith.constant 0 : i32
    %dma_start3A_311 = tpu.memref_slice %arg4[%dma_start3A_310] : memref<16000000xf32, #tpu.memory_space<hbm>> -> memref<16000000xf32, #tpu.memory_space<hbm>>
    tpu.enqueue_indirect_dma source(%dma_start3A_311 : memref<16000000xf32, #tpu.memory_space<hbm>>) target(%dma_start3A_307 : memref<128xf32, #tpu.memory_space<vmem>>) offsets(%dma_start3A_309 : memref<128xi32, #tpu.memory_space<vmem>>) semaphore(%arg14 : memref<!tpu.dma_semaphore, #tpu.memory_space<semaphore_mem>>)
    %dma_start3A_312 = arith.constant 3200 : i32
    %dma_start3A_313 = tpu.memref_slice %arg11[%dma_start3A_312] : memref<8192xf32, #tpu.memory_space<vmem>> -> memref<128xf32, #tpu.memory_space<vmem>>
    %dma_start3A_314 = arith.constant 3200 : i32
    %dma_start3A_315 = tpu.memref_slice %arg9[%dma_start3A_314] : memref<8192xi32, #tpu.memory_space<vmem>> -> memref<128xi32, #tpu.memory_space<vmem>>
    %dma_start3A_316 = arith.constant 0 : i32
    %dma_start3A_317 = tpu.memref_slice %arg5[%dma_start3A_316] : memref<16000000xf32, #tpu.memory_space<hbm>> -> memref<16000000xf32, #tpu.memory_space<hbm>>
    tpu.enqueue_indirect_dma source(%dma_start3A_317 : memref<16000000xf32, #tpu.memory_space<hbm>>) target(%dma_start3A_313 : memref<128xf32, #tpu.memory_space<vmem>>) offsets(%dma_start3A_315 : memref<128xi32, #tpu.memory_space<vmem>>) semaphore(%arg15 : memref<!tpu.dma_semaphore, #tpu.memory_space<semaphore_mem>>)
    %dma_start3A_318 = arith.constant 3328 : i32
    %dma_start3A_319 = tpu.memref_slice %arg10[%dma_start3A_318] : memref<8192xf32, #tpu.memory_space<vmem>> -> memref<128xf32, #tpu.memory_space<vmem>>
    %dma_start3A_320 = arith.constant 3328 : i32
    %dma_start3A_321 = tpu.memref_slice %arg8[%dma_start3A_320] : memref<8192xi32, #tpu.memory_space<vmem>> -> memref<128xi32, #tpu.memory_space<vmem>>
    %dma_start3A_322 = arith.constant 0 : i32
    %dma_start3A_323 = tpu.memref_slice %arg4[%dma_start3A_322] : memref<16000000xf32, #tpu.memory_space<hbm>> -> memref<16000000xf32, #tpu.memory_space<hbm>>
    tpu.enqueue_indirect_dma source(%dma_start3A_323 : memref<16000000xf32, #tpu.memory_space<hbm>>) target(%dma_start3A_319 : memref<128xf32, #tpu.memory_space<vmem>>) offsets(%dma_start3A_321 : memref<128xi32, #tpu.memory_space<vmem>>) semaphore(%arg14 : memref<!tpu.dma_semaphore, #tpu.memory_space<semaphore_mem>>)
    %dma_start3A_324 = arith.constant 3328 : i32
    %dma_start3A_325 = tpu.memref_slice %arg11[%dma_start3A_324] : memref<8192xf32, #tpu.memory_space<vmem>> -> memref<128xf32, #tpu.memory_space<vmem>>
    %dma_start3A_326 = arith.constant 3328 : i32
    %dma_start3A_327 = tpu.memref_slice %arg9[%dma_start3A_326] : memref<8192xi32, #tpu.memory_space<vmem>> -> memref<128xi32, #tpu.memory_space<vmem>>
    %dma_start3A_328 = arith.constant 0 : i32
    %dma_start3A_329 = tpu.memref_slice %arg5[%dma_start3A_328] : memref<16000000xf32, #tpu.memory_space<hbm>> -> memref<16000000xf32, #tpu.memory_space<hbm>>
    tpu.enqueue_indirect_dma source(%dma_start3A_329 : memref<16000000xf32, #tpu.memory_space<hbm>>) target(%dma_start3A_325 : memref<128xf32, #tpu.memory_space<vmem>>) offsets(%dma_start3A_327 : memref<128xi32, #tpu.memory_space<vmem>>) semaphore(%arg15 : memref<!tpu.dma_semaphore, #tpu.memory_space<semaphore_mem>>)
    %dma_start3A_330 = arith.constant 3456 : i32
    %dma_start3A_331 = tpu.memref_slice %arg10[%dma_start3A_330] : memref<8192xf32, #tpu.memory_space<vmem>> -> memref<128xf32, #tpu.memory_space<vmem>>
    %dma_start3A_332 = arith.constant 3456 : i32
    %dma_start3A_333 = tpu.memref_slice %arg8[%dma_start3A_332] : memref<8192xi32, #tpu.memory_space<vmem>> -> memref<128xi32, #tpu.memory_space<vmem>>
    %dma_start3A_334 = arith.constant 0 : i32
    %dma_start3A_335 = tpu.memref_slice %arg4[%dma_start3A_334] : memref<16000000xf32, #tpu.memory_space<hbm>> -> memref<16000000xf32, #tpu.memory_space<hbm>>
    tpu.enqueue_indirect_dma source(%dma_start3A_335 : memref<16000000xf32, #tpu.memory_space<hbm>>) target(%dma_start3A_331 : memref<128xf32, #tpu.memory_space<vmem>>) offsets(%dma_start3A_333 : memref<128xi32, #tpu.memory_space<vmem>>) semaphore(%arg14 : memref<!tpu.dma_semaphore, #tpu.memory_space<semaphore_mem>>)
    %dma_start3A_336 = arith.constant 3456 : i32
    %dma_start3A_337 = tpu.memref_slice %arg11[%dma_start3A_336] : memref<8192xf32, #tpu.memory_space<vmem>> -> memref<128xf32, #tpu.memory_space<vmem>>
    %dma_start3A_338 = arith.constant 3456 : i32
    %dma_start3A_339 = tpu.memref_slice %arg9[%dma_start3A_338] : memref<8192xi32, #tpu.memory_space<vmem>> -> memref<128xi32, #tpu.memory_space<vmem>>
    %dma_start3A_340 = arith.constant 0 : i32
    %dma_start3A_341 = tpu.memref_slice %arg5[%dma_start3A_340] : memref<16000000xf32, #tpu.memory_space<hbm>> -> memref<16000000xf32, #tpu.memory_space<hbm>>
    tpu.enqueue_indirect_dma source(%dma_start3A_341 : memref<16000000xf32, #tpu.memory_space<hbm>>) target(%dma_start3A_337 : memref<128xf32, #tpu.memory_space<vmem>>) offsets(%dma_start3A_339 : memref<128xi32, #tpu.memory_space<vmem>>) semaphore(%arg15 : memref<!tpu.dma_semaphore, #tpu.memory_space<semaphore_mem>>)
    %dma_start3A_342 = arith.constant 3584 : i32
    %dma_start3A_343 = tpu.memref_slice %arg10[%dma_start3A_342] : memref<8192xf32, #tpu.memory_space<vmem>> -> memref<128xf32, #tpu.memory_space<vmem>>
    %dma_start3A_344 = arith.constant 3584 : i32
    %dma_start3A_345 = tpu.memref_slice %arg8[%dma_start3A_344] : memref<8192xi32, #tpu.memory_space<vmem>> -> memref<128xi32, #tpu.memory_space<vmem>>
    %dma_start3A_346 = arith.constant 0 : i32
    %dma_start3A_347 = tpu.memref_slice %arg4[%dma_start3A_346] : memref<16000000xf32, #tpu.memory_space<hbm>> -> memref<16000000xf32, #tpu.memory_space<hbm>>
    tpu.enqueue_indirect_dma source(%dma_start3A_347 : memref<16000000xf32, #tpu.memory_space<hbm>>) target(%dma_start3A_343 : memref<128xf32, #tpu.memory_space<vmem>>) offsets(%dma_start3A_345 : memref<128xi32, #tpu.memory_space<vmem>>) semaphore(%arg14 : memref<!tpu.dma_semaphore, #tpu.memory_space<semaphore_mem>>)
    %dma_start3A_348 = arith.constant 3584 : i32
    %dma_start3A_349 = tpu.memref_slice %arg11[%dma_start3A_348] : memref<8192xf32, #tpu.memory_space<vmem>> -> memref<128xf32, #tpu.memory_space<vmem>>
    %dma_start3A_350 = arith.constant 3584 : i32
    %dma_start3A_351 = tpu.memref_slice %arg9[%dma_start3A_350] : memref<8192xi32, #tpu.memory_space<vmem>> -> memref<128xi32, #tpu.memory_space<vmem>>
    %dma_start3A_352 = arith.constant 0 : i32
    %dma_start3A_353 = tpu.memref_slice %arg5[%dma_start3A_352] : memref<16000000xf32, #tpu.memory_space<hbm>> -> memref<16000000xf32, #tpu.memory_space<hbm>>
    tpu.enqueue_indirect_dma source(%dma_start3A_353 : memref<16000000xf32, #tpu.memory_space<hbm>>) target(%dma_start3A_349 : memref<128xf32, #tpu.memory_space<vmem>>) offsets(%dma_start3A_351 : memref<128xi32, #tpu.memory_space<vmem>>) semaphore(%arg15 : memref<!tpu.dma_semaphore, #tpu.memory_space<semaphore_mem>>)
    %dma_start3A_354 = arith.constant 3712 : i32
    %dma_start3A_355 = tpu.memref_slice %arg10[%dma_start3A_354] : memref<8192xf32, #tpu.memory_space<vmem>> -> memref<128xf32, #tpu.memory_space<vmem>>
    %dma_start3A_356 = arith.constant 3712 : i32
    %dma_start3A_357 = tpu.memref_slice %arg8[%dma_start3A_356] : memref<8192xi32, #tpu.memory_space<vmem>> -> memref<128xi32, #tpu.memory_space<vmem>>
    %dma_start3A_358 = arith.constant 0 : i32
    %dma_start3A_359 = tpu.memref_slice %arg4[%dma_start3A_358] : memref<16000000xf32, #tpu.memory_space<hbm>> -> memref<16000000xf32, #tpu.memory_space<hbm>>
    tpu.enqueue_indirect_dma source(%dma_start3A_359 : memref<16000000xf32, #tpu.memory_space<hbm>>) target(%dma_start3A_355 : memref<128xf32, #tpu.memory_space<vmem>>) offsets(%dma_start3A_357 : memref<128xi32, #tpu.memory_space<vmem>>) semaphore(%arg14 : memref<!tpu.dma_semaphore, #tpu.memory_space<semaphore_mem>>)
    %dma_start3A_360 = arith.constant 3712 : i32
    %dma_start3A_361 = tpu.memref_slice %arg11[%dma_start3A_360] : memref<8192xf32, #tpu.memory_space<vmem>> -> memref<128xf32, #tpu.memory_space<vmem>>
    %dma_start3A_362 = arith.constant 3712 : i32
    %dma_start3A_363 = tpu.memref_slice %arg9[%dma_start3A_362] : memref<8192xi32, #tpu.memory_space<vmem>> -> memref<128xi32, #tpu.memory_space<vmem>>
    %dma_start3A_364 = arith.constant 0 : i32
    %dma_start3A_365 = tpu.memref_slice %arg5[%dma_start3A_364] : memref<16000000xf32, #tpu.memory_space<hbm>> -> memref<16000000xf32, #tpu.memory_space<hbm>>
    tpu.enqueue_indirect_dma source(%dma_start3A_365 : memref<16000000xf32, #tpu.memory_space<hbm>>) target(%dma_start3A_361 : memref<128xf32, #tpu.memory_space<vmem>>) offsets(%dma_start3A_363 : memref<128xi32, #tpu.memory_space<vmem>>) semaphore(%arg15 : memref<!tpu.dma_semaphore, #tpu.memory_space<semaphore_mem>>)
    %dma_start3A_366 = arith.constant 3840 : i32
    %dma_start3A_367 = tpu.memref_slice %arg10[%dma_start3A_366] : memref<8192xf32, #tpu.memory_space<vmem>> -> memref<128xf32, #tpu.memory_space<vmem>>
    %dma_start3A_368 = arith.constant 3840 : i32
    %dma_start3A_369 = tpu.memref_slice %arg8[%dma_start3A_368] : memref<8192xi32, #tpu.memory_space<vmem>> -> memref<128xi32, #tpu.memory_space<vmem>>
    %dma_start3A_370 = arith.constant 0 : i32
    %dma_start3A_371 = tpu.memref_slice %arg4[%dma_start3A_370] : memref<16000000xf32, #tpu.memory_space<hbm>> -> memref<16000000xf32, #tpu.memory_space<hbm>>
    tpu.enqueue_indirect_dma source(%dma_start3A_371 : memref<16000000xf32, #tpu.memory_space<hbm>>) target(%dma_start3A_367 : memref<128xf32, #tpu.memory_space<vmem>>) offsets(%dma_start3A_369 : memref<128xi32, #tpu.memory_space<vmem>>) semaphore(%arg14 : memref<!tpu.dma_semaphore, #tpu.memory_space<semaphore_mem>>)
    %dma_start3A_372 = arith.constant 3840 : i32
    %dma_start3A_373 = tpu.memref_slice %arg11[%dma_start3A_372] : memref<8192xf32, #tpu.memory_space<vmem>> -> memref<128xf32, #tpu.memory_space<vmem>>
    %dma_start3A_374 = arith.constant 3840 : i32
    %dma_start3A_375 = tpu.memref_slice %arg9[%dma_start3A_374] : memref<8192xi32, #tpu.memory_space<vmem>> -> memref<128xi32, #tpu.memory_space<vmem>>
    %dma_start3A_376 = arith.constant 0 : i32
    %dma_start3A_377 = tpu.memref_slice %arg5[%dma_start3A_376] : memref<16000000xf32, #tpu.memory_space<hbm>> -> memref<16000000xf32, #tpu.memory_space<hbm>>
    tpu.enqueue_indirect_dma source(%dma_start3A_377 : memref<16000000xf32, #tpu.memory_space<hbm>>) target(%dma_start3A_373 : memref<128xf32, #tpu.memory_space<vmem>>) offsets(%dma_start3A_375 : memref<128xi32, #tpu.memory_space<vmem>>) semaphore(%arg15 : memref<!tpu.dma_semaphore, #tpu.memory_space<semaphore_mem>>)
    %dma_start3A_378 = arith.constant 3968 : i32
    %dma_start3A_379 = tpu.memref_slice %arg10[%dma_start3A_378] : memref<8192xf32, #tpu.memory_space<vmem>> -> memref<128xf32, #tpu.memory_space<vmem>>
    %dma_start3A_380 = arith.constant 3968 : i32
    %dma_start3A_381 = tpu.memref_slice %arg8[%dma_start3A_380] : memref<8192xi32, #tpu.memory_space<vmem>> -> memref<128xi32, #tpu.memory_space<vmem>>
    %dma_start3A_382 = arith.constant 0 : i32
    %dma_start3A_383 = tpu.memref_slice %arg4[%dma_start3A_382] : memref<16000000xf32, #tpu.memory_space<hbm>> -> memref<16000000xf32, #tpu.memory_space<hbm>>
    tpu.enqueue_indirect_dma source(%dma_start3A_383 : memref<16000000xf32, #tpu.memory_space<hbm>>) target(%dma_start3A_379 : memref<128xf32, #tpu.memory_space<vmem>>) offsets(%dma_start3A_381 : memref<128xi32, #tpu.memory_space<vmem>>) semaphore(%arg14 : memref<!tpu.dma_semaphore, #tpu.memory_space<semaphore_mem>>)
    %dma_start3A_384 = arith.constant 3968 : i32
    %dma_start3A_385 = tpu.memref_slice %arg11[%dma_start3A_384] : memref<8192xf32, #tpu.memory_space<vmem>> -> memref<128xf32, #tpu.memory_space<vmem>>
    %dma_start3A_386 = arith.constant 3968 : i32
    %dma_start3A_387 = tpu.memref_slice %arg9[%dma_start3A_386] : memref<8192xi32, #tpu.memory_space<vmem>> -> memref<128xi32, #tpu.memory_space<vmem>>
    %dma_start3A_388 = arith.constant 0 : i32
    %dma_start3A_389 = tpu.memref_slice %arg5[%dma_start3A_388] : memref<16000000xf32, #tpu.memory_space<hbm>> -> memref<16000000xf32, #tpu.memory_space<hbm>>
    tpu.enqueue_indirect_dma source(%dma_start3A_389 : memref<16000000xf32, #tpu.memory_space<hbm>>) target(%dma_start3A_385 : memref<128xf32, #tpu.memory_space<vmem>>) offsets(%dma_start3A_387 : memref<128xi32, #tpu.memory_space<vmem>>) semaphore(%arg15 : memref<!tpu.dma_semaphore, #tpu.memory_space<semaphore_mem>>)
    %dma_start3A_390 = arith.constant 4096 : i32
    %dma_start3A_391 = tpu.memref_slice %arg10[%dma_start3A_390] : memref<8192xf32, #tpu.memory_space<vmem>> -> memref<128xf32, #tpu.memory_space<vmem>>
    %dma_start3A_392 = arith.constant 4096 : i32
    %dma_start3A_393 = tpu.memref_slice %arg8[%dma_start3A_392] : memref<8192xi32, #tpu.memory_space<vmem>> -> memref<128xi32, #tpu.memory_space<vmem>>
    %dma_start3A_394 = arith.constant 0 : i32
    %dma_start3A_395 = tpu.memref_slice %arg4[%dma_start3A_394] : memref<16000000xf32, #tpu.memory_space<hbm>> -> memref<16000000xf32, #tpu.memory_space<hbm>>
    tpu.enqueue_indirect_dma source(%dma_start3A_395 : memref<16000000xf32, #tpu.memory_space<hbm>>) target(%dma_start3A_391 : memref<128xf32, #tpu.memory_space<vmem>>) offsets(%dma_start3A_393 : memref<128xi32, #tpu.memory_space<vmem>>) semaphore(%arg14 : memref<!tpu.dma_semaphore, #tpu.memory_space<semaphore_mem>>)
    %dma_start3A_396 = arith.constant 4096 : i32
    %dma_start3A_397 = tpu.memref_slice %arg11[%dma_start3A_396] : memref<8192xf32, #tpu.memory_space<vmem>> -> memref<128xf32, #tpu.memory_space<vmem>>
    %dma_start3A_398 = arith.constant 4096 : i32
    %dma_start3A_399 = tpu.memref_slice %arg9[%dma_start3A_398] : memref<8192xi32, #tpu.memory_space<vmem>> -> memref<128xi32, #tpu.memory_space<vmem>>
    %dma_start3A_400 = arith.constant 0 : i32
    %dma_start3A_401 = tpu.memref_slice %arg5[%dma_start3A_400] : memref<16000000xf32, #tpu.memory_space<hbm>> -> memref<16000000xf32, #tpu.memory_space<hbm>>
    tpu.enqueue_indirect_dma source(%dma_start3A_401 : memref<16000000xf32, #tpu.memory_space<hbm>>) target(%dma_start3A_397 : memref<128xf32, #tpu.memory_space<vmem>>) offsets(%dma_start3A_399 : memref<128xi32, #tpu.memory_space<vmem>>) semaphore(%arg15 : memref<!tpu.dma_semaphore, #tpu.memory_space<semaphore_mem>>)
    %dma_start3A_402 = arith.constant 4224 : i32
    %dma_start3A_403 = tpu.memref_slice %arg10[%dma_start3A_402] : memref<8192xf32, #tpu.memory_space<vmem>> -> memref<128xf32, #tpu.memory_space<vmem>>
    %dma_start3A_404 = arith.constant 4224 : i32
    %dma_start3A_405 = tpu.memref_slice %arg8[%dma_start3A_404] : memref<8192xi32, #tpu.memory_space<vmem>> -> memref<128xi32, #tpu.memory_space<vmem>>
    %dma_start3A_406 = arith.constant 0 : i32
    %dma_start3A_407 = tpu.memref_slice %arg4[%dma_start3A_406] : memref<16000000xf32, #tpu.memory_space<hbm>> -> memref<16000000xf32, #tpu.memory_space<hbm>>
    tpu.enqueue_indirect_dma source(%dma_start3A_407 : memref<16000000xf32, #tpu.memory_space<hbm>>) target(%dma_start3A_403 : memref<128xf32, #tpu.memory_space<vmem>>) offsets(%dma_start3A_405 : memref<128xi32, #tpu.memory_space<vmem>>) semaphore(%arg14 : memref<!tpu.dma_semaphore, #tpu.memory_space<semaphore_mem>>)
    %dma_start3A_408 = arith.constant 4224 : i32
    %dma_start3A_409 = tpu.memref_slice %arg11[%dma_start3A_408] : memref<8192xf32, #tpu.memory_space<vmem>> -> memref<128xf32, #tpu.memory_space<vmem>>
    %dma_start3A_410 = arith.constant 4224 : i32
    %dma_start3A_411 = tpu.memref_slice %arg9[%dma_start3A_410] : memref<8192xi32, #tpu.memory_space<vmem>> -> memref<128xi32, #tpu.memory_space<vmem>>
    %dma_start3A_412 = arith.constant 0 : i32
    %dma_start3A_413 = tpu.memref_slice %arg5[%dma_start3A_412] : memref<16000000xf32, #tpu.memory_space<hbm>> -> memref<16000000xf32, #tpu.memory_space<hbm>>
    tpu.enqueue_indirect_dma source(%dma_start3A_413 : memref<16000000xf32, #tpu.memory_space<hbm>>) target(%dma_start3A_409 : memref<128xf32, #tpu.memory_space<vmem>>) offsets(%dma_start3A_411 : memref<128xi32, #tpu.memory_space<vmem>>) semaphore(%arg15 : memref<!tpu.dma_semaphore, #tpu.memory_space<semaphore_mem>>)
    %dma_start3A_414 = arith.constant 4352 : i32
    %dma_start3A_415 = tpu.memref_slice %arg10[%dma_start3A_414] : memref<8192xf32, #tpu.memory_space<vmem>> -> memref<128xf32, #tpu.memory_space<vmem>>
    %dma_start3A_416 = arith.constant 4352 : i32
    %dma_start3A_417 = tpu.memref_slice %arg8[%dma_start3A_416] : memref<8192xi32, #tpu.memory_space<vmem>> -> memref<128xi32, #tpu.memory_space<vmem>>
    %dma_start3A_418 = arith.constant 0 : i32
    %dma_start3A_419 = tpu.memref_slice %arg4[%dma_start3A_418] : memref<16000000xf32, #tpu.memory_space<hbm>> -> memref<16000000xf32, #tpu.memory_space<hbm>>
    tpu.enqueue_indirect_dma source(%dma_start3A_419 : memref<16000000xf32, #tpu.memory_space<hbm>>) target(%dma_start3A_415 : memref<128xf32, #tpu.memory_space<vmem>>) offsets(%dma_start3A_417 : memref<128xi32, #tpu.memory_space<vmem>>) semaphore(%arg14 : memref<!tpu.dma_semaphore, #tpu.memory_space<semaphore_mem>>)
    %dma_start3A_420 = arith.constant 4352 : i32
    %dma_start3A_421 = tpu.memref_slice %arg11[%dma_start3A_420] : memref<8192xf32, #tpu.memory_space<vmem>> -> memref<128xf32, #tpu.memory_space<vmem>>
    %dma_start3A_422 = arith.constant 4352 : i32
    %dma_start3A_423 = tpu.memref_slice %arg9[%dma_start3A_422] : memref<8192xi32, #tpu.memory_space<vmem>> -> memref<128xi32, #tpu.memory_space<vmem>>
    %dma_start3A_424 = arith.constant 0 : i32
    %dma_start3A_425 = tpu.memref_slice %arg5[%dma_start3A_424] : memref<16000000xf32, #tpu.memory_space<hbm>> -> memref<16000000xf32, #tpu.memory_space<hbm>>
    tpu.enqueue_indirect_dma source(%dma_start3A_425 : memref<16000000xf32, #tpu.memory_space<hbm>>) target(%dma_start3A_421 : memref<128xf32, #tpu.memory_space<vmem>>) offsets(%dma_start3A_423 : memref<128xi32, #tpu.memory_space<vmem>>) semaphore(%arg15 : memref<!tpu.dma_semaphore, #tpu.memory_space<semaphore_mem>>)
    %dma_start3A_426 = arith.constant 4480 : i32
    %dma_start3A_427 = tpu.memref_slice %arg10[%dma_start3A_426] : memref<8192xf32, #tpu.memory_space<vmem>> -> memref<128xf32, #tpu.memory_space<vmem>>
    %dma_start3A_428 = arith.constant 4480 : i32
    %dma_start3A_429 = tpu.memref_slice %arg8[%dma_start3A_428] : memref<8192xi32, #tpu.memory_space<vmem>> -> memref<128xi32, #tpu.memory_space<vmem>>
    %dma_start3A_430 = arith.constant 0 : i32
    %dma_start3A_431 = tpu.memref_slice %arg4[%dma_start3A_430] : memref<16000000xf32, #tpu.memory_space<hbm>> -> memref<16000000xf32, #tpu.memory_space<hbm>>
    tpu.enqueue_indirect_dma source(%dma_start3A_431 : memref<16000000xf32, #tpu.memory_space<hbm>>) target(%dma_start3A_427 : memref<128xf32, #tpu.memory_space<vmem>>) offsets(%dma_start3A_429 : memref<128xi32, #tpu.memory_space<vmem>>) semaphore(%arg14 : memref<!tpu.dma_semaphore, #tpu.memory_space<semaphore_mem>>)
    %dma_start3A_432 = arith.constant 4480 : i32
    %dma_start3A_433 = tpu.memref_slice %arg11[%dma_start3A_432] : memref<8192xf32, #tpu.memory_space<vmem>> -> memref<128xf32, #tpu.memory_space<vmem>>
    %dma_start3A_434 = arith.constant 4480 : i32
    %dma_start3A_435 = tpu.memref_slice %arg9[%dma_start3A_434] : memref<8192xi32, #tpu.memory_space<vmem>> -> memref<128xi32, #tpu.memory_space<vmem>>
    %dma_start3A_436 = arith.constant 0 : i32
    %dma_start3A_437 = tpu.memref_slice %arg5[%dma_start3A_436] : memref<16000000xf32, #tpu.memory_space<hbm>> -> memref<16000000xf32, #tpu.memory_space<hbm>>
    tpu.enqueue_indirect_dma source(%dma_start3A_437 : memref<16000000xf32, #tpu.memory_space<hbm>>) target(%dma_start3A_433 : memref<128xf32, #tpu.memory_space<vmem>>) offsets(%dma_start3A_435 : memref<128xi32, #tpu.memory_space<vmem>>) semaphore(%arg15 : memref<!tpu.dma_semaphore, #tpu.memory_space<semaphore_mem>>)
    %dma_start3A_438 = arith.constant 4608 : i32
    %dma_start3A_439 = tpu.memref_slice %arg10[%dma_start3A_438] : memref<8192xf32, #tpu.memory_space<vmem>> -> memref<128xf32, #tpu.memory_space<vmem>>
    %dma_start3A_440 = arith.constant 4608 : i32
    %dma_start3A_441 = tpu.memref_slice %arg8[%dma_start3A_440] : memref<8192xi32, #tpu.memory_space<vmem>> -> memref<128xi32, #tpu.memory_space<vmem>>
    %dma_start3A_442 = arith.constant 0 : i32
    %dma_start3A_443 = tpu.memref_slice %arg4[%dma_start3A_442] : memref<16000000xf32, #tpu.memory_space<hbm>> -> memref<16000000xf32, #tpu.memory_space<hbm>>
    tpu.enqueue_indirect_dma source(%dma_start3A_443 : memref<16000000xf32, #tpu.memory_space<hbm>>) target(%dma_start3A_439 : memref<128xf32, #tpu.memory_space<vmem>>) offsets(%dma_start3A_441 : memref<128xi32, #tpu.memory_space<vmem>>) semaphore(%arg14 : memref<!tpu.dma_semaphore, #tpu.memory_space<semaphore_mem>>)
    %dma_start3A_444 = arith.constant 4608 : i32
    %dma_start3A_445 = tpu.memref_slice %arg11[%dma_start3A_444] : memref<8192xf32, #tpu.memory_space<vmem>> -> memref<128xf32, #tpu.memory_space<vmem>>
    %dma_start3A_446 = arith.constant 4608 : i32
    %dma_start3A_447 = tpu.memref_slice %arg9[%dma_start3A_446] : memref<8192xi32, #tpu.memory_space<vmem>> -> memref<128xi32, #tpu.memory_space<vmem>>
    %dma_start3A_448 = arith.constant 0 : i32
    %dma_start3A_449 = tpu.memref_slice %arg5[%dma_start3A_448] : memref<16000000xf32, #tpu.memory_space<hbm>> -> memref<16000000xf32, #tpu.memory_space<hbm>>
    tpu.enqueue_indirect_dma source(%dma_start3A_449 : memref<16000000xf32, #tpu.memory_space<hbm>>) target(%dma_start3A_445 : memref<128xf32, #tpu.memory_space<vmem>>) offsets(%dma_start3A_447 : memref<128xi32, #tpu.memory_space<vmem>>) semaphore(%arg15 : memref<!tpu.dma_semaphore, #tpu.memory_space<semaphore_mem>>)
    %dma_start3A_450 = arith.constant 4736 : i32
    %dma_start3A_451 = tpu.memref_slice %arg10[%dma_start3A_450] : memref<8192xf32, #tpu.memory_space<vmem>> -> memref<128xf32, #tpu.memory_space<vmem>>
    %dma_start3A_452 = arith.constant 4736 : i32
    %dma_start3A_453 = tpu.memref_slice %arg8[%dma_start3A_452] : memref<8192xi32, #tpu.memory_space<vmem>> -> memref<128xi32, #tpu.memory_space<vmem>>
    %dma_start3A_454 = arith.constant 0 : i32
    %dma_start3A_455 = tpu.memref_slice %arg4[%dma_start3A_454] : memref<16000000xf32, #tpu.memory_space<hbm>> -> memref<16000000xf32, #tpu.memory_space<hbm>>
    tpu.enqueue_indirect_dma source(%dma_start3A_455 : memref<16000000xf32, #tpu.memory_space<hbm>>) target(%dma_start3A_451 : memref<128xf32, #tpu.memory_space<vmem>>) offsets(%dma_start3A_453 : memref<128xi32, #tpu.memory_space<vmem>>) semaphore(%arg14 : memref<!tpu.dma_semaphore, #tpu.memory_space<semaphore_mem>>)
    %dma_start3A_456 = arith.constant 4736 : i32
    %dma_start3A_457 = tpu.memref_slice %arg11[%dma_start3A_456] : memref<8192xf32, #tpu.memory_space<vmem>> -> memref<128xf32, #tpu.memory_space<vmem>>
    %dma_start3A_458 = arith.constant 4736 : i32
    %dma_start3A_459 = tpu.memref_slice %arg9[%dma_start3A_458] : memref<8192xi32, #tpu.memory_space<vmem>> -> memref<128xi32, #tpu.memory_space<vmem>>
    %dma_start3A_460 = arith.constant 0 : i32
    %dma_start3A_461 = tpu.memref_slice %arg5[%dma_start3A_460] : memref<16000000xf32, #tpu.memory_space<hbm>> -> memref<16000000xf32, #tpu.memory_space<hbm>>
    tpu.enqueue_indirect_dma source(%dma_start3A_461 : memref<16000000xf32, #tpu.memory_space<hbm>>) target(%dma_start3A_457 : memref<128xf32, #tpu.memory_space<vmem>>) offsets(%dma_start3A_459 : memref<128xi32, #tpu.memory_space<vmem>>) semaphore(%arg15 : memref<!tpu.dma_semaphore, #tpu.memory_space<semaphore_mem>>)
    %dma_start3A_462 = arith.constant 4864 : i32
    %dma_start3A_463 = tpu.memref_slice %arg10[%dma_start3A_462] : memref<8192xf32, #tpu.memory_space<vmem>> -> memref<128xf32, #tpu.memory_space<vmem>>
    %dma_start3A_464 = arith.constant 4864 : i32
    %dma_start3A_465 = tpu.memref_slice %arg8[%dma_start3A_464] : memref<8192xi32, #tpu.memory_space<vmem>> -> memref<128xi32, #tpu.memory_space<vmem>>
    %dma_start3A_466 = arith.constant 0 : i32
    %dma_start3A_467 = tpu.memref_slice %arg4[%dma_start3A_466] : memref<16000000xf32, #tpu.memory_space<hbm>> -> memref<16000000xf32, #tpu.memory_space<hbm>>
    tpu.enqueue_indirect_dma source(%dma_start3A_467 : memref<16000000xf32, #tpu.memory_space<hbm>>) target(%dma_start3A_463 : memref<128xf32, #tpu.memory_space<vmem>>) offsets(%dma_start3A_465 : memref<128xi32, #tpu.memory_space<vmem>>) semaphore(%arg14 : memref<!tpu.dma_semaphore, #tpu.memory_space<semaphore_mem>>)
    %dma_start3A_468 = arith.constant 4864 : i32
    %dma_start3A_469 = tpu.memref_slice %arg11[%dma_start3A_468] : memref<8192xf32, #tpu.memory_space<vmem>> -> memref<128xf32, #tpu.memory_space<vmem>>
    %dma_start3A_470 = arith.constant 4864 : i32
    %dma_start3A_471 = tpu.memref_slice %arg9[%dma_start3A_470] : memref<8192xi32, #tpu.memory_space<vmem>> -> memref<128xi32, #tpu.memory_space<vmem>>
    %dma_start3A_472 = arith.constant 0 : i32
    %dma_start3A_473 = tpu.memref_slice %arg5[%dma_start3A_472] : memref<16000000xf32, #tpu.memory_space<hbm>> -> memref<16000000xf32, #tpu.memory_space<hbm>>
    tpu.enqueue_indirect_dma source(%dma_start3A_473 : memref<16000000xf32, #tpu.memory_space<hbm>>) target(%dma_start3A_469 : memref<128xf32, #tpu.memory_space<vmem>>) offsets(%dma_start3A_471 : memref<128xi32, #tpu.memory_space<vmem>>) semaphore(%arg15 : memref<!tpu.dma_semaphore, #tpu.memory_space<semaphore_mem>>)
    %dma_start3A_474 = arith.constant 4992 : i32
    %dma_start3A_475 = tpu.memref_slice %arg10[%dma_start3A_474] : memref<8192xf32, #tpu.memory_space<vmem>> -> memref<128xf32, #tpu.memory_space<vmem>>
    %dma_start3A_476 = arith.constant 4992 : i32
    %dma_start3A_477 = tpu.memref_slice %arg8[%dma_start3A_476] : memref<8192xi32, #tpu.memory_space<vmem>> -> memref<128xi32, #tpu.memory_space<vmem>>
    %dma_start3A_478 = arith.constant 0 : i32
    %dma_start3A_479 = tpu.memref_slice %arg4[%dma_start3A_478] : memref<16000000xf32, #tpu.memory_space<hbm>> -> memref<16000000xf32, #tpu.memory_space<hbm>>
    tpu.enqueue_indirect_dma source(%dma_start3A_479 : memref<16000000xf32, #tpu.memory_space<hbm>>) target(%dma_start3A_475 : memref<128xf32, #tpu.memory_space<vmem>>) offsets(%dma_start3A_477 : memref<128xi32, #tpu.memory_space<vmem>>) semaphore(%arg14 : memref<!tpu.dma_semaphore, #tpu.memory_space<semaphore_mem>>)
    %dma_start3A_480 = arith.constant 4992 : i32
    %dma_start3A_481 = tpu.memref_slice %arg11[%dma_start3A_480] : memref<8192xf32, #tpu.memory_space<vmem>> -> memref<128xf32, #tpu.memory_space<vmem>>
    %dma_start3A_482 = arith.constant 4992 : i32
    %dma_start3A_483 = tpu.memref_slice %arg9[%dma_start3A_482] : memref<8192xi32, #tpu.memory_space<vmem>> -> memref<128xi32, #tpu.memory_space<vmem>>
    %dma_start3A_484 = arith.constant 0 : i32
    %dma_start3A_485 = tpu.memref_slice %arg5[%dma_start3A_484] : memref<16000000xf32, #tpu.memory_space<hbm>> -> memref<16000000xf32, #tpu.memory_space<hbm>>
    tpu.enqueue_indirect_dma source(%dma_start3A_485 : memref<16000000xf32, #tpu.memory_space<hbm>>) target(%dma_start3A_481 : memref<128xf32, #tpu.memory_space<vmem>>) offsets(%dma_start3A_483 : memref<128xi32, #tpu.memory_space<vmem>>) semaphore(%arg15 : memref<!tpu.dma_semaphore, #tpu.memory_space<semaphore_mem>>)
    %dma_start3A_486 = arith.constant 5120 : i32
    %dma_start3A_487 = tpu.memref_slice %arg10[%dma_start3A_486] : memref<8192xf32, #tpu.memory_space<vmem>> -> memref<128xf32, #tpu.memory_space<vmem>>
    %dma_start3A_488 = arith.constant 5120 : i32
    %dma_start3A_489 = tpu.memref_slice %arg8[%dma_start3A_488] : memref<8192xi32, #tpu.memory_space<vmem>> -> memref<128xi32, #tpu.memory_space<vmem>>
    %dma_start3A_490 = arith.constant 0 : i32
    %dma_start3A_491 = tpu.memref_slice %arg4[%dma_start3A_490] : memref<16000000xf32, #tpu.memory_space<hbm>> -> memref<16000000xf32, #tpu.memory_space<hbm>>
    tpu.enqueue_indirect_dma source(%dma_start3A_491 : memref<16000000xf32, #tpu.memory_space<hbm>>) target(%dma_start3A_487 : memref<128xf32, #tpu.memory_space<vmem>>) offsets(%dma_start3A_489 : memref<128xi32, #tpu.memory_space<vmem>>) semaphore(%arg14 : memref<!tpu.dma_semaphore, #tpu.memory_space<semaphore_mem>>)
    %dma_start3A_492 = arith.constant 5120 : i32
    %dma_start3A_493 = tpu.memref_slice %arg11[%dma_start3A_492] : memref<8192xf32, #tpu.memory_space<vmem>> -> memref<128xf32, #tpu.memory_space<vmem>>
    %dma_start3A_494 = arith.constant 5120 : i32
    %dma_start3A_495 = tpu.memref_slice %arg9[%dma_start3A_494] : memref<8192xi32, #tpu.memory_space<vmem>> -> memref<128xi32, #tpu.memory_space<vmem>>
    %dma_start3A_496 = arith.constant 0 : i32
    %dma_start3A_497 = tpu.memref_slice %arg5[%dma_start3A_496] : memref<16000000xf32, #tpu.memory_space<hbm>> -> memref<16000000xf32, #tpu.memory_space<hbm>>
    tpu.enqueue_indirect_dma source(%dma_start3A_497 : memref<16000000xf32, #tpu.memory_space<hbm>>) target(%dma_start3A_493 : memref<128xf32, #tpu.memory_space<vmem>>) offsets(%dma_start3A_495 : memref<128xi32, #tpu.memory_space<vmem>>) semaphore(%arg15 : memref<!tpu.dma_semaphore, #tpu.memory_space<semaphore_mem>>)
    %dma_start3A_498 = arith.constant 5248 : i32
    %dma_start3A_499 = tpu.memref_slice %arg10[%dma_start3A_498] : memref<8192xf32, #tpu.memory_space<vmem>> -> memref<128xf32, #tpu.memory_space<vmem>>
    %dma_start3A_500 = arith.constant 5248 : i32
    %dma_start3A_501 = tpu.memref_slice %arg8[%dma_start3A_500] : memref<8192xi32, #tpu.memory_space<vmem>> -> memref<128xi32, #tpu.memory_space<vmem>>
    %dma_start3A_502 = arith.constant 0 : i32
    %dma_start3A_503 = tpu.memref_slice %arg4[%dma_start3A_502] : memref<16000000xf32, #tpu.memory_space<hbm>> -> memref<16000000xf32, #tpu.memory_space<hbm>>
    tpu.enqueue_indirect_dma source(%dma_start3A_503 : memref<16000000xf32, #tpu.memory_space<hbm>>) target(%dma_start3A_499 : memref<128xf32, #tpu.memory_space<vmem>>) offsets(%dma_start3A_501 : memref<128xi32, #tpu.memory_space<vmem>>) semaphore(%arg14 : memref<!tpu.dma_semaphore, #tpu.memory_space<semaphore_mem>>)
    %dma_start3A_504 = arith.constant 5248 : i32
    %dma_start3A_505 = tpu.memref_slice %arg11[%dma_start3A_504] : memref<8192xf32, #tpu.memory_space<vmem>> -> memref<128xf32, #tpu.memory_space<vmem>>
    %dma_start3A_506 = arith.constant 5248 : i32
    %dma_start3A_507 = tpu.memref_slice %arg9[%dma_start3A_506] : memref<8192xi32, #tpu.memory_space<vmem>> -> memref<128xi32, #tpu.memory_space<vmem>>
    %dma_start3A_508 = arith.constant 0 : i32
    %dma_start3A_509 = tpu.memref_slice %arg5[%dma_start3A_508] : memref<16000000xf32, #tpu.memory_space<hbm>> -> memref<16000000xf32, #tpu.memory_space<hbm>>
    tpu.enqueue_indirect_dma source(%dma_start3A_509 : memref<16000000xf32, #tpu.memory_space<hbm>>) target(%dma_start3A_505 : memref<128xf32, #tpu.memory_space<vmem>>) offsets(%dma_start3A_507 : memref<128xi32, #tpu.memory_space<vmem>>) semaphore(%arg15 : memref<!tpu.dma_semaphore, #tpu.memory_space<semaphore_mem>>)
    %dma_start3A_510 = arith.constant 5376 : i32
    %dma_start3A_511 = tpu.memref_slice %arg10[%dma_start3A_510] : memref<8192xf32, #tpu.memory_space<vmem>> -> memref<128xf32, #tpu.memory_space<vmem>>
    %dma_start3A_512 = arith.constant 5376 : i32
    %dma_start3A_513 = tpu.memref_slice %arg8[%dma_start3A_512] : memref<8192xi32, #tpu.memory_space<vmem>> -> memref<128xi32, #tpu.memory_space<vmem>>
    %dma_start3A_514 = arith.constant 0 : i32
    %dma_start3A_515 = tpu.memref_slice %arg4[%dma_start3A_514] : memref<16000000xf32, #tpu.memory_space<hbm>> -> memref<16000000xf32, #tpu.memory_space<hbm>>
    tpu.enqueue_indirect_dma source(%dma_start3A_515 : memref<16000000xf32, #tpu.memory_space<hbm>>) target(%dma_start3A_511 : memref<128xf32, #tpu.memory_space<vmem>>) offsets(%dma_start3A_513 : memref<128xi32, #tpu.memory_space<vmem>>) semaphore(%arg14 : memref<!tpu.dma_semaphore, #tpu.memory_space<semaphore_mem>>)
    %dma_start3A_516 = arith.constant 5376 : i32
    %dma_start3A_517 = tpu.memref_slice %arg11[%dma_start3A_516] : memref<8192xf32, #tpu.memory_space<vmem>> -> memref<128xf32, #tpu.memory_space<vmem>>
    %dma_start3A_518 = arith.constant 5376 : i32
    %dma_start3A_519 = tpu.memref_slice %arg9[%dma_start3A_518] : memref<8192xi32, #tpu.memory_space<vmem>> -> memref<128xi32, #tpu.memory_space<vmem>>
    %dma_start3A_520 = arith.constant 0 : i32
    %dma_start3A_521 = tpu.memref_slice %arg5[%dma_start3A_520] : memref<16000000xf32, #tpu.memory_space<hbm>> -> memref<16000000xf32, #tpu.memory_space<hbm>>
    tpu.enqueue_indirect_dma source(%dma_start3A_521 : memref<16000000xf32, #tpu.memory_space<hbm>>) target(%dma_start3A_517 : memref<128xf32, #tpu.memory_space<vmem>>) offsets(%dma_start3A_519 : memref<128xi32, #tpu.memory_space<vmem>>) semaphore(%arg15 : memref<!tpu.dma_semaphore, #tpu.memory_space<semaphore_mem>>)
    %dma_start3A_522 = arith.constant 5504 : i32
    %dma_start3A_523 = tpu.memref_slice %arg10[%dma_start3A_522] : memref<8192xf32, #tpu.memory_space<vmem>> -> memref<128xf32, #tpu.memory_space<vmem>>
    %dma_start3A_524 = arith.constant 5504 : i32
    %dma_start3A_525 = tpu.memref_slice %arg8[%dma_start3A_524] : memref<8192xi32, #tpu.memory_space<vmem>> -> memref<128xi32, #tpu.memory_space<vmem>>
    %dma_start3A_526 = arith.constant 0 : i32
    %dma_start3A_527 = tpu.memref_slice %arg4[%dma_start3A_526] : memref<16000000xf32, #tpu.memory_space<hbm>> -> memref<16000000xf32, #tpu.memory_space<hbm>>
    tpu.enqueue_indirect_dma source(%dma_start3A_527 : memref<16000000xf32, #tpu.memory_space<hbm>>) target(%dma_start3A_523 : memref<128xf32, #tpu.memory_space<vmem>>) offsets(%dma_start3A_525 : memref<128xi32, #tpu.memory_space<vmem>>) semaphore(%arg14 : memref<!tpu.dma_semaphore, #tpu.memory_space<semaphore_mem>>)
    %dma_start3A_528 = arith.constant 5504 : i32
    %dma_start3A_529 = tpu.memref_slice %arg11[%dma_start3A_528] : memref<8192xf32, #tpu.memory_space<vmem>> -> memref<128xf32, #tpu.memory_space<vmem>>
    %dma_start3A_530 = arith.constant 5504 : i32
    %dma_start3A_531 = tpu.memref_slice %arg9[%dma_start3A_530] : memref<8192xi32, #tpu.memory_space<vmem>> -> memref<128xi32, #tpu.memory_space<vmem>>
    %dma_start3A_532 = arith.constant 0 : i32
    %dma_start3A_533 = tpu.memref_slice %arg5[%dma_start3A_532] : memref<16000000xf32, #tpu.memory_space<hbm>> -> memref<16000000xf32, #tpu.memory_space<hbm>>
    tpu.enqueue_indirect_dma source(%dma_start3A_533 : memref<16000000xf32, #tpu.memory_space<hbm>>) target(%dma_start3A_529 : memref<128xf32, #tpu.memory_space<vmem>>) offsets(%dma_start3A_531 : memref<128xi32, #tpu.memory_space<vmem>>) semaphore(%arg15 : memref<!tpu.dma_semaphore, #tpu.memory_space<semaphore_mem>>)
    %dma_start3A_534 = arith.constant 5632 : i32
    %dma_start3A_535 = tpu.memref_slice %arg10[%dma_start3A_534] : memref<8192xf32, #tpu.memory_space<vmem>> -> memref<128xf32, #tpu.memory_space<vmem>>
    %dma_start3A_536 = arith.constant 5632 : i32
    %dma_start3A_537 = tpu.memref_slice %arg8[%dma_start3A_536] : memref<8192xi32, #tpu.memory_space<vmem>> -> memref<128xi32, #tpu.memory_space<vmem>>
    %dma_start3A_538 = arith.constant 0 : i32
    %dma_start3A_539 = tpu.memref_slice %arg4[%dma_start3A_538] : memref<16000000xf32, #tpu.memory_space<hbm>> -> memref<16000000xf32, #tpu.memory_space<hbm>>
    tpu.enqueue_indirect_dma source(%dma_start3A_539 : memref<16000000xf32, #tpu.memory_space<hbm>>) target(%dma_start3A_535 : memref<128xf32, #tpu.memory_space<vmem>>) offsets(%dma_start3A_537 : memref<128xi32, #tpu.memory_space<vmem>>) semaphore(%arg14 : memref<!tpu.dma_semaphore, #tpu.memory_space<semaphore_mem>>)
    %dma_start3A_540 = arith.constant 5632 : i32
    %dma_start3A_541 = tpu.memref_slice %arg11[%dma_start3A_540] : memref<8192xf32, #tpu.memory_space<vmem>> -> memref<128xf32, #tpu.memory_space<vmem>>
    %dma_start3A_542 = arith.constant 5632 : i32
    %dma_start3A_543 = tpu.memref_slice %arg9[%dma_start3A_542] : memref<8192xi32, #tpu.memory_space<vmem>> -> memref<128xi32, #tpu.memory_space<vmem>>
    %dma_start3A_544 = arith.constant 0 : i32
    %dma_start3A_545 = tpu.memref_slice %arg5[%dma_start3A_544] : memref<16000000xf32, #tpu.memory_space<hbm>> -> memref<16000000xf32, #tpu.memory_space<hbm>>
    tpu.enqueue_indirect_dma source(%dma_start3A_545 : memref<16000000xf32, #tpu.memory_space<hbm>>) target(%dma_start3A_541 : memref<128xf32, #tpu.memory_space<vmem>>) offsets(%dma_start3A_543 : memref<128xi32, #tpu.memory_space<vmem>>) semaphore(%arg15 : memref<!tpu.dma_semaphore, #tpu.memory_space<semaphore_mem>>)
    %dma_start3A_546 = arith.constant 5760 : i32
    %dma_start3A_547 = tpu.memref_slice %arg10[%dma_start3A_546] : memref<8192xf32, #tpu.memory_space<vmem>> -> memref<128xf32, #tpu.memory_space<vmem>>
    %dma_start3A_548 = arith.constant 5760 : i32
    %dma_start3A_549 = tpu.memref_slice %arg8[%dma_start3A_548] : memref<8192xi32, #tpu.memory_space<vmem>> -> memref<128xi32, #tpu.memory_space<vmem>>
    %dma_start3A_550 = arith.constant 0 : i32
    %dma_start3A_551 = tpu.memref_slice %arg4[%dma_start3A_550] : memref<16000000xf32, #tpu.memory_space<hbm>> -> memref<16000000xf32, #tpu.memory_space<hbm>>
    tpu.enqueue_indirect_dma source(%dma_start3A_551 : memref<16000000xf32, #tpu.memory_space<hbm>>) target(%dma_start3A_547 : memref<128xf32, #tpu.memory_space<vmem>>) offsets(%dma_start3A_549 : memref<128xi32, #tpu.memory_space<vmem>>) semaphore(%arg14 : memref<!tpu.dma_semaphore, #tpu.memory_space<semaphore_mem>>)
    %dma_start3A_552 = arith.constant 5760 : i32
    %dma_start3A_553 = tpu.memref_slice %arg11[%dma_start3A_552] : memref<8192xf32, #tpu.memory_space<vmem>> -> memref<128xf32, #tpu.memory_space<vmem>>
    %dma_start3A_554 = arith.constant 5760 : i32
    %dma_start3A_555 = tpu.memref_slice %arg9[%dma_start3A_554] : memref<8192xi32, #tpu.memory_space<vmem>> -> memref<128xi32, #tpu.memory_space<vmem>>
    %dma_start3A_556 = arith.constant 0 : i32
    %dma_start3A_557 = tpu.memref_slice %arg5[%dma_start3A_556] : memref<16000000xf32, #tpu.memory_space<hbm>> -> memref<16000000xf32, #tpu.memory_space<hbm>>
    tpu.enqueue_indirect_dma source(%dma_start3A_557 : memref<16000000xf32, #tpu.memory_space<hbm>>) target(%dma_start3A_553 : memref<128xf32, #tpu.memory_space<vmem>>) offsets(%dma_start3A_555 : memref<128xi32, #tpu.memory_space<vmem>>) semaphore(%arg15 : memref<!tpu.dma_semaphore, #tpu.memory_space<semaphore_mem>>)
    %dma_start3A_558 = arith.constant 5888 : i32
    %dma_start3A_559 = tpu.memref_slice %arg10[%dma_start3A_558] : memref<8192xf32, #tpu.memory_space<vmem>> -> memref<128xf32, #tpu.memory_space<vmem>>
    %dma_start3A_560 = arith.constant 5888 : i32
    %dma_start3A_561 = tpu.memref_slice %arg8[%dma_start3A_560] : memref<8192xi32, #tpu.memory_space<vmem>> -> memref<128xi32, #tpu.memory_space<vmem>>
    %dma_start3A_562 = arith.constant 0 : i32
    %dma_start3A_563 = tpu.memref_slice %arg4[%dma_start3A_562] : memref<16000000xf32, #tpu.memory_space<hbm>> -> memref<16000000xf32, #tpu.memory_space<hbm>>
    tpu.enqueue_indirect_dma source(%dma_start3A_563 : memref<16000000xf32, #tpu.memory_space<hbm>>) target(%dma_start3A_559 : memref<128xf32, #tpu.memory_space<vmem>>) offsets(%dma_start3A_561 : memref<128xi32, #tpu.memory_space<vmem>>) semaphore(%arg14 : memref<!tpu.dma_semaphore, #tpu.memory_space<semaphore_mem>>)
    %dma_start3A_564 = arith.constant 5888 : i32
    %dma_start3A_565 = tpu.memref_slice %arg11[%dma_start3A_564] : memref<8192xf32, #tpu.memory_space<vmem>> -> memref<128xf32, #tpu.memory_space<vmem>>
    %dma_start3A_566 = arith.constant 5888 : i32
    %dma_start3A_567 = tpu.memref_slice %arg9[%dma_start3A_566] : memref<8192xi32, #tpu.memory_space<vmem>> -> memref<128xi32, #tpu.memory_space<vmem>>
    %dma_start3A_568 = arith.constant 0 : i32
    %dma_start3A_569 = tpu.memref_slice %arg5[%dma_start3A_568] : memref<16000000xf32, #tpu.memory_space<hbm>> -> memref<16000000xf32, #tpu.memory_space<hbm>>
    tpu.enqueue_indirect_dma source(%dma_start3A_569 : memref<16000000xf32, #tpu.memory_space<hbm>>) target(%dma_start3A_565 : memref<128xf32, #tpu.memory_space<vmem>>) offsets(%dma_start3A_567 : memref<128xi32, #tpu.memory_space<vmem>>) semaphore(%arg15 : memref<!tpu.dma_semaphore, #tpu.memory_space<semaphore_mem>>)
    %dma_start3A_570 = arith.constant 6016 : i32
    %dma_start3A_571 = tpu.memref_slice %arg10[%dma_start3A_570] : memref<8192xf32, #tpu.memory_space<vmem>> -> memref<128xf32, #tpu.memory_space<vmem>>
    %dma_start3A_572 = arith.constant 6016 : i32
    %dma_start3A_573 = tpu.memref_slice %arg8[%dma_start3A_572] : memref<8192xi32, #tpu.memory_space<vmem>> -> memref<128xi32, #tpu.memory_space<vmem>>
    %dma_start3A_574 = arith.constant 0 : i32
    %dma_start3A_575 = tpu.memref_slice %arg4[%dma_start3A_574] : memref<16000000xf32, #tpu.memory_space<hbm>> -> memref<16000000xf32, #tpu.memory_space<hbm>>
    tpu.enqueue_indirect_dma source(%dma_start3A_575 : memref<16000000xf32, #tpu.memory_space<hbm>>) target(%dma_start3A_571 : memref<128xf32, #tpu.memory_space<vmem>>) offsets(%dma_start3A_573 : memref<128xi32, #tpu.memory_space<vmem>>) semaphore(%arg14 : memref<!tpu.dma_semaphore, #tpu.memory_space<semaphore_mem>>)
    %dma_start3A_576 = arith.constant 6016 : i32
    %dma_start3A_577 = tpu.memref_slice %arg11[%dma_start3A_576] : memref<8192xf32, #tpu.memory_space<vmem>> -> memref<128xf32, #tpu.memory_space<vmem>>
    %dma_start3A_578 = arith.constant 6016 : i32
    %dma_start3A_579 = tpu.memref_slice %arg9[%dma_start3A_578] : memref<8192xi32, #tpu.memory_space<vmem>> -> memref<128xi32, #tpu.memory_space<vmem>>
    %dma_start3A_580 = arith.constant 0 : i32
    %dma_start3A_581 = tpu.memref_slice %arg5[%dma_start3A_580] : memref<16000000xf32, #tpu.memory_space<hbm>> -> memref<16000000xf32, #tpu.memory_space<hbm>>
    tpu.enqueue_indirect_dma source(%dma_start3A_581 : memref<16000000xf32, #tpu.memory_space<hbm>>) target(%dma_start3A_577 : memref<128xf32, #tpu.memory_space<vmem>>) offsets(%dma_start3A_579 : memref<128xi32, #tpu.memory_space<vmem>>) semaphore(%arg15 : memref<!tpu.dma_semaphore, #tpu.memory_space<semaphore_mem>>)
    %dma_start3A_582 = arith.constant 6144 : i32
    %dma_start3A_583 = tpu.memref_slice %arg10[%dma_start3A_582] : memref<8192xf32, #tpu.memory_space<vmem>> -> memref<128xf32, #tpu.memory_space<vmem>>
    %dma_start3A_584 = arith.constant 6144 : i32
    %dma_start3A_585 = tpu.memref_slice %arg8[%dma_start3A_584] : memref<8192xi32, #tpu.memory_space<vmem>> -> memref<128xi32, #tpu.memory_space<vmem>>
    %dma_start3A_586 = arith.constant 0 : i32
    %dma_start3A_587 = tpu.memref_slice %arg4[%dma_start3A_586] : memref<16000000xf32, #tpu.memory_space<hbm>> -> memref<16000000xf32, #tpu.memory_space<hbm>>
    tpu.enqueue_indirect_dma source(%dma_start3A_587 : memref<16000000xf32, #tpu.memory_space<hbm>>) target(%dma_start3A_583 : memref<128xf32, #tpu.memory_space<vmem>>) offsets(%dma_start3A_585 : memref<128xi32, #tpu.memory_space<vmem>>) semaphore(%arg14 : memref<!tpu.dma_semaphore, #tpu.memory_space<semaphore_mem>>)
    %dma_start3A_588 = arith.constant 6144 : i32
    %dma_start3A_589 = tpu.memref_slice %arg11[%dma_start3A_588] : memref<8192xf32, #tpu.memory_space<vmem>> -> memref<128xf32, #tpu.memory_space<vmem>>
    %dma_start3A_590 = arith.constant 6144 : i32
    %dma_start3A_591 = tpu.memref_slice %arg9[%dma_start3A_590] : memref<8192xi32, #tpu.memory_space<vmem>> -> memref<128xi32, #tpu.memory_space<vmem>>
    %dma_start3A_592 = arith.constant 0 : i32
    %dma_start3A_593 = tpu.memref_slice %arg5[%dma_start3A_592] : memref<16000000xf32, #tpu.memory_space<hbm>> -> memref<16000000xf32, #tpu.memory_space<hbm>>
    tpu.enqueue_indirect_dma source(%dma_start3A_593 : memref<16000000xf32, #tpu.memory_space<hbm>>) target(%dma_start3A_589 : memref<128xf32, #tpu.memory_space<vmem>>) offsets(%dma_start3A_591 : memref<128xi32, #tpu.memory_space<vmem>>) semaphore(%arg15 : memref<!tpu.dma_semaphore, #tpu.memory_space<semaphore_mem>>)
    %dma_start3A_594 = arith.constant 6272 : i32
    %dma_start3A_595 = tpu.memref_slice %arg10[%dma_start3A_594] : memref<8192xf32, #tpu.memory_space<vmem>> -> memref<128xf32, #tpu.memory_space<vmem>>
    %dma_start3A_596 = arith.constant 6272 : i32
    %dma_start3A_597 = tpu.memref_slice %arg8[%dma_start3A_596] : memref<8192xi32, #tpu.memory_space<vmem>> -> memref<128xi32, #tpu.memory_space<vmem>>
    %dma_start3A_598 = arith.constant 0 : i32
    %dma_start3A_599 = tpu.memref_slice %arg4[%dma_start3A_598] : memref<16000000xf32, #tpu.memory_space<hbm>> -> memref<16000000xf32, #tpu.memory_space<hbm>>
    tpu.enqueue_indirect_dma source(%dma_start3A_599 : memref<16000000xf32, #tpu.memory_space<hbm>>) target(%dma_start3A_595 : memref<128xf32, #tpu.memory_space<vmem>>) offsets(%dma_start3A_597 : memref<128xi32, #tpu.memory_space<vmem>>) semaphore(%arg14 : memref<!tpu.dma_semaphore, #tpu.memory_space<semaphore_mem>>)
    %dma_start3A_600 = arith.constant 6272 : i32
    %dma_start3A_601 = tpu.memref_slice %arg11[%dma_start3A_600] : memref<8192xf32, #tpu.memory_space<vmem>> -> memref<128xf32, #tpu.memory_space<vmem>>
    %dma_start3A_602 = arith.constant 6272 : i32
    %dma_start3A_603 = tpu.memref_slice %arg9[%dma_start3A_602] : memref<8192xi32, #tpu.memory_space<vmem>> -> memref<128xi32, #tpu.memory_space<vmem>>
    %dma_start3A_604 = arith.constant 0 : i32
    %dma_start3A_605 = tpu.memref_slice %arg5[%dma_start3A_604] : memref<16000000xf32, #tpu.memory_space<hbm>> -> memref<16000000xf32, #tpu.memory_space<hbm>>
    tpu.enqueue_indirect_dma source(%dma_start3A_605 : memref<16000000xf32, #tpu.memory_space<hbm>>) target(%dma_start3A_601 : memref<128xf32, #tpu.memory_space<vmem>>) offsets(%dma_start3A_603 : memref<128xi32, #tpu.memory_space<vmem>>) semaphore(%arg15 : memref<!tpu.dma_semaphore, #tpu.memory_space<semaphore_mem>>)
    %dma_start3A_606 = arith.constant 6400 : i32
    %dma_start3A_607 = tpu.memref_slice %arg10[%dma_start3A_606] : memref<8192xf32, #tpu.memory_space<vmem>> -> memref<128xf32, #tpu.memory_space<vmem>>
    %dma_start3A_608 = arith.constant 6400 : i32
    %dma_start3A_609 = tpu.memref_slice %arg8[%dma_start3A_608] : memref<8192xi32, #tpu.memory_space<vmem>> -> memref<128xi32, #tpu.memory_space<vmem>>
    %dma_start3A_610 = arith.constant 0 : i32
    %dma_start3A_611 = tpu.memref_slice %arg4[%dma_start3A_610] : memref<16000000xf32, #tpu.memory_space<hbm>> -> memref<16000000xf32, #tpu.memory_space<hbm>>
    tpu.enqueue_indirect_dma source(%dma_start3A_611 : memref<16000000xf32, #tpu.memory_space<hbm>>) target(%dma_start3A_607 : memref<128xf32, #tpu.memory_space<vmem>>) offsets(%dma_start3A_609 : memref<128xi32, #tpu.memory_space<vmem>>) semaphore(%arg14 : memref<!tpu.dma_semaphore, #tpu.memory_space<semaphore_mem>>)
    %dma_start3A_612 = arith.constant 6400 : i32
    %dma_start3A_613 = tpu.memref_slice %arg11[%dma_start3A_612] : memref<8192xf32, #tpu.memory_space<vmem>> -> memref<128xf32, #tpu.memory_space<vmem>>
    %dma_start3A_614 = arith.constant 6400 : i32
    %dma_start3A_615 = tpu.memref_slice %arg9[%dma_start3A_614] : memref<8192xi32, #tpu.memory_space<vmem>> -> memref<128xi32, #tpu.memory_space<vmem>>
    %dma_start3A_616 = arith.constant 0 : i32
    %dma_start3A_617 = tpu.memref_slice %arg5[%dma_start3A_616] : memref<16000000xf32, #tpu.memory_space<hbm>> -> memref<16000000xf32, #tpu.memory_space<hbm>>
    tpu.enqueue_indirect_dma source(%dma_start3A_617 : memref<16000000xf32, #tpu.memory_space<hbm>>) target(%dma_start3A_613 : memref<128xf32, #tpu.memory_space<vmem>>) offsets(%dma_start3A_615 : memref<128xi32, #tpu.memory_space<vmem>>) semaphore(%arg15 : memref<!tpu.dma_semaphore, #tpu.memory_space<semaphore_mem>>)
    %dma_start3A_618 = arith.constant 6528 : i32
    %dma_start3A_619 = tpu.memref_slice %arg10[%dma_start3A_618] : memref<8192xf32, #tpu.memory_space<vmem>> -> memref<128xf32, #tpu.memory_space<vmem>>
    %dma_start3A_620 = arith.constant 6528 : i32
    %dma_start3A_621 = tpu.memref_slice %arg8[%dma_start3A_620] : memref<8192xi32, #tpu.memory_space<vmem>> -> memref<128xi32, #tpu.memory_space<vmem>>
    %dma_start3A_622 = arith.constant 0 : i32
    %dma_start3A_623 = tpu.memref_slice %arg4[%dma_start3A_622] : memref<16000000xf32, #tpu.memory_space<hbm>> -> memref<16000000xf32, #tpu.memory_space<hbm>>
    tpu.enqueue_indirect_dma source(%dma_start3A_623 : memref<16000000xf32, #tpu.memory_space<hbm>>) target(%dma_start3A_619 : memref<128xf32, #tpu.memory_space<vmem>>) offsets(%dma_start3A_621 : memref<128xi32, #tpu.memory_space<vmem>>) semaphore(%arg14 : memref<!tpu.dma_semaphore, #tpu.memory_space<semaphore_mem>>)
    %dma_start3A_624 = arith.constant 6528 : i32
    %dma_start3A_625 = tpu.memref_slice %arg11[%dma_start3A_624] : memref<8192xf32, #tpu.memory_space<vmem>> -> memref<128xf32, #tpu.memory_space<vmem>>
    %dma_start3A_626 = arith.constant 6528 : i32
    %dma_start3A_627 = tpu.memref_slice %arg9[%dma_start3A_626] : memref<8192xi32, #tpu.memory_space<vmem>> -> memref<128xi32, #tpu.memory_space<vmem>>
    %dma_start3A_628 = arith.constant 0 : i32
    %dma_start3A_629 = tpu.memref_slice %arg5[%dma_start3A_628] : memref<16000000xf32, #tpu.memory_space<hbm>> -> memref<16000000xf32, #tpu.memory_space<hbm>>
    tpu.enqueue_indirect_dma source(%dma_start3A_629 : memref<16000000xf32, #tpu.memory_space<hbm>>) target(%dma_start3A_625 : memref<128xf32, #tpu.memory_space<vmem>>) offsets(%dma_start3A_627 : memref<128xi32, #tpu.memory_space<vmem>>) semaphore(%arg15 : memref<!tpu.dma_semaphore, #tpu.memory_space<semaphore_mem>>)
    %dma_start3A_630 = arith.constant 6656 : i32
    %dma_start3A_631 = tpu.memref_slice %arg10[%dma_start3A_630] : memref<8192xf32, #tpu.memory_space<vmem>> -> memref<128xf32, #tpu.memory_space<vmem>>
    %dma_start3A_632 = arith.constant 6656 : i32
    %dma_start3A_633 = tpu.memref_slice %arg8[%dma_start3A_632] : memref<8192xi32, #tpu.memory_space<vmem>> -> memref<128xi32, #tpu.memory_space<vmem>>
    %dma_start3A_634 = arith.constant 0 : i32
    %dma_start3A_635 = tpu.memref_slice %arg4[%dma_start3A_634] : memref<16000000xf32, #tpu.memory_space<hbm>> -> memref<16000000xf32, #tpu.memory_space<hbm>>
    tpu.enqueue_indirect_dma source(%dma_start3A_635 : memref<16000000xf32, #tpu.memory_space<hbm>>) target(%dma_start3A_631 : memref<128xf32, #tpu.memory_space<vmem>>) offsets(%dma_start3A_633 : memref<128xi32, #tpu.memory_space<vmem>>) semaphore(%arg14 : memref<!tpu.dma_semaphore, #tpu.memory_space<semaphore_mem>>)
    %dma_start3A_636 = arith.constant 6656 : i32
    %dma_start3A_637 = tpu.memref_slice %arg11[%dma_start3A_636] : memref<8192xf32, #tpu.memory_space<vmem>> -> memref<128xf32, #tpu.memory_space<vmem>>
    %dma_start3A_638 = arith.constant 6656 : i32
    %dma_start3A_639 = tpu.memref_slice %arg9[%dma_start3A_638] : memref<8192xi32, #tpu.memory_space<vmem>> -> memref<128xi32, #tpu.memory_space<vmem>>
    %dma_start3A_640 = arith.constant 0 : i32
    %dma_start3A_641 = tpu.memref_slice %arg5[%dma_start3A_640] : memref<16000000xf32, #tpu.memory_space<hbm>> -> memref<16000000xf32, #tpu.memory_space<hbm>>
    tpu.enqueue_indirect_dma source(%dma_start3A_641 : memref<16000000xf32, #tpu.memory_space<hbm>>) target(%dma_start3A_637 : memref<128xf32, #tpu.memory_space<vmem>>) offsets(%dma_start3A_639 : memref<128xi32, #tpu.memory_space<vmem>>) semaphore(%arg15 : memref<!tpu.dma_semaphore, #tpu.memory_space<semaphore_mem>>)
    %dma_start3A_642 = arith.constant 6784 : i32
    %dma_start3A_643 = tpu.memref_slice %arg10[%dma_start3A_642] : memref<8192xf32, #tpu.memory_space<vmem>> -> memref<128xf32, #tpu.memory_space<vmem>>
    %dma_start3A_644 = arith.constant 6784 : i32
    %dma_start3A_645 = tpu.memref_slice %arg8[%dma_start3A_644] : memref<8192xi32, #tpu.memory_space<vmem>> -> memref<128xi32, #tpu.memory_space<vmem>>
    %dma_start3A_646 = arith.constant 0 : i32
    %dma_start3A_647 = tpu.memref_slice %arg4[%dma_start3A_646] : memref<16000000xf32, #tpu.memory_space<hbm>> -> memref<16000000xf32, #tpu.memory_space<hbm>>
    tpu.enqueue_indirect_dma source(%dma_start3A_647 : memref<16000000xf32, #tpu.memory_space<hbm>>) target(%dma_start3A_643 : memref<128xf32, #tpu.memory_space<vmem>>) offsets(%dma_start3A_645 : memref<128xi32, #tpu.memory_space<vmem>>) semaphore(%arg14 : memref<!tpu.dma_semaphore, #tpu.memory_space<semaphore_mem>>)
    %dma_start3A_648 = arith.constant 6784 : i32
    %dma_start3A_649 = tpu.memref_slice %arg11[%dma_start3A_648] : memref<8192xf32, #tpu.memory_space<vmem>> -> memref<128xf32, #tpu.memory_space<vmem>>
    %dma_start3A_650 = arith.constant 6784 : i32
    %dma_start3A_651 = tpu.memref_slice %arg9[%dma_start3A_650] : memref<8192xi32, #tpu.memory_space<vmem>> -> memref<128xi32, #tpu.memory_space<vmem>>
    %dma_start3A_652 = arith.constant 0 : i32
    %dma_start3A_653 = tpu.memref_slice %arg5[%dma_start3A_652] : memref<16000000xf32, #tpu.memory_space<hbm>> -> memref<16000000xf32, #tpu.memory_space<hbm>>
    tpu.enqueue_indirect_dma source(%dma_start3A_653 : memref<16000000xf32, #tpu.memory_space<hbm>>) target(%dma_start3A_649 : memref<128xf32, #tpu.memory_space<vmem>>) offsets(%dma_start3A_651 : memref<128xi32, #tpu.memory_space<vmem>>) semaphore(%arg15 : memref<!tpu.dma_semaphore, #tpu.memory_space<semaphore_mem>>)
    %dma_start3A_654 = arith.constant 6912 : i32
    %dma_start3A_655 = tpu.memref_slice %arg10[%dma_start3A_654] : memref<8192xf32, #tpu.memory_space<vmem>> -> memref<128xf32, #tpu.memory_space<vmem>>
    %dma_start3A_656 = arith.constant 6912 : i32
    %dma_start3A_657 = tpu.memref_slice %arg8[%dma_start3A_656] : memref<8192xi32, #tpu.memory_space<vmem>> -> memref<128xi32, #tpu.memory_space<vmem>>
    %dma_start3A_658 = arith.constant 0 : i32
    %dma_start3A_659 = tpu.memref_slice %arg4[%dma_start3A_658] : memref<16000000xf32, #tpu.memory_space<hbm>> -> memref<16000000xf32, #tpu.memory_space<hbm>>
    tpu.enqueue_indirect_dma source(%dma_start3A_659 : memref<16000000xf32, #tpu.memory_space<hbm>>) target(%dma_start3A_655 : memref<128xf32, #tpu.memory_space<vmem>>) offsets(%dma_start3A_657 : memref<128xi32, #tpu.memory_space<vmem>>) semaphore(%arg14 : memref<!tpu.dma_semaphore, #tpu.memory_space<semaphore_mem>>)
    %dma_start3A_660 = arith.constant 6912 : i32
    %dma_start3A_661 = tpu.memref_slice %arg11[%dma_start3A_660] : memref<8192xf32, #tpu.memory_space<vmem>> -> memref<128xf32, #tpu.memory_space<vmem>>
    %dma_start3A_662 = arith.constant 6912 : i32
    %dma_start3A_663 = tpu.memref_slice %arg9[%dma_start3A_662] : memref<8192xi32, #tpu.memory_space<vmem>> -> memref<128xi32, #tpu.memory_space<vmem>>
    %dma_start3A_664 = arith.constant 0 : i32
    %dma_start3A_665 = tpu.memref_slice %arg5[%dma_start3A_664] : memref<16000000xf32, #tpu.memory_space<hbm>> -> memref<16000000xf32, #tpu.memory_space<hbm>>
    tpu.enqueue_indirect_dma source(%dma_start3A_665 : memref<16000000xf32, #tpu.memory_space<hbm>>) target(%dma_start3A_661 : memref<128xf32, #tpu.memory_space<vmem>>) offsets(%dma_start3A_663 : memref<128xi32, #tpu.memory_space<vmem>>) semaphore(%arg15 : memref<!tpu.dma_semaphore, #tpu.memory_space<semaphore_mem>>)
    %dma_start3A_666 = arith.constant 7040 : i32
    %dma_start3A_667 = tpu.memref_slice %arg10[%dma_start3A_666] : memref<8192xf32, #tpu.memory_space<vmem>> -> memref<128xf32, #tpu.memory_space<vmem>>
    %dma_start3A_668 = arith.constant 7040 : i32
    %dma_start3A_669 = tpu.memref_slice %arg8[%dma_start3A_668] : memref<8192xi32, #tpu.memory_space<vmem>> -> memref<128xi32, #tpu.memory_space<vmem>>
    %dma_start3A_670 = arith.constant 0 : i32
    %dma_start3A_671 = tpu.memref_slice %arg4[%dma_start3A_670] : memref<16000000xf32, #tpu.memory_space<hbm>> -> memref<16000000xf32, #tpu.memory_space<hbm>>
    tpu.enqueue_indirect_dma source(%dma_start3A_671 : memref<16000000xf32, #tpu.memory_space<hbm>>) target(%dma_start3A_667 : memref<128xf32, #tpu.memory_space<vmem>>) offsets(%dma_start3A_669 : memref<128xi32, #tpu.memory_space<vmem>>) semaphore(%arg14 : memref<!tpu.dma_semaphore, #tpu.memory_space<semaphore_mem>>)
    %dma_start3A_672 = arith.constant 7040 : i32
    %dma_start3A_673 = tpu.memref_slice %arg11[%dma_start3A_672] : memref<8192xf32, #tpu.memory_space<vmem>> -> memref<128xf32, #tpu.memory_space<vmem>>
    %dma_start3A_674 = arith.constant 7040 : i32
    %dma_start3A_675 = tpu.memref_slice %arg9[%dma_start3A_674] : memref<8192xi32, #tpu.memory_space<vmem>> -> memref<128xi32, #tpu.memory_space<vmem>>
    %dma_start3A_676 = arith.constant 0 : i32
    %dma_start3A_677 = tpu.memref_slice %arg5[%dma_start3A_676] : memref<16000000xf32, #tpu.memory_space<hbm>> -> memref<16000000xf32, #tpu.memory_space<hbm>>
    tpu.enqueue_indirect_dma source(%dma_start3A_677 : memref<16000000xf32, #tpu.memory_space<hbm>>) target(%dma_start3A_673 : memref<128xf32, #tpu.memory_space<vmem>>) offsets(%dma_start3A_675 : memref<128xi32, #tpu.memory_space<vmem>>) semaphore(%arg15 : memref<!tpu.dma_semaphore, #tpu.memory_space<semaphore_mem>>)
    %dma_start3A_678 = arith.constant 7168 : i32
    %dma_start3A_679 = tpu.memref_slice %arg10[%dma_start3A_678] : memref<8192xf32, #tpu.memory_space<vmem>> -> memref<128xf32, #tpu.memory_space<vmem>>
    %dma_start3A_680 = arith.constant 7168 : i32
    %dma_start3A_681 = tpu.memref_slice %arg8[%dma_start3A_680] : memref<8192xi32, #tpu.memory_space<vmem>> -> memref<128xi32, #tpu.memory_space<vmem>>
    %dma_start3A_682 = arith.constant 0 : i32
    %dma_start3A_683 = tpu.memref_slice %arg4[%dma_start3A_682] : memref<16000000xf32, #tpu.memory_space<hbm>> -> memref<16000000xf32, #tpu.memory_space<hbm>>
    tpu.enqueue_indirect_dma source(%dma_start3A_683 : memref<16000000xf32, #tpu.memory_space<hbm>>) target(%dma_start3A_679 : memref<128xf32, #tpu.memory_space<vmem>>) offsets(%dma_start3A_681 : memref<128xi32, #tpu.memory_space<vmem>>) semaphore(%arg14 : memref<!tpu.dma_semaphore, #tpu.memory_space<semaphore_mem>>)
    %dma_start3A_684 = arith.constant 7168 : i32
    %dma_start3A_685 = tpu.memref_slice %arg11[%dma_start3A_684] : memref<8192xf32, #tpu.memory_space<vmem>> -> memref<128xf32, #tpu.memory_space<vmem>>
    %dma_start3A_686 = arith.constant 7168 : i32
    %dma_start3A_687 = tpu.memref_slice %arg9[%dma_start3A_686] : memref<8192xi32, #tpu.memory_space<vmem>> -> memref<128xi32, #tpu.memory_space<vmem>>
    %dma_start3A_688 = arith.constant 0 : i32
    %dma_start3A_689 = tpu.memref_slice %arg5[%dma_start3A_688] : memref<16000000xf32, #tpu.memory_space<hbm>> -> memref<16000000xf32, #tpu.memory_space<hbm>>
    tpu.enqueue_indirect_dma source(%dma_start3A_689 : memref<16000000xf32, #tpu.memory_space<hbm>>) target(%dma_start3A_685 : memref<128xf32, #tpu.memory_space<vmem>>) offsets(%dma_start3A_687 : memref<128xi32, #tpu.memory_space<vmem>>) semaphore(%arg15 : memref<!tpu.dma_semaphore, #tpu.memory_space<semaphore_mem>>)
    %dma_start3A_690 = arith.constant 7296 : i32
    %dma_start3A_691 = tpu.memref_slice %arg10[%dma_start3A_690] : memref<8192xf32, #tpu.memory_space<vmem>> -> memref<128xf32, #tpu.memory_space<vmem>>
    %dma_start3A_692 = arith.constant 7296 : i32
    %dma_start3A_693 = tpu.memref_slice %arg8[%dma_start3A_692] : memref<8192xi32, #tpu.memory_space<vmem>> -> memref<128xi32, #tpu.memory_space<vmem>>
    %dma_start3A_694 = arith.constant 0 : i32
    %dma_start3A_695 = tpu.memref_slice %arg4[%dma_start3A_694] : memref<16000000xf32, #tpu.memory_space<hbm>> -> memref<16000000xf32, #tpu.memory_space<hbm>>
    tpu.enqueue_indirect_dma source(%dma_start3A_695 : memref<16000000xf32, #tpu.memory_space<hbm>>) target(%dma_start3A_691 : memref<128xf32, #tpu.memory_space<vmem>>) offsets(%dma_start3A_693 : memref<128xi32, #tpu.memory_space<vmem>>) semaphore(%arg14 : memref<!tpu.dma_semaphore, #tpu.memory_space<semaphore_mem>>)
    %dma_start3A_696 = arith.constant 7296 : i32
    %dma_start3A_697 = tpu.memref_slice %arg11[%dma_start3A_696] : memref<8192xf32, #tpu.memory_space<vmem>> -> memref<128xf32, #tpu.memory_space<vmem>>
    %dma_start3A_698 = arith.constant 7296 : i32
    %dma_start3A_699 = tpu.memref_slice %arg9[%dma_start3A_698] : memref<8192xi32, #tpu.memory_space<vmem>> -> memref<128xi32, #tpu.memory_space<vmem>>
    %dma_start3A_700 = arith.constant 0 : i32
    %dma_start3A_701 = tpu.memref_slice %arg5[%dma_start3A_700] : memref<16000000xf32, #tpu.memory_space<hbm>> -> memref<16000000xf32, #tpu.memory_space<hbm>>
    tpu.enqueue_indirect_dma source(%dma_start3A_701 : memref<16000000xf32, #tpu.memory_space<hbm>>) target(%dma_start3A_697 : memref<128xf32, #tpu.memory_space<vmem>>) offsets(%dma_start3A_699 : memref<128xi32, #tpu.memory_space<vmem>>) semaphore(%arg15 : memref<!tpu.dma_semaphore, #tpu.memory_space<semaphore_mem>>)
    %dma_start3A_702 = arith.constant 7424 : i32
    %dma_start3A_703 = tpu.memref_slice %arg10[%dma_start3A_702] : memref<8192xf32, #tpu.memory_space<vmem>> -> memref<128xf32, #tpu.memory_space<vmem>>
    %dma_start3A_704 = arith.constant 7424 : i32
    %dma_start3A_705 = tpu.memref_slice %arg8[%dma_start3A_704] : memref<8192xi32, #tpu.memory_space<vmem>> -> memref<128xi32, #tpu.memory_space<vmem>>
    %dma_start3A_706 = arith.constant 0 : i32
    %dma_start3A_707 = tpu.memref_slice %arg4[%dma_start3A_706] : memref<16000000xf32, #tpu.memory_space<hbm>> -> memref<16000000xf32, #tpu.memory_space<hbm>>
    tpu.enqueue_indirect_dma source(%dma_start3A_707 : memref<16000000xf32, #tpu.memory_space<hbm>>) target(%dma_start3A_703 : memref<128xf32, #tpu.memory_space<vmem>>) offsets(%dma_start3A_705 : memref<128xi32, #tpu.memory_space<vmem>>) semaphore(%arg14 : memref<!tpu.dma_semaphore, #tpu.memory_space<semaphore_mem>>)
    %dma_start3A_708 = arith.constant 7424 : i32
    %dma_start3A_709 = tpu.memref_slice %arg11[%dma_start3A_708] : memref<8192xf32, #tpu.memory_space<vmem>> -> memref<128xf32, #tpu.memory_space<vmem>>
    %dma_start3A_710 = arith.constant 7424 : i32
    %dma_start3A_711 = tpu.memref_slice %arg9[%dma_start3A_710] : memref<8192xi32, #tpu.memory_space<vmem>> -> memref<128xi32, #tpu.memory_space<vmem>>
    %dma_start3A_712 = arith.constant 0 : i32
    %dma_start3A_713 = tpu.memref_slice %arg5[%dma_start3A_712] : memref<16000000xf32, #tpu.memory_space<hbm>> -> memref<16000000xf32, #tpu.memory_space<hbm>>
    tpu.enqueue_indirect_dma source(%dma_start3A_713 : memref<16000000xf32, #tpu.memory_space<hbm>>) target(%dma_start3A_709 : memref<128xf32, #tpu.memory_space<vmem>>) offsets(%dma_start3A_711 : memref<128xi32, #tpu.memory_space<vmem>>) semaphore(%arg15 : memref<!tpu.dma_semaphore, #tpu.memory_space<semaphore_mem>>)
    %dma_start3A_714 = arith.constant 7552 : i32
    %dma_start3A_715 = tpu.memref_slice %arg10[%dma_start3A_714] : memref<8192xf32, #tpu.memory_space<vmem>> -> memref<128xf32, #tpu.memory_space<vmem>>
    %dma_start3A_716 = arith.constant 7552 : i32
    %dma_start3A_717 = tpu.memref_slice %arg8[%dma_start3A_716] : memref<8192xi32, #tpu.memory_space<vmem>> -> memref<128xi32, #tpu.memory_space<vmem>>
    %dma_start3A_718 = arith.constant 0 : i32
    %dma_start3A_719 = tpu.memref_slice %arg4[%dma_start3A_718] : memref<16000000xf32, #tpu.memory_space<hbm>> -> memref<16000000xf32, #tpu.memory_space<hbm>>
    tpu.enqueue_indirect_dma source(%dma_start3A_719 : memref<16000000xf32, #tpu.memory_space<hbm>>) target(%dma_start3A_715 : memref<128xf32, #tpu.memory_space<vmem>>) offsets(%dma_start3A_717 : memref<128xi32, #tpu.memory_space<vmem>>) semaphore(%arg14 : memref<!tpu.dma_semaphore, #tpu.memory_space<semaphore_mem>>)
    %dma_start3A_720 = arith.constant 7552 : i32
    %dma_start3A_721 = tpu.memref_slice %arg11[%dma_start3A_720] : memref<8192xf32, #tpu.memory_space<vmem>> -> memref<128xf32, #tpu.memory_space<vmem>>
    %dma_start3A_722 = arith.constant 7552 : i32
    %dma_start3A_723 = tpu.memref_slice %arg9[%dma_start3A_722] : memref<8192xi32, #tpu.memory_space<vmem>> -> memref<128xi32, #tpu.memory_space<vmem>>
    %dma_start3A_724 = arith.constant 0 : i32
    %dma_start3A_725 = tpu.memref_slice %arg5[%dma_start3A_724] : memref<16000000xf32, #tpu.memory_space<hbm>> -> memref<16000000xf32, #tpu.memory_space<hbm>>
    tpu.enqueue_indirect_dma source(%dma_start3A_725 : memref<16000000xf32, #tpu.memory_space<hbm>>) target(%dma_start3A_721 : memref<128xf32, #tpu.memory_space<vmem>>) offsets(%dma_start3A_723 : memref<128xi32, #tpu.memory_space<vmem>>) semaphore(%arg15 : memref<!tpu.dma_semaphore, #tpu.memory_space<semaphore_mem>>)
    %dma_start3A_726 = arith.constant 7680 : i32
    %dma_start3A_727 = tpu.memref_slice %arg10[%dma_start3A_726] : memref<8192xf32, #tpu.memory_space<vmem>> -> memref<128xf32, #tpu.memory_space<vmem>>
    %dma_start3A_728 = arith.constant 7680 : i32
    %dma_start3A_729 = tpu.memref_slice %arg8[%dma_start3A_728] : memref<8192xi32, #tpu.memory_space<vmem>> -> memref<128xi32, #tpu.memory_space<vmem>>
    %dma_start3A_730 = arith.constant 0 : i32
    %dma_start3A_731 = tpu.memref_slice %arg4[%dma_start3A_730] : memref<16000000xf32, #tpu.memory_space<hbm>> -> memref<16000000xf32, #tpu.memory_space<hbm>>
    tpu.enqueue_indirect_dma source(%dma_start3A_731 : memref<16000000xf32, #tpu.memory_space<hbm>>) target(%dma_start3A_727 : memref<128xf32, #tpu.memory_space<vmem>>) offsets(%dma_start3A_729 : memref<128xi32, #tpu.memory_space<vmem>>) semaphore(%arg14 : memref<!tpu.dma_semaphore, #tpu.memory_space<semaphore_mem>>)
    %dma_start3A_732 = arith.constant 7680 : i32
    %dma_start3A_733 = tpu.memref_slice %arg11[%dma_start3A_732] : memref<8192xf32, #tpu.memory_space<vmem>> -> memref<128xf32, #tpu.memory_space<vmem>>
    %dma_start3A_734 = arith.constant 7680 : i32
    %dma_start3A_735 = tpu.memref_slice %arg9[%dma_start3A_734] : memref<8192xi32, #tpu.memory_space<vmem>> -> memref<128xi32, #tpu.memory_space<vmem>>
    %dma_start3A_736 = arith.constant 0 : i32
    %dma_start3A_737 = tpu.memref_slice %arg5[%dma_start3A_736] : memref<16000000xf32, #tpu.memory_space<hbm>> -> memref<16000000xf32, #tpu.memory_space<hbm>>
    tpu.enqueue_indirect_dma source(%dma_start3A_737 : memref<16000000xf32, #tpu.memory_space<hbm>>) target(%dma_start3A_733 : memref<128xf32, #tpu.memory_space<vmem>>) offsets(%dma_start3A_735 : memref<128xi32, #tpu.memory_space<vmem>>) semaphore(%arg15 : memref<!tpu.dma_semaphore, #tpu.memory_space<semaphore_mem>>)
    %dma_start3A_738 = arith.constant 7808 : i32
    %dma_start3A_739 = tpu.memref_slice %arg10[%dma_start3A_738] : memref<8192xf32, #tpu.memory_space<vmem>> -> memref<128xf32, #tpu.memory_space<vmem>>
    %dma_start3A_740 = arith.constant 7808 : i32
    %dma_start3A_741 = tpu.memref_slice %arg8[%dma_start3A_740] : memref<8192xi32, #tpu.memory_space<vmem>> -> memref<128xi32, #tpu.memory_space<vmem>>
    %dma_start3A_742 = arith.constant 0 : i32
    %dma_start3A_743 = tpu.memref_slice %arg4[%dma_start3A_742] : memref<16000000xf32, #tpu.memory_space<hbm>> -> memref<16000000xf32, #tpu.memory_space<hbm>>
    tpu.enqueue_indirect_dma source(%dma_start3A_743 : memref<16000000xf32, #tpu.memory_space<hbm>>) target(%dma_start3A_739 : memref<128xf32, #tpu.memory_space<vmem>>) offsets(%dma_start3A_741 : memref<128xi32, #tpu.memory_space<vmem>>) semaphore(%arg14 : memref<!tpu.dma_semaphore, #tpu.memory_space<semaphore_mem>>)
    %dma_start3A_744 = arith.constant 7808 : i32
    %dma_start3A_745 = tpu.memref_slice %arg11[%dma_start3A_744] : memref<8192xf32, #tpu.memory_space<vmem>> -> memref<128xf32, #tpu.memory_space<vmem>>
    %dma_start3A_746 = arith.constant 7808 : i32
    %dma_start3A_747 = tpu.memref_slice %arg9[%dma_start3A_746] : memref<8192xi32, #tpu.memory_space<vmem>> -> memref<128xi32, #tpu.memory_space<vmem>>
    %dma_start3A_748 = arith.constant 0 : i32
    %dma_start3A_749 = tpu.memref_slice %arg5[%dma_start3A_748] : memref<16000000xf32, #tpu.memory_space<hbm>> -> memref<16000000xf32, #tpu.memory_space<hbm>>
    tpu.enqueue_indirect_dma source(%dma_start3A_749 : memref<16000000xf32, #tpu.memory_space<hbm>>) target(%dma_start3A_745 : memref<128xf32, #tpu.memory_space<vmem>>) offsets(%dma_start3A_747 : memref<128xi32, #tpu.memory_space<vmem>>) semaphore(%arg15 : memref<!tpu.dma_semaphore, #tpu.memory_space<semaphore_mem>>)
    %dma_start3A_750 = arith.constant 7936 : i32
    %dma_start3A_751 = tpu.memref_slice %arg10[%dma_start3A_750] : memref<8192xf32, #tpu.memory_space<vmem>> -> memref<128xf32, #tpu.memory_space<vmem>>
    %dma_start3A_752 = arith.constant 7936 : i32
    %dma_start3A_753 = tpu.memref_slice %arg8[%dma_start3A_752] : memref<8192xi32, #tpu.memory_space<vmem>> -> memref<128xi32, #tpu.memory_space<vmem>>
    %dma_start3A_754 = arith.constant 0 : i32
    %dma_start3A_755 = tpu.memref_slice %arg4[%dma_start3A_754] : memref<16000000xf32, #tpu.memory_space<hbm>> -> memref<16000000xf32, #tpu.memory_space<hbm>>
    tpu.enqueue_indirect_dma source(%dma_start3A_755 : memref<16000000xf32, #tpu.memory_space<hbm>>) target(%dma_start3A_751 : memref<128xf32, #tpu.memory_space<vmem>>) offsets(%dma_start3A_753 : memref<128xi32, #tpu.memory_space<vmem>>) semaphore(%arg14 : memref<!tpu.dma_semaphore, #tpu.memory_space<semaphore_mem>>)
    %dma_start3A_756 = arith.constant 7936 : i32
    %dma_start3A_757 = tpu.memref_slice %arg11[%dma_start3A_756] : memref<8192xf32, #tpu.memory_space<vmem>> -> memref<128xf32, #tpu.memory_space<vmem>>
    %dma_start3A_758 = arith.constant 7936 : i32
    %dma_start3A_759 = tpu.memref_slice %arg9[%dma_start3A_758] : memref<8192xi32, #tpu.memory_space<vmem>> -> memref<128xi32, #tpu.memory_space<vmem>>
    %dma_start3A_760 = arith.constant 0 : i32
    %dma_start3A_761 = tpu.memref_slice %arg5[%dma_start3A_760] : memref<16000000xf32, #tpu.memory_space<hbm>> -> memref<16000000xf32, #tpu.memory_space<hbm>>
    tpu.enqueue_indirect_dma source(%dma_start3A_761 : memref<16000000xf32, #tpu.memory_space<hbm>>) target(%dma_start3A_757 : memref<128xf32, #tpu.memory_space<vmem>>) offsets(%dma_start3A_759 : memref<128xi32, #tpu.memory_space<vmem>>) semaphore(%arg15 : memref<!tpu.dma_semaphore, #tpu.memory_space<semaphore_mem>>)
    %dma_start3A_762 = arith.constant 8064 : i32
    %dma_start3A_763 = tpu.memref_slice %arg10[%dma_start3A_762] : memref<8192xf32, #tpu.memory_space<vmem>> -> memref<128xf32, #tpu.memory_space<vmem>>
    %dma_start3A_764 = arith.constant 8064 : i32
    %dma_start3A_765 = tpu.memref_slice %arg8[%dma_start3A_764] : memref<8192xi32, #tpu.memory_space<vmem>> -> memref<128xi32, #tpu.memory_space<vmem>>
    %dma_start3A_766 = arith.constant 0 : i32
    %dma_start3A_767 = tpu.memref_slice %arg4[%dma_start3A_766] : memref<16000000xf32, #tpu.memory_space<hbm>> -> memref<16000000xf32, #tpu.memory_space<hbm>>
    tpu.enqueue_indirect_dma source(%dma_start3A_767 : memref<16000000xf32, #tpu.memory_space<hbm>>) target(%dma_start3A_763 : memref<128xf32, #tpu.memory_space<vmem>>) offsets(%dma_start3A_765 : memref<128xi32, #tpu.memory_space<vmem>>) semaphore(%arg14 : memref<!tpu.dma_semaphore, #tpu.memory_space<semaphore_mem>>)
    %dma_start3A_768 = arith.constant 8064 : i32
    %dma_start3A_769 = tpu.memref_slice %arg11[%dma_start3A_768] : memref<8192xf32, #tpu.memory_space<vmem>> -> memref<128xf32, #tpu.memory_space<vmem>>
    %dma_start3A_770 = arith.constant 8064 : i32
    %dma_start3A_771 = tpu.memref_slice %arg9[%dma_start3A_770] : memref<8192xi32, #tpu.memory_space<vmem>> -> memref<128xi32, #tpu.memory_space<vmem>>
    %dma_start3A_772 = arith.constant 0 : i32
    %dma_start3A_773 = tpu.memref_slice %arg5[%dma_start3A_772] : memref<16000000xf32, #tpu.memory_space<hbm>> -> memref<16000000xf32, #tpu.memory_space<hbm>>
    tpu.enqueue_indirect_dma source(%dma_start3A_773 : memref<16000000xf32, #tpu.memory_space<hbm>>) target(%dma_start3A_769 : memref<128xf32, #tpu.memory_space<vmem>>) offsets(%dma_start3A_771 : memref<128xi32, #tpu.memory_space<vmem>>) semaphore(%arg15 : memref<!tpu.dma_semaphore, #tpu.memory_space<semaphore_mem>>)
    %dma_wait3A = arith.constant 0 : i32
    %dma_wait3A_774 = tpu.memref_slice %arg10[%dma_wait3A] : memref<8192xf32, #tpu.memory_space<vmem>> -> memref<128xf32, #tpu.memory_space<vmem>>
    %dma_wait3A_775 = arith.constant 0 : i32
    %dma_wait3A_776 = tpu.memref_slice %arg8[%dma_wait3A_775] : memref<8192xi32, #tpu.memory_space<vmem>> -> memref<128xi32, #tpu.memory_space<vmem>>
    %dma_wait3A_777 = arith.constant 0 : i32
    %dma_wait3A_778 = tpu.memref_slice %arg4[%dma_wait3A_777] : memref<16000000xf32, #tpu.memory_space<hbm>> -> memref<16000000xf32, #tpu.memory_space<hbm>>
    tpu.wait_indirect_dma semaphore(%arg14 : memref<!tpu.dma_semaphore, #tpu.memory_space<semaphore_mem>>) src(%dma_wait3A_778 : memref<16000000xf32, #tpu.memory_space<hbm>>) dst(%dma_wait3A_774 : memref<128xf32, #tpu.memory_space<vmem>>)
    %dma_wait3A_779 = arith.constant 0 : i32
    %dma_wait3A_780 = tpu.memref_slice %arg11[%dma_wait3A_779] : memref<8192xf32, #tpu.memory_space<vmem>> -> memref<128xf32, #tpu.memory_space<vmem>>
    %dma_wait3A_781 = arith.constant 0 : i32
    %dma_wait3A_782 = tpu.memref_slice %arg9[%dma_wait3A_781] : memref<8192xi32, #tpu.memory_space<vmem>> -> memref<128xi32, #tpu.memory_space<vmem>>
    %dma_wait3A_783 = arith.constant 0 : i32
    %dma_wait3A_784 = tpu.memref_slice %arg5[%dma_wait3A_783] : memref<16000000xf32, #tpu.memory_space<hbm>> -> memref<16000000xf32, #tpu.memory_space<hbm>>
    tpu.wait_indirect_dma semaphore(%arg15 : memref<!tpu.dma_semaphore, #tpu.memory_space<semaphore_mem>>) src(%dma_wait3A_784 : memref<16000000xf32, #tpu.memory_space<hbm>>) dst(%dma_wait3A_780 : memref<128xf32, #tpu.memory_space<vmem>>)
    %dma_wait3A_785 = arith.constant 128 : i32
    %dma_wait3A_786 = tpu.memref_slice %arg10[%dma_wait3A_785] : memref<8192xf32, #tpu.memory_space<vmem>> -> memref<128xf32, #tpu.memory_space<vmem>>
    %dma_wait3A_787 = arith.constant 128 : i32
    %dma_wait3A_788 = tpu.memref_slice %arg8[%dma_wait3A_787] : memref<8192xi32, #tpu.memory_space<vmem>> -> memref<128xi32, #tpu.memory_space<vmem>>
    %dma_wait3A_789 = arith.constant 0 : i32
    %dma_wait3A_790 = tpu.memref_slice %arg4[%dma_wait3A_789] : memref<16000000xf32, #tpu.memory_space<hbm>> -> memref<16000000xf32, #tpu.memory_space<hbm>>
    tpu.wait_indirect_dma semaphore(%arg14 : memref<!tpu.dma_semaphore, #tpu.memory_space<semaphore_mem>>) src(%dma_wait3A_790 : memref<16000000xf32, #tpu.memory_space<hbm>>) dst(%dma_wait3A_786 : memref<128xf32, #tpu.memory_space<vmem>>)
    %dma_wait3A_791 = arith.constant 128 : i32
    %dma_wait3A_792 = tpu.memref_slice %arg11[%dma_wait3A_791] : memref<8192xf32, #tpu.memory_space<vmem>> -> memref<128xf32, #tpu.memory_space<vmem>>
    %dma_wait3A_793 = arith.constant 128 : i32
    %dma_wait3A_794 = tpu.memref_slice %arg9[%dma_wait3A_793] : memref<8192xi32, #tpu.memory_space<vmem>> -> memref<128xi32, #tpu.memory_space<vmem>>
    %dma_wait3A_795 = arith.constant 0 : i32
    %dma_wait3A_796 = tpu.memref_slice %arg5[%dma_wait3A_795] : memref<16000000xf32, #tpu.memory_space<hbm>> -> memref<16000000xf32, #tpu.memory_space<hbm>>
    tpu.wait_indirect_dma semaphore(%arg15 : memref<!tpu.dma_semaphore, #tpu.memory_space<semaphore_mem>>) src(%dma_wait3A_796 : memref<16000000xf32, #tpu.memory_space<hbm>>) dst(%dma_wait3A_792 : memref<128xf32, #tpu.memory_space<vmem>>)
    %dma_wait3A_797 = arith.constant 256 : i32
    %dma_wait3A_798 = tpu.memref_slice %arg10[%dma_wait3A_797] : memref<8192xf32, #tpu.memory_space<vmem>> -> memref<128xf32, #tpu.memory_space<vmem>>
    %dma_wait3A_799 = arith.constant 256 : i32
    %dma_wait3A_800 = tpu.memref_slice %arg8[%dma_wait3A_799] : memref<8192xi32, #tpu.memory_space<vmem>> -> memref<128xi32, #tpu.memory_space<vmem>>
    %dma_wait3A_801 = arith.constant 0 : i32
    %dma_wait3A_802 = tpu.memref_slice %arg4[%dma_wait3A_801] : memref<16000000xf32, #tpu.memory_space<hbm>> -> memref<16000000xf32, #tpu.memory_space<hbm>>
    tpu.wait_indirect_dma semaphore(%arg14 : memref<!tpu.dma_semaphore, #tpu.memory_space<semaphore_mem>>) src(%dma_wait3A_802 : memref<16000000xf32, #tpu.memory_space<hbm>>) dst(%dma_wait3A_798 : memref<128xf32, #tpu.memory_space<vmem>>)
    %dma_wait3A_803 = arith.constant 256 : i32
    %dma_wait3A_804 = tpu.memref_slice %arg11[%dma_wait3A_803] : memref<8192xf32, #tpu.memory_space<vmem>> -> memref<128xf32, #tpu.memory_space<vmem>>
    %dma_wait3A_805 = arith.constant 256 : i32
    %dma_wait3A_806 = tpu.memref_slice %arg9[%dma_wait3A_805] : memref<8192xi32, #tpu.memory_space<vmem>> -> memref<128xi32, #tpu.memory_space<vmem>>
    %dma_wait3A_807 = arith.constant 0 : i32
    %dma_wait3A_808 = tpu.memref_slice %arg5[%dma_wait3A_807] : memref<16000000xf32, #tpu.memory_space<hbm>> -> memref<16000000xf32, #tpu.memory_space<hbm>>
    tpu.wait_indirect_dma semaphore(%arg15 : memref<!tpu.dma_semaphore, #tpu.memory_space<semaphore_mem>>) src(%dma_wait3A_808 : memref<16000000xf32, #tpu.memory_space<hbm>>) dst(%dma_wait3A_804 : memref<128xf32, #tpu.memory_space<vmem>>)
    %dma_wait3A_809 = arith.constant 384 : i32
    %dma_wait3A_810 = tpu.memref_slice %arg10[%dma_wait3A_809] : memref<8192xf32, #tpu.memory_space<vmem>> -> memref<128xf32, #tpu.memory_space<vmem>>
    %dma_wait3A_811 = arith.constant 384 : i32
    %dma_wait3A_812 = tpu.memref_slice %arg8[%dma_wait3A_811] : memref<8192xi32, #tpu.memory_space<vmem>> -> memref<128xi32, #tpu.memory_space<vmem>>
    %dma_wait3A_813 = arith.constant 0 : i32
    %dma_wait3A_814 = tpu.memref_slice %arg4[%dma_wait3A_813] : memref<16000000xf32, #tpu.memory_space<hbm>> -> memref<16000000xf32, #tpu.memory_space<hbm>>
    tpu.wait_indirect_dma semaphore(%arg14 : memref<!tpu.dma_semaphore, #tpu.memory_space<semaphore_mem>>) src(%dma_wait3A_814 : memref<16000000xf32, #tpu.memory_space<hbm>>) dst(%dma_wait3A_810 : memref<128xf32, #tpu.memory_space<vmem>>)
    %dma_wait3A_815 = arith.constant 384 : i32
    %dma_wait3A_816 = tpu.memref_slice %arg11[%dma_wait3A_815] : memref<8192xf32, #tpu.memory_space<vmem>> -> memref<128xf32, #tpu.memory_space<vmem>>
    %dma_wait3A_817 = arith.constant 384 : i32
    %dma_wait3A_818 = tpu.memref_slice %arg9[%dma_wait3A_817] : memref<8192xi32, #tpu.memory_space<vmem>> -> memref<128xi32, #tpu.memory_space<vmem>>
    %dma_wait3A_819 = arith.constant 0 : i32
    %dma_wait3A_820 = tpu.memref_slice %arg5[%dma_wait3A_819] : memref<16000000xf32, #tpu.memory_space<hbm>> -> memref<16000000xf32, #tpu.memory_space<hbm>>
    tpu.wait_indirect_dma semaphore(%arg15 : memref<!tpu.dma_semaphore, #tpu.memory_space<semaphore_mem>>) src(%dma_wait3A_820 : memref<16000000xf32, #tpu.memory_space<hbm>>) dst(%dma_wait3A_816 : memref<128xf32, #tpu.memory_space<vmem>>)
    %dma_wait3A_821 = arith.constant 512 : i32
    %dma_wait3A_822 = tpu.memref_slice %arg10[%dma_wait3A_821] : memref<8192xf32, #tpu.memory_space<vmem>> -> memref<128xf32, #tpu.memory_space<vmem>>
    %dma_wait3A_823 = arith.constant 512 : i32
    %dma_wait3A_824 = tpu.memref_slice %arg8[%dma_wait3A_823] : memref<8192xi32, #tpu.memory_space<vmem>> -> memref<128xi32, #tpu.memory_space<vmem>>
    %dma_wait3A_825 = arith.constant 0 : i32
    %dma_wait3A_826 = tpu.memref_slice %arg4[%dma_wait3A_825] : memref<16000000xf32, #tpu.memory_space<hbm>> -> memref<16000000xf32, #tpu.memory_space<hbm>>
    tpu.wait_indirect_dma semaphore(%arg14 : memref<!tpu.dma_semaphore, #tpu.memory_space<semaphore_mem>>) src(%dma_wait3A_826 : memref<16000000xf32, #tpu.memory_space<hbm>>) dst(%dma_wait3A_822 : memref<128xf32, #tpu.memory_space<vmem>>)
    %dma_wait3A_827 = arith.constant 512 : i32
    %dma_wait3A_828 = tpu.memref_slice %arg11[%dma_wait3A_827] : memref<8192xf32, #tpu.memory_space<vmem>> -> memref<128xf32, #tpu.memory_space<vmem>>
    %dma_wait3A_829 = arith.constant 512 : i32
    %dma_wait3A_830 = tpu.memref_slice %arg9[%dma_wait3A_829] : memref<8192xi32, #tpu.memory_space<vmem>> -> memref<128xi32, #tpu.memory_space<vmem>>
    %dma_wait3A_831 = arith.constant 0 : i32
    %dma_wait3A_832 = tpu.memref_slice %arg5[%dma_wait3A_831] : memref<16000000xf32, #tpu.memory_space<hbm>> -> memref<16000000xf32, #tpu.memory_space<hbm>>
    tpu.wait_indirect_dma semaphore(%arg15 : memref<!tpu.dma_semaphore, #tpu.memory_space<semaphore_mem>>) src(%dma_wait3A_832 : memref<16000000xf32, #tpu.memory_space<hbm>>) dst(%dma_wait3A_828 : memref<128xf32, #tpu.memory_space<vmem>>)
    %dma_wait3A_833 = arith.constant 640 : i32
    %dma_wait3A_834 = tpu.memref_slice %arg10[%dma_wait3A_833] : memref<8192xf32, #tpu.memory_space<vmem>> -> memref<128xf32, #tpu.memory_space<vmem>>
    %dma_wait3A_835 = arith.constant 640 : i32
    %dma_wait3A_836 = tpu.memref_slice %arg8[%dma_wait3A_835] : memref<8192xi32, #tpu.memory_space<vmem>> -> memref<128xi32, #tpu.memory_space<vmem>>
    %dma_wait3A_837 = arith.constant 0 : i32
    %dma_wait3A_838 = tpu.memref_slice %arg4[%dma_wait3A_837] : memref<16000000xf32, #tpu.memory_space<hbm>> -> memref<16000000xf32, #tpu.memory_space<hbm>>
    tpu.wait_indirect_dma semaphore(%arg14 : memref<!tpu.dma_semaphore, #tpu.memory_space<semaphore_mem>>) src(%dma_wait3A_838 : memref<16000000xf32, #tpu.memory_space<hbm>>) dst(%dma_wait3A_834 : memref<128xf32, #tpu.memory_space<vmem>>)
    %dma_wait3A_839 = arith.constant 640 : i32
    %dma_wait3A_840 = tpu.memref_slice %arg11[%dma_wait3A_839] : memref<8192xf32, #tpu.memory_space<vmem>> -> memref<128xf32, #tpu.memory_space<vmem>>
    %dma_wait3A_841 = arith.constant 640 : i32
    %dma_wait3A_842 = tpu.memref_slice %arg9[%dma_wait3A_841] : memref<8192xi32, #tpu.memory_space<vmem>> -> memref<128xi32, #tpu.memory_space<vmem>>
    %dma_wait3A_843 = arith.constant 0 : i32
    %dma_wait3A_844 = tpu.memref_slice %arg5[%dma_wait3A_843] : memref<16000000xf32, #tpu.memory_space<hbm>> -> memref<16000000xf32, #tpu.memory_space<hbm>>
    tpu.wait_indirect_dma semaphore(%arg15 : memref<!tpu.dma_semaphore, #tpu.memory_space<semaphore_mem>>) src(%dma_wait3A_844 : memref<16000000xf32, #tpu.memory_space<hbm>>) dst(%dma_wait3A_840 : memref<128xf32, #tpu.memory_space<vmem>>)
    %dma_wait3A_845 = arith.constant 768 : i32
    %dma_wait3A_846 = tpu.memref_slice %arg10[%dma_wait3A_845] : memref<8192xf32, #tpu.memory_space<vmem>> -> memref<128xf32, #tpu.memory_space<vmem>>
    %dma_wait3A_847 = arith.constant 768 : i32
    %dma_wait3A_848 = tpu.memref_slice %arg8[%dma_wait3A_847] : memref<8192xi32, #tpu.memory_space<vmem>> -> memref<128xi32, #tpu.memory_space<vmem>>
    %dma_wait3A_849 = arith.constant 0 : i32
    %dma_wait3A_850 = tpu.memref_slice %arg4[%dma_wait3A_849] : memref<16000000xf32, #tpu.memory_space<hbm>> -> memref<16000000xf32, #tpu.memory_space<hbm>>
    tpu.wait_indirect_dma semaphore(%arg14 : memref<!tpu.dma_semaphore, #tpu.memory_space<semaphore_mem>>) src(%dma_wait3A_850 : memref<16000000xf32, #tpu.memory_space<hbm>>) dst(%dma_wait3A_846 : memref<128xf32, #tpu.memory_space<vmem>>)
    %dma_wait3A_851 = arith.constant 768 : i32
    %dma_wait3A_852 = tpu.memref_slice %arg11[%dma_wait3A_851] : memref<8192xf32, #tpu.memory_space<vmem>> -> memref<128xf32, #tpu.memory_space<vmem>>
    %dma_wait3A_853 = arith.constant 768 : i32
    %dma_wait3A_854 = tpu.memref_slice %arg9[%dma_wait3A_853] : memref<8192xi32, #tpu.memory_space<vmem>> -> memref<128xi32, #tpu.memory_space<vmem>>
    %dma_wait3A_855 = arith.constant 0 : i32
    %dma_wait3A_856 = tpu.memref_slice %arg5[%dma_wait3A_855] : memref<16000000xf32, #tpu.memory_space<hbm>> -> memref<16000000xf32, #tpu.memory_space<hbm>>
    tpu.wait_indirect_dma semaphore(%arg15 : memref<!tpu.dma_semaphore, #tpu.memory_space<semaphore_mem>>) src(%dma_wait3A_856 : memref<16000000xf32, #tpu.memory_space<hbm>>) dst(%dma_wait3A_852 : memref<128xf32, #tpu.memory_space<vmem>>)
    %dma_wait3A_857 = arith.constant 896 : i32
    %dma_wait3A_858 = tpu.memref_slice %arg10[%dma_wait3A_857] : memref<8192xf32, #tpu.memory_space<vmem>> -> memref<128xf32, #tpu.memory_space<vmem>>
    %dma_wait3A_859 = arith.constant 896 : i32
    %dma_wait3A_860 = tpu.memref_slice %arg8[%dma_wait3A_859] : memref<8192xi32, #tpu.memory_space<vmem>> -> memref<128xi32, #tpu.memory_space<vmem>>
    %dma_wait3A_861 = arith.constant 0 : i32
    %dma_wait3A_862 = tpu.memref_slice %arg4[%dma_wait3A_861] : memref<16000000xf32, #tpu.memory_space<hbm>> -> memref<16000000xf32, #tpu.memory_space<hbm>>
    tpu.wait_indirect_dma semaphore(%arg14 : memref<!tpu.dma_semaphore, #tpu.memory_space<semaphore_mem>>) src(%dma_wait3A_862 : memref<16000000xf32, #tpu.memory_space<hbm>>) dst(%dma_wait3A_858 : memref<128xf32, #tpu.memory_space<vmem>>)
    %dma_wait3A_863 = arith.constant 896 : i32
    %dma_wait3A_864 = tpu.memref_slice %arg11[%dma_wait3A_863] : memref<8192xf32, #tpu.memory_space<vmem>> -> memref<128xf32, #tpu.memory_space<vmem>>
    %dma_wait3A_865 = arith.constant 896 : i32
    %dma_wait3A_866 = tpu.memref_slice %arg9[%dma_wait3A_865] : memref<8192xi32, #tpu.memory_space<vmem>> -> memref<128xi32, #tpu.memory_space<vmem>>
    %dma_wait3A_867 = arith.constant 0 : i32
    %dma_wait3A_868 = tpu.memref_slice %arg5[%dma_wait3A_867] : memref<16000000xf32, #tpu.memory_space<hbm>> -> memref<16000000xf32, #tpu.memory_space<hbm>>
    tpu.wait_indirect_dma semaphore(%arg15 : memref<!tpu.dma_semaphore, #tpu.memory_space<semaphore_mem>>) src(%dma_wait3A_868 : memref<16000000xf32, #tpu.memory_space<hbm>>) dst(%dma_wait3A_864 : memref<128xf32, #tpu.memory_space<vmem>>)
    %dma_wait3A_869 = arith.constant 1024 : i32
    %dma_wait3A_870 = tpu.memref_slice %arg10[%dma_wait3A_869] : memref<8192xf32, #tpu.memory_space<vmem>> -> memref<128xf32, #tpu.memory_space<vmem>>
    %dma_wait3A_871 = arith.constant 1024 : i32
    %dma_wait3A_872 = tpu.memref_slice %arg8[%dma_wait3A_871] : memref<8192xi32, #tpu.memory_space<vmem>> -> memref<128xi32, #tpu.memory_space<vmem>>
    %dma_wait3A_873 = arith.constant 0 : i32
    %dma_wait3A_874 = tpu.memref_slice %arg4[%dma_wait3A_873] : memref<16000000xf32, #tpu.memory_space<hbm>> -> memref<16000000xf32, #tpu.memory_space<hbm>>
    tpu.wait_indirect_dma semaphore(%arg14 : memref<!tpu.dma_semaphore, #tpu.memory_space<semaphore_mem>>) src(%dma_wait3A_874 : memref<16000000xf32, #tpu.memory_space<hbm>>) dst(%dma_wait3A_870 : memref<128xf32, #tpu.memory_space<vmem>>)
    %dma_wait3A_875 = arith.constant 1024 : i32
    %dma_wait3A_876 = tpu.memref_slice %arg11[%dma_wait3A_875] : memref<8192xf32, #tpu.memory_space<vmem>> -> memref<128xf32, #tpu.memory_space<vmem>>
    %dma_wait3A_877 = arith.constant 1024 : i32
    %dma_wait3A_878 = tpu.memref_slice %arg9[%dma_wait3A_877] : memref<8192xi32, #tpu.memory_space<vmem>> -> memref<128xi32, #tpu.memory_space<vmem>>
    %dma_wait3A_879 = arith.constant 0 : i32
    %dma_wait3A_880 = tpu.memref_slice %arg5[%dma_wait3A_879] : memref<16000000xf32, #tpu.memory_space<hbm>> -> memref<16000000xf32, #tpu.memory_space<hbm>>
    tpu.wait_indirect_dma semaphore(%arg15 : memref<!tpu.dma_semaphore, #tpu.memory_space<semaphore_mem>>) src(%dma_wait3A_880 : memref<16000000xf32, #tpu.memory_space<hbm>>) dst(%dma_wait3A_876 : memref<128xf32, #tpu.memory_space<vmem>>)
    %dma_wait3A_881 = arith.constant 1152 : i32
    %dma_wait3A_882 = tpu.memref_slice %arg10[%dma_wait3A_881] : memref<8192xf32, #tpu.memory_space<vmem>> -> memref<128xf32, #tpu.memory_space<vmem>>
    %dma_wait3A_883 = arith.constant 1152 : i32
    %dma_wait3A_884 = tpu.memref_slice %arg8[%dma_wait3A_883] : memref<8192xi32, #tpu.memory_space<vmem>> -> memref<128xi32, #tpu.memory_space<vmem>>
    %dma_wait3A_885 = arith.constant 0 : i32
    %dma_wait3A_886 = tpu.memref_slice %arg4[%dma_wait3A_885] : memref<16000000xf32, #tpu.memory_space<hbm>> -> memref<16000000xf32, #tpu.memory_space<hbm>>
    tpu.wait_indirect_dma semaphore(%arg14 : memref<!tpu.dma_semaphore, #tpu.memory_space<semaphore_mem>>) src(%dma_wait3A_886 : memref<16000000xf32, #tpu.memory_space<hbm>>) dst(%dma_wait3A_882 : memref<128xf32, #tpu.memory_space<vmem>>)
    %dma_wait3A_887 = arith.constant 1152 : i32
    %dma_wait3A_888 = tpu.memref_slice %arg11[%dma_wait3A_887] : memref<8192xf32, #tpu.memory_space<vmem>> -> memref<128xf32, #tpu.memory_space<vmem>>
    %dma_wait3A_889 = arith.constant 1152 : i32
    %dma_wait3A_890 = tpu.memref_slice %arg9[%dma_wait3A_889] : memref<8192xi32, #tpu.memory_space<vmem>> -> memref<128xi32, #tpu.memory_space<vmem>>
    %dma_wait3A_891 = arith.constant 0 : i32
    %dma_wait3A_892 = tpu.memref_slice %arg5[%dma_wait3A_891] : memref<16000000xf32, #tpu.memory_space<hbm>> -> memref<16000000xf32, #tpu.memory_space<hbm>>
    tpu.wait_indirect_dma semaphore(%arg15 : memref<!tpu.dma_semaphore, #tpu.memory_space<semaphore_mem>>) src(%dma_wait3A_892 : memref<16000000xf32, #tpu.memory_space<hbm>>) dst(%dma_wait3A_888 : memref<128xf32, #tpu.memory_space<vmem>>)
    %dma_wait3A_893 = arith.constant 1280 : i32
    %dma_wait3A_894 = tpu.memref_slice %arg10[%dma_wait3A_893] : memref<8192xf32, #tpu.memory_space<vmem>> -> memref<128xf32, #tpu.memory_space<vmem>>
    %dma_wait3A_895 = arith.constant 1280 : i32
    %dma_wait3A_896 = tpu.memref_slice %arg8[%dma_wait3A_895] : memref<8192xi32, #tpu.memory_space<vmem>> -> memref<128xi32, #tpu.memory_space<vmem>>
    %dma_wait3A_897 = arith.constant 0 : i32
    %dma_wait3A_898 = tpu.memref_slice %arg4[%dma_wait3A_897] : memref<16000000xf32, #tpu.memory_space<hbm>> -> memref<16000000xf32, #tpu.memory_space<hbm>>
    tpu.wait_indirect_dma semaphore(%arg14 : memref<!tpu.dma_semaphore, #tpu.memory_space<semaphore_mem>>) src(%dma_wait3A_898 : memref<16000000xf32, #tpu.memory_space<hbm>>) dst(%dma_wait3A_894 : memref<128xf32, #tpu.memory_space<vmem>>)
    %dma_wait3A_899 = arith.constant 1280 : i32
    %dma_wait3A_900 = tpu.memref_slice %arg11[%dma_wait3A_899] : memref<8192xf32, #tpu.memory_space<vmem>> -> memref<128xf32, #tpu.memory_space<vmem>>
    %dma_wait3A_901 = arith.constant 1280 : i32
    %dma_wait3A_902 = tpu.memref_slice %arg9[%dma_wait3A_901] : memref<8192xi32, #tpu.memory_space<vmem>> -> memref<128xi32, #tpu.memory_space<vmem>>
    %dma_wait3A_903 = arith.constant 0 : i32
    %dma_wait3A_904 = tpu.memref_slice %arg5[%dma_wait3A_903] : memref<16000000xf32, #tpu.memory_space<hbm>> -> memref<16000000xf32, #tpu.memory_space<hbm>>
    tpu.wait_indirect_dma semaphore(%arg15 : memref<!tpu.dma_semaphore, #tpu.memory_space<semaphore_mem>>) src(%dma_wait3A_904 : memref<16000000xf32, #tpu.memory_space<hbm>>) dst(%dma_wait3A_900 : memref<128xf32, #tpu.memory_space<vmem>>)
    %dma_wait3A_905 = arith.constant 1408 : i32
    %dma_wait3A_906 = tpu.memref_slice %arg10[%dma_wait3A_905] : memref<8192xf32, #tpu.memory_space<vmem>> -> memref<128xf32, #tpu.memory_space<vmem>>
    %dma_wait3A_907 = arith.constant 1408 : i32
    %dma_wait3A_908 = tpu.memref_slice %arg8[%dma_wait3A_907] : memref<8192xi32, #tpu.memory_space<vmem>> -> memref<128xi32, #tpu.memory_space<vmem>>
    %dma_wait3A_909 = arith.constant 0 : i32
    %dma_wait3A_910 = tpu.memref_slice %arg4[%dma_wait3A_909] : memref<16000000xf32, #tpu.memory_space<hbm>> -> memref<16000000xf32, #tpu.memory_space<hbm>>
    tpu.wait_indirect_dma semaphore(%arg14 : memref<!tpu.dma_semaphore, #tpu.memory_space<semaphore_mem>>) src(%dma_wait3A_910 : memref<16000000xf32, #tpu.memory_space<hbm>>) dst(%dma_wait3A_906 : memref<128xf32, #tpu.memory_space<vmem>>)
    %dma_wait3A_911 = arith.constant 1408 : i32
    %dma_wait3A_912 = tpu.memref_slice %arg11[%dma_wait3A_911] : memref<8192xf32, #tpu.memory_space<vmem>> -> memref<128xf32, #tpu.memory_space<vmem>>
    %dma_wait3A_913 = arith.constant 1408 : i32
    %dma_wait3A_914 = tpu.memref_slice %arg9[%dma_wait3A_913] : memref<8192xi32, #tpu.memory_space<vmem>> -> memref<128xi32, #tpu.memory_space<vmem>>
    %dma_wait3A_915 = arith.constant 0 : i32
    %dma_wait3A_916 = tpu.memref_slice %arg5[%dma_wait3A_915] : memref<16000000xf32, #tpu.memory_space<hbm>> -> memref<16000000xf32, #tpu.memory_space<hbm>>
    tpu.wait_indirect_dma semaphore(%arg15 : memref<!tpu.dma_semaphore, #tpu.memory_space<semaphore_mem>>) src(%dma_wait3A_916 : memref<16000000xf32, #tpu.memory_space<hbm>>) dst(%dma_wait3A_912 : memref<128xf32, #tpu.memory_space<vmem>>)
    %dma_wait3A_917 = arith.constant 1536 : i32
    %dma_wait3A_918 = tpu.memref_slice %arg10[%dma_wait3A_917] : memref<8192xf32, #tpu.memory_space<vmem>> -> memref<128xf32, #tpu.memory_space<vmem>>
    %dma_wait3A_919 = arith.constant 1536 : i32
    %dma_wait3A_920 = tpu.memref_slice %arg8[%dma_wait3A_919] : memref<8192xi32, #tpu.memory_space<vmem>> -> memref<128xi32, #tpu.memory_space<vmem>>
    %dma_wait3A_921 = arith.constant 0 : i32
    %dma_wait3A_922 = tpu.memref_slice %arg4[%dma_wait3A_921] : memref<16000000xf32, #tpu.memory_space<hbm>> -> memref<16000000xf32, #tpu.memory_space<hbm>>
    tpu.wait_indirect_dma semaphore(%arg14 : memref<!tpu.dma_semaphore, #tpu.memory_space<semaphore_mem>>) src(%dma_wait3A_922 : memref<16000000xf32, #tpu.memory_space<hbm>>) dst(%dma_wait3A_918 : memref<128xf32, #tpu.memory_space<vmem>>)
    %dma_wait3A_923 = arith.constant 1536 : i32
    %dma_wait3A_924 = tpu.memref_slice %arg11[%dma_wait3A_923] : memref<8192xf32, #tpu.memory_space<vmem>> -> memref<128xf32, #tpu.memory_space<vmem>>
    %dma_wait3A_925 = arith.constant 1536 : i32
    %dma_wait3A_926 = tpu.memref_slice %arg9[%dma_wait3A_925] : memref<8192xi32, #tpu.memory_space<vmem>> -> memref<128xi32, #tpu.memory_space<vmem>>
    %dma_wait3A_927 = arith.constant 0 : i32
    %dma_wait3A_928 = tpu.memref_slice %arg5[%dma_wait3A_927] : memref<16000000xf32, #tpu.memory_space<hbm>> -> memref<16000000xf32, #tpu.memory_space<hbm>>
    tpu.wait_indirect_dma semaphore(%arg15 : memref<!tpu.dma_semaphore, #tpu.memory_space<semaphore_mem>>) src(%dma_wait3A_928 : memref<16000000xf32, #tpu.memory_space<hbm>>) dst(%dma_wait3A_924 : memref<128xf32, #tpu.memory_space<vmem>>)
    %dma_wait3A_929 = arith.constant 1664 : i32
    %dma_wait3A_930 = tpu.memref_slice %arg10[%dma_wait3A_929] : memref<8192xf32, #tpu.memory_space<vmem>> -> memref<128xf32, #tpu.memory_space<vmem>>
    %dma_wait3A_931 = arith.constant 1664 : i32
    %dma_wait3A_932 = tpu.memref_slice %arg8[%dma_wait3A_931] : memref<8192xi32, #tpu.memory_space<vmem>> -> memref<128xi32, #tpu.memory_space<vmem>>
    %dma_wait3A_933 = arith.constant 0 : i32
    %dma_wait3A_934 = tpu.memref_slice %arg4[%dma_wait3A_933] : memref<16000000xf32, #tpu.memory_space<hbm>> -> memref<16000000xf32, #tpu.memory_space<hbm>>
    tpu.wait_indirect_dma semaphore(%arg14 : memref<!tpu.dma_semaphore, #tpu.memory_space<semaphore_mem>>) src(%dma_wait3A_934 : memref<16000000xf32, #tpu.memory_space<hbm>>) dst(%dma_wait3A_930 : memref<128xf32, #tpu.memory_space<vmem>>)
    %dma_wait3A_935 = arith.constant 1664 : i32
    %dma_wait3A_936 = tpu.memref_slice %arg11[%dma_wait3A_935] : memref<8192xf32, #tpu.memory_space<vmem>> -> memref<128xf32, #tpu.memory_space<vmem>>
    %dma_wait3A_937 = arith.constant 1664 : i32
    %dma_wait3A_938 = tpu.memref_slice %arg9[%dma_wait3A_937] : memref<8192xi32, #tpu.memory_space<vmem>> -> memref<128xi32, #tpu.memory_space<vmem>>
    %dma_wait3A_939 = arith.constant 0 : i32
    %dma_wait3A_940 = tpu.memref_slice %arg5[%dma_wait3A_939] : memref<16000000xf32, #tpu.memory_space<hbm>> -> memref<16000000xf32, #tpu.memory_space<hbm>>
    tpu.wait_indirect_dma semaphore(%arg15 : memref<!tpu.dma_semaphore, #tpu.memory_space<semaphore_mem>>) src(%dma_wait3A_940 : memref<16000000xf32, #tpu.memory_space<hbm>>) dst(%dma_wait3A_936 : memref<128xf32, #tpu.memory_space<vmem>>)
    %dma_wait3A_941 = arith.constant 1792 : i32
    %dma_wait3A_942 = tpu.memref_slice %arg10[%dma_wait3A_941] : memref<8192xf32, #tpu.memory_space<vmem>> -> memref<128xf32, #tpu.memory_space<vmem>>
    %dma_wait3A_943 = arith.constant 1792 : i32
    %dma_wait3A_944 = tpu.memref_slice %arg8[%dma_wait3A_943] : memref<8192xi32, #tpu.memory_space<vmem>> -> memref<128xi32, #tpu.memory_space<vmem>>
    %dma_wait3A_945 = arith.constant 0 : i32
    %dma_wait3A_946 = tpu.memref_slice %arg4[%dma_wait3A_945] : memref<16000000xf32, #tpu.memory_space<hbm>> -> memref<16000000xf32, #tpu.memory_space<hbm>>
    tpu.wait_indirect_dma semaphore(%arg14 : memref<!tpu.dma_semaphore, #tpu.memory_space<semaphore_mem>>) src(%dma_wait3A_946 : memref<16000000xf32, #tpu.memory_space<hbm>>) dst(%dma_wait3A_942 : memref<128xf32, #tpu.memory_space<vmem>>)
    %dma_wait3A_947 = arith.constant 1792 : i32
    %dma_wait3A_948 = tpu.memref_slice %arg11[%dma_wait3A_947] : memref<8192xf32, #tpu.memory_space<vmem>> -> memref<128xf32, #tpu.memory_space<vmem>>
    %dma_wait3A_949 = arith.constant 1792 : i32
    %dma_wait3A_950 = tpu.memref_slice %arg9[%dma_wait3A_949] : memref<8192xi32, #tpu.memory_space<vmem>> -> memref<128xi32, #tpu.memory_space<vmem>>
    %dma_wait3A_951 = arith.constant 0 : i32
    %dma_wait3A_952 = tpu.memref_slice %arg5[%dma_wait3A_951] : memref<16000000xf32, #tpu.memory_space<hbm>> -> memref<16000000xf32, #tpu.memory_space<hbm>>
    tpu.wait_indirect_dma semaphore(%arg15 : memref<!tpu.dma_semaphore, #tpu.memory_space<semaphore_mem>>) src(%dma_wait3A_952 : memref<16000000xf32, #tpu.memory_space<hbm>>) dst(%dma_wait3A_948 : memref<128xf32, #tpu.memory_space<vmem>>)
    %dma_wait3A_953 = arith.constant 1920 : i32
    %dma_wait3A_954 = tpu.memref_slice %arg10[%dma_wait3A_953] : memref<8192xf32, #tpu.memory_space<vmem>> -> memref<128xf32, #tpu.memory_space<vmem>>
    %dma_wait3A_955 = arith.constant 1920 : i32
    %dma_wait3A_956 = tpu.memref_slice %arg8[%dma_wait3A_955] : memref<8192xi32, #tpu.memory_space<vmem>> -> memref<128xi32, #tpu.memory_space<vmem>>
    %dma_wait3A_957 = arith.constant 0 : i32
    %dma_wait3A_958 = tpu.memref_slice %arg4[%dma_wait3A_957] : memref<16000000xf32, #tpu.memory_space<hbm>> -> memref<16000000xf32, #tpu.memory_space<hbm>>
    tpu.wait_indirect_dma semaphore(%arg14 : memref<!tpu.dma_semaphore, #tpu.memory_space<semaphore_mem>>) src(%dma_wait3A_958 : memref<16000000xf32, #tpu.memory_space<hbm>>) dst(%dma_wait3A_954 : memref<128xf32, #tpu.memory_space<vmem>>)
    %dma_wait3A_959 = arith.constant 1920 : i32
    %dma_wait3A_960 = tpu.memref_slice %arg11[%dma_wait3A_959] : memref<8192xf32, #tpu.memory_space<vmem>> -> memref<128xf32, #tpu.memory_space<vmem>>
    %dma_wait3A_961 = arith.constant 1920 : i32
    %dma_wait3A_962 = tpu.memref_slice %arg9[%dma_wait3A_961] : memref<8192xi32, #tpu.memory_space<vmem>> -> memref<128xi32, #tpu.memory_space<vmem>>
    %dma_wait3A_963 = arith.constant 0 : i32
    %dma_wait3A_964 = tpu.memref_slice %arg5[%dma_wait3A_963] : memref<16000000xf32, #tpu.memory_space<hbm>> -> memref<16000000xf32, #tpu.memory_space<hbm>>
    tpu.wait_indirect_dma semaphore(%arg15 : memref<!tpu.dma_semaphore, #tpu.memory_space<semaphore_mem>>) src(%dma_wait3A_964 : memref<16000000xf32, #tpu.memory_space<hbm>>) dst(%dma_wait3A_960 : memref<128xf32, #tpu.memory_space<vmem>>)
    %dma_wait3A_965 = arith.constant 2048 : i32
    %dma_wait3A_966 = tpu.memref_slice %arg10[%dma_wait3A_965] : memref<8192xf32, #tpu.memory_space<vmem>> -> memref<128xf32, #tpu.memory_space<vmem>>
    %dma_wait3A_967 = arith.constant 2048 : i32
    %dma_wait3A_968 = tpu.memref_slice %arg8[%dma_wait3A_967] : memref<8192xi32, #tpu.memory_space<vmem>> -> memref<128xi32, #tpu.memory_space<vmem>>
    %dma_wait3A_969 = arith.constant 0 : i32
    %dma_wait3A_970 = tpu.memref_slice %arg4[%dma_wait3A_969] : memref<16000000xf32, #tpu.memory_space<hbm>> -> memref<16000000xf32, #tpu.memory_space<hbm>>
    tpu.wait_indirect_dma semaphore(%arg14 : memref<!tpu.dma_semaphore, #tpu.memory_space<semaphore_mem>>) src(%dma_wait3A_970 : memref<16000000xf32, #tpu.memory_space<hbm>>) dst(%dma_wait3A_966 : memref<128xf32, #tpu.memory_space<vmem>>)
    %dma_wait3A_971 = arith.constant 2048 : i32
    %dma_wait3A_972 = tpu.memref_slice %arg11[%dma_wait3A_971] : memref<8192xf32, #tpu.memory_space<vmem>> -> memref<128xf32, #tpu.memory_space<vmem>>
    %dma_wait3A_973 = arith.constant 2048 : i32
    %dma_wait3A_974 = tpu.memref_slice %arg9[%dma_wait3A_973] : memref<8192xi32, #tpu.memory_space<vmem>> -> memref<128xi32, #tpu.memory_space<vmem>>
    %dma_wait3A_975 = arith.constant 0 : i32
    %dma_wait3A_976 = tpu.memref_slice %arg5[%dma_wait3A_975] : memref<16000000xf32, #tpu.memory_space<hbm>> -> memref<16000000xf32, #tpu.memory_space<hbm>>
    tpu.wait_indirect_dma semaphore(%arg15 : memref<!tpu.dma_semaphore, #tpu.memory_space<semaphore_mem>>) src(%dma_wait3A_976 : memref<16000000xf32, #tpu.memory_space<hbm>>) dst(%dma_wait3A_972 : memref<128xf32, #tpu.memory_space<vmem>>)
    %dma_wait3A_977 = arith.constant 2176 : i32
    %dma_wait3A_978 = tpu.memref_slice %arg10[%dma_wait3A_977] : memref<8192xf32, #tpu.memory_space<vmem>> -> memref<128xf32, #tpu.memory_space<vmem>>
    %dma_wait3A_979 = arith.constant 2176 : i32
    %dma_wait3A_980 = tpu.memref_slice %arg8[%dma_wait3A_979] : memref<8192xi32, #tpu.memory_space<vmem>> -> memref<128xi32, #tpu.memory_space<vmem>>
    %dma_wait3A_981 = arith.constant 0 : i32
    %dma_wait3A_982 = tpu.memref_slice %arg4[%dma_wait3A_981] : memref<16000000xf32, #tpu.memory_space<hbm>> -> memref<16000000xf32, #tpu.memory_space<hbm>>
    tpu.wait_indirect_dma semaphore(%arg14 : memref<!tpu.dma_semaphore, #tpu.memory_space<semaphore_mem>>) src(%dma_wait3A_982 : memref<16000000xf32, #tpu.memory_space<hbm>>) dst(%dma_wait3A_978 : memref<128xf32, #tpu.memory_space<vmem>>)
    %dma_wait3A_983 = arith.constant 2176 : i32
    %dma_wait3A_984 = tpu.memref_slice %arg11[%dma_wait3A_983] : memref<8192xf32, #tpu.memory_space<vmem>> -> memref<128xf32, #tpu.memory_space<vmem>>
    %dma_wait3A_985 = arith.constant 2176 : i32
    %dma_wait3A_986 = tpu.memref_slice %arg9[%dma_wait3A_985] : memref<8192xi32, #tpu.memory_space<vmem>> -> memref<128xi32, #tpu.memory_space<vmem>>
    %dma_wait3A_987 = arith.constant 0 : i32
    %dma_wait3A_988 = tpu.memref_slice %arg5[%dma_wait3A_987] : memref<16000000xf32, #tpu.memory_space<hbm>> -> memref<16000000xf32, #tpu.memory_space<hbm>>
    tpu.wait_indirect_dma semaphore(%arg15 : memref<!tpu.dma_semaphore, #tpu.memory_space<semaphore_mem>>) src(%dma_wait3A_988 : memref<16000000xf32, #tpu.memory_space<hbm>>) dst(%dma_wait3A_984 : memref<128xf32, #tpu.memory_space<vmem>>)
    %dma_wait3A_989 = arith.constant 2304 : i32
    %dma_wait3A_990 = tpu.memref_slice %arg10[%dma_wait3A_989] : memref<8192xf32, #tpu.memory_space<vmem>> -> memref<128xf32, #tpu.memory_space<vmem>>
    %dma_wait3A_991 = arith.constant 2304 : i32
    %dma_wait3A_992 = tpu.memref_slice %arg8[%dma_wait3A_991] : memref<8192xi32, #tpu.memory_space<vmem>> -> memref<128xi32, #tpu.memory_space<vmem>>
    %dma_wait3A_993 = arith.constant 0 : i32
    %dma_wait3A_994 = tpu.memref_slice %arg4[%dma_wait3A_993] : memref<16000000xf32, #tpu.memory_space<hbm>> -> memref<16000000xf32, #tpu.memory_space<hbm>>
    tpu.wait_indirect_dma semaphore(%arg14 : memref<!tpu.dma_semaphore, #tpu.memory_space<semaphore_mem>>) src(%dma_wait3A_994 : memref<16000000xf32, #tpu.memory_space<hbm>>) dst(%dma_wait3A_990 : memref<128xf32, #tpu.memory_space<vmem>>)
    %dma_wait3A_995 = arith.constant 2304 : i32
    %dma_wait3A_996 = tpu.memref_slice %arg11[%dma_wait3A_995] : memref<8192xf32, #tpu.memory_space<vmem>> -> memref<128xf32, #tpu.memory_space<vmem>>
    %dma_wait3A_997 = arith.constant 2304 : i32
    %dma_wait3A_998 = tpu.memref_slice %arg9[%dma_wait3A_997] : memref<8192xi32, #tpu.memory_space<vmem>> -> memref<128xi32, #tpu.memory_space<vmem>>
    %dma_wait3A_999 = arith.constant 0 : i32
    %dma_wait3A_1000 = tpu.memref_slice %arg5[%dma_wait3A_999] : memref<16000000xf32, #tpu.memory_space<hbm>> -> memref<16000000xf32, #tpu.memory_space<hbm>>
    tpu.wait_indirect_dma semaphore(%arg15 : memref<!tpu.dma_semaphore, #tpu.memory_space<semaphore_mem>>) src(%dma_wait3A_1000 : memref<16000000xf32, #tpu.memory_space<hbm>>) dst(%dma_wait3A_996 : memref<128xf32, #tpu.memory_space<vmem>>)
    %dma_wait3A_1001 = arith.constant 2432 : i32
    %dma_wait3A_1002 = tpu.memref_slice %arg10[%dma_wait3A_1001] : memref<8192xf32, #tpu.memory_space<vmem>> -> memref<128xf32, #tpu.memory_space<vmem>>
    %dma_wait3A_1003 = arith.constant 2432 : i32
    %dma_wait3A_1004 = tpu.memref_slice %arg8[%dma_wait3A_1003] : memref<8192xi32, #tpu.memory_space<vmem>> -> memref<128xi32, #tpu.memory_space<vmem>>
    %dma_wait3A_1005 = arith.constant 0 : i32
    %dma_wait3A_1006 = tpu.memref_slice %arg4[%dma_wait3A_1005] : memref<16000000xf32, #tpu.memory_space<hbm>> -> memref<16000000xf32, #tpu.memory_space<hbm>>
    tpu.wait_indirect_dma semaphore(%arg14 : memref<!tpu.dma_semaphore, #tpu.memory_space<semaphore_mem>>) src(%dma_wait3A_1006 : memref<16000000xf32, #tpu.memory_space<hbm>>) dst(%dma_wait3A_1002 : memref<128xf32, #tpu.memory_space<vmem>>)
    %dma_wait3A_1007 = arith.constant 2432 : i32
    %dma_wait3A_1008 = tpu.memref_slice %arg11[%dma_wait3A_1007] : memref<8192xf32, #tpu.memory_space<vmem>> -> memref<128xf32, #tpu.memory_space<vmem>>
    %dma_wait3A_1009 = arith.constant 2432 : i32
    %dma_wait3A_1010 = tpu.memref_slice %arg9[%dma_wait3A_1009] : memref<8192xi32, #tpu.memory_space<vmem>> -> memref<128xi32, #tpu.memory_space<vmem>>
    %dma_wait3A_1011 = arith.constant 0 : i32
    %dma_wait3A_1012 = tpu.memref_slice %arg5[%dma_wait3A_1011] : memref<16000000xf32, #tpu.memory_space<hbm>> -> memref<16000000xf32, #tpu.memory_space<hbm>>
    tpu.wait_indirect_dma semaphore(%arg15 : memref<!tpu.dma_semaphore, #tpu.memory_space<semaphore_mem>>) src(%dma_wait3A_1012 : memref<16000000xf32, #tpu.memory_space<hbm>>) dst(%dma_wait3A_1008 : memref<128xf32, #tpu.memory_space<vmem>>)
    %dma_wait3A_1013 = arith.constant 2560 : i32
    %dma_wait3A_1014 = tpu.memref_slice %arg10[%dma_wait3A_1013] : memref<8192xf32, #tpu.memory_space<vmem>> -> memref<128xf32, #tpu.memory_space<vmem>>
    %dma_wait3A_1015 = arith.constant 2560 : i32
    %dma_wait3A_1016 = tpu.memref_slice %arg8[%dma_wait3A_1015] : memref<8192xi32, #tpu.memory_space<vmem>> -> memref<128xi32, #tpu.memory_space<vmem>>
    %dma_wait3A_1017 = arith.constant 0 : i32
    %dma_wait3A_1018 = tpu.memref_slice %arg4[%dma_wait3A_1017] : memref<16000000xf32, #tpu.memory_space<hbm>> -> memref<16000000xf32, #tpu.memory_space<hbm>>
    tpu.wait_indirect_dma semaphore(%arg14 : memref<!tpu.dma_semaphore, #tpu.memory_space<semaphore_mem>>) src(%dma_wait3A_1018 : memref<16000000xf32, #tpu.memory_space<hbm>>) dst(%dma_wait3A_1014 : memref<128xf32, #tpu.memory_space<vmem>>)
    %dma_wait3A_1019 = arith.constant 2560 : i32
    %dma_wait3A_1020 = tpu.memref_slice %arg11[%dma_wait3A_1019] : memref<8192xf32, #tpu.memory_space<vmem>> -> memref<128xf32, #tpu.memory_space<vmem>>
    %dma_wait3A_1021 = arith.constant 2560 : i32
    %dma_wait3A_1022 = tpu.memref_slice %arg9[%dma_wait3A_1021] : memref<8192xi32, #tpu.memory_space<vmem>> -> memref<128xi32, #tpu.memory_space<vmem>>
    %dma_wait3A_1023 = arith.constant 0 : i32
    %dma_wait3A_1024 = tpu.memref_slice %arg5[%dma_wait3A_1023] : memref<16000000xf32, #tpu.memory_space<hbm>> -> memref<16000000xf32, #tpu.memory_space<hbm>>
    tpu.wait_indirect_dma semaphore(%arg15 : memref<!tpu.dma_semaphore, #tpu.memory_space<semaphore_mem>>) src(%dma_wait3A_1024 : memref<16000000xf32, #tpu.memory_space<hbm>>) dst(%dma_wait3A_1020 : memref<128xf32, #tpu.memory_space<vmem>>)
    %dma_wait3A_1025 = arith.constant 2688 : i32
    %dma_wait3A_1026 = tpu.memref_slice %arg10[%dma_wait3A_1025] : memref<8192xf32, #tpu.memory_space<vmem>> -> memref<128xf32, #tpu.memory_space<vmem>>
    %dma_wait3A_1027 = arith.constant 2688 : i32
    %dma_wait3A_1028 = tpu.memref_slice %arg8[%dma_wait3A_1027] : memref<8192xi32, #tpu.memory_space<vmem>> -> memref<128xi32, #tpu.memory_space<vmem>>
    %dma_wait3A_1029 = arith.constant 0 : i32
    %dma_wait3A_1030 = tpu.memref_slice %arg4[%dma_wait3A_1029] : memref<16000000xf32, #tpu.memory_space<hbm>> -> memref<16000000xf32, #tpu.memory_space<hbm>>
    tpu.wait_indirect_dma semaphore(%arg14 : memref<!tpu.dma_semaphore, #tpu.memory_space<semaphore_mem>>) src(%dma_wait3A_1030 : memref<16000000xf32, #tpu.memory_space<hbm>>) dst(%dma_wait3A_1026 : memref<128xf32, #tpu.memory_space<vmem>>)
    %dma_wait3A_1031 = arith.constant 2688 : i32
    %dma_wait3A_1032 = tpu.memref_slice %arg11[%dma_wait3A_1031] : memref<8192xf32, #tpu.memory_space<vmem>> -> memref<128xf32, #tpu.memory_space<vmem>>
    %dma_wait3A_1033 = arith.constant 2688 : i32
    %dma_wait3A_1034 = tpu.memref_slice %arg9[%dma_wait3A_1033] : memref<8192xi32, #tpu.memory_space<vmem>> -> memref<128xi32, #tpu.memory_space<vmem>>
    %dma_wait3A_1035 = arith.constant 0 : i32
    %dma_wait3A_1036 = tpu.memref_slice %arg5[%dma_wait3A_1035] : memref<16000000xf32, #tpu.memory_space<hbm>> -> memref<16000000xf32, #tpu.memory_space<hbm>>
    tpu.wait_indirect_dma semaphore(%arg15 : memref<!tpu.dma_semaphore, #tpu.memory_space<semaphore_mem>>) src(%dma_wait3A_1036 : memref<16000000xf32, #tpu.memory_space<hbm>>) dst(%dma_wait3A_1032 : memref<128xf32, #tpu.memory_space<vmem>>)
    %dma_wait3A_1037 = arith.constant 2816 : i32
    %dma_wait3A_1038 = tpu.memref_slice %arg10[%dma_wait3A_1037] : memref<8192xf32, #tpu.memory_space<vmem>> -> memref<128xf32, #tpu.memory_space<vmem>>
    %dma_wait3A_1039 = arith.constant 2816 : i32
    %dma_wait3A_1040 = tpu.memref_slice %arg8[%dma_wait3A_1039] : memref<8192xi32, #tpu.memory_space<vmem>> -> memref<128xi32, #tpu.memory_space<vmem>>
    %dma_wait3A_1041 = arith.constant 0 : i32
    %dma_wait3A_1042 = tpu.memref_slice %arg4[%dma_wait3A_1041] : memref<16000000xf32, #tpu.memory_space<hbm>> -> memref<16000000xf32, #tpu.memory_space<hbm>>
    tpu.wait_indirect_dma semaphore(%arg14 : memref<!tpu.dma_semaphore, #tpu.memory_space<semaphore_mem>>) src(%dma_wait3A_1042 : memref<16000000xf32, #tpu.memory_space<hbm>>) dst(%dma_wait3A_1038 : memref<128xf32, #tpu.memory_space<vmem>>)
    %dma_wait3A_1043 = arith.constant 2816 : i32
    %dma_wait3A_1044 = tpu.memref_slice %arg11[%dma_wait3A_1043] : memref<8192xf32, #tpu.memory_space<vmem>> -> memref<128xf32, #tpu.memory_space<vmem>>
    %dma_wait3A_1045 = arith.constant 2816 : i32
    %dma_wait3A_1046 = tpu.memref_slice %arg9[%dma_wait3A_1045] : memref<8192xi32, #tpu.memory_space<vmem>> -> memref<128xi32, #tpu.memory_space<vmem>>
    %dma_wait3A_1047 = arith.constant 0 : i32
    %dma_wait3A_1048 = tpu.memref_slice %arg5[%dma_wait3A_1047] : memref<16000000xf32, #tpu.memory_space<hbm>> -> memref<16000000xf32, #tpu.memory_space<hbm>>
    tpu.wait_indirect_dma semaphore(%arg15 : memref<!tpu.dma_semaphore, #tpu.memory_space<semaphore_mem>>) src(%dma_wait3A_1048 : memref<16000000xf32, #tpu.memory_space<hbm>>) dst(%dma_wait3A_1044 : memref<128xf32, #tpu.memory_space<vmem>>)
    %dma_wait3A_1049 = arith.constant 2944 : i32
    %dma_wait3A_1050 = tpu.memref_slice %arg10[%dma_wait3A_1049] : memref<8192xf32, #tpu.memory_space<vmem>> -> memref<128xf32, #tpu.memory_space<vmem>>
    %dma_wait3A_1051 = arith.constant 2944 : i32
    %dma_wait3A_1052 = tpu.memref_slice %arg8[%dma_wait3A_1051] : memref<8192xi32, #tpu.memory_space<vmem>> -> memref<128xi32, #tpu.memory_space<vmem>>
    %dma_wait3A_1053 = arith.constant 0 : i32
    %dma_wait3A_1054 = tpu.memref_slice %arg4[%dma_wait3A_1053] : memref<16000000xf32, #tpu.memory_space<hbm>> -> memref<16000000xf32, #tpu.memory_space<hbm>>
    tpu.wait_indirect_dma semaphore(%arg14 : memref<!tpu.dma_semaphore, #tpu.memory_space<semaphore_mem>>) src(%dma_wait3A_1054 : memref<16000000xf32, #tpu.memory_space<hbm>>) dst(%dma_wait3A_1050 : memref<128xf32, #tpu.memory_space<vmem>>)
    %dma_wait3A_1055 = arith.constant 2944 : i32
    %dma_wait3A_1056 = tpu.memref_slice %arg11[%dma_wait3A_1055] : memref<8192xf32, #tpu.memory_space<vmem>> -> memref<128xf32, #tpu.memory_space<vmem>>
    %dma_wait3A_1057 = arith.constant 2944 : i32
    %dma_wait3A_1058 = tpu.memref_slice %arg9[%dma_wait3A_1057] : memref<8192xi32, #tpu.memory_space<vmem>> -> memref<128xi32, #tpu.memory_space<vmem>>
    %dma_wait3A_1059 = arith.constant 0 : i32
    %dma_wait3A_1060 = tpu.memref_slice %arg5[%dma_wait3A_1059] : memref<16000000xf32, #tpu.memory_space<hbm>> -> memref<16000000xf32, #tpu.memory_space<hbm>>
    tpu.wait_indirect_dma semaphore(%arg15 : memref<!tpu.dma_semaphore, #tpu.memory_space<semaphore_mem>>) src(%dma_wait3A_1060 : memref<16000000xf32, #tpu.memory_space<hbm>>) dst(%dma_wait3A_1056 : memref<128xf32, #tpu.memory_space<vmem>>)
    %dma_wait3A_1061 = arith.constant 3072 : i32
    %dma_wait3A_1062 = tpu.memref_slice %arg10[%dma_wait3A_1061] : memref<8192xf32, #tpu.memory_space<vmem>> -> memref<128xf32, #tpu.memory_space<vmem>>
    %dma_wait3A_1063 = arith.constant 3072 : i32
    %dma_wait3A_1064 = tpu.memref_slice %arg8[%dma_wait3A_1063] : memref<8192xi32, #tpu.memory_space<vmem>> -> memref<128xi32, #tpu.memory_space<vmem>>
    %dma_wait3A_1065 = arith.constant 0 : i32
    %dma_wait3A_1066 = tpu.memref_slice %arg4[%dma_wait3A_1065] : memref<16000000xf32, #tpu.memory_space<hbm>> -> memref<16000000xf32, #tpu.memory_space<hbm>>
    tpu.wait_indirect_dma semaphore(%arg14 : memref<!tpu.dma_semaphore, #tpu.memory_space<semaphore_mem>>) src(%dma_wait3A_1066 : memref<16000000xf32, #tpu.memory_space<hbm>>) dst(%dma_wait3A_1062 : memref<128xf32, #tpu.memory_space<vmem>>)
    %dma_wait3A_1067 = arith.constant 3072 : i32
    %dma_wait3A_1068 = tpu.memref_slice %arg11[%dma_wait3A_1067] : memref<8192xf32, #tpu.memory_space<vmem>> -> memref<128xf32, #tpu.memory_space<vmem>>
    %dma_wait3A_1069 = arith.constant 3072 : i32
    %dma_wait3A_1070 = tpu.memref_slice %arg9[%dma_wait3A_1069] : memref<8192xi32, #tpu.memory_space<vmem>> -> memref<128xi32, #tpu.memory_space<vmem>>
    %dma_wait3A_1071 = arith.constant 0 : i32
    %dma_wait3A_1072 = tpu.memref_slice %arg5[%dma_wait3A_1071] : memref<16000000xf32, #tpu.memory_space<hbm>> -> memref<16000000xf32, #tpu.memory_space<hbm>>
    tpu.wait_indirect_dma semaphore(%arg15 : memref<!tpu.dma_semaphore, #tpu.memory_space<semaphore_mem>>) src(%dma_wait3A_1072 : memref<16000000xf32, #tpu.memory_space<hbm>>) dst(%dma_wait3A_1068 : memref<128xf32, #tpu.memory_space<vmem>>)
    %dma_wait3A_1073 = arith.constant 3200 : i32
    %dma_wait3A_1074 = tpu.memref_slice %arg10[%dma_wait3A_1073] : memref<8192xf32, #tpu.memory_space<vmem>> -> memref<128xf32, #tpu.memory_space<vmem>>
    %dma_wait3A_1075 = arith.constant 3200 : i32
    %dma_wait3A_1076 = tpu.memref_slice %arg8[%dma_wait3A_1075] : memref<8192xi32, #tpu.memory_space<vmem>> -> memref<128xi32, #tpu.memory_space<vmem>>
    %dma_wait3A_1077 = arith.constant 0 : i32
    %dma_wait3A_1078 = tpu.memref_slice %arg4[%dma_wait3A_1077] : memref<16000000xf32, #tpu.memory_space<hbm>> -> memref<16000000xf32, #tpu.memory_space<hbm>>
    tpu.wait_indirect_dma semaphore(%arg14 : memref<!tpu.dma_semaphore, #tpu.memory_space<semaphore_mem>>) src(%dma_wait3A_1078 : memref<16000000xf32, #tpu.memory_space<hbm>>) dst(%dma_wait3A_1074 : memref<128xf32, #tpu.memory_space<vmem>>)
    %dma_wait3A_1079 = arith.constant 3200 : i32
    %dma_wait3A_1080 = tpu.memref_slice %arg11[%dma_wait3A_1079] : memref<8192xf32, #tpu.memory_space<vmem>> -> memref<128xf32, #tpu.memory_space<vmem>>
    %dma_wait3A_1081 = arith.constant 3200 : i32
    %dma_wait3A_1082 = tpu.memref_slice %arg9[%dma_wait3A_1081] : memref<8192xi32, #tpu.memory_space<vmem>> -> memref<128xi32, #tpu.memory_space<vmem>>
    %dma_wait3A_1083 = arith.constant 0 : i32
    %dma_wait3A_1084 = tpu.memref_slice %arg5[%dma_wait3A_1083] : memref<16000000xf32, #tpu.memory_space<hbm>> -> memref<16000000xf32, #tpu.memory_space<hbm>>
    tpu.wait_indirect_dma semaphore(%arg15 : memref<!tpu.dma_semaphore, #tpu.memory_space<semaphore_mem>>) src(%dma_wait3A_1084 : memref<16000000xf32, #tpu.memory_space<hbm>>) dst(%dma_wait3A_1080 : memref<128xf32, #tpu.memory_space<vmem>>)
    %dma_wait3A_1085 = arith.constant 3328 : i32
    %dma_wait3A_1086 = tpu.memref_slice %arg10[%dma_wait3A_1085] : memref<8192xf32, #tpu.memory_space<vmem>> -> memref<128xf32, #tpu.memory_space<vmem>>
    %dma_wait3A_1087 = arith.constant 3328 : i32
    %dma_wait3A_1088 = tpu.memref_slice %arg8[%dma_wait3A_1087] : memref<8192xi32, #tpu.memory_space<vmem>> -> memref<128xi32, #tpu.memory_space<vmem>>
    %dma_wait3A_1089 = arith.constant 0 : i32
    %dma_wait3A_1090 = tpu.memref_slice %arg4[%dma_wait3A_1089] : memref<16000000xf32, #tpu.memory_space<hbm>> -> memref<16000000xf32, #tpu.memory_space<hbm>>
    tpu.wait_indirect_dma semaphore(%arg14 : memref<!tpu.dma_semaphore, #tpu.memory_space<semaphore_mem>>) src(%dma_wait3A_1090 : memref<16000000xf32, #tpu.memory_space<hbm>>) dst(%dma_wait3A_1086 : memref<128xf32, #tpu.memory_space<vmem>>)
    %dma_wait3A_1091 = arith.constant 3328 : i32
    %dma_wait3A_1092 = tpu.memref_slice %arg11[%dma_wait3A_1091] : memref<8192xf32, #tpu.memory_space<vmem>> -> memref<128xf32, #tpu.memory_space<vmem>>
    %dma_wait3A_1093 = arith.constant 3328 : i32
    %dma_wait3A_1094 = tpu.memref_slice %arg9[%dma_wait3A_1093] : memref<8192xi32, #tpu.memory_space<vmem>> -> memref<128xi32, #tpu.memory_space<vmem>>
    %dma_wait3A_1095 = arith.constant 0 : i32
    %dma_wait3A_1096 = tpu.memref_slice %arg5[%dma_wait3A_1095] : memref<16000000xf32, #tpu.memory_space<hbm>> -> memref<16000000xf32, #tpu.memory_space<hbm>>
    tpu.wait_indirect_dma semaphore(%arg15 : memref<!tpu.dma_semaphore, #tpu.memory_space<semaphore_mem>>) src(%dma_wait3A_1096 : memref<16000000xf32, #tpu.memory_space<hbm>>) dst(%dma_wait3A_1092 : memref<128xf32, #tpu.memory_space<vmem>>)
    %dma_wait3A_1097 = arith.constant 3456 : i32
    %dma_wait3A_1098 = tpu.memref_slice %arg10[%dma_wait3A_1097] : memref<8192xf32, #tpu.memory_space<vmem>> -> memref<128xf32, #tpu.memory_space<vmem>>
    %dma_wait3A_1099 = arith.constant 3456 : i32
    %dma_wait3A_1100 = tpu.memref_slice %arg8[%dma_wait3A_1099] : memref<8192xi32, #tpu.memory_space<vmem>> -> memref<128xi32, #tpu.memory_space<vmem>>
    %dma_wait3A_1101 = arith.constant 0 : i32
    %dma_wait3A_1102 = tpu.memref_slice %arg4[%dma_wait3A_1101] : memref<16000000xf32, #tpu.memory_space<hbm>> -> memref<16000000xf32, #tpu.memory_space<hbm>>
    tpu.wait_indirect_dma semaphore(%arg14 : memref<!tpu.dma_semaphore, #tpu.memory_space<semaphore_mem>>) src(%dma_wait3A_1102 : memref<16000000xf32, #tpu.memory_space<hbm>>) dst(%dma_wait3A_1098 : memref<128xf32, #tpu.memory_space<vmem>>)
    %dma_wait3A_1103 = arith.constant 3456 : i32
    %dma_wait3A_1104 = tpu.memref_slice %arg11[%dma_wait3A_1103] : memref<8192xf32, #tpu.memory_space<vmem>> -> memref<128xf32, #tpu.memory_space<vmem>>
    %dma_wait3A_1105 = arith.constant 3456 : i32
    %dma_wait3A_1106 = tpu.memref_slice %arg9[%dma_wait3A_1105] : memref<8192xi32, #tpu.memory_space<vmem>> -> memref<128xi32, #tpu.memory_space<vmem>>
    %dma_wait3A_1107 = arith.constant 0 : i32
    %dma_wait3A_1108 = tpu.memref_slice %arg5[%dma_wait3A_1107] : memref<16000000xf32, #tpu.memory_space<hbm>> -> memref<16000000xf32, #tpu.memory_space<hbm>>
    tpu.wait_indirect_dma semaphore(%arg15 : memref<!tpu.dma_semaphore, #tpu.memory_space<semaphore_mem>>) src(%dma_wait3A_1108 : memref<16000000xf32, #tpu.memory_space<hbm>>) dst(%dma_wait3A_1104 : memref<128xf32, #tpu.memory_space<vmem>>)
    %dma_wait3A_1109 = arith.constant 3584 : i32
    %dma_wait3A_1110 = tpu.memref_slice %arg10[%dma_wait3A_1109] : memref<8192xf32, #tpu.memory_space<vmem>> -> memref<128xf32, #tpu.memory_space<vmem>>
    %dma_wait3A_1111 = arith.constant 3584 : i32
    %dma_wait3A_1112 = tpu.memref_slice %arg8[%dma_wait3A_1111] : memref<8192xi32, #tpu.memory_space<vmem>> -> memref<128xi32, #tpu.memory_space<vmem>>
    %dma_wait3A_1113 = arith.constant 0 : i32
    %dma_wait3A_1114 = tpu.memref_slice %arg4[%dma_wait3A_1113] : memref<16000000xf32, #tpu.memory_space<hbm>> -> memref<16000000xf32, #tpu.memory_space<hbm>>
    tpu.wait_indirect_dma semaphore(%arg14 : memref<!tpu.dma_semaphore, #tpu.memory_space<semaphore_mem>>) src(%dma_wait3A_1114 : memref<16000000xf32, #tpu.memory_space<hbm>>) dst(%dma_wait3A_1110 : memref<128xf32, #tpu.memory_space<vmem>>)
    %dma_wait3A_1115 = arith.constant 3584 : i32
    %dma_wait3A_1116 = tpu.memref_slice %arg11[%dma_wait3A_1115] : memref<8192xf32, #tpu.memory_space<vmem>> -> memref<128xf32, #tpu.memory_space<vmem>>
    %dma_wait3A_1117 = arith.constant 3584 : i32
    %dma_wait3A_1118 = tpu.memref_slice %arg9[%dma_wait3A_1117] : memref<8192xi32, #tpu.memory_space<vmem>> -> memref<128xi32, #tpu.memory_space<vmem>>
    %dma_wait3A_1119 = arith.constant 0 : i32
    %dma_wait3A_1120 = tpu.memref_slice %arg5[%dma_wait3A_1119] : memref<16000000xf32, #tpu.memory_space<hbm>> -> memref<16000000xf32, #tpu.memory_space<hbm>>
    tpu.wait_indirect_dma semaphore(%arg15 : memref<!tpu.dma_semaphore, #tpu.memory_space<semaphore_mem>>) src(%dma_wait3A_1120 : memref<16000000xf32, #tpu.memory_space<hbm>>) dst(%dma_wait3A_1116 : memref<128xf32, #tpu.memory_space<vmem>>)
    %dma_wait3A_1121 = arith.constant 3712 : i32
    %dma_wait3A_1122 = tpu.memref_slice %arg10[%dma_wait3A_1121] : memref<8192xf32, #tpu.memory_space<vmem>> -> memref<128xf32, #tpu.memory_space<vmem>>
    %dma_wait3A_1123 = arith.constant 3712 : i32
    %dma_wait3A_1124 = tpu.memref_slice %arg8[%dma_wait3A_1123] : memref<8192xi32, #tpu.memory_space<vmem>> -> memref<128xi32, #tpu.memory_space<vmem>>
    %dma_wait3A_1125 = arith.constant 0 : i32
    %dma_wait3A_1126 = tpu.memref_slice %arg4[%dma_wait3A_1125] : memref<16000000xf32, #tpu.memory_space<hbm>> -> memref<16000000xf32, #tpu.memory_space<hbm>>
    tpu.wait_indirect_dma semaphore(%arg14 : memref<!tpu.dma_semaphore, #tpu.memory_space<semaphore_mem>>) src(%dma_wait3A_1126 : memref<16000000xf32, #tpu.memory_space<hbm>>) dst(%dma_wait3A_1122 : memref<128xf32, #tpu.memory_space<vmem>>)
    %dma_wait3A_1127 = arith.constant 3712 : i32
    %dma_wait3A_1128 = tpu.memref_slice %arg11[%dma_wait3A_1127] : memref<8192xf32, #tpu.memory_space<vmem>> -> memref<128xf32, #tpu.memory_space<vmem>>
    %dma_wait3A_1129 = arith.constant 3712 : i32
    %dma_wait3A_1130 = tpu.memref_slice %arg9[%dma_wait3A_1129] : memref<8192xi32, #tpu.memory_space<vmem>> -> memref<128xi32, #tpu.memory_space<vmem>>
    %dma_wait3A_1131 = arith.constant 0 : i32
    %dma_wait3A_1132 = tpu.memref_slice %arg5[%dma_wait3A_1131] : memref<16000000xf32, #tpu.memory_space<hbm>> -> memref<16000000xf32, #tpu.memory_space<hbm>>
    tpu.wait_indirect_dma semaphore(%arg15 : memref<!tpu.dma_semaphore, #tpu.memory_space<semaphore_mem>>) src(%dma_wait3A_1132 : memref<16000000xf32, #tpu.memory_space<hbm>>) dst(%dma_wait3A_1128 : memref<128xf32, #tpu.memory_space<vmem>>)
    %dma_wait3A_1133 = arith.constant 3840 : i32
    %dma_wait3A_1134 = tpu.memref_slice %arg10[%dma_wait3A_1133] : memref<8192xf32, #tpu.memory_space<vmem>> -> memref<128xf32, #tpu.memory_space<vmem>>
    %dma_wait3A_1135 = arith.constant 3840 : i32
    %dma_wait3A_1136 = tpu.memref_slice %arg8[%dma_wait3A_1135] : memref<8192xi32, #tpu.memory_space<vmem>> -> memref<128xi32, #tpu.memory_space<vmem>>
    %dma_wait3A_1137 = arith.constant 0 : i32
    %dma_wait3A_1138 = tpu.memref_slice %arg4[%dma_wait3A_1137] : memref<16000000xf32, #tpu.memory_space<hbm>> -> memref<16000000xf32, #tpu.memory_space<hbm>>
    tpu.wait_indirect_dma semaphore(%arg14 : memref<!tpu.dma_semaphore, #tpu.memory_space<semaphore_mem>>) src(%dma_wait3A_1138 : memref<16000000xf32, #tpu.memory_space<hbm>>) dst(%dma_wait3A_1134 : memref<128xf32, #tpu.memory_space<vmem>>)
    %dma_wait3A_1139 = arith.constant 3840 : i32
    %dma_wait3A_1140 = tpu.memref_slice %arg11[%dma_wait3A_1139] : memref<8192xf32, #tpu.memory_space<vmem>> -> memref<128xf32, #tpu.memory_space<vmem>>
    %dma_wait3A_1141 = arith.constant 3840 : i32
    %dma_wait3A_1142 = tpu.memref_slice %arg9[%dma_wait3A_1141] : memref<8192xi32, #tpu.memory_space<vmem>> -> memref<128xi32, #tpu.memory_space<vmem>>
    %dma_wait3A_1143 = arith.constant 0 : i32
    %dma_wait3A_1144 = tpu.memref_slice %arg5[%dma_wait3A_1143] : memref<16000000xf32, #tpu.memory_space<hbm>> -> memref<16000000xf32, #tpu.memory_space<hbm>>
    tpu.wait_indirect_dma semaphore(%arg15 : memref<!tpu.dma_semaphore, #tpu.memory_space<semaphore_mem>>) src(%dma_wait3A_1144 : memref<16000000xf32, #tpu.memory_space<hbm>>) dst(%dma_wait3A_1140 : memref<128xf32, #tpu.memory_space<vmem>>)
    %dma_wait3A_1145 = arith.constant 3968 : i32
    %dma_wait3A_1146 = tpu.memref_slice %arg10[%dma_wait3A_1145] : memref<8192xf32, #tpu.memory_space<vmem>> -> memref<128xf32, #tpu.memory_space<vmem>>
    %dma_wait3A_1147 = arith.constant 3968 : i32
    %dma_wait3A_1148 = tpu.memref_slice %arg8[%dma_wait3A_1147] : memref<8192xi32, #tpu.memory_space<vmem>> -> memref<128xi32, #tpu.memory_space<vmem>>
    %dma_wait3A_1149 = arith.constant 0 : i32
    %dma_wait3A_1150 = tpu.memref_slice %arg4[%dma_wait3A_1149] : memref<16000000xf32, #tpu.memory_space<hbm>> -> memref<16000000xf32, #tpu.memory_space<hbm>>
    tpu.wait_indirect_dma semaphore(%arg14 : memref<!tpu.dma_semaphore, #tpu.memory_space<semaphore_mem>>) src(%dma_wait3A_1150 : memref<16000000xf32, #tpu.memory_space<hbm>>) dst(%dma_wait3A_1146 : memref<128xf32, #tpu.memory_space<vmem>>)
    %dma_wait3A_1151 = arith.constant 3968 : i32
    %dma_wait3A_1152 = tpu.memref_slice %arg11[%dma_wait3A_1151] : memref<8192xf32, #tpu.memory_space<vmem>> -> memref<128xf32, #tpu.memory_space<vmem>>
    %dma_wait3A_1153 = arith.constant 3968 : i32
    %dma_wait3A_1154 = tpu.memref_slice %arg9[%dma_wait3A_1153] : memref<8192xi32, #tpu.memory_space<vmem>> -> memref<128xi32, #tpu.memory_space<vmem>>
    %dma_wait3A_1155 = arith.constant 0 : i32
    %dma_wait3A_1156 = tpu.memref_slice %arg5[%dma_wait3A_1155] : memref<16000000xf32, #tpu.memory_space<hbm>> -> memref<16000000xf32, #tpu.memory_space<hbm>>
    tpu.wait_indirect_dma semaphore(%arg15 : memref<!tpu.dma_semaphore, #tpu.memory_space<semaphore_mem>>) src(%dma_wait3A_1156 : memref<16000000xf32, #tpu.memory_space<hbm>>) dst(%dma_wait3A_1152 : memref<128xf32, #tpu.memory_space<vmem>>)
    %dma_wait3A_1157 = arith.constant 4096 : i32
    %dma_wait3A_1158 = tpu.memref_slice %arg10[%dma_wait3A_1157] : memref<8192xf32, #tpu.memory_space<vmem>> -> memref<128xf32, #tpu.memory_space<vmem>>
    %dma_wait3A_1159 = arith.constant 4096 : i32
    %dma_wait3A_1160 = tpu.memref_slice %arg8[%dma_wait3A_1159] : memref<8192xi32, #tpu.memory_space<vmem>> -> memref<128xi32, #tpu.memory_space<vmem>>
    %dma_wait3A_1161 = arith.constant 0 : i32
    %dma_wait3A_1162 = tpu.memref_slice %arg4[%dma_wait3A_1161] : memref<16000000xf32, #tpu.memory_space<hbm>> -> memref<16000000xf32, #tpu.memory_space<hbm>>
    tpu.wait_indirect_dma semaphore(%arg14 : memref<!tpu.dma_semaphore, #tpu.memory_space<semaphore_mem>>) src(%dma_wait3A_1162 : memref<16000000xf32, #tpu.memory_space<hbm>>) dst(%dma_wait3A_1158 : memref<128xf32, #tpu.memory_space<vmem>>)
    %dma_wait3A_1163 = arith.constant 4096 : i32
    %dma_wait3A_1164 = tpu.memref_slice %arg11[%dma_wait3A_1163] : memref<8192xf32, #tpu.memory_space<vmem>> -> memref<128xf32, #tpu.memory_space<vmem>>
    %dma_wait3A_1165 = arith.constant 4096 : i32
    %dma_wait3A_1166 = tpu.memref_slice %arg9[%dma_wait3A_1165] : memref<8192xi32, #tpu.memory_space<vmem>> -> memref<128xi32, #tpu.memory_space<vmem>>
    %dma_wait3A_1167 = arith.constant 0 : i32
    %dma_wait3A_1168 = tpu.memref_slice %arg5[%dma_wait3A_1167] : memref<16000000xf32, #tpu.memory_space<hbm>> -> memref<16000000xf32, #tpu.memory_space<hbm>>
    tpu.wait_indirect_dma semaphore(%arg15 : memref<!tpu.dma_semaphore, #tpu.memory_space<semaphore_mem>>) src(%dma_wait3A_1168 : memref<16000000xf32, #tpu.memory_space<hbm>>) dst(%dma_wait3A_1164 : memref<128xf32, #tpu.memory_space<vmem>>)
    %dma_wait3A_1169 = arith.constant 4224 : i32
    %dma_wait3A_1170 = tpu.memref_slice %arg10[%dma_wait3A_1169] : memref<8192xf32, #tpu.memory_space<vmem>> -> memref<128xf32, #tpu.memory_space<vmem>>
    %dma_wait3A_1171 = arith.constant 4224 : i32
    %dma_wait3A_1172 = tpu.memref_slice %arg8[%dma_wait3A_1171] : memref<8192xi32, #tpu.memory_space<vmem>> -> memref<128xi32, #tpu.memory_space<vmem>>
    %dma_wait3A_1173 = arith.constant 0 : i32
    %dma_wait3A_1174 = tpu.memref_slice %arg4[%dma_wait3A_1173] : memref<16000000xf32, #tpu.memory_space<hbm>> -> memref<16000000xf32, #tpu.memory_space<hbm>>
    tpu.wait_indirect_dma semaphore(%arg14 : memref<!tpu.dma_semaphore, #tpu.memory_space<semaphore_mem>>) src(%dma_wait3A_1174 : memref<16000000xf32, #tpu.memory_space<hbm>>) dst(%dma_wait3A_1170 : memref<128xf32, #tpu.memory_space<vmem>>)
    %dma_wait3A_1175 = arith.constant 4224 : i32
    %dma_wait3A_1176 = tpu.memref_slice %arg11[%dma_wait3A_1175] : memref<8192xf32, #tpu.memory_space<vmem>> -> memref<128xf32, #tpu.memory_space<vmem>>
    %dma_wait3A_1177 = arith.constant 4224 : i32
    %dma_wait3A_1178 = tpu.memref_slice %arg9[%dma_wait3A_1177] : memref<8192xi32, #tpu.memory_space<vmem>> -> memref<128xi32, #tpu.memory_space<vmem>>
    %dma_wait3A_1179 = arith.constant 0 : i32
    %dma_wait3A_1180 = tpu.memref_slice %arg5[%dma_wait3A_1179] : memref<16000000xf32, #tpu.memory_space<hbm>> -> memref<16000000xf32, #tpu.memory_space<hbm>>
    tpu.wait_indirect_dma semaphore(%arg15 : memref<!tpu.dma_semaphore, #tpu.memory_space<semaphore_mem>>) src(%dma_wait3A_1180 : memref<16000000xf32, #tpu.memory_space<hbm>>) dst(%dma_wait3A_1176 : memref<128xf32, #tpu.memory_space<vmem>>)
    %dma_wait3A_1181 = arith.constant 4352 : i32
    %dma_wait3A_1182 = tpu.memref_slice %arg10[%dma_wait3A_1181] : memref<8192xf32, #tpu.memory_space<vmem>> -> memref<128xf32, #tpu.memory_space<vmem>>
    %dma_wait3A_1183 = arith.constant 4352 : i32
    %dma_wait3A_1184 = tpu.memref_slice %arg8[%dma_wait3A_1183] : memref<8192xi32, #tpu.memory_space<vmem>> -> memref<128xi32, #tpu.memory_space<vmem>>
    %dma_wait3A_1185 = arith.constant 0 : i32
    %dma_wait3A_1186 = tpu.memref_slice %arg4[%dma_wait3A_1185] : memref<16000000xf32, #tpu.memory_space<hbm>> -> memref<16000000xf32, #tpu.memory_space<hbm>>
    tpu.wait_indirect_dma semaphore(%arg14 : memref<!tpu.dma_semaphore, #tpu.memory_space<semaphore_mem>>) src(%dma_wait3A_1186 : memref<16000000xf32, #tpu.memory_space<hbm>>) dst(%dma_wait3A_1182 : memref<128xf32, #tpu.memory_space<vmem>>)
    %dma_wait3A_1187 = arith.constant 4352 : i32
    %dma_wait3A_1188 = tpu.memref_slice %arg11[%dma_wait3A_1187] : memref<8192xf32, #tpu.memory_space<vmem>> -> memref<128xf32, #tpu.memory_space<vmem>>
    %dma_wait3A_1189 = arith.constant 4352 : i32
    %dma_wait3A_1190 = tpu.memref_slice %arg9[%dma_wait3A_1189] : memref<8192xi32, #tpu.memory_space<vmem>> -> memref<128xi32, #tpu.memory_space<vmem>>
    %dma_wait3A_1191 = arith.constant 0 : i32
    %dma_wait3A_1192 = tpu.memref_slice %arg5[%dma_wait3A_1191] : memref<16000000xf32, #tpu.memory_space<hbm>> -> memref<16000000xf32, #tpu.memory_space<hbm>>
    tpu.wait_indirect_dma semaphore(%arg15 : memref<!tpu.dma_semaphore, #tpu.memory_space<semaphore_mem>>) src(%dma_wait3A_1192 : memref<16000000xf32, #tpu.memory_space<hbm>>) dst(%dma_wait3A_1188 : memref<128xf32, #tpu.memory_space<vmem>>)
    %dma_wait3A_1193 = arith.constant 4480 : i32
    %dma_wait3A_1194 = tpu.memref_slice %arg10[%dma_wait3A_1193] : memref<8192xf32, #tpu.memory_space<vmem>> -> memref<128xf32, #tpu.memory_space<vmem>>
    %dma_wait3A_1195 = arith.constant 4480 : i32
    %dma_wait3A_1196 = tpu.memref_slice %arg8[%dma_wait3A_1195] : memref<8192xi32, #tpu.memory_space<vmem>> -> memref<128xi32, #tpu.memory_space<vmem>>
    %dma_wait3A_1197 = arith.constant 0 : i32
    %dma_wait3A_1198 = tpu.memref_slice %arg4[%dma_wait3A_1197] : memref<16000000xf32, #tpu.memory_space<hbm>> -> memref<16000000xf32, #tpu.memory_space<hbm>>
    tpu.wait_indirect_dma semaphore(%arg14 : memref<!tpu.dma_semaphore, #tpu.memory_space<semaphore_mem>>) src(%dma_wait3A_1198 : memref<16000000xf32, #tpu.memory_space<hbm>>) dst(%dma_wait3A_1194 : memref<128xf32, #tpu.memory_space<vmem>>)
    %dma_wait3A_1199 = arith.constant 4480 : i32
    %dma_wait3A_1200 = tpu.memref_slice %arg11[%dma_wait3A_1199] : memref<8192xf32, #tpu.memory_space<vmem>> -> memref<128xf32, #tpu.memory_space<vmem>>
    %dma_wait3A_1201 = arith.constant 4480 : i32
    %dma_wait3A_1202 = tpu.memref_slice %arg9[%dma_wait3A_1201] : memref<8192xi32, #tpu.memory_space<vmem>> -> memref<128xi32, #tpu.memory_space<vmem>>
    %dma_wait3A_1203 = arith.constant 0 : i32
    %dma_wait3A_1204 = tpu.memref_slice %arg5[%dma_wait3A_1203] : memref<16000000xf32, #tpu.memory_space<hbm>> -> memref<16000000xf32, #tpu.memory_space<hbm>>
    tpu.wait_indirect_dma semaphore(%arg15 : memref<!tpu.dma_semaphore, #tpu.memory_space<semaphore_mem>>) src(%dma_wait3A_1204 : memref<16000000xf32, #tpu.memory_space<hbm>>) dst(%dma_wait3A_1200 : memref<128xf32, #tpu.memory_space<vmem>>)
    %dma_wait3A_1205 = arith.constant 4608 : i32
    %dma_wait3A_1206 = tpu.memref_slice %arg10[%dma_wait3A_1205] : memref<8192xf32, #tpu.memory_space<vmem>> -> memref<128xf32, #tpu.memory_space<vmem>>
    %dma_wait3A_1207 = arith.constant 4608 : i32
    %dma_wait3A_1208 = tpu.memref_slice %arg8[%dma_wait3A_1207] : memref<8192xi32, #tpu.memory_space<vmem>> -> memref<128xi32, #tpu.memory_space<vmem>>
    %dma_wait3A_1209 = arith.constant 0 : i32
    %dma_wait3A_1210 = tpu.memref_slice %arg4[%dma_wait3A_1209] : memref<16000000xf32, #tpu.memory_space<hbm>> -> memref<16000000xf32, #tpu.memory_space<hbm>>
    tpu.wait_indirect_dma semaphore(%arg14 : memref<!tpu.dma_semaphore, #tpu.memory_space<semaphore_mem>>) src(%dma_wait3A_1210 : memref<16000000xf32, #tpu.memory_space<hbm>>) dst(%dma_wait3A_1206 : memref<128xf32, #tpu.memory_space<vmem>>)
    %dma_wait3A_1211 = arith.constant 4608 : i32
    %dma_wait3A_1212 = tpu.memref_slice %arg11[%dma_wait3A_1211] : memref<8192xf32, #tpu.memory_space<vmem>> -> memref<128xf32, #tpu.memory_space<vmem>>
    %dma_wait3A_1213 = arith.constant 4608 : i32
    %dma_wait3A_1214 = tpu.memref_slice %arg9[%dma_wait3A_1213] : memref<8192xi32, #tpu.memory_space<vmem>> -> memref<128xi32, #tpu.memory_space<vmem>>
    %dma_wait3A_1215 = arith.constant 0 : i32
    %dma_wait3A_1216 = tpu.memref_slice %arg5[%dma_wait3A_1215] : memref<16000000xf32, #tpu.memory_space<hbm>> -> memref<16000000xf32, #tpu.memory_space<hbm>>
    tpu.wait_indirect_dma semaphore(%arg15 : memref<!tpu.dma_semaphore, #tpu.memory_space<semaphore_mem>>) src(%dma_wait3A_1216 : memref<16000000xf32, #tpu.memory_space<hbm>>) dst(%dma_wait3A_1212 : memref<128xf32, #tpu.memory_space<vmem>>)
    %dma_wait3A_1217 = arith.constant 4736 : i32
    %dma_wait3A_1218 = tpu.memref_slice %arg10[%dma_wait3A_1217] : memref<8192xf32, #tpu.memory_space<vmem>> -> memref<128xf32, #tpu.memory_space<vmem>>
    %dma_wait3A_1219 = arith.constant 4736 : i32
    %dma_wait3A_1220 = tpu.memref_slice %arg8[%dma_wait3A_1219] : memref<8192xi32, #tpu.memory_space<vmem>> -> memref<128xi32, #tpu.memory_space<vmem>>
    %dma_wait3A_1221 = arith.constant 0 : i32
    %dma_wait3A_1222 = tpu.memref_slice %arg4[%dma_wait3A_1221] : memref<16000000xf32, #tpu.memory_space<hbm>> -> memref<16000000xf32, #tpu.memory_space<hbm>>
    tpu.wait_indirect_dma semaphore(%arg14 : memref<!tpu.dma_semaphore, #tpu.memory_space<semaphore_mem>>) src(%dma_wait3A_1222 : memref<16000000xf32, #tpu.memory_space<hbm>>) dst(%dma_wait3A_1218 : memref<128xf32, #tpu.memory_space<vmem>>)
    %dma_wait3A_1223 = arith.constant 4736 : i32
    %dma_wait3A_1224 = tpu.memref_slice %arg11[%dma_wait3A_1223] : memref<8192xf32, #tpu.memory_space<vmem>> -> memref<128xf32, #tpu.memory_space<vmem>>
    %dma_wait3A_1225 = arith.constant 4736 : i32
    %dma_wait3A_1226 = tpu.memref_slice %arg9[%dma_wait3A_1225] : memref<8192xi32, #tpu.memory_space<vmem>> -> memref<128xi32, #tpu.memory_space<vmem>>
    %dma_wait3A_1227 = arith.constant 0 : i32
    %dma_wait3A_1228 = tpu.memref_slice %arg5[%dma_wait3A_1227] : memref<16000000xf32, #tpu.memory_space<hbm>> -> memref<16000000xf32, #tpu.memory_space<hbm>>
    tpu.wait_indirect_dma semaphore(%arg15 : memref<!tpu.dma_semaphore, #tpu.memory_space<semaphore_mem>>) src(%dma_wait3A_1228 : memref<16000000xf32, #tpu.memory_space<hbm>>) dst(%dma_wait3A_1224 : memref<128xf32, #tpu.memory_space<vmem>>)
    %dma_wait3A_1229 = arith.constant 4864 : i32
    %dma_wait3A_1230 = tpu.memref_slice %arg10[%dma_wait3A_1229] : memref<8192xf32, #tpu.memory_space<vmem>> -> memref<128xf32, #tpu.memory_space<vmem>>
    %dma_wait3A_1231 = arith.constant 4864 : i32
    %dma_wait3A_1232 = tpu.memref_slice %arg8[%dma_wait3A_1231] : memref<8192xi32, #tpu.memory_space<vmem>> -> memref<128xi32, #tpu.memory_space<vmem>>
    %dma_wait3A_1233 = arith.constant 0 : i32
    %dma_wait3A_1234 = tpu.memref_slice %arg4[%dma_wait3A_1233] : memref<16000000xf32, #tpu.memory_space<hbm>> -> memref<16000000xf32, #tpu.memory_space<hbm>>
    tpu.wait_indirect_dma semaphore(%arg14 : memref<!tpu.dma_semaphore, #tpu.memory_space<semaphore_mem>>) src(%dma_wait3A_1234 : memref<16000000xf32, #tpu.memory_space<hbm>>) dst(%dma_wait3A_1230 : memref<128xf32, #tpu.memory_space<vmem>>)
    %dma_wait3A_1235 = arith.constant 4864 : i32
    %dma_wait3A_1236 = tpu.memref_slice %arg11[%dma_wait3A_1235] : memref<8192xf32, #tpu.memory_space<vmem>> -> memref<128xf32, #tpu.memory_space<vmem>>
    %dma_wait3A_1237 = arith.constant 4864 : i32
    %dma_wait3A_1238 = tpu.memref_slice %arg9[%dma_wait3A_1237] : memref<8192xi32, #tpu.memory_space<vmem>> -> memref<128xi32, #tpu.memory_space<vmem>>
    %dma_wait3A_1239 = arith.constant 0 : i32
    %dma_wait3A_1240 = tpu.memref_slice %arg5[%dma_wait3A_1239] : memref<16000000xf32, #tpu.memory_space<hbm>> -> memref<16000000xf32, #tpu.memory_space<hbm>>
    tpu.wait_indirect_dma semaphore(%arg15 : memref<!tpu.dma_semaphore, #tpu.memory_space<semaphore_mem>>) src(%dma_wait3A_1240 : memref<16000000xf32, #tpu.memory_space<hbm>>) dst(%dma_wait3A_1236 : memref<128xf32, #tpu.memory_space<vmem>>)
    %dma_wait3A_1241 = arith.constant 4992 : i32
    %dma_wait3A_1242 = tpu.memref_slice %arg10[%dma_wait3A_1241] : memref<8192xf32, #tpu.memory_space<vmem>> -> memref<128xf32, #tpu.memory_space<vmem>>
    %dma_wait3A_1243 = arith.constant 4992 : i32
    %dma_wait3A_1244 = tpu.memref_slice %arg8[%dma_wait3A_1243] : memref<8192xi32, #tpu.memory_space<vmem>> -> memref<128xi32, #tpu.memory_space<vmem>>
    %dma_wait3A_1245 = arith.constant 0 : i32
    %dma_wait3A_1246 = tpu.memref_slice %arg4[%dma_wait3A_1245] : memref<16000000xf32, #tpu.memory_space<hbm>> -> memref<16000000xf32, #tpu.memory_space<hbm>>
    tpu.wait_indirect_dma semaphore(%arg14 : memref<!tpu.dma_semaphore, #tpu.memory_space<semaphore_mem>>) src(%dma_wait3A_1246 : memref<16000000xf32, #tpu.memory_space<hbm>>) dst(%dma_wait3A_1242 : memref<128xf32, #tpu.memory_space<vmem>>)
    %dma_wait3A_1247 = arith.constant 4992 : i32
    %dma_wait3A_1248 = tpu.memref_slice %arg11[%dma_wait3A_1247] : memref<8192xf32, #tpu.memory_space<vmem>> -> memref<128xf32, #tpu.memory_space<vmem>>
    %dma_wait3A_1249 = arith.constant 4992 : i32
    %dma_wait3A_1250 = tpu.memref_slice %arg9[%dma_wait3A_1249] : memref<8192xi32, #tpu.memory_space<vmem>> -> memref<128xi32, #tpu.memory_space<vmem>>
    %dma_wait3A_1251 = arith.constant 0 : i32
    %dma_wait3A_1252 = tpu.memref_slice %arg5[%dma_wait3A_1251] : memref<16000000xf32, #tpu.memory_space<hbm>> -> memref<16000000xf32, #tpu.memory_space<hbm>>
    tpu.wait_indirect_dma semaphore(%arg15 : memref<!tpu.dma_semaphore, #tpu.memory_space<semaphore_mem>>) src(%dma_wait3A_1252 : memref<16000000xf32, #tpu.memory_space<hbm>>) dst(%dma_wait3A_1248 : memref<128xf32, #tpu.memory_space<vmem>>)
    %dma_wait3A_1253 = arith.constant 5120 : i32
    %dma_wait3A_1254 = tpu.memref_slice %arg10[%dma_wait3A_1253] : memref<8192xf32, #tpu.memory_space<vmem>> -> memref<128xf32, #tpu.memory_space<vmem>>
    %dma_wait3A_1255 = arith.constant 5120 : i32
    %dma_wait3A_1256 = tpu.memref_slice %arg8[%dma_wait3A_1255] : memref<8192xi32, #tpu.memory_space<vmem>> -> memref<128xi32, #tpu.memory_space<vmem>>
    %dma_wait3A_1257 = arith.constant 0 : i32
    %dma_wait3A_1258 = tpu.memref_slice %arg4[%dma_wait3A_1257] : memref<16000000xf32, #tpu.memory_space<hbm>> -> memref<16000000xf32, #tpu.memory_space<hbm>>
    tpu.wait_indirect_dma semaphore(%arg14 : memref<!tpu.dma_semaphore, #tpu.memory_space<semaphore_mem>>) src(%dma_wait3A_1258 : memref<16000000xf32, #tpu.memory_space<hbm>>) dst(%dma_wait3A_1254 : memref<128xf32, #tpu.memory_space<vmem>>)
    %dma_wait3A_1259 = arith.constant 5120 : i32
    %dma_wait3A_1260 = tpu.memref_slice %arg11[%dma_wait3A_1259] : memref<8192xf32, #tpu.memory_space<vmem>> -> memref<128xf32, #tpu.memory_space<vmem>>
    %dma_wait3A_1261 = arith.constant 5120 : i32
    %dma_wait3A_1262 = tpu.memref_slice %arg9[%dma_wait3A_1261] : memref<8192xi32, #tpu.memory_space<vmem>> -> memref<128xi32, #tpu.memory_space<vmem>>
    %dma_wait3A_1263 = arith.constant 0 : i32
    %dma_wait3A_1264 = tpu.memref_slice %arg5[%dma_wait3A_1263] : memref<16000000xf32, #tpu.memory_space<hbm>> -> memref<16000000xf32, #tpu.memory_space<hbm>>
    tpu.wait_indirect_dma semaphore(%arg15 : memref<!tpu.dma_semaphore, #tpu.memory_space<semaphore_mem>>) src(%dma_wait3A_1264 : memref<16000000xf32, #tpu.memory_space<hbm>>) dst(%dma_wait3A_1260 : memref<128xf32, #tpu.memory_space<vmem>>)
    %dma_wait3A_1265 = arith.constant 5248 : i32
    %dma_wait3A_1266 = tpu.memref_slice %arg10[%dma_wait3A_1265] : memref<8192xf32, #tpu.memory_space<vmem>> -> memref<128xf32, #tpu.memory_space<vmem>>
    %dma_wait3A_1267 = arith.constant 5248 : i32
    %dma_wait3A_1268 = tpu.memref_slice %arg8[%dma_wait3A_1267] : memref<8192xi32, #tpu.memory_space<vmem>> -> memref<128xi32, #tpu.memory_space<vmem>>
    %dma_wait3A_1269 = arith.constant 0 : i32
    %dma_wait3A_1270 = tpu.memref_slice %arg4[%dma_wait3A_1269] : memref<16000000xf32, #tpu.memory_space<hbm>> -> memref<16000000xf32, #tpu.memory_space<hbm>>
    tpu.wait_indirect_dma semaphore(%arg14 : memref<!tpu.dma_semaphore, #tpu.memory_space<semaphore_mem>>) src(%dma_wait3A_1270 : memref<16000000xf32, #tpu.memory_space<hbm>>) dst(%dma_wait3A_1266 : memref<128xf32, #tpu.memory_space<vmem>>)
    %dma_wait3A_1271 = arith.constant 5248 : i32
    %dma_wait3A_1272 = tpu.memref_slice %arg11[%dma_wait3A_1271] : memref<8192xf32, #tpu.memory_space<vmem>> -> memref<128xf32, #tpu.memory_space<vmem>>
    %dma_wait3A_1273 = arith.constant 5248 : i32
    %dma_wait3A_1274 = tpu.memref_slice %arg9[%dma_wait3A_1273] : memref<8192xi32, #tpu.memory_space<vmem>> -> memref<128xi32, #tpu.memory_space<vmem>>
    %dma_wait3A_1275 = arith.constant 0 : i32
    %dma_wait3A_1276 = tpu.memref_slice %arg5[%dma_wait3A_1275] : memref<16000000xf32, #tpu.memory_space<hbm>> -> memref<16000000xf32, #tpu.memory_space<hbm>>
    tpu.wait_indirect_dma semaphore(%arg15 : memref<!tpu.dma_semaphore, #tpu.memory_space<semaphore_mem>>) src(%dma_wait3A_1276 : memref<16000000xf32, #tpu.memory_space<hbm>>) dst(%dma_wait3A_1272 : memref<128xf32, #tpu.memory_space<vmem>>)
    %dma_wait3A_1277 = arith.constant 5376 : i32
    %dma_wait3A_1278 = tpu.memref_slice %arg10[%dma_wait3A_1277] : memref<8192xf32, #tpu.memory_space<vmem>> -> memref<128xf32, #tpu.memory_space<vmem>>
    %dma_wait3A_1279 = arith.constant 5376 : i32
    %dma_wait3A_1280 = tpu.memref_slice %arg8[%dma_wait3A_1279] : memref<8192xi32, #tpu.memory_space<vmem>> -> memref<128xi32, #tpu.memory_space<vmem>>
    %dma_wait3A_1281 = arith.constant 0 : i32
    %dma_wait3A_1282 = tpu.memref_slice %arg4[%dma_wait3A_1281] : memref<16000000xf32, #tpu.memory_space<hbm>> -> memref<16000000xf32, #tpu.memory_space<hbm>>
    tpu.wait_indirect_dma semaphore(%arg14 : memref<!tpu.dma_semaphore, #tpu.memory_space<semaphore_mem>>) src(%dma_wait3A_1282 : memref<16000000xf32, #tpu.memory_space<hbm>>) dst(%dma_wait3A_1278 : memref<128xf32, #tpu.memory_space<vmem>>)
    %dma_wait3A_1283 = arith.constant 5376 : i32
    %dma_wait3A_1284 = tpu.memref_slice %arg11[%dma_wait3A_1283] : memref<8192xf32, #tpu.memory_space<vmem>> -> memref<128xf32, #tpu.memory_space<vmem>>
    %dma_wait3A_1285 = arith.constant 5376 : i32
    %dma_wait3A_1286 = tpu.memref_slice %arg9[%dma_wait3A_1285] : memref<8192xi32, #tpu.memory_space<vmem>> -> memref<128xi32, #tpu.memory_space<vmem>>
    %dma_wait3A_1287 = arith.constant 0 : i32
    %dma_wait3A_1288 = tpu.memref_slice %arg5[%dma_wait3A_1287] : memref<16000000xf32, #tpu.memory_space<hbm>> -> memref<16000000xf32, #tpu.memory_space<hbm>>
    tpu.wait_indirect_dma semaphore(%arg15 : memref<!tpu.dma_semaphore, #tpu.memory_space<semaphore_mem>>) src(%dma_wait3A_1288 : memref<16000000xf32, #tpu.memory_space<hbm>>) dst(%dma_wait3A_1284 : memref<128xf32, #tpu.memory_space<vmem>>)
    %dma_wait3A_1289 = arith.constant 5504 : i32
    %dma_wait3A_1290 = tpu.memref_slice %arg10[%dma_wait3A_1289] : memref<8192xf32, #tpu.memory_space<vmem>> -> memref<128xf32, #tpu.memory_space<vmem>>
    %dma_wait3A_1291 = arith.constant 5504 : i32
    %dma_wait3A_1292 = tpu.memref_slice %arg8[%dma_wait3A_1291] : memref<8192xi32, #tpu.memory_space<vmem>> -> memref<128xi32, #tpu.memory_space<vmem>>
    %dma_wait3A_1293 = arith.constant 0 : i32
    %dma_wait3A_1294 = tpu.memref_slice %arg4[%dma_wait3A_1293] : memref<16000000xf32, #tpu.memory_space<hbm>> -> memref<16000000xf32, #tpu.memory_space<hbm>>
    tpu.wait_indirect_dma semaphore(%arg14 : memref<!tpu.dma_semaphore, #tpu.memory_space<semaphore_mem>>) src(%dma_wait3A_1294 : memref<16000000xf32, #tpu.memory_space<hbm>>) dst(%dma_wait3A_1290 : memref<128xf32, #tpu.memory_space<vmem>>)
    %dma_wait3A_1295 = arith.constant 5504 : i32
    %dma_wait3A_1296 = tpu.memref_slice %arg11[%dma_wait3A_1295] : memref<8192xf32, #tpu.memory_space<vmem>> -> memref<128xf32, #tpu.memory_space<vmem>>
    %dma_wait3A_1297 = arith.constant 5504 : i32
    %dma_wait3A_1298 = tpu.memref_slice %arg9[%dma_wait3A_1297] : memref<8192xi32, #tpu.memory_space<vmem>> -> memref<128xi32, #tpu.memory_space<vmem>>
    %dma_wait3A_1299 = arith.constant 0 : i32
    %dma_wait3A_1300 = tpu.memref_slice %arg5[%dma_wait3A_1299] : memref<16000000xf32, #tpu.memory_space<hbm>> -> memref<16000000xf32, #tpu.memory_space<hbm>>
    tpu.wait_indirect_dma semaphore(%arg15 : memref<!tpu.dma_semaphore, #tpu.memory_space<semaphore_mem>>) src(%dma_wait3A_1300 : memref<16000000xf32, #tpu.memory_space<hbm>>) dst(%dma_wait3A_1296 : memref<128xf32, #tpu.memory_space<vmem>>)
    %dma_wait3A_1301 = arith.constant 5632 : i32
    %dma_wait3A_1302 = tpu.memref_slice %arg10[%dma_wait3A_1301] : memref<8192xf32, #tpu.memory_space<vmem>> -> memref<128xf32, #tpu.memory_space<vmem>>
    %dma_wait3A_1303 = arith.constant 5632 : i32
    %dma_wait3A_1304 = tpu.memref_slice %arg8[%dma_wait3A_1303] : memref<8192xi32, #tpu.memory_space<vmem>> -> memref<128xi32, #tpu.memory_space<vmem>>
    %dma_wait3A_1305 = arith.constant 0 : i32
    %dma_wait3A_1306 = tpu.memref_slice %arg4[%dma_wait3A_1305] : memref<16000000xf32, #tpu.memory_space<hbm>> -> memref<16000000xf32, #tpu.memory_space<hbm>>
    tpu.wait_indirect_dma semaphore(%arg14 : memref<!tpu.dma_semaphore, #tpu.memory_space<semaphore_mem>>) src(%dma_wait3A_1306 : memref<16000000xf32, #tpu.memory_space<hbm>>) dst(%dma_wait3A_1302 : memref<128xf32, #tpu.memory_space<vmem>>)
    %dma_wait3A_1307 = arith.constant 5632 : i32
    %dma_wait3A_1308 = tpu.memref_slice %arg11[%dma_wait3A_1307] : memref<8192xf32, #tpu.memory_space<vmem>> -> memref<128xf32, #tpu.memory_space<vmem>>
    %dma_wait3A_1309 = arith.constant 5632 : i32
    %dma_wait3A_1310 = tpu.memref_slice %arg9[%dma_wait3A_1309] : memref<8192xi32, #tpu.memory_space<vmem>> -> memref<128xi32, #tpu.memory_space<vmem>>
    %dma_wait3A_1311 = arith.constant 0 : i32
    %dma_wait3A_1312 = tpu.memref_slice %arg5[%dma_wait3A_1311] : memref<16000000xf32, #tpu.memory_space<hbm>> -> memref<16000000xf32, #tpu.memory_space<hbm>>
    tpu.wait_indirect_dma semaphore(%arg15 : memref<!tpu.dma_semaphore, #tpu.memory_space<semaphore_mem>>) src(%dma_wait3A_1312 : memref<16000000xf32, #tpu.memory_space<hbm>>) dst(%dma_wait3A_1308 : memref<128xf32, #tpu.memory_space<vmem>>)
    %dma_wait3A_1313 = arith.constant 5760 : i32
    %dma_wait3A_1314 = tpu.memref_slice %arg10[%dma_wait3A_1313] : memref<8192xf32, #tpu.memory_space<vmem>> -> memref<128xf32, #tpu.memory_space<vmem>>
    %dma_wait3A_1315 = arith.constant 5760 : i32
    %dma_wait3A_1316 = tpu.memref_slice %arg8[%dma_wait3A_1315] : memref<8192xi32, #tpu.memory_space<vmem>> -> memref<128xi32, #tpu.memory_space<vmem>>
    %dma_wait3A_1317 = arith.constant 0 : i32
    %dma_wait3A_1318 = tpu.memref_slice %arg4[%dma_wait3A_1317] : memref<16000000xf32, #tpu.memory_space<hbm>> -> memref<16000000xf32, #tpu.memory_space<hbm>>
    tpu.wait_indirect_dma semaphore(%arg14 : memref<!tpu.dma_semaphore, #tpu.memory_space<semaphore_mem>>) src(%dma_wait3A_1318 : memref<16000000xf32, #tpu.memory_space<hbm>>) dst(%dma_wait3A_1314 : memref<128xf32, #tpu.memory_space<vmem>>)
    %dma_wait3A_1319 = arith.constant 5760 : i32
    %dma_wait3A_1320 = tpu.memref_slice %arg11[%dma_wait3A_1319] : memref<8192xf32, #tpu.memory_space<vmem>> -> memref<128xf32, #tpu.memory_space<vmem>>
    %dma_wait3A_1321 = arith.constant 5760 : i32
    %dma_wait3A_1322 = tpu.memref_slice %arg9[%dma_wait3A_1321] : memref<8192xi32, #tpu.memory_space<vmem>> -> memref<128xi32, #tpu.memory_space<vmem>>
    %dma_wait3A_1323 = arith.constant 0 : i32
    %dma_wait3A_1324 = tpu.memref_slice %arg5[%dma_wait3A_1323] : memref<16000000xf32, #tpu.memory_space<hbm>> -> memref<16000000xf32, #tpu.memory_space<hbm>>
    tpu.wait_indirect_dma semaphore(%arg15 : memref<!tpu.dma_semaphore, #tpu.memory_space<semaphore_mem>>) src(%dma_wait3A_1324 : memref<16000000xf32, #tpu.memory_space<hbm>>) dst(%dma_wait3A_1320 : memref<128xf32, #tpu.memory_space<vmem>>)
    %dma_wait3A_1325 = arith.constant 5888 : i32
    %dma_wait3A_1326 = tpu.memref_slice %arg10[%dma_wait3A_1325] : memref<8192xf32, #tpu.memory_space<vmem>> -> memref<128xf32, #tpu.memory_space<vmem>>
    %dma_wait3A_1327 = arith.constant 5888 : i32
    %dma_wait3A_1328 = tpu.memref_slice %arg8[%dma_wait3A_1327] : memref<8192xi32, #tpu.memory_space<vmem>> -> memref<128xi32, #tpu.memory_space<vmem>>
    %dma_wait3A_1329 = arith.constant 0 : i32
    %dma_wait3A_1330 = tpu.memref_slice %arg4[%dma_wait3A_1329] : memref<16000000xf32, #tpu.memory_space<hbm>> -> memref<16000000xf32, #tpu.memory_space<hbm>>
    tpu.wait_indirect_dma semaphore(%arg14 : memref<!tpu.dma_semaphore, #tpu.memory_space<semaphore_mem>>) src(%dma_wait3A_1330 : memref<16000000xf32, #tpu.memory_space<hbm>>) dst(%dma_wait3A_1326 : memref<128xf32, #tpu.memory_space<vmem>>)
    %dma_wait3A_1331 = arith.constant 5888 : i32
    %dma_wait3A_1332 = tpu.memref_slice %arg11[%dma_wait3A_1331] : memref<8192xf32, #tpu.memory_space<vmem>> -> memref<128xf32, #tpu.memory_space<vmem>>
    %dma_wait3A_1333 = arith.constant 5888 : i32
    %dma_wait3A_1334 = tpu.memref_slice %arg9[%dma_wait3A_1333] : memref<8192xi32, #tpu.memory_space<vmem>> -> memref<128xi32, #tpu.memory_space<vmem>>
    %dma_wait3A_1335 = arith.constant 0 : i32
    %dma_wait3A_1336 = tpu.memref_slice %arg5[%dma_wait3A_1335] : memref<16000000xf32, #tpu.memory_space<hbm>> -> memref<16000000xf32, #tpu.memory_space<hbm>>
    tpu.wait_indirect_dma semaphore(%arg15 : memref<!tpu.dma_semaphore, #tpu.memory_space<semaphore_mem>>) src(%dma_wait3A_1336 : memref<16000000xf32, #tpu.memory_space<hbm>>) dst(%dma_wait3A_1332 : memref<128xf32, #tpu.memory_space<vmem>>)
    %dma_wait3A_1337 = arith.constant 6016 : i32
    %dma_wait3A_1338 = tpu.memref_slice %arg10[%dma_wait3A_1337] : memref<8192xf32, #tpu.memory_space<vmem>> -> memref<128xf32, #tpu.memory_space<vmem>>
    %dma_wait3A_1339 = arith.constant 6016 : i32
    %dma_wait3A_1340 = tpu.memref_slice %arg8[%dma_wait3A_1339] : memref<8192xi32, #tpu.memory_space<vmem>> -> memref<128xi32, #tpu.memory_space<vmem>>
    %dma_wait3A_1341 = arith.constant 0 : i32
    %dma_wait3A_1342 = tpu.memref_slice %arg4[%dma_wait3A_1341] : memref<16000000xf32, #tpu.memory_space<hbm>> -> memref<16000000xf32, #tpu.memory_space<hbm>>
    tpu.wait_indirect_dma semaphore(%arg14 : memref<!tpu.dma_semaphore, #tpu.memory_space<semaphore_mem>>) src(%dma_wait3A_1342 : memref<16000000xf32, #tpu.memory_space<hbm>>) dst(%dma_wait3A_1338 : memref<128xf32, #tpu.memory_space<vmem>>)
    %dma_wait3A_1343 = arith.constant 6016 : i32
    %dma_wait3A_1344 = tpu.memref_slice %arg11[%dma_wait3A_1343] : memref<8192xf32, #tpu.memory_space<vmem>> -> memref<128xf32, #tpu.memory_space<vmem>>
    %dma_wait3A_1345 = arith.constant 6016 : i32
    %dma_wait3A_1346 = tpu.memref_slice %arg9[%dma_wait3A_1345] : memref<8192xi32, #tpu.memory_space<vmem>> -> memref<128xi32, #tpu.memory_space<vmem>>
    %dma_wait3A_1347 = arith.constant 0 : i32
    %dma_wait3A_1348 = tpu.memref_slice %arg5[%dma_wait3A_1347] : memref<16000000xf32, #tpu.memory_space<hbm>> -> memref<16000000xf32, #tpu.memory_space<hbm>>
    tpu.wait_indirect_dma semaphore(%arg15 : memref<!tpu.dma_semaphore, #tpu.memory_space<semaphore_mem>>) src(%dma_wait3A_1348 : memref<16000000xf32, #tpu.memory_space<hbm>>) dst(%dma_wait3A_1344 : memref<128xf32, #tpu.memory_space<vmem>>)
    %dma_wait3A_1349 = arith.constant 6144 : i32
    %dma_wait3A_1350 = tpu.memref_slice %arg10[%dma_wait3A_1349] : memref<8192xf32, #tpu.memory_space<vmem>> -> memref<128xf32, #tpu.memory_space<vmem>>
    %dma_wait3A_1351 = arith.constant 6144 : i32
    %dma_wait3A_1352 = tpu.memref_slice %arg8[%dma_wait3A_1351] : memref<8192xi32, #tpu.memory_space<vmem>> -> memref<128xi32, #tpu.memory_space<vmem>>
    %dma_wait3A_1353 = arith.constant 0 : i32
    %dma_wait3A_1354 = tpu.memref_slice %arg4[%dma_wait3A_1353] : memref<16000000xf32, #tpu.memory_space<hbm>> -> memref<16000000xf32, #tpu.memory_space<hbm>>
    tpu.wait_indirect_dma semaphore(%arg14 : memref<!tpu.dma_semaphore, #tpu.memory_space<semaphore_mem>>) src(%dma_wait3A_1354 : memref<16000000xf32, #tpu.memory_space<hbm>>) dst(%dma_wait3A_1350 : memref<128xf32, #tpu.memory_space<vmem>>)
    %dma_wait3A_1355 = arith.constant 6144 : i32
    %dma_wait3A_1356 = tpu.memref_slice %arg11[%dma_wait3A_1355] : memref<8192xf32, #tpu.memory_space<vmem>> -> memref<128xf32, #tpu.memory_space<vmem>>
    %dma_wait3A_1357 = arith.constant 6144 : i32
    %dma_wait3A_1358 = tpu.memref_slice %arg9[%dma_wait3A_1357] : memref<8192xi32, #tpu.memory_space<vmem>> -> memref<128xi32, #tpu.memory_space<vmem>>
    %dma_wait3A_1359 = arith.constant 0 : i32
    %dma_wait3A_1360 = tpu.memref_slice %arg5[%dma_wait3A_1359] : memref<16000000xf32, #tpu.memory_space<hbm>> -> memref<16000000xf32, #tpu.memory_space<hbm>>
    tpu.wait_indirect_dma semaphore(%arg15 : memref<!tpu.dma_semaphore, #tpu.memory_space<semaphore_mem>>) src(%dma_wait3A_1360 : memref<16000000xf32, #tpu.memory_space<hbm>>) dst(%dma_wait3A_1356 : memref<128xf32, #tpu.memory_space<vmem>>)
    %dma_wait3A_1361 = arith.constant 6272 : i32
    %dma_wait3A_1362 = tpu.memref_slice %arg10[%dma_wait3A_1361] : memref<8192xf32, #tpu.memory_space<vmem>> -> memref<128xf32, #tpu.memory_space<vmem>>
    %dma_wait3A_1363 = arith.constant 6272 : i32
    %dma_wait3A_1364 = tpu.memref_slice %arg8[%dma_wait3A_1363] : memref<8192xi32, #tpu.memory_space<vmem>> -> memref<128xi32, #tpu.memory_space<vmem>>
    %dma_wait3A_1365 = arith.constant 0 : i32
    %dma_wait3A_1366 = tpu.memref_slice %arg4[%dma_wait3A_1365] : memref<16000000xf32, #tpu.memory_space<hbm>> -> memref<16000000xf32, #tpu.memory_space<hbm>>
    tpu.wait_indirect_dma semaphore(%arg14 : memref<!tpu.dma_semaphore, #tpu.memory_space<semaphore_mem>>) src(%dma_wait3A_1366 : memref<16000000xf32, #tpu.memory_space<hbm>>) dst(%dma_wait3A_1362 : memref<128xf32, #tpu.memory_space<vmem>>)
    %dma_wait3A_1367 = arith.constant 6272 : i32
    %dma_wait3A_1368 = tpu.memref_slice %arg11[%dma_wait3A_1367] : memref<8192xf32, #tpu.memory_space<vmem>> -> memref<128xf32, #tpu.memory_space<vmem>>
    %dma_wait3A_1369 = arith.constant 6272 : i32
    %dma_wait3A_1370 = tpu.memref_slice %arg9[%dma_wait3A_1369] : memref<8192xi32, #tpu.memory_space<vmem>> -> memref<128xi32, #tpu.memory_space<vmem>>
    %dma_wait3A_1371 = arith.constant 0 : i32
    %dma_wait3A_1372 = tpu.memref_slice %arg5[%dma_wait3A_1371] : memref<16000000xf32, #tpu.memory_space<hbm>> -> memref<16000000xf32, #tpu.memory_space<hbm>>
    tpu.wait_indirect_dma semaphore(%arg15 : memref<!tpu.dma_semaphore, #tpu.memory_space<semaphore_mem>>) src(%dma_wait3A_1372 : memref<16000000xf32, #tpu.memory_space<hbm>>) dst(%dma_wait3A_1368 : memref<128xf32, #tpu.memory_space<vmem>>)
    %dma_wait3A_1373 = arith.constant 6400 : i32
    %dma_wait3A_1374 = tpu.memref_slice %arg10[%dma_wait3A_1373] : memref<8192xf32, #tpu.memory_space<vmem>> -> memref<128xf32, #tpu.memory_space<vmem>>
    %dma_wait3A_1375 = arith.constant 6400 : i32
    %dma_wait3A_1376 = tpu.memref_slice %arg8[%dma_wait3A_1375] : memref<8192xi32, #tpu.memory_space<vmem>> -> memref<128xi32, #tpu.memory_space<vmem>>
    %dma_wait3A_1377 = arith.constant 0 : i32
    %dma_wait3A_1378 = tpu.memref_slice %arg4[%dma_wait3A_1377] : memref<16000000xf32, #tpu.memory_space<hbm>> -> memref<16000000xf32, #tpu.memory_space<hbm>>
    tpu.wait_indirect_dma semaphore(%arg14 : memref<!tpu.dma_semaphore, #tpu.memory_space<semaphore_mem>>) src(%dma_wait3A_1378 : memref<16000000xf32, #tpu.memory_space<hbm>>) dst(%dma_wait3A_1374 : memref<128xf32, #tpu.memory_space<vmem>>)
    %dma_wait3A_1379 = arith.constant 6400 : i32
    %dma_wait3A_1380 = tpu.memref_slice %arg11[%dma_wait3A_1379] : memref<8192xf32, #tpu.memory_space<vmem>> -> memref<128xf32, #tpu.memory_space<vmem>>
    %dma_wait3A_1381 = arith.constant 6400 : i32
    %dma_wait3A_1382 = tpu.memref_slice %arg9[%dma_wait3A_1381] : memref<8192xi32, #tpu.memory_space<vmem>> -> memref<128xi32, #tpu.memory_space<vmem>>
    %dma_wait3A_1383 = arith.constant 0 : i32
    %dma_wait3A_1384 = tpu.memref_slice %arg5[%dma_wait3A_1383] : memref<16000000xf32, #tpu.memory_space<hbm>> -> memref<16000000xf32, #tpu.memory_space<hbm>>
    tpu.wait_indirect_dma semaphore(%arg15 : memref<!tpu.dma_semaphore, #tpu.memory_space<semaphore_mem>>) src(%dma_wait3A_1384 : memref<16000000xf32, #tpu.memory_space<hbm>>) dst(%dma_wait3A_1380 : memref<128xf32, #tpu.memory_space<vmem>>)
    %dma_wait3A_1385 = arith.constant 6528 : i32
    %dma_wait3A_1386 = tpu.memref_slice %arg10[%dma_wait3A_1385] : memref<8192xf32, #tpu.memory_space<vmem>> -> memref<128xf32, #tpu.memory_space<vmem>>
    %dma_wait3A_1387 = arith.constant 6528 : i32
    %dma_wait3A_1388 = tpu.memref_slice %arg8[%dma_wait3A_1387] : memref<8192xi32, #tpu.memory_space<vmem>> -> memref<128xi32, #tpu.memory_space<vmem>>
    %dma_wait3A_1389 = arith.constant 0 : i32
    %dma_wait3A_1390 = tpu.memref_slice %arg4[%dma_wait3A_1389] : memref<16000000xf32, #tpu.memory_space<hbm>> -> memref<16000000xf32, #tpu.memory_space<hbm>>
    tpu.wait_indirect_dma semaphore(%arg14 : memref<!tpu.dma_semaphore, #tpu.memory_space<semaphore_mem>>) src(%dma_wait3A_1390 : memref<16000000xf32, #tpu.memory_space<hbm>>) dst(%dma_wait3A_1386 : memref<128xf32, #tpu.memory_space<vmem>>)
    %dma_wait3A_1391 = arith.constant 6528 : i32
    %dma_wait3A_1392 = tpu.memref_slice %arg11[%dma_wait3A_1391] : memref<8192xf32, #tpu.memory_space<vmem>> -> memref<128xf32, #tpu.memory_space<vmem>>
    %dma_wait3A_1393 = arith.constant 6528 : i32
    %dma_wait3A_1394 = tpu.memref_slice %arg9[%dma_wait3A_1393] : memref<8192xi32, #tpu.memory_space<vmem>> -> memref<128xi32, #tpu.memory_space<vmem>>
    %dma_wait3A_1395 = arith.constant 0 : i32
    %dma_wait3A_1396 = tpu.memref_slice %arg5[%dma_wait3A_1395] : memref<16000000xf32, #tpu.memory_space<hbm>> -> memref<16000000xf32, #tpu.memory_space<hbm>>
    tpu.wait_indirect_dma semaphore(%arg15 : memref<!tpu.dma_semaphore, #tpu.memory_space<semaphore_mem>>) src(%dma_wait3A_1396 : memref<16000000xf32, #tpu.memory_space<hbm>>) dst(%dma_wait3A_1392 : memref<128xf32, #tpu.memory_space<vmem>>)
    %dma_wait3A_1397 = arith.constant 6656 : i32
    %dma_wait3A_1398 = tpu.memref_slice %arg10[%dma_wait3A_1397] : memref<8192xf32, #tpu.memory_space<vmem>> -> memref<128xf32, #tpu.memory_space<vmem>>
    %dma_wait3A_1399 = arith.constant 6656 : i32
    %dma_wait3A_1400 = tpu.memref_slice %arg8[%dma_wait3A_1399] : memref<8192xi32, #tpu.memory_space<vmem>> -> memref<128xi32, #tpu.memory_space<vmem>>
    %dma_wait3A_1401 = arith.constant 0 : i32
    %dma_wait3A_1402 = tpu.memref_slice %arg4[%dma_wait3A_1401] : memref<16000000xf32, #tpu.memory_space<hbm>> -> memref<16000000xf32, #tpu.memory_space<hbm>>
    tpu.wait_indirect_dma semaphore(%arg14 : memref<!tpu.dma_semaphore, #tpu.memory_space<semaphore_mem>>) src(%dma_wait3A_1402 : memref<16000000xf32, #tpu.memory_space<hbm>>) dst(%dma_wait3A_1398 : memref<128xf32, #tpu.memory_space<vmem>>)
    %dma_wait3A_1403 = arith.constant 6656 : i32
    %dma_wait3A_1404 = tpu.memref_slice %arg11[%dma_wait3A_1403] : memref<8192xf32, #tpu.memory_space<vmem>> -> memref<128xf32, #tpu.memory_space<vmem>>
    %dma_wait3A_1405 = arith.constant 6656 : i32
    %dma_wait3A_1406 = tpu.memref_slice %arg9[%dma_wait3A_1405] : memref<8192xi32, #tpu.memory_space<vmem>> -> memref<128xi32, #tpu.memory_space<vmem>>
    %dma_wait3A_1407 = arith.constant 0 : i32
    %dma_wait3A_1408 = tpu.memref_slice %arg5[%dma_wait3A_1407] : memref<16000000xf32, #tpu.memory_space<hbm>> -> memref<16000000xf32, #tpu.memory_space<hbm>>
    tpu.wait_indirect_dma semaphore(%arg15 : memref<!tpu.dma_semaphore, #tpu.memory_space<semaphore_mem>>) src(%dma_wait3A_1408 : memref<16000000xf32, #tpu.memory_space<hbm>>) dst(%dma_wait3A_1404 : memref<128xf32, #tpu.memory_space<vmem>>)
    %dma_wait3A_1409 = arith.constant 6784 : i32
    %dma_wait3A_1410 = tpu.memref_slice %arg10[%dma_wait3A_1409] : memref<8192xf32, #tpu.memory_space<vmem>> -> memref<128xf32, #tpu.memory_space<vmem>>
    %dma_wait3A_1411 = arith.constant 6784 : i32
    %dma_wait3A_1412 = tpu.memref_slice %arg8[%dma_wait3A_1411] : memref<8192xi32, #tpu.memory_space<vmem>> -> memref<128xi32, #tpu.memory_space<vmem>>
    %dma_wait3A_1413 = arith.constant 0 : i32
    %dma_wait3A_1414 = tpu.memref_slice %arg4[%dma_wait3A_1413] : memref<16000000xf32, #tpu.memory_space<hbm>> -> memref<16000000xf32, #tpu.memory_space<hbm>>
    tpu.wait_indirect_dma semaphore(%arg14 : memref<!tpu.dma_semaphore, #tpu.memory_space<semaphore_mem>>) src(%dma_wait3A_1414 : memref<16000000xf32, #tpu.memory_space<hbm>>) dst(%dma_wait3A_1410 : memref<128xf32, #tpu.memory_space<vmem>>)
    %dma_wait3A_1415 = arith.constant 6784 : i32
    %dma_wait3A_1416 = tpu.memref_slice %arg11[%dma_wait3A_1415] : memref<8192xf32, #tpu.memory_space<vmem>> -> memref<128xf32, #tpu.memory_space<vmem>>
    %dma_wait3A_1417 = arith.constant 6784 : i32
    %dma_wait3A_1418 = tpu.memref_slice %arg9[%dma_wait3A_1417] : memref<8192xi32, #tpu.memory_space<vmem>> -> memref<128xi32, #tpu.memory_space<vmem>>
    %dma_wait3A_1419 = arith.constant 0 : i32
    %dma_wait3A_1420 = tpu.memref_slice %arg5[%dma_wait3A_1419] : memref<16000000xf32, #tpu.memory_space<hbm>> -> memref<16000000xf32, #tpu.memory_space<hbm>>
    tpu.wait_indirect_dma semaphore(%arg15 : memref<!tpu.dma_semaphore, #tpu.memory_space<semaphore_mem>>) src(%dma_wait3A_1420 : memref<16000000xf32, #tpu.memory_space<hbm>>) dst(%dma_wait3A_1416 : memref<128xf32, #tpu.memory_space<vmem>>)
    %dma_wait3A_1421 = arith.constant 6912 : i32
    %dma_wait3A_1422 = tpu.memref_slice %arg10[%dma_wait3A_1421] : memref<8192xf32, #tpu.memory_space<vmem>> -> memref<128xf32, #tpu.memory_space<vmem>>
    %dma_wait3A_1423 = arith.constant 6912 : i32
    %dma_wait3A_1424 = tpu.memref_slice %arg8[%dma_wait3A_1423] : memref<8192xi32, #tpu.memory_space<vmem>> -> memref<128xi32, #tpu.memory_space<vmem>>
    %dma_wait3A_1425 = arith.constant 0 : i32
    %dma_wait3A_1426 = tpu.memref_slice %arg4[%dma_wait3A_1425] : memref<16000000xf32, #tpu.memory_space<hbm>> -> memref<16000000xf32, #tpu.memory_space<hbm>>
    tpu.wait_indirect_dma semaphore(%arg14 : memref<!tpu.dma_semaphore, #tpu.memory_space<semaphore_mem>>) src(%dma_wait3A_1426 : memref<16000000xf32, #tpu.memory_space<hbm>>) dst(%dma_wait3A_1422 : memref<128xf32, #tpu.memory_space<vmem>>)
    %dma_wait3A_1427 = arith.constant 6912 : i32
    %dma_wait3A_1428 = tpu.memref_slice %arg11[%dma_wait3A_1427] : memref<8192xf32, #tpu.memory_space<vmem>> -> memref<128xf32, #tpu.memory_space<vmem>>
    %dma_wait3A_1429 = arith.constant 6912 : i32
    %dma_wait3A_1430 = tpu.memref_slice %arg9[%dma_wait3A_1429] : memref<8192xi32, #tpu.memory_space<vmem>> -> memref<128xi32, #tpu.memory_space<vmem>>
    %dma_wait3A_1431 = arith.constant 0 : i32
    %dma_wait3A_1432 = tpu.memref_slice %arg5[%dma_wait3A_1431] : memref<16000000xf32, #tpu.memory_space<hbm>> -> memref<16000000xf32, #tpu.memory_space<hbm>>
    tpu.wait_indirect_dma semaphore(%arg15 : memref<!tpu.dma_semaphore, #tpu.memory_space<semaphore_mem>>) src(%dma_wait3A_1432 : memref<16000000xf32, #tpu.memory_space<hbm>>) dst(%dma_wait3A_1428 : memref<128xf32, #tpu.memory_space<vmem>>)
    %dma_wait3A_1433 = arith.constant 7040 : i32
    %dma_wait3A_1434 = tpu.memref_slice %arg10[%dma_wait3A_1433] : memref<8192xf32, #tpu.memory_space<vmem>> -> memref<128xf32, #tpu.memory_space<vmem>>
    %dma_wait3A_1435 = arith.constant 7040 : i32
    %dma_wait3A_1436 = tpu.memref_slice %arg8[%dma_wait3A_1435] : memref<8192xi32, #tpu.memory_space<vmem>> -> memref<128xi32, #tpu.memory_space<vmem>>
    %dma_wait3A_1437 = arith.constant 0 : i32
    %dma_wait3A_1438 = tpu.memref_slice %arg4[%dma_wait3A_1437] : memref<16000000xf32, #tpu.memory_space<hbm>> -> memref<16000000xf32, #tpu.memory_space<hbm>>
    tpu.wait_indirect_dma semaphore(%arg14 : memref<!tpu.dma_semaphore, #tpu.memory_space<semaphore_mem>>) src(%dma_wait3A_1438 : memref<16000000xf32, #tpu.memory_space<hbm>>) dst(%dma_wait3A_1434 : memref<128xf32, #tpu.memory_space<vmem>>)
    %dma_wait3A_1439 = arith.constant 7040 : i32
    %dma_wait3A_1440 = tpu.memref_slice %arg11[%dma_wait3A_1439] : memref<8192xf32, #tpu.memory_space<vmem>> -> memref<128xf32, #tpu.memory_space<vmem>>
    %dma_wait3A_1441 = arith.constant 7040 : i32
    %dma_wait3A_1442 = tpu.memref_slice %arg9[%dma_wait3A_1441] : memref<8192xi32, #tpu.memory_space<vmem>> -> memref<128xi32, #tpu.memory_space<vmem>>
    %dma_wait3A_1443 = arith.constant 0 : i32
    %dma_wait3A_1444 = tpu.memref_slice %arg5[%dma_wait3A_1443] : memref<16000000xf32, #tpu.memory_space<hbm>> -> memref<16000000xf32, #tpu.memory_space<hbm>>
    tpu.wait_indirect_dma semaphore(%arg15 : memref<!tpu.dma_semaphore, #tpu.memory_space<semaphore_mem>>) src(%dma_wait3A_1444 : memref<16000000xf32, #tpu.memory_space<hbm>>) dst(%dma_wait3A_1440 : memref<128xf32, #tpu.memory_space<vmem>>)
    %dma_wait3A_1445 = arith.constant 7168 : i32
    %dma_wait3A_1446 = tpu.memref_slice %arg10[%dma_wait3A_1445] : memref<8192xf32, #tpu.memory_space<vmem>> -> memref<128xf32, #tpu.memory_space<vmem>>
    %dma_wait3A_1447 = arith.constant 7168 : i32
    %dma_wait3A_1448 = tpu.memref_slice %arg8[%dma_wait3A_1447] : memref<8192xi32, #tpu.memory_space<vmem>> -> memref<128xi32, #tpu.memory_space<vmem>>
    %dma_wait3A_1449 = arith.constant 0 : i32
    %dma_wait3A_1450 = tpu.memref_slice %arg4[%dma_wait3A_1449] : memref<16000000xf32, #tpu.memory_space<hbm>> -> memref<16000000xf32, #tpu.memory_space<hbm>>
    tpu.wait_indirect_dma semaphore(%arg14 : memref<!tpu.dma_semaphore, #tpu.memory_space<semaphore_mem>>) src(%dma_wait3A_1450 : memref<16000000xf32, #tpu.memory_space<hbm>>) dst(%dma_wait3A_1446 : memref<128xf32, #tpu.memory_space<vmem>>)
    %dma_wait3A_1451 = arith.constant 7168 : i32
    %dma_wait3A_1452 = tpu.memref_slice %arg11[%dma_wait3A_1451] : memref<8192xf32, #tpu.memory_space<vmem>> -> memref<128xf32, #tpu.memory_space<vmem>>
    %dma_wait3A_1453 = arith.constant 7168 : i32
    %dma_wait3A_1454 = tpu.memref_slice %arg9[%dma_wait3A_1453] : memref<8192xi32, #tpu.memory_space<vmem>> -> memref<128xi32, #tpu.memory_space<vmem>>
    %dma_wait3A_1455 = arith.constant 0 : i32
    %dma_wait3A_1456 = tpu.memref_slice %arg5[%dma_wait3A_1455] : memref<16000000xf32, #tpu.memory_space<hbm>> -> memref<16000000xf32, #tpu.memory_space<hbm>>
    tpu.wait_indirect_dma semaphore(%arg15 : memref<!tpu.dma_semaphore, #tpu.memory_space<semaphore_mem>>) src(%dma_wait3A_1456 : memref<16000000xf32, #tpu.memory_space<hbm>>) dst(%dma_wait3A_1452 : memref<128xf32, #tpu.memory_space<vmem>>)
    %dma_wait3A_1457 = arith.constant 7296 : i32
    %dma_wait3A_1458 = tpu.memref_slice %arg10[%dma_wait3A_1457] : memref<8192xf32, #tpu.memory_space<vmem>> -> memref<128xf32, #tpu.memory_space<vmem>>
    %dma_wait3A_1459 = arith.constant 7296 : i32
    %dma_wait3A_1460 = tpu.memref_slice %arg8[%dma_wait3A_1459] : memref<8192xi32, #tpu.memory_space<vmem>> -> memref<128xi32, #tpu.memory_space<vmem>>
    %dma_wait3A_1461 = arith.constant 0 : i32
    %dma_wait3A_1462 = tpu.memref_slice %arg4[%dma_wait3A_1461] : memref<16000000xf32, #tpu.memory_space<hbm>> -> memref<16000000xf32, #tpu.memory_space<hbm>>
    tpu.wait_indirect_dma semaphore(%arg14 : memref<!tpu.dma_semaphore, #tpu.memory_space<semaphore_mem>>) src(%dma_wait3A_1462 : memref<16000000xf32, #tpu.memory_space<hbm>>) dst(%dma_wait3A_1458 : memref<128xf32, #tpu.memory_space<vmem>>)
    %dma_wait3A_1463 = arith.constant 7296 : i32
    %dma_wait3A_1464 = tpu.memref_slice %arg11[%dma_wait3A_1463] : memref<8192xf32, #tpu.memory_space<vmem>> -> memref<128xf32, #tpu.memory_space<vmem>>
    %dma_wait3A_1465 = arith.constant 7296 : i32
    %dma_wait3A_1466 = tpu.memref_slice %arg9[%dma_wait3A_1465] : memref<8192xi32, #tpu.memory_space<vmem>> -> memref<128xi32, #tpu.memory_space<vmem>>
    %dma_wait3A_1467 = arith.constant 0 : i32
    %dma_wait3A_1468 = tpu.memref_slice %arg5[%dma_wait3A_1467] : memref<16000000xf32, #tpu.memory_space<hbm>> -> memref<16000000xf32, #tpu.memory_space<hbm>>
    tpu.wait_indirect_dma semaphore(%arg15 : memref<!tpu.dma_semaphore, #tpu.memory_space<semaphore_mem>>) src(%dma_wait3A_1468 : memref<16000000xf32, #tpu.memory_space<hbm>>) dst(%dma_wait3A_1464 : memref<128xf32, #tpu.memory_space<vmem>>)
    %dma_wait3A_1469 = arith.constant 7424 : i32
    %dma_wait3A_1470 = tpu.memref_slice %arg10[%dma_wait3A_1469] : memref<8192xf32, #tpu.memory_space<vmem>> -> memref<128xf32, #tpu.memory_space<vmem>>
    %dma_wait3A_1471 = arith.constant 7424 : i32
    %dma_wait3A_1472 = tpu.memref_slice %arg8[%dma_wait3A_1471] : memref<8192xi32, #tpu.memory_space<vmem>> -> memref<128xi32, #tpu.memory_space<vmem>>
    %dma_wait3A_1473 = arith.constant 0 : i32
    %dma_wait3A_1474 = tpu.memref_slice %arg4[%dma_wait3A_1473] : memref<16000000xf32, #tpu.memory_space<hbm>> -> memref<16000000xf32, #tpu.memory_space<hbm>>
    tpu.wait_indirect_dma semaphore(%arg14 : memref<!tpu.dma_semaphore, #tpu.memory_space<semaphore_mem>>) src(%dma_wait3A_1474 : memref<16000000xf32, #tpu.memory_space<hbm>>) dst(%dma_wait3A_1470 : memref<128xf32, #tpu.memory_space<vmem>>)
    %dma_wait3A_1475 = arith.constant 7424 : i32
    %dma_wait3A_1476 = tpu.memref_slice %arg11[%dma_wait3A_1475] : memref<8192xf32, #tpu.memory_space<vmem>> -> memref<128xf32, #tpu.memory_space<vmem>>
    %dma_wait3A_1477 = arith.constant 7424 : i32
    %dma_wait3A_1478 = tpu.memref_slice %arg9[%dma_wait3A_1477] : memref<8192xi32, #tpu.memory_space<vmem>> -> memref<128xi32, #tpu.memory_space<vmem>>
    %dma_wait3A_1479 = arith.constant 0 : i32
    %dma_wait3A_1480 = tpu.memref_slice %arg5[%dma_wait3A_1479] : memref<16000000xf32, #tpu.memory_space<hbm>> -> memref<16000000xf32, #tpu.memory_space<hbm>>
    tpu.wait_indirect_dma semaphore(%arg15 : memref<!tpu.dma_semaphore, #tpu.memory_space<semaphore_mem>>) src(%dma_wait3A_1480 : memref<16000000xf32, #tpu.memory_space<hbm>>) dst(%dma_wait3A_1476 : memref<128xf32, #tpu.memory_space<vmem>>)
    %dma_wait3A_1481 = arith.constant 7552 : i32
    %dma_wait3A_1482 = tpu.memref_slice %arg10[%dma_wait3A_1481] : memref<8192xf32, #tpu.memory_space<vmem>> -> memref<128xf32, #tpu.memory_space<vmem>>
    %dma_wait3A_1483 = arith.constant 7552 : i32
    %dma_wait3A_1484 = tpu.memref_slice %arg8[%dma_wait3A_1483] : memref<8192xi32, #tpu.memory_space<vmem>> -> memref<128xi32, #tpu.memory_space<vmem>>
    %dma_wait3A_1485 = arith.constant 0 : i32
    %dma_wait3A_1486 = tpu.memref_slice %arg4[%dma_wait3A_1485] : memref<16000000xf32, #tpu.memory_space<hbm>> -> memref<16000000xf32, #tpu.memory_space<hbm>>
    tpu.wait_indirect_dma semaphore(%arg14 : memref<!tpu.dma_semaphore, #tpu.memory_space<semaphore_mem>>) src(%dma_wait3A_1486 : memref<16000000xf32, #tpu.memory_space<hbm>>) dst(%dma_wait3A_1482 : memref<128xf32, #tpu.memory_space<vmem>>)
    %dma_wait3A_1487 = arith.constant 7552 : i32
    %dma_wait3A_1488 = tpu.memref_slice %arg11[%dma_wait3A_1487] : memref<8192xf32, #tpu.memory_space<vmem>> -> memref<128xf32, #tpu.memory_space<vmem>>
    %dma_wait3A_1489 = arith.constant 7552 : i32
    %dma_wait3A_1490 = tpu.memref_slice %arg9[%dma_wait3A_1489] : memref<8192xi32, #tpu.memory_space<vmem>> -> memref<128xi32, #tpu.memory_space<vmem>>
    %dma_wait3A_1491 = arith.constant 0 : i32
    %dma_wait3A_1492 = tpu.memref_slice %arg5[%dma_wait3A_1491] : memref<16000000xf32, #tpu.memory_space<hbm>> -> memref<16000000xf32, #tpu.memory_space<hbm>>
    tpu.wait_indirect_dma semaphore(%arg15 : memref<!tpu.dma_semaphore, #tpu.memory_space<semaphore_mem>>) src(%dma_wait3A_1492 : memref<16000000xf32, #tpu.memory_space<hbm>>) dst(%dma_wait3A_1488 : memref<128xf32, #tpu.memory_space<vmem>>)
    %dma_wait3A_1493 = arith.constant 7680 : i32
    %dma_wait3A_1494 = tpu.memref_slice %arg10[%dma_wait3A_1493] : memref<8192xf32, #tpu.memory_space<vmem>> -> memref<128xf32, #tpu.memory_space<vmem>>
    %dma_wait3A_1495 = arith.constant 7680 : i32
    %dma_wait3A_1496 = tpu.memref_slice %arg8[%dma_wait3A_1495] : memref<8192xi32, #tpu.memory_space<vmem>> -> memref<128xi32, #tpu.memory_space<vmem>>
    %dma_wait3A_1497 = arith.constant 0 : i32
    %dma_wait3A_1498 = tpu.memref_slice %arg4[%dma_wait3A_1497] : memref<16000000xf32, #tpu.memory_space<hbm>> -> memref<16000000xf32, #tpu.memory_space<hbm>>
    tpu.wait_indirect_dma semaphore(%arg14 : memref<!tpu.dma_semaphore, #tpu.memory_space<semaphore_mem>>) src(%dma_wait3A_1498 : memref<16000000xf32, #tpu.memory_space<hbm>>) dst(%dma_wait3A_1494 : memref<128xf32, #tpu.memory_space<vmem>>)
    %dma_wait3A_1499 = arith.constant 7680 : i32
    %dma_wait3A_1500 = tpu.memref_slice %arg11[%dma_wait3A_1499] : memref<8192xf32, #tpu.memory_space<vmem>> -> memref<128xf32, #tpu.memory_space<vmem>>
    %dma_wait3A_1501 = arith.constant 7680 : i32
    %dma_wait3A_1502 = tpu.memref_slice %arg9[%dma_wait3A_1501] : memref<8192xi32, #tpu.memory_space<vmem>> -> memref<128xi32, #tpu.memory_space<vmem>>
    %dma_wait3A_1503 = arith.constant 0 : i32
    %dma_wait3A_1504 = tpu.memref_slice %arg5[%dma_wait3A_1503] : memref<16000000xf32, #tpu.memory_space<hbm>> -> memref<16000000xf32, #tpu.memory_space<hbm>>
    tpu.wait_indirect_dma semaphore(%arg15 : memref<!tpu.dma_semaphore, #tpu.memory_space<semaphore_mem>>) src(%dma_wait3A_1504 : memref<16000000xf32, #tpu.memory_space<hbm>>) dst(%dma_wait3A_1500 : memref<128xf32, #tpu.memory_space<vmem>>)
    %dma_wait3A_1505 = arith.constant 7808 : i32
    %dma_wait3A_1506 = tpu.memref_slice %arg10[%dma_wait3A_1505] : memref<8192xf32, #tpu.memory_space<vmem>> -> memref<128xf32, #tpu.memory_space<vmem>>
    %dma_wait3A_1507 = arith.constant 7808 : i32
    %dma_wait3A_1508 = tpu.memref_slice %arg8[%dma_wait3A_1507] : memref<8192xi32, #tpu.memory_space<vmem>> -> memref<128xi32, #tpu.memory_space<vmem>>
    %dma_wait3A_1509 = arith.constant 0 : i32
    %dma_wait3A_1510 = tpu.memref_slice %arg4[%dma_wait3A_1509] : memref<16000000xf32, #tpu.memory_space<hbm>> -> memref<16000000xf32, #tpu.memory_space<hbm>>
    tpu.wait_indirect_dma semaphore(%arg14 : memref<!tpu.dma_semaphore, #tpu.memory_space<semaphore_mem>>) src(%dma_wait3A_1510 : memref<16000000xf32, #tpu.memory_space<hbm>>) dst(%dma_wait3A_1506 : memref<128xf32, #tpu.memory_space<vmem>>)
    %dma_wait3A_1511 = arith.constant 7808 : i32
    %dma_wait3A_1512 = tpu.memref_slice %arg11[%dma_wait3A_1511] : memref<8192xf32, #tpu.memory_space<vmem>> -> memref<128xf32, #tpu.memory_space<vmem>>
    %dma_wait3A_1513 = arith.constant 7808 : i32
    %dma_wait3A_1514 = tpu.memref_slice %arg9[%dma_wait3A_1513] : memref<8192xi32, #tpu.memory_space<vmem>> -> memref<128xi32, #tpu.memory_space<vmem>>
    %dma_wait3A_1515 = arith.constant 0 : i32
    %dma_wait3A_1516 = tpu.memref_slice %arg5[%dma_wait3A_1515] : memref<16000000xf32, #tpu.memory_space<hbm>> -> memref<16000000xf32, #tpu.memory_space<hbm>>
    tpu.wait_indirect_dma semaphore(%arg15 : memref<!tpu.dma_semaphore, #tpu.memory_space<semaphore_mem>>) src(%dma_wait3A_1516 : memref<16000000xf32, #tpu.memory_space<hbm>>) dst(%dma_wait3A_1512 : memref<128xf32, #tpu.memory_space<vmem>>)
    %dma_wait3A_1517 = arith.constant 7936 : i32
    %dma_wait3A_1518 = tpu.memref_slice %arg10[%dma_wait3A_1517] : memref<8192xf32, #tpu.memory_space<vmem>> -> memref<128xf32, #tpu.memory_space<vmem>>
    %dma_wait3A_1519 = arith.constant 7936 : i32
    %dma_wait3A_1520 = tpu.memref_slice %arg8[%dma_wait3A_1519] : memref<8192xi32, #tpu.memory_space<vmem>> -> memref<128xi32, #tpu.memory_space<vmem>>
    %dma_wait3A_1521 = arith.constant 0 : i32
    %dma_wait3A_1522 = tpu.memref_slice %arg4[%dma_wait3A_1521] : memref<16000000xf32, #tpu.memory_space<hbm>> -> memref<16000000xf32, #tpu.memory_space<hbm>>
    tpu.wait_indirect_dma semaphore(%arg14 : memref<!tpu.dma_semaphore, #tpu.memory_space<semaphore_mem>>) src(%dma_wait3A_1522 : memref<16000000xf32, #tpu.memory_space<hbm>>) dst(%dma_wait3A_1518 : memref<128xf32, #tpu.memory_space<vmem>>)
    %dma_wait3A_1523 = arith.constant 7936 : i32
    %dma_wait3A_1524 = tpu.memref_slice %arg11[%dma_wait3A_1523] : memref<8192xf32, #tpu.memory_space<vmem>> -> memref<128xf32, #tpu.memory_space<vmem>>
    %dma_wait3A_1525 = arith.constant 7936 : i32
    %dma_wait3A_1526 = tpu.memref_slice %arg9[%dma_wait3A_1525] : memref<8192xi32, #tpu.memory_space<vmem>> -> memref<128xi32, #tpu.memory_space<vmem>>
    %dma_wait3A_1527 = arith.constant 0 : i32
    %dma_wait3A_1528 = tpu.memref_slice %arg5[%dma_wait3A_1527] : memref<16000000xf32, #tpu.memory_space<hbm>> -> memref<16000000xf32, #tpu.memory_space<hbm>>
    tpu.wait_indirect_dma semaphore(%arg15 : memref<!tpu.dma_semaphore, #tpu.memory_space<semaphore_mem>>) src(%dma_wait3A_1528 : memref<16000000xf32, #tpu.memory_space<hbm>>) dst(%dma_wait3A_1524 : memref<128xf32, #tpu.memory_space<vmem>>)
    %dma_wait3A_1529 = arith.constant 8064 : i32
    %dma_wait3A_1530 = tpu.memref_slice %arg10[%dma_wait3A_1529] : memref<8192xf32, #tpu.memory_space<vmem>> -> memref<128xf32, #tpu.memory_space<vmem>>
    %dma_wait3A_1531 = arith.constant 8064 : i32
    %dma_wait3A_1532 = tpu.memref_slice %arg8[%dma_wait3A_1531] : memref<8192xi32, #tpu.memory_space<vmem>> -> memref<128xi32, #tpu.memory_space<vmem>>
    %dma_wait3A_1533 = arith.constant 0 : i32
    %dma_wait3A_1534 = tpu.memref_slice %arg4[%dma_wait3A_1533] : memref<16000000xf32, #tpu.memory_space<hbm>> -> memref<16000000xf32, #tpu.memory_space<hbm>>
    tpu.wait_indirect_dma semaphore(%arg14 : memref<!tpu.dma_semaphore, #tpu.memory_space<semaphore_mem>>) src(%dma_wait3A_1534 : memref<16000000xf32, #tpu.memory_space<hbm>>) dst(%dma_wait3A_1530 : memref<128xf32, #tpu.memory_space<vmem>>)
    %dma_wait3A_1535 = arith.constant 8064 : i32
    %dma_wait3A_1536 = tpu.memref_slice %arg11[%dma_wait3A_1535] : memref<8192xf32, #tpu.memory_space<vmem>> -> memref<128xf32, #tpu.memory_space<vmem>>
    %dma_wait3A_1537 = arith.constant 8064 : i32
    %dma_wait3A_1538 = tpu.memref_slice %arg9[%dma_wait3A_1537] : memref<8192xi32, #tpu.memory_space<vmem>> -> memref<128xi32, #tpu.memory_space<vmem>>
    %dma_wait3A_1539 = arith.constant 0 : i32
    %dma_wait3A_1540 = tpu.memref_slice %arg5[%dma_wait3A_1539] : memref<16000000xf32, #tpu.memory_space<hbm>> -> memref<16000000xf32, #tpu.memory_space<hbm>>
    tpu.wait_indirect_dma semaphore(%arg15 : memref<!tpu.dma_semaphore, #tpu.memory_space<semaphore_mem>>) src(%dma_wait3A_1540 : memref<16000000xf32, #tpu.memory_space<hbm>>) dst(%dma_wait3A_1536 : memref<128xf32, #tpu.memory_space<vmem>>)
    %get3A = arith.constant 16 : index
    %get3A_1541 = tpu.vector_load %arg13[%get3A] {strides = array<i32>} : memref<32xf32, #tpu.memory_space<vmem>>, vector<16xf32>,
    %iota3A = tpu.iota {dimensions = array<i32: 0>} : vector<16xi32>
    %broadcast_in_dim3A = arith.constant 0 : i32
    %broadcast_in_dim3A_1542 = vector.broadcast %broadcast_in_dim3A : i32 to vector<16xi32>
    %gather3A = tpu.vector_load_idx %arg13[%broadcast_in_dim3A_1542] : memref<32xf32, #tpu.memory_space<vmem>>[vector<16xi32>], vector<16xf32>,
    %broadcast_in_dim3A_1543 = arith.constant 1 : i32
    %broadcast_in_dim3A_1544 = vector.broadcast %broadcast_in_dim3A_1543 : i32 to vector<16xi32>
    %gather3A_1545 = tpu.vector_load_idx %arg13[%broadcast_in_dim3A_1544] : memref<32xf32, #tpu.memory_space<vmem>>[vector<16xi32>], vector<16xf32>,
    %broadcast_in_dim3A_1546 = arith.constant 2 : i32
    %broadcast_in_dim3A_1547 = vector.broadcast %broadcast_in_dim3A_1546 : i32 to vector<16xi32>
    %gather3A_1548 = tpu.vector_load_idx %arg13[%broadcast_in_dim3A_1547] : memref<32xf32, #tpu.memory_space<vmem>>[vector<16xi32>], vector<16xf32>,
    %broadcast_in_dim3A_1549 = arith.constant 3 : i32
    %broadcast_in_dim3A_1550 = vector.broadcast %broadcast_in_dim3A_1549 : i32 to vector<16xi32>
    %gather3A_1551 = tpu.vector_load_idx %arg13[%broadcast_in_dim3A_1550] : memref<32xf32, #tpu.memory_space<vmem>>[vector<16xi32>], vector<16xf32>,
    %broadcast_in_dim3A_1552 = arith.constant 4 : i32
    %broadcast_in_dim3A_1553 = vector.broadcast %broadcast_in_dim3A_1552 : i32 to vector<16xi32>
    %gather3A_1554 = tpu.vector_load_idx %arg13[%broadcast_in_dim3A_1553] : memref<32xf32, #tpu.memory_space<vmem>>[vector<16xi32>], vector<16xf32>,
    %broadcast_in_dim3A_1555 = arith.constant 5 : i32
    %broadcast_in_dim3A_1556 = vector.broadcast %broadcast_in_dim3A_1555 : i32 to vector<16xi32>
    %gather3A_1557 = tpu.vector_load_idx %arg13[%broadcast_in_dim3A_1556] : memref<32xf32, #tpu.memory_space<vmem>>[vector<16xi32>], vector<16xf32>,
    %broadcast_in_dim3A_1558 = arith.constant 6 : i32
    %broadcast_in_dim3A_1559 = vector.broadcast %broadcast_in_dim3A_1558 : i32 to vector<16xi32>
    %gather3A_1560 = tpu.vector_load_idx %arg13[%broadcast_in_dim3A_1559] : memref<32xf32, #tpu.memory_space<vmem>>[vector<16xi32>], vector<16xf32>,
    %broadcast_in_dim3A_1561 = arith.constant 7 : i32
    %broadcast_in_dim3A_1562 = vector.broadcast %broadcast_in_dim3A_1561 : i32 to vector<16xi32>
    %gather3A_1563 = tpu.vector_load_idx %arg13[%broadcast_in_dim3A_1562] : memref<32xf32, #tpu.memory_space<vmem>>[vector<16xi32>], vector<16xf32>,
    %broadcast_in_dim3A_1564 = arith.constant 8 : i32
    %broadcast_in_dim3A_1565 = vector.broadcast %broadcast_in_dim3A_1564 : i32 to vector<16xi32>
    %gather3A_1566 = tpu.vector_load_idx %arg13[%broadcast_in_dim3A_1565] : memref<32xf32, #tpu.memory_space<vmem>>[vector<16xi32>], vector<16xf32>,
    %broadcast_in_dim3A_1567 = arith.constant 9 : i32
    %broadcast_in_dim3A_1568 = vector.broadcast %broadcast_in_dim3A_1567 : i32 to vector<16xi32>
    %gather3A_1569 = tpu.vector_load_idx %arg13[%broadcast_in_dim3A_1568] : memref<32xf32, #tpu.memory_space<vmem>>[vector<16xi32>], vector<16xf32>,
    %broadcast_in_dim3A_1570 = arith.constant 10 : i32
    %broadcast_in_dim3A_1571 = vector.broadcast %broadcast_in_dim3A_1570 : i32 to vector<16xi32>
    %gather3A_1572 = tpu.vector_load_idx %arg13[%broadcast_in_dim3A_1571] : memref<32xf32, #tpu.memory_space<vmem>>[vector<16xi32>], vector<16xf32>,
    %broadcast_in_dim3A_1573 = arith.constant 11 : i32
    %broadcast_in_dim3A_1574 = vector.broadcast %broadcast_in_dim3A_1573 : i32 to vector<16xi32>
    %gather3A_1575 = tpu.vector_load_idx %arg13[%broadcast_in_dim3A_1574] : memref<32xf32, #tpu.memory_space<vmem>>[vector<16xi32>], vector<16xf32>,
    %broadcast_in_dim3A_1576 = arith.constant 12 : i32
    %broadcast_in_dim3A_1577 = vector.broadcast %broadcast_in_dim3A_1576 : i32 to vector<16xi32>
    %gather3A_1578 = tpu.vector_load_idx %arg13[%broadcast_in_dim3A_1577] : memref<32xf32, #tpu.memory_space<vmem>>[vector<16xi32>], vector<16xf32>,
    %broadcast_in_dim3A_1579 = arith.constant 13 : i32
    %broadcast_in_dim3A_1580 = vector.broadcast %broadcast_in_dim3A_1579 : i32 to vector<16xi32>
    %gather3A_1581 = tpu.vector_load_idx %arg13[%broadcast_in_dim3A_1580] : memref<32xf32, #tpu.memory_space<vmem>>[vector<16xi32>], vector<16xf32>,
    %broadcast_in_dim3A_1582 = arith.constant 14 : i32
    %broadcast_in_dim3A_1583 = vector.broadcast %broadcast_in_dim3A_1582 : i32 to vector<16xi32>
    %gather3A_1584 = tpu.vector_load_idx %arg13[%broadcast_in_dim3A_1583] : memref<32xf32, #tpu.memory_space<vmem>>[vector<16xi32>], vector<16xf32>,
    %broadcast_in_dim3A_1585 = arith.constant 15 : i32
    %broadcast_in_dim3A_1586 = vector.broadcast %broadcast_in_dim3A_1585 : i32 to vector<16xi32>
    %gather3A_1587 = tpu.vector_load_idx %arg13[%broadcast_in_dim3A_1586] : memref<32xf32, #tpu.memory_space<vmem>>[vector<16xi32>], vector<16xf32>,
    %scan3A = arith.constant 0 : i32
    %scan3A_1588 = arith.constant 0 : i32
    %scan3A_1589 = arith.constant 32 : i32
    %scan3A_1590 = arith.addi %scan3A_1588, %scan3A_1589 : i32
    %scan3A_1591 = arith.constant 1 : i32
    scf.for %scan3A_1593 = %scan3A_1588 to %scan3A_1590 step %scan3A_1591  : i32 {
      %mul3A_1594 = arith.constant 16 : i32
      %mul3A_1595 = arith.muli %scan3A_1593, %mul3A_1594 : i32
      %mul3A_1596 = arith.constant 16 : i32
      %mul3A_1597 = arith.muli %mul3A_1595, %mul3A_1596 : i32
      %add3A_1598 = arith.constant 0 : i32
      %add3A_1599 = arith.addi %mul3A_1597, %add3A_1598 : i32
      %get3A_1600 = arith.index_cast %add3A_1599 : i32 to index
      %get3A_1601 = tpu.vector_load %arg10[%get3A_1600] {strides = array<i32>} : memref<8192xf32, #tpu.memory_space<vmem>>, vector<16xf32>,
      %add3A_1602 = arith.constant 0 : i32
      %add3A_1603 = arith.addi %mul3A_1597, %add3A_1602 : i32
      %get3A_1604 = arith.index_cast %add3A_1603 : i32 to index
      %get3A_1605 = tpu.vector_load %arg11[%get3A_1604] {strides = array<i32>} : memref<8192xf32, #tpu.memory_space<vmem>>, vector<16xf32>,
      %mul3A_1606 = arith.mulf %get3A_1601, %get3A_1605 : vector<16xf32>
      %mul3A_1607 = arith.mulf %mul3A_1606, %gather3A : vector<16xf32>
      %add3A_1608 = arith.addf %get3A_1541, %mul3A_1607 : vector<16xf32>
      %add3A_1609 = arith.constant 16 : i32
      %add3A_1610 = arith.addi %mul3A_1597, %add3A_1609 : i32
      %get3A_1611 = arith.index_cast %add3A_1610 : i32 to index
      %get3A_1612 = tpu.vector_load %arg10[%get3A_1611] {strides = array<i32>} : memref<8192xf32, #tpu.memory_space<vmem>>, vector<16xf32>,
      %add3A_1613 = arith.constant 16 : i32
      %add3A_1614 = arith.addi %mul3A_1597, %add3A_1613 : i32
      %get3A_1615 = arith.index_cast %add3A_1614 : i32 to index
      %get3A_1616 = tpu.vector_load %arg11[%get3A_1615] {strides = array<i32>} : memref<8192xf32, #tpu.memory_space<vmem>>, vector<16xf32>,
      %mul3A_1617 = arith.mulf %get3A_1612, %get3A_1616 : vector<16xf32>
      %mul3A_1618 = arith.mulf %mul3A_1617, %gather3A_1545 : vector<16xf32>
      %add3A_1619 = arith.addf %add3A_1608, %mul3A_1618 : vector<16xf32>
      %add3A_1620 = arith.constant 32 : i32
      %add3A_1621 = arith.addi %mul3A_1597, %add3A_1620 : i32
      %get3A_1622 = arith.index_cast %add3A_1621 : i32 to index
      %get3A_1623 = tpu.vector_load %arg10[%get3A_1622] {strides = array<i32>} : memref<8192xf32, #tpu.memory_space<vmem>>, vector<16xf32>,
      %add3A_1624 = arith.constant 32 : i32
      %add3A_1625 = arith.addi %mul3A_1597, %add3A_1624 : i32
      %get3A_1626 = arith.index_cast %add3A_1625 : i32 to index
      %get3A_1627 = tpu.vector_load %arg11[%get3A_1626] {strides = array<i32>} : memref<8192xf32, #tpu.memory_space<vmem>>, vector<16xf32>,
      %mul3A_1628 = arith.mulf %get3A_1623, %get3A_1627 : vector<16xf32>
      %mul3A_1629 = arith.mulf %mul3A_1628, %gather3A_1548 : vector<16xf32>
      %add3A_1630 = arith.addf %add3A_1619, %mul3A_1629 : vector<16xf32>
      %add3A_1631 = arith.constant 48 : i32
      %add3A_1632 = arith.addi %mul3A_1597, %add3A_1631 : i32
      %get3A_1633 = arith.index_cast %add3A_1632 : i32 to index
      %get3A_1634 = tpu.vector_load %arg10[%get3A_1633] {strides = array<i32>} : memref<8192xf32, #tpu.memory_space<vmem>>, vector<16xf32>,
      %add3A_1635 = arith.constant 48 : i32
      %add3A_1636 = arith.addi %mul3A_1597, %add3A_1635 : i32
      %get3A_1637 = arith.index_cast %add3A_1636 : i32 to index
      %get3A_1638 = tpu.vector_load %arg11[%get3A_1637] {strides = array<i32>} : memref<8192xf32, #tpu.memory_space<vmem>>, vector<16xf32>,
      %mul3A_1639 = arith.mulf %get3A_1634, %get3A_1638 : vector<16xf32>
      %mul3A_1640 = arith.mulf %mul3A_1639, %gather3A_1551 : vector<16xf32>
      %add3A_1641 = arith.addf %add3A_1630, %mul3A_1640 : vector<16xf32>
      %add3A_1642 = arith.constant 64 : i32
      %add3A_1643 = arith.addi %mul3A_1597, %add3A_1642 : i32
      %get3A_1644 = arith.index_cast %add3A_1643 : i32 to index
      %get3A_1645 = tpu.vector_load %arg10[%get3A_1644] {strides = array<i32>} : memref<8192xf32, #tpu.memory_space<vmem>>, vector<16xf32>,
      %add3A_1646 = arith.constant 64 : i32
      %add3A_1647 = arith.addi %mul3A_1597, %add3A_1646 : i32
      %get3A_1648 = arith.index_cast %add3A_1647 : i32 to index
      %get3A_1649 = tpu.vector_load %arg11[%get3A_1648] {strides = array<i32>} : memref<8192xf32, #tpu.memory_space<vmem>>, vector<16xf32>,
      %mul3A_1650 = arith.mulf %get3A_1645, %get3A_1649 : vector<16xf32>
      %mul3A_1651 = arith.mulf %mul3A_1650, %gather3A_1554 : vector<16xf32>
      %add3A_1652 = arith.addf %add3A_1641, %mul3A_1651 : vector<16xf32>
      %add3A_1653 = arith.constant 80 : i32
      %add3A_1654 = arith.addi %mul3A_1597, %add3A_1653 : i32
      %get3A_1655 = arith.index_cast %add3A_1654 : i32 to index
      %get3A_1656 = tpu.vector_load %arg10[%get3A_1655] {strides = array<i32>} : memref<8192xf32, #tpu.memory_space<vmem>>, vector<16xf32>,
      %add3A_1657 = arith.constant 80 : i32
      %add3A_1658 = arith.addi %mul3A_1597, %add3A_1657 : i32
      %get3A_1659 = arith.index_cast %add3A_1658 : i32 to index
      %get3A_1660 = tpu.vector_load %arg11[%get3A_1659] {strides = array<i32>} : memref<8192xf32, #tpu.memory_space<vmem>>, vector<16xf32>,
      %mul3A_1661 = arith.mulf %get3A_1656, %get3A_1660 : vector<16xf32>
      %mul3A_1662 = arith.mulf %mul3A_1661, %gather3A_1557 : vector<16xf32>
      %add3A_1663 = arith.addf %add3A_1652, %mul3A_1662 : vector<16xf32>
      %add3A_1664 = arith.constant 96 : i32
      %add3A_1665 = arith.addi %mul3A_1597, %add3A_1664 : i32
      %get3A_1666 = arith.index_cast %add3A_1665 : i32 to index
      %get3A_1667 = tpu.vector_load %arg10[%get3A_1666] {strides = array<i32>} : memref<8192xf32, #tpu.memory_space<vmem>>, vector<16xf32>,
      %add3A_1668 = arith.constant 96 : i32
      %add3A_1669 = arith.addi %mul3A_1597, %add3A_1668 : i32
      %get3A_1670 = arith.index_cast %add3A_1669 : i32 to index
      %get3A_1671 = tpu.vector_load %arg11[%get3A_1670] {strides = array<i32>} : memref<8192xf32, #tpu.memory_space<vmem>>, vector<16xf32>,
      %mul3A_1672 = arith.mulf %get3A_1667, %get3A_1671 : vector<16xf32>
      %mul3A_1673 = arith.mulf %mul3A_1672, %gather3A_1560 : vector<16xf32>
      %add3A_1674 = arith.addf %add3A_1663, %mul3A_1673 : vector<16xf32>
      %add3A_1675 = arith.constant 112 : i32
      %add3A_1676 = arith.addi %mul3A_1597, %add3A_1675 : i32
      %get3A_1677 = arith.index_cast %add3A_1676 : i32 to index
      %get3A_1678 = tpu.vector_load %arg10[%get3A_1677] {strides = array<i32>} : memref<8192xf32, #tpu.memory_space<vmem>>, vector<16xf32>,
      %add3A_1679 = arith.constant 112 : i32
      %add3A_1680 = arith.addi %mul3A_1597, %add3A_1679 : i32
      %get3A_1681 = arith.index_cast %add3A_1680 : i32 to index
      %get3A_1682 = tpu.vector_load %arg11[%get3A_1681] {strides = array<i32>} : memref<8192xf32, #tpu.memory_space<vmem>>, vector<16xf32>,
      %mul3A_1683 = arith.mulf %get3A_1678, %get3A_1682 : vector<16xf32>
      %mul3A_1684 = arith.mulf %mul3A_1683, %gather3A_1563 : vector<16xf32>
      %add3A_1685 = arith.addf %add3A_1674, %mul3A_1684 : vector<16xf32>
      %add3A_1686 = arith.constant 128 : i32
      %add3A_1687 = arith.addi %mul3A_1597, %add3A_1686 : i32
      %get3A_1688 = arith.index_cast %add3A_1687 : i32 to index
      %get3A_1689 = tpu.vector_load %arg10[%get3A_1688] {strides = array<i32>} : memref<8192xf32, #tpu.memory_space<vmem>>, vector<16xf32>,
      %add3A_1690 = arith.constant 128 : i32
      %add3A_1691 = arith.addi %mul3A_1597, %add3A_1690 : i32
      %get3A_1692 = arith.index_cast %add3A_1691 : i32 to index
      %get3A_1693 = tpu.vector_load %arg11[%get3A_1692] {strides = array<i32>} : memref<8192xf32, #tpu.memory_space<vmem>>, vector<16xf32>,
      %mul3A_1694 = arith.mulf %get3A_1689, %get3A_1693 : vector<16xf32>
      %mul3A_1695 = arith.mulf %mul3A_1694, %gather3A_1566 : vector<16xf32>
      %add3A_1696 = arith.addf %add3A_1685, %mul3A_1695 : vector<16xf32>
      %add3A_1697 = arith.constant 144 : i32
      %add3A_1698 = arith.addi %mul3A_1597, %add3A_1697 : i32
      %get3A_1699 = arith.index_cast %add3A_1698 : i32 to index
      %get3A_1700 = tpu.vector_load %arg10[%get3A_1699] {strides = array<i32>} : memref<8192xf32, #tpu.memory_space<vmem>>, vector<16xf32>,
      %add3A_1701 = arith.constant 144 : i32
      %add3A_1702 = arith.addi %mul3A_1597, %add3A_1701 : i32
      %get3A_1703 = arith.index_cast %add3A_1702 : i32 to index
      %get3A_1704 = tpu.vector_load %arg11[%get3A_1703] {strides = array<i32>} : memref<8192xf32, #tpu.memory_space<vmem>>, vector<16xf32>,
      %mul3A_1705 = arith.mulf %get3A_1700, %get3A_1704 : vector<16xf32>
      %mul3A_1706 = arith.mulf %mul3A_1705, %gather3A_1569 : vector<16xf32>
      %add3A_1707 = arith.addf %add3A_1696, %mul3A_1706 : vector<16xf32>
      %add3A_1708 = arith.constant 160 : i32
      %add3A_1709 = arith.addi %mul3A_1597, %add3A_1708 : i32
      %get3A_1710 = arith.index_cast %add3A_1709 : i32 to index
      %get3A_1711 = tpu.vector_load %arg10[%get3A_1710] {strides = array<i32>} : memref<8192xf32, #tpu.memory_space<vmem>>, vector<16xf32>,
      %add3A_1712 = arith.constant 160 : i32
      %add3A_1713 = arith.addi %mul3A_1597, %add3A_1712 : i32
      %get3A_1714 = arith.index_cast %add3A_1713 : i32 to index
      %get3A_1715 = tpu.vector_load %arg11[%get3A_1714] {strides = array<i32>} : memref<8192xf32, #tpu.memory_space<vmem>>, vector<16xf32>,
      %mul3A_1716 = arith.mulf %get3A_1711, %get3A_1715 : vector<16xf32>
      %mul3A_1717 = arith.mulf %mul3A_1716, %gather3A_1572 : vector<16xf32>
      %add3A_1718 = arith.addf %add3A_1707, %mul3A_1717 : vector<16xf32>
      %add3A_1719 = arith.constant 176 : i32
      %add3A_1720 = arith.addi %mul3A_1597, %add3A_1719 : i32
      %get3A_1721 = arith.index_cast %add3A_1720 : i32 to index
      %get3A_1722 = tpu.vector_load %arg10[%get3A_1721] {strides = array<i32>} : memref<8192xf32, #tpu.memory_space<vmem>>, vector<16xf32>,
      %add3A_1723 = arith.constant 176 : i32
      %add3A_1724 = arith.addi %mul3A_1597, %add3A_1723 : i32
      %get3A_1725 = arith.index_cast %add3A_1724 : i32 to index
      %get3A_1726 = tpu.vector_load %arg11[%get3A_1725] {strides = array<i32>} : memref<8192xf32, #tpu.memory_space<vmem>>, vector<16xf32>,
      %mul3A_1727 = arith.mulf %get3A_1722, %get3A_1726 : vector<16xf32>
      %mul3A_1728 = arith.mulf %mul3A_1727, %gather3A_1575 : vector<16xf32>
      %add3A_1729 = arith.addf %add3A_1718, %mul3A_1728 : vector<16xf32>
      %add3A_1730 = arith.constant 192 : i32
      %add3A_1731 = arith.addi %mul3A_1597, %add3A_1730 : i32
      %get3A_1732 = arith.index_cast %add3A_1731 : i32 to index
      %get3A_1733 = tpu.vector_load %arg10[%get3A_1732] {strides = array<i32>} : memref<8192xf32, #tpu.memory_space<vmem>>, vector<16xf32>,
      %add3A_1734 = arith.constant 192 : i32
      %add3A_1735 = arith.addi %mul3A_1597, %add3A_1734 : i32
      %get3A_1736 = arith.index_cast %add3A_1735 : i32 to index
      %get3A_1737 = tpu.vector_load %arg11[%get3A_1736] {strides = array<i32>} : memref<8192xf32, #tpu.memory_space<vmem>>, vector<16xf32>,
      %mul3A_1738 = arith.mulf %get3A_1733, %get3A_1737 : vector<16xf32>
      %mul3A_1739 = arith.mulf %mul3A_1738, %gather3A_1578 : vector<16xf32>
      %add3A_1740 = arith.addf %add3A_1729, %mul3A_1739 : vector<16xf32>
      %add3A_1741 = arith.constant 208 : i32
      %add3A_1742 = arith.addi %mul3A_1597, %add3A_1741 : i32
      %get3A_1743 = arith.index_cast %add3A_1742 : i32 to index
      %get3A_1744 = tpu.vector_load %arg10[%get3A_1743] {strides = array<i32>} : memref<8192xf32, #tpu.memory_space<vmem>>, vector<16xf32>,
      %add3A_1745 = arith.constant 208 : i32
      %add3A_1746 = arith.addi %mul3A_1597, %add3A_1745 : i32
      %get3A_1747 = arith.index_cast %add3A_1746 : i32 to index
      %get3A_1748 = tpu.vector_load %arg11[%get3A_1747] {strides = array<i32>} : memref<8192xf32, #tpu.memory_space<vmem>>, vector<16xf32>,
      %mul3A_1749 = arith.mulf %get3A_1744, %get3A_1748 : vector<16xf32>
      %mul3A_1750 = arith.mulf %mul3A_1749, %gather3A_1581 : vector<16xf32>
      %add3A_1751 = arith.addf %add3A_1740, %mul3A_1750 : vector<16xf32>
      %add3A_1752 = arith.constant 224 : i32
      %add3A_1753 = arith.addi %mul3A_1597, %add3A_1752 : i32
      %get3A_1754 = arith.index_cast %add3A_1753 : i32 to index
      %get3A_1755 = tpu.vector_load %arg10[%get3A_1754] {strides = array<i32>} : memref<8192xf32, #tpu.memory_space<vmem>>, vector<16xf32>,
      %add3A_1756 = arith.constant 224 : i32
      %add3A_1757 = arith.addi %mul3A_1597, %add3A_1756 : i32
      %get3A_1758 = arith.index_cast %add3A_1757 : i32 to index
      %get3A_1759 = tpu.vector_load %arg11[%get3A_1758] {strides = array<i32>} : memref<8192xf32, #tpu.memory_space<vmem>>, vector<16xf32>,
      %mul3A_1760 = arith.mulf %get3A_1755, %get3A_1759 : vector<16xf32>
      %mul3A_1761 = arith.mulf %mul3A_1760, %gather3A_1584 : vector<16xf32>
      %add3A_1762 = arith.addf %add3A_1751, %mul3A_1761 : vector<16xf32>
      %add3A_1763 = arith.constant 240 : i32
      %add3A_1764 = arith.addi %mul3A_1597, %add3A_1763 : i32
      %get3A_1765 = arith.index_cast %add3A_1764 : i32 to index
      %get3A_1766 = tpu.vector_load %arg10[%get3A_1765] {strides = array<i32>} : memref<8192xf32, #tpu.memory_space<vmem>>, vector<16xf32>,
      %add3A_1767 = arith.constant 240 : i32
      %add3A_1768 = arith.addi %mul3A_1597, %add3A_1767 : i32
      %get3A_1769 = arith.index_cast %add3A_1768 : i32 to index
      %get3A_1770 = tpu.vector_load %arg11[%get3A_1769] {strides = array<i32>} : memref<8192xf32, #tpu.memory_space<vmem>>, vector<16xf32>,
      %mul3A_1771 = arith.mulf %get3A_1766, %get3A_1770 : vector<16xf32>
      %mul3A_1772 = arith.mulf %mul3A_1771, %gather3A_1587 : vector<16xf32>
      %add3A_1773 = arith.addf %add3A_1762, %mul3A_1772 : vector<16xf32>
      %max3A = arith.constant 0.000000e+00 : f32
      %max3A_1774 = vector.broadcast %max3A : f32 to vector<16xf32>
      %max3A_1775 = arith.maximumf %add3A_1773, %max3A_1774 : vector<16xf32>
      %mul3A_1776 = arith.constant 16 : i32
      %mul3A_1777 = arith.muli %scan3A_1593, %mul3A_1776 : i32
      %swap3A = arith.index_cast %mul3A_1777 : i32 to index
      %swap3A_1778 = tpu.vector_load %arg12[%swap3A] {strides = array<i32>} : memref<512xf32, #tpu.memory_space<vmem>>, vector<16xf32>,
      tpu.vector_store %arg12[%swap3A], %max3A_1775 {strides = array<i32>} : memref<512xf32, #tpu.memory_space<vmem>>, vector<16xf32>,
    }
    %scan3A_1592 = arith.constant 32 : i32
    "tpu.region"() ({
      %run_scoped3A = tpu.sem_alloc : memref<!tpu.dma_semaphore, #tpu.memory_space<semaphore_mem>>
      %dma_start3A_1593 = tpu.memref_slice %arg7[%mul3A_2] : memref<16384xf32, #tpu.memory_space<hbm>> -> memref<512xf32, #tpu.memory_space<hbm>>
      %dma_start3A_1594 = tpu.memref_slice %arg7[%mul3A_2] : memref<16384xf32, #tpu.memory_space<hbm>> -> memref<512xf32, #tpu.memory_space<hbm>>
      tpu.enqueue_dma source(%arg12 : memref<512xf32, #tpu.memory_space<vmem>>) target(%dma_start3A_1594 : memref<512xf32, #tpu.memory_space<hbm>>) target_semaphore(%run_scoped3A : memref<!tpu.dma_semaphore, #tpu.memory_space<semaphore_mem>>)
      %dma_wait3A_1595 = tpu.memref_slice %arg7[%mul3A_2] : memref<16384xf32, #tpu.memory_space<hbm>> -> memref<512xf32, #tpu.memory_space<hbm>>
      %dma_wait3A_1596 = tpu.memref_slice %arg7[%mul3A_2] : memref<16384xf32, #tpu.memory_space<hbm>> -> memref<512xf32, #tpu.memory_space<hbm>>
      tpu.wait_dma2 semaphore(%run_scoped3A : memref<!tpu.dma_semaphore, #tpu.memory_space<semaphore_mem>>) src(%arg12 : memref<512xf32, #tpu.memory_space<vmem>>) dst(%dma_wait3A_1596 : memref<512xf32, #tpu.memory_space<hbm>>)
      tpu.yield
    }) : () -> ()
    return
  }
}

</mosaic_0001>

<sc_bundles>
// kernel: kernel.3.cloned.1.call-start
scs
__scs_entry_jumppad:
0x0: {  	(pc) =	sbr.rel $0x88, $3  }
0x1: {  	(tag) =	ssettag $0x0;
	lr =	simm.s32 $0x1  }
0x2: {  	[smem:$0x3F9B] =	sst lr;
	_ =	strace $0xD0000000  }
0x3: {  	_ = 	snop  }
0x4: {  	_ = 	snop  }
0x5: {  	_ = 	snop  }
0x6: {  	_ = 	snop  }
0x7: {  	_ = 	snop  }
__scs_overlays_trampoline_lowered:
0x8: {  	[smem:$0x3FAA] =	sst s0  }
0x9: {  	[smem:$0x3FAB] =	sst s1  }
0xa: {  	[smem:$0x3FAC] =	sst s2  }
0xb: {  	[smem:$0x3FAD] =	sst s3  }
0xc: {  	[smem:$0x3FAE] =	sst s4  }
0xd: {  	[smem:$0x3FAF] =	sst s5  }
0xe: {  	[smem:$0x3FB0] =	sst s6  }
0xf: {  	[smem:$0x3FB1] =	sst s7  }
0x10: {  	[smem:$0x3FB2] =	sst s8  }
0x11: {  	[smem:$0x3FB3] =	sst s9;
	s0 =	simm.s32 @!p0 $0x0  }
0x12: {  	s1 =	sld [smem:$0x3F99];
	s0 =	simm.s32 @p0 $0x1  }
0x13: {  	[smem:$0x3FB4] =	sst s0;
	s0 =	simm.s32 @!p1 $0x0  }
0x14: {  	s2 =	sld [smem:$0x3F98];
	s0 =	simm.s32 @p1 $0x1  }
0x15: {  	[smem:$0x3FB5] =	sst s0;
	s0 =	simm.s32 @!p2 $0x0  }
0x16: {  	s3 =	sld [smem:$0x3FDB];
	s0 =	simm.s32 @p2 $0x1  }
0x17: {  	s4 =	simm.s32 $0x1BF5;
	[smem:$0x3FB7] =	sst s0  }
0x18: {  	s0 =	sld [smem:$0x3F9A];
	_ =	swait.ge [sflag:s4], $0x0  }
0x19: {  	s7 =	sld [smem:$0x3F9B]  }
0x1a: {  	s8 =	sadd.s32 $0xFFFFE003, lr  }
0x1b: {  	s9 =	sadd.s32 $0xFFFFFEF7, lr;
	s5 =	simm.s32 $0xFFFFFFFF;
	p2 =	slt.u32 s8, $0xFFFFF086  }
0x1c: {  	p1 =	slt.u32 s9, $0xF7A;
	s5 =	simm.s32 @!p2 $0x0  }
0x1d: {  	s5 =	simm.s32 @p1 $0x1;
	p0 =	seq.s32 s7, s2  }
0x1e: {  	s7 =	smul.u32 @!p0 $0xF7A, s2;
	p2 =	seq.s32 @!p0 s5, $0x0  }
0x1f: {  	s9 =	smul.u32 $0xF7A, s1;
	s8 =	simm.s32 @!p0 $0x1BF5;
	p2 =	por !p2, p0  }
0x20: {  	[sflag:s8] =	ssyncset.s32 @!p0 $0xFFFFF086;
	s6 =	sadd.s32 @!p0 s3, s7;
	s7 =	simm.s32 @!p0 $0x108  }
0x21: {  	s3 =	sadd.s32 s3, s9;
	s6 =	sadd.s32 @!p0 $0x88, s6;
	s7 =	simm.s32 @p2 $0x1082  }
0x22: {  	[simem:s7], [sflag:s8] =	dma.local @!p0 [hbm:s6], $0xF7A  }
0x23: {  	s9 =	sor.u32 $0xD0000000, s2;
	s6 =	simm.s32 $0x108;
	_ =	swait.ge @!p0 [sflag:s8], $0x0  }
0x24: {  	s3 =	sadd.s32 $0x88, s3;
	s6 =	simm.s32 @!p1 $0x1082;
	[sflag:s4] =	ssyncset.s32 $0xFFFFF086  }
0x25: {  	[simem:s6], [sflag:s4] =	dma.local [hbm:s3], $0xF7A  }
0x26: {  	[smem:$0x3F9B] =	sst s1;
	(tag) =	ssettag s2;
	_ =	strace s9  }
0x27: {  	s1 =	sld [smem:$0x3FAB]  }
0x28: {  	s2 =	sld [smem:$0x3FAC]  }
0x29: {  	s4 =	sld [smem:$0x3FAE]  }
0x2a: {  	p0 =	seq.s32 s5, $0x0;
	s5 =	sld [smem:$0x3FAF]  }
0x2b: {  	s6 =	sld [smem:$0x3FB0]  }
0x2c: {  	s7 =	sld [smem:$0x3FB1]  }
0x2d: {  	s3 =	simm.s32 $0x108;
	s8 =	sld [smem:$0x3FB2]  }
0x2e: {  	s3 =	simm.s32 @!p0 $0x1082;
	s9 =	sld [smem:$0x3FB3]  }
0x2f: {  	lr =	sadd.s32 s0, s3;
	s0 =	sld [smem:$0x3FAA]  }
0x30: {  	s3 =	sld [smem:$0x3FAD]  }
0x31: {  	[smem:$0x3FB6] =	sst s10  }
0x32: {  	s10 =	sld [smem:$0x3FB4];
	_ =	sdelay $0x3  }
0x33: {  	p0 =	seq.s32 s10, $0x1;
	s10 =	sld [smem:$0x3FB6];
	_ =	sdelay $0x3  }
0x34: {  	[smem:$0x3FB6] =	sst s10  }
0x35: {  	s10 =	sld [smem:$0x3FB5];
	_ =	sdelay $0x3  }
0x36: {  	p1 =	seq.s32 s10, $0x1;
	s10 =	sld [smem:$0x3FB6];
	_ =	sdelay $0x3  }
0x37: {  	[smem:$0x3FB6] =	sst s10  }
0x38: {  	s10 =	sld [smem:$0x3FB7]  }
0x39: {  	_ = 	snop;
	(pc) =	sbr.ind lr, $3  }
0x3a: {  	_ = 	snop  }
0x3b: {  	_ = 	snop  }
0x3c: {  	p2 =	seq.s32 s10, $0x1;
	s10 =	sld [smem:$0x3FB6]  }
0x3d: {  	_ =	shalt  }
0x3e: {  	_ =	shalt  }
0x3f: {  	_ =	shalt  }
0x40: {  	_ =	shalt  }
0x41: {  	_ =	shalt  }
0x42: {  	_ =	shalt  }
0x43: {  	_ =	shalt  }
0x44: {  	_ =	shalt  }
0x45: {  	_ =	shalt  }
0x46: {  	_ =	shalt  }
0x47: {  	_ =	shalt  }
0x48: {  	_ =	shalt  }
0x49: {  	_ =	shalt  }
0x4a: {  	_ =	shalt  }
0x4b: {  	_ =	shalt  }
0x4c: {  	_ =	shalt  }
0x4d: {  	_ =	shalt  }
0x4e: {  	_ =	shalt  }
0x4f: {  	_ =	shalt  }
0x50: {  	_ =	shalt  }
0x51: {  	_ =	shalt  }
0x52: {  	_ =	shalt  }
0x53: {  	_ =	shalt  }
0x54: {  	_ =	shalt  }
0x55: {  	_ =	shalt  }
0x56: {  	_ =	shalt  }
0x57: {  	_ =	shalt  }
0x58: {  	_ =	shalt  }
0x59: {  	_ =	shalt  }
0x5a: {  	_ =	shalt  }
0x5b: {  	_ =	shalt  }
0x5c: {  	_ =	shalt  }
0x5d: {  	_ =	shalt  }
0x5e: {  	_ =	shalt  }
0x5f: {  	_ =	shalt  }
0x60: {  	_ =	shalt  }
0x61: {  	_ =	shalt  }
0x62: {  	_ =	shalt  }
0x63: {  	_ =	shalt  }
0x64: {  	_ =	shalt  }
0x65: {  	_ =	shalt  }
0x66: {  	_ =	shalt  }
0x67: {  	_ =	shalt  }
0x68: {  	_ =	shalt  }
0x69: {  	_ =	shalt  }
0x6a: {  	_ =	shalt  }
0x6b: {  	_ =	shalt  }
0x6c: {  	_ =	shalt  }
0x6d: {  	_ =	shalt  }
0x6e: {  	_ =	shalt  }
0x6f: {  	_ =	shalt  }
0x70: {  	_ =	shalt  }
0x71: {  	_ =	shalt  }
0x72: {  	_ =	shalt  }
0x73: {  	_ =	shalt  }
0x74: {  	_ =	shalt  }
0x75: {  	_ =	shalt  }
0x76: {  	_ =	shalt  }
0x77: {  	_ =	shalt  }
0x78: {  	_ =	shalt  }
0x79: {  	_ =	shalt  }
0x7a: {  	_ =	shalt  }
0x7b: {  	_ =	shalt  }
0x7c: {  	_ =	shalt  }
0x7d: {  	_ =	shalt  }
0x7e: {  	_ =	shalt  }
0x7f: {  	_ =	shalt  }
0x80: {  	_ =	shalt  }
0x81: {  	_ =	shalt  }
0x82: {  	_ =	shalt  }
0x83: {  	_ =	shalt  }
0x84: {  	_ =	shalt  }
0x85: {  	_ =	shalt  }
0x86: {  	_ =	shalt  }
0x87: {  	_ =	shalt  }
.Lfunc_end0:
.L_simem_size_0:
called_computation_lowered:
.L_overlay_start_0:
0x88: {  	s2 =	sld [smem:$0x3FD9]  }
0x89: {  	s3 =	sld [smem:$0x3FFE];
	_ =	sdelay $0x1  }
0x8a: {  	s1 =	srdreg.scid  }
0x8b: {  	s0 =	sand.u32 $0x1, s1  }
0x8c: {  	s17 =	sshll.u32 s0, $0xA;
	s2 =	sadd.s32 s3, s2  }
0x8d: {  	s2 =	sadd.s32 s2, s17  }
0x8e: {  	[smem:$0x3FC2] =	sst s2  }
0x8f: {  	_ = 	snop  }
0x90: {  	s2 =	sld [smem:$0x3FD0];
	(tm) =	ssettm $0x1  }
0x91: {  	s18 =	sld [smem:$0x3FFB];
	_ =	sdelay $0x3  }
0x92: {  	_ =	strace s18  }
0x93: {  	s3 =	sld [smem:$0x3FFC];
	_ =	sdelay $0x3  }
0x94: {  	_ =	strace s3  }
0x95: {  	s3 =	sld [smem:$0x3FFD];
	_ =	sdelay $0x3  }
0x96: {  	_ =	strace s3  }
0x97: {  	_ =	strace $0x8FFFFFFF  }
0x98: {  	s19 =	sld [smem:$0x3FDB];
	_ =	sdelay $0x1  }
0x99: {  	s4 =	simm.s32 $_scs_section_size  }
0x9a: {  	s5 =	simm.s32 $_size__tile_overlayer_lowered;
	s6 =	simm.s32 $_tile_overlayer_lowered  }
0x9b: {  	s22 =	simm.s32 $0x1BFF;
	s21 =	sshll.u32 s6, $0x1;
	s3 =	sadd.s32 s4, s19  }
0x9c: {  	s7 =	simm.s32 $0x0;
	s20 =	sshll.u32 s5, $0x1;
	s5 =	sadd.s32 s21, s3  }
0x9d: {  	[timem:s7], [sflag:s22] =	dma.local [hbm:s5], s20  }
0x9e: {  	_ =	swait.ge [sflag:s22], s20  }
0x9f: {  	s4 =	ssub.s32 $0x0, s20;
	[sflag:s22] =	ssyncset.done $0x0  }
0xa0: {  	[sflag:s22] =	ssyncadd.s32 s4;
	_ =	sdelay $0x1  }
0xa1: {  	s23 =	simm.s32 $0x1B8B  }
0xa2: {  	_ =	swait.ge [sflag:s23], $0x1  }
0xa3: {  	[sflag:s23] =	ssyncset.done $0x0  }
0xa4: {  	s25 =	simm.s32 $0x1B8E;
	s24 =	sld [smem:$0x3FFE];
	[sflag:s23] =	ssyncadd.s32 $0xFFFFFFFF  }
0xa5: {  	s26 =	simm.s32 $execute0_lowered;
	[smem:$0x3FD2] =	sst s25  }
0xa6: {  	s5 =	sshll.u32 s26, $0x1;
	_ =	strace $0x80000046;
	[dreg:$0x1] =	wrdreg $0xFFFFFFFF  }
0xa7: {  	s28 =	simm.s32 $_size_execute0_lowered;
	s3 =	sadd.s32 s3, s5;
	[dreg:$0x0] =	wrdreg $0x0  }
0xa8: {  	s5 =	sshll.u32 s28, $0x1;
	[dreg:$0x2] =	wrdreg s3  }
0xa9: {  	[dreg:$0x3] =	wrdreg s5  }
0xaa: {  	[dreg:$0x4] =	wrdreg $0xC0  }
0xab: {  	_ =	task [dreg:s7], $0x5FFFF  }
0xac: {  	[dreg:$0x1] =	wrdreg $0xFFFFFFFF  }
0xad: {  	[dreg:$0x0] =	wrdreg $0x60  }
0xae: {  	[dreg:$0x2] =	wrdreg s24  }
0xaf: {  	[dreg:$0x3] =	wrdreg s2  }
0xb0: {  	[dreg:$0x4] =	wrdreg $0x9  }
0xb1: {  	_ =	task.clear_ibuf [dreg:s7], $0x5FFFF;
	_ =	strace $0x90000046  }
0xb2: {  	s29 =	simm.s32 $0x9;
	_ =	strace $0x80000048  }
0xb3: {  	_ =	swait.ge [sflag:s29], $0x1  }
0xb4: {  	[sflag:s29] =	ssyncadd.s32 $0xFFFFFFFF  }
0xb5: {  	_ =	strace $0x90000048  }
0xb6: {  	_ =	sfence  }
0xb7: {  	s30 =	sld [smem:$0x0];
	_ =	sdelay $0x2  }
0xb8: {  	s31 =	sshll.u32 s1, $0xD;
	s1 =	sshrl.u32 s1, $0x2  }
0xb9: {  	s3 =	sand.u32 $0x4000, s31;
	s1 =	sadd.s32 s1, s30  }
0xba: {  	s0 =	sor.u32 s3, s0;
	s1 =	sshll.u32 s1, $0x11  }
0xbb: {  	s0 =	sor.u32 s1, s0  }
0xbc: {  	s0 =	sadd.s32 $0x8F2B, s0  }
0xbd: {  	[sflag:s0] =	ssyncadd.remote.s32 $0x1  }
0xbe: {  	_ =	sfence.sel $0xFFFF  }
0xbf: {  	[dreg:$0x0] =	wrdreg $0xFFFFFFFF;
	(pc) =	sbr.abs _section_cstart, $3  }
0xc0: {  	[dreg:$0x1] =	wrdreg $0xFFFFFFFF  }
0xc1: {  	_ =	task.clear_ibuf [dreg:s7], $0x2FFFF;
	_ =	strace $0x9FFFFFFF  }
0xc2: {  	(tm) =	ssettm $0x7FFFFFFF  }
0xc3: {  	_ =	shalt  }
tec
execute0_lowered:
.L_overlay_start_1:
0x0: {  	(tag) =	ssettag $0x1  }
0x1: {  	s0 =	rddreg [dreg:$0x0]  }
0x2: {  	s1 =	rddreg [dreg:$0x1]  }
0x3: {  	s3 =	srdreg.scid;
	s5 =	stileid.u32  }
0x4: {  	s2 =	simm.s32 $0x0;
	s10 =	simm.s32 $0x8200;
	s11 =	simm.s32 $0x3  }
0x5: {  	s12 =	simm.s32 $0x2000;
	s13 =	simm.s32 $0x80;
	s28 =	simm.s32 $0x1E80  }
0x6: {  	s29 =	simm.s32 $0x5E80;
	s30 =	simm.s32 $0x3E80;
	s31 =	simm.s32 $0x7E80  }
0x7: {  	s14 =	simm.s32 $0x3F00;
	s15 =	simm.s32 $0x7F00;
	s16 =	simm.s32 $0x1F80  }
0x8: {  	s17 =	simm.s32 $0x5F80;
	s18 =	simm.s32 $0x3F80;
	s19 =	simm.s32 $0x7F80  }
0x9: {  	s20 =	simm.s32 $0x1;
	s21 =	simm.s32 $0x2;
	s22 =	simm.s32 $0x8000  }
0xa: {  	s23 =	simm.s32 $0x0;
	s4 =	sand.u32 $0x1, s3;
	s25 =	sshll.u32 s5, $0x1  }
0xb: {  	[smem:$0x7FF] =	sst s2;
	s5 =	sadd.s32 $0x3D0E00, s0;
	s7 =	sor.u32 s4, s25  }
0xc: {  	v0 =	vimm.s32 $0x1;
	v1 =	vimm.s32 $0x2;
	v2 =	vimm.s32 $0x3;
	_ =	strace $0x80000047;
	s6 =	ssub.s32 $0x2, s4;
	s4 =	sadd.s32 $0x200, s0  }
0xd: {  	v3 =	vimm.s32 $0x4;
	v4 =	vimm.s32 $0x5;
	v5 =	vimm.s32 $0x6;
	s3 =	sshll.u32 s7, $0xA;
	s26 =	sshrl.u32 s6, $0x1;
	s9 =	sshll.u32 s7, $0x6  }
0xe: {  	v6 =	vimm.s32 $0x7;
	v7 =	vimm.s32 $0x8;
	v8 =	vimm.s32 $0x9;
	s8 =	sadd.s32 s3, s0;
	s3 =	sadd.s32 $0x1E8800, s0;
	s0 =	ssub.s32 s6, s26  }
0xf: {  	v9 =	vimm.s32 $0xA;
	v10 =	vimm.s32 $0xB;
	v11 =	vimm.s32 $0xC;
	s6 =	sadd.s32 $0x3D9000, s8;
	s7 =	sadd.s32 $0x3D1000, s8;
	s8 =	sadd.s32 s1, s9  }
0x10: {  	v12 =	vimm.s32 $0xD;
	v13 =	vimm.s32 $0xE;
	v14 =	vimm.s32 $0xF;
	s9 =	smax.u32 s0, $0x1;
	s0 =	simm.s32 $0x1F00;
	s1 =	simm.s32 $0x5F00  }
.LBB2_1:
0x11: {  	[tilespmem:s10], [sflag:$0x3] =	stream.linear.gather [hbm4b:s5+s2], $0x20, $0x38;
	[tilespmem:$0x8220] =	vst v63  }
0x12: {  	_ =	swait.ge [sflag:s11], $0x20  }
0x13: {  	[sflag:s11] =	ssyncset.done $0x0  }
0x14: {  	[sflag:s11] =	ssyncadd.s32 $0xFFFFFFE0  }
0x15: {  	[tilespmem:s2], [sflag:$0x3] =	stream.linear.gather [hbm4b:s6+s2], $0x2000, $0x38;
	[tilespmem:$0x8220] =	vst v63  }
0x16: {  	_ =	swait.ge [sflag:s11], $0x2000  }
0x17: {  	[sflag:s11] =	ssyncset.done $0x0  }
0x18: {  	[sflag:s11] =	ssyncadd.s32 $0xFFFFE000  }
0x19: {  	[tilespmem:s12], [sflag:$0x3] =	stream.linear.gather [hbm4b:s7+s2], $0x2000, $0x38;
	[tilespmem:$0x8220] =	vst v63  }
0x1a: {  	_ =	swait.ge [sflag:s11], $0x2000  }
0x1b: {  	[sflag:s11] =	ssyncset.done $0x0  }
0x1c: {  	s24 =	simm.s32 $0x4000;
	[sflag:s11] =	ssyncadd.s32 $0xFFFFE000  }
0x1d: {  	[tilespmem:s24], [sflag:$0x1] =	stream.indirect.gather [hbm4b:s3+s13], $0x1, s2, s13, $0xb8;
	[tilespmem:$0x8220] =	vst v63  }
0x1e: {  	s26 =	simm.s32 $0x6000  }
0x1f: {  	[tilespmem:s26], [sflag:$0x2] =	stream.indirect.gather [hbm4b:s4+s13], $0x1, s12, s13, $0xb8;
	[tilespmem:$0x8220] =	vst v63  }
0x20: {  	s25 =	simm.s32 $0x4080  }
0x21: {  	[tilespmem:s25], [sflag:$0x1] =	stream.indirect.gather [hbm4b:s3+s13], $0x1, s13, s13, $0xb8;
	[tilespmem:$0x8220] =	vst v63  }
0x22: {  	s26 =	simm.s32 $0x2080;
	s25 =	simm.s32 $0x6080  }
0x23: {  	[tilespmem:s25], [sflag:$0x2] =	stream.indirect.gather [hbm4b:s4+s13], $0x1, s26, s13, $0xb8;
	[tilespmem:$0x8220] =	vst v63  }
0x24: {  	s25 =	simm.s32 $0x100;
	s26 =	simm.s32 $0x4100  }
0x25: {  	[tilespmem:s26], [sflag:$0x1] =	stream.indirect.gather [hbm4b:s3+s13], $0x1, s25, s13, $0xb8;
	[tilespmem:$0x8220] =	vst v63  }
0x26: {  	s25 =	simm.s32 $0x2100;
	s26 =	simm.s32 $0x6100  }
0x27: {  	[tilespmem:s26], [sflag:$0x2] =	stream.indirect.gather [hbm4b:s4+s13], $0x1, s25, s13, $0xb8;
	[tilespmem:$0x8220] =	vst v63  }
0x28: {  	s25 =	simm.s32 $0x180;
	s26 =	simm.s32 $0x4180  }
0x29: {  	[tilespmem:s26], [sflag:$0x1] =	stream.indirect.gather [hbm4b:s3+s13], $0x1, s25, s13, $0xb8;
	[tilespmem:$0x8220] =	vst v63  }
0x2a: {  	s25 =	simm.s32 $0x2180;
	s26 =	simm.s32 $0x6180  }
0x2b: {  	[tilespmem:s26], [sflag:$0x2] =	stream.indirect.gather [hbm4b:s4+s13], $0x1, s25, s13, $0xb8;
	[tilespmem:$0x8220] =	vst v63  }
0x2c: {  	s25 =	simm.s32 $0x200;
	s26 =	simm.s32 $0x4200  }
0x2d: {  	[tilespmem:s26], [sflag:$0x1] =	stream.indirect.gather [hbm4b:s3+s13], $0x1, s25, s13, $0xb8;
	[tilespmem:$0x8220] =	vst v63  }
0x2e: {  	s25 =	simm.s32 $0x2200;
	s26 =	simm.s32 $0x6200  }
0x2f: {  	[tilespmem:s26], [sflag:$0x2] =	stream.indirect.gather [hbm4b:s4+s13], $0x1, s25, s13, $0xb8;
	[tilespmem:$0x8220] =	vst v63  }
0x30: {  	s25 =	simm.s32 $0x280;
	s26 =	simm.s32 $0x4280  }
0x31: {  	[tilespmem:s26], [sflag:$0x1] =	stream.indirect.gather [hbm4b:s3+s13], $0x1, s25, s13, $0xb8;
	[tilespmem:$0x8220] =	vst v63  }
0x32: {  	s25 =	simm.s32 $0x2280;
	s26 =	simm.s32 $0x6280  }
0x33: {  	[tilespmem:s26], [sflag:$0x2] =	stream.indirect.gather [hbm4b:s4+s13], $0x1, s25, s13, $0xb8;
	[tilespmem:$0x8220] =	vst v63  }
0x34: {  	s25 =	simm.s32 $0x300;
	s26 =	simm.s32 $0x4300  }
0x35: {  	[tilespmem:s26], [sflag:$0x1] =	stream.indirect.gather [hbm4b:s3+s13], $0x1, s25, s13, $0xb8;
	[tilespmem:$0x8220] =	vst v63  }
0x36: {  	s25 =	simm.s32 $0x2300;
	s26 =	simm.s32 $0x6300  }
0x37: {  	[tilespmem:s26], [sflag:$0x2] =	stream.indirect.gather [hbm4b:s4+s13], $0x1, s25, s13, $0xb8;
	[tilespmem:$0x8220] =	vst v63  }
0x38: {  	s25 =	simm.s32 $0x380;
	s26 =	simm.s32 $0x4380  }
0x39: {  	[tilespmem:s26], [sflag:$0x1] =	stream.indirect.gather [hbm4b:s3+s13], $0x1, s25, s13, $0xb8;
	[tilespmem:$0x8220] =	vst v63  }
0x3a: {  	s25 =	simm.s32 $0x2380;
	s26 =	simm.s32 $0x6380  }
0x3b: {  	[tilespmem:s26], [sflag:$0x2] =	stream.indirect.gather [hbm4b:s4+s13], $0x1, s25, s13, $0xb8;
	[tilespmem:$0x8220] =	vst v63  }
0x3c: {  	s25 =	simm.s32 $0x400;
	s26 =	simm.s32 $0x4400  }
0x3d: {  	[tilespmem:s26], [sflag:$0x1] =	stream.indirect.gather [hbm4b:s3+s13], $0x1, s25, s13, $0xb8;
	[tilespmem:$0x8220] =	vst v63  }
0x3e: {  	s25 =	simm.s32 $0x2400;
	s26 =	simm.s32 $0x6400  }
0x3f: {  	[tilespmem:s26], [sflag:$0x2] =	stream.indirect.gather [hbm4b:s4+s13], $0x1, s25, s13, $0xb8;
	[tilespmem:$0x8220] =	vst v63  }
0x40: {  	s25 =	simm.s32 $0x480;
	s26 =	simm.s32 $0x4480  }
0x41: {  	[tilespmem:s26], [sflag:$0x1] =	stream.indirect.gather [hbm4b:s3+s13], $0x1, s25, s13, $0xb8;
	[tilespmem:$0x8220] =	vst v63  }
0x42: {  	s25 =	simm.s32 $0x2480;
	s26 =	simm.s32 $0x6480  }
0x43: {  	[tilespmem:s26], [sflag:$0x2] =	stream.indirect.gather [hbm4b:s4+s13], $0x1, s25, s13, $0xb8;
	[tilespmem:$0x8220] =	vst v63  }
0x44: {  	s25 =	simm.s32 $0x500;
	s26 =	simm.s32 $0x4500  }
0x45: {  	[tilespmem:s26], [sflag:$0x1] =	stream.indirect.gather [hbm4b:s3+s13], $0x1, s25, s13, $0xb8;
	[tilespmem:$0x8220] =	vst v63  }
0x46: {  	s25 =	simm.s32 $0x2500;
	s26 =	simm.s32 $0x6500  }
0x47: {  	[tilespmem:s26], [sflag:$0x2] =	stream.indirect.gather [hbm4b:s4+s13], $0x1, s25, s13, $0xb8;
	[tilespmem:$0x8220] =	vst v63  }
0x48: {  	s25 =	simm.s32 $0x580;
	s26 =	simm.s32 $0x4580  }
0x49: {  	[tilespmem:s26], [sflag:$0x1] =	stream.indirect.gather [hbm4b:s3+s13], $0x1, s25, s13, $0xb8;
	[tilespmem:$0x8220] =	vst v63  }
0x4a: {  	s25 =	simm.s32 $0x2580;
	s26 =	simm.s32 $0x6580  }
0x4b: {  	[tilespmem:s26], [sflag:$0x2] =	stream.indirect.gather [hbm4b:s4+s13], $0x1, s25, s13, $0xb8;
	[tilespmem:$0x8220] =	vst v63  }
0x4c: {  	s25 =	simm.s32 $0x600;
	s26 =	simm.s32 $0x4600  }
0x4d: {  	[tilespmem:s26], [sflag:$0x1] =	stream.indirect.gather [hbm4b:s3+s13], $0x1, s25, s13, $0xb8;
	[tilespmem:$0x8220] =	vst v63  }
0x4e: {  	s25 =	simm.s32 $0x2600;
	s26 =	simm.s32 $0x6600  }
0x4f: {  	[tilespmem:s26], [sflag:$0x2] =	stream.indirect.gather [hbm4b:s4+s13], $0x1, s25, s13, $0xb8;
	[tilespmem:$0x8220] =	vst v63  }
0x50: {  	s25 =	simm.s32 $0x680;
	s26 =	simm.s32 $0x4680  }
0x51: {  	[tilespmem:s26], [sflag:$0x1] =	stream.indirect.gather [hbm4b:s3+s13], $0x1, s25, s13, $0xb8;
	[tilespmem:$0x8220] =	vst v63  }
0x52: {  	s25 =	simm.s32 $0x2680;
	s26 =	simm.s32 $0x6680  }
0x53: {  	[tilespmem:s26], [sflag:$0x2] =	stream.indirect.gather [hbm4b:s4+s13], $0x1, s25, s13, $0xb8;
	[tilespmem:$0x8220] =	vst v63  }
0x54: {  	s25 =	simm.s32 $0x700;
	s26 =	simm.s32 $0x4700  }
0x55: {  	[tilespmem:s26], [sflag:$0x1] =	stream.indirect.gather [hbm4b:s3+s13], $0x1, s25, s13, $0xb8;
	[tilespmem:$0x8220] =	vst v63  }
0x56: {  	s25 =	simm.s32 $0x2700;
	s26 =	simm.s32 $0x6700  }
0x57: {  	[tilespmem:s26], [sflag:$0x2] =	stream.indirect.gather [hbm4b:s4+s13], $0x1, s25, s13, $0xb8;
	[tilespmem:$0x8220] =	vst v63  }
0x58: {  	s25 =	simm.s32 $0x780;
	s26 =	simm.s32 $0x4780  }
0x59: {  	[tilespmem:s26], [sflag:$0x1] =	stream.indirect.gather [hbm4b:s3+s13], $0x1, s25, s13, $0xb8;
	[tilespmem:$0x8220] =	vst v63  }
0x5a: {  	s25 =	simm.s32 $0x2780;
	s26 =	simm.s32 $0x6780  }
0x5b: {  	[tilespmem:s26], [sflag:$0x2] =	stream.indirect.gather [hbm4b:s4+s13], $0x1, s25, s13, $0xb8;
	[tilespmem:$0x8220] =	vst v63  }
0x5c: {  	s25 =	simm.s32 $0x800;
	s26 =	simm.s32 $0x4800  }
0x5d: {  	[tilespmem:s26], [sflag:$0x1] =	stream.indirect.gather [hbm4b:s3+s13], $0x1, s25, s13, $0xb8;
	[tilespmem:$0x8220] =	vst v63  }
0x5e: {  	s25 =	simm.s32 $0x2800;
	s26 =	simm.s32 $0x6800  }
0x5f: {  	[tilespmem:s26], [sflag:$0x2] =	stream.indirect.gather [hbm4b:s4+s13], $0x1, s25, s13, $0xb8;
	[tilespmem:$0x8220] =	vst v63  }
0x60: {  	s25 =	simm.s32 $0x880;
	s26 =	simm.s32 $0x4880  }
0x61: {  	[tilespmem:s26], [sflag:$0x1] =	stream.indirect.gather [hbm4b:s3+s13], $0x1, s25, s13, $0xb8;
	[tilespmem:$0x8220] =	vst v63  }
0x62: {  	s25 =	simm.s32 $0x2880;
	s26 =	simm.s32 $0x6880  }
0x63: {  	[tilespmem:s26], [sflag:$0x2] =	stream.indirect.gather [hbm4b:s4+s13], $0x1, s25, s13, $0xb8;
	[tilespmem:$0x8220] =	vst v63  }
0x64: {  	s25 =	simm.s32 $0x900;
	s26 =	simm.s32 $0x4900  }
0x65: {  	[tilespmem:s26], [sflag:$0x1] =	stream.indirect.gather [hbm4b:s3+s13], $0x1, s25, s13, $0xb8;
	[tilespmem:$0x8220] =	vst v63  }
0x66: {  	s25 =	simm.s32 $0x2900;
	s26 =	simm.s32 $0x6900  }
0x67: {  	[tilespmem:s26], [sflag:$0x2] =	stream.indirect.gather [hbm4b:s4+s13], $0x1, s25, s13, $0xb8;
	[tilespmem:$0x8220] =	vst v63  }
0x68: {  	s25 =	simm.s32 $0x980;
	s26 =	simm.s32 $0x4980  }
0x69: {  	[tilespmem:s26], [sflag:$0x1] =	stream.indirect.gather [hbm4b:s3+s13], $0x1, s25, s13, $0xb8;
	[tilespmem:$0x8220] =	vst v63  }
0x6a: {  	s25 =	simm.s32 $0x2980;
	s26 =	simm.s32 $0x6980  }
0x6b: {  	[tilespmem:s26], [sflag:$0x2] =	stream.indirect.gather [hbm4b:s4+s13], $0x1, s25, s13, $0xb8;
	[tilespmem:$0x8220] =	vst v63  }
0x6c: {  	s25 =	simm.s32 $0xA00;
	s26 =	simm.s32 $0x4A00  }
0x6d: {  	[tilespmem:s26], [sflag:$0x1] =	stream.indirect.gather [hbm4b:s3+s13], $0x1, s25, s13, $0xb8;
	[tilespmem:$0x8220] =	vst v63  }
0x6e: {  	s25 =	simm.s32 $0x2A00;
	s26 =	simm.s32 $0x6A00  }
0x6f: {  	[tilespmem:s26], [sflag:$0x2] =	stream.indirect.gather [hbm4b:s4+s13], $0x1, s25, s13, $0xb8;
	[tilespmem:$0x8220] =	vst v63  }
0x70: {  	s25 =	simm.s32 $0xA80;
	s26 =	simm.s32 $0x4A80  }
0x71: {  	[tilespmem:s26], [sflag:$0x1] =	stream.indirect.gather [hbm4b:s3+s13], $0x1, s25, s13, $0xb8;
	[tilespmem:$0x8220] =	vst v63  }
0x72: {  	s25 =	simm.s32 $0x2A80;
	s26 =	simm.s32 $0x6A80  }
0x73: {  	[tilespmem:s26], [sflag:$0x2] =	stream.indirect.gather [hbm4b:s4+s13], $0x1, s25, s13, $0xb8;
	[tilespmem:$0x8220] =	vst v63  }
0x74: {  	s25 =	simm.s32 $0xB00;
	s26 =	simm.s32 $0x4B00  }
0x75: {  	[tilespmem:s26], [sflag:$0x1] =	stream.indirect.gather [hbm4b:s3+s13], $0x1, s25, s13, $0xb8;
	[tilespmem:$0x8220] =	vst v63  }
0x76: {  	s25 =	simm.s32 $0x2B00;
	s26 =	simm.s32 $0x6B00  }
0x77: {  	[tilespmem:s26], [sflag:$0x2] =	stream.indirect.gather [hbm4b:s4+s13], $0x1, s25, s13, $0xb8;
	[tilespmem:$0x8220] =	vst v63  }
0x78: {  	s25 =	simm.s32 $0xB80;
	s26 =	simm.s32 $0x4B80  }
0x79: {  	[tilespmem:s26], [sflag:$0x1] =	stream.indirect.gather [hbm4b:s3+s13], $0x1, s25, s13, $0xb8;
	[tilespmem:$0x8220] =	vst v63  }
0x7a: {  	s25 =	simm.s32 $0x2B80;
	s26 =	simm.s32 $0x6B80  }
0x7b: {  	[tilespmem:s26], [sflag:$0x2] =	stream.indirect.gather [hbm4b:s4+s13], $0x1, s25, s13, $0xb8;
	[tilespmem:$0x8220] =	vst v63  }
0x7c: {  	s25 =	simm.s32 $0xC00;
	s26 =	simm.s32 $0x4C00  }
0x7d: {  	[tilespmem:s26], [sflag:$0x1] =	stream.indirect.gather [hbm4b:s3+s13], $0x1, s25, s13, $0xb8;
	[tilespmem:$0x8220] =	vst v63  }
0x7e: {  	s25 =	simm.s32 $0x2C00;
	s26 =	simm.s32 $0x6C00  }
0x7f: {  	[tilespmem:s26], [sflag:$0x2] =	stream.indirect.gather [hbm4b:s4+s13], $0x1, s25, s13, $0xb8;
	[tilespmem:$0x8220] =	vst v63  }
0x80: {  	s25 =	simm.s32 $0xC80;
	s26 =	simm.s32 $0x4C80  }
0x81: {  	[tilespmem:s26], [sflag:$0x1] =	stream.indirect.gather [hbm4b:s3+s13], $0x1, s25, s13, $0xb8;
	[tilespmem:$0x8220] =	vst v63  }
0x82: {  	s25 =	simm.s32 $0x2C80;
	s26 =	simm.s32 $0x6C80  }
0x83: {  	[tilespmem:s26], [sflag:$0x2] =	stream.indirect.gather [hbm4b:s4+s13], $0x1, s25, s13, $0xb8;
	[tilespmem:$0x8220] =	vst v63  }
0x84: {  	s25 =	simm.s32 $0xD00;
	s26 =	simm.s32 $0x4D00  }
0x85: {  	[tilespmem:s26], [sflag:$0x1] =	stream.indirect.gather [hbm4b:s3+s13], $0x1, s25, s13, $0xb8;
	[tilespmem:$0x8220] =	vst v63  }
0x86: {  	s25 =	simm.s32 $0x2D00;
	s26 =	simm.s32 $0x6D00  }
0x87: {  	[tilespmem:s26], [sflag:$0x2] =	stream.indirect.gather [hbm4b:s4+s13], $0x1, s25, s13, $0xb8;
	[tilespmem:$0x8220] =	vst v63  }
0x88: {  	s25 =	simm.s32 $0xD80;
	s26 =	simm.s32 $0x4D80  }
0x89: {  	[tilespmem:s26], [sflag:$0x1] =	stream.indirect.gather [hbm4b:s3+s13], $0x1, s25, s13, $0xb8;
	[tilespmem:$0x8220] =	vst v63  }
0x8a: {  	s25 =	simm.s32 $0x2D80;
	s26 =	simm.s32 $0x6D80  }
0x8b: {  	[tilespmem:s26], [sflag:$0x2] =	stream.indirect.gather [hbm4b:s4+s13], $0x1, s25, s13, $0xb8;
	[tilespmem:$0x8220] =	vst v63  }
0x8c: {  	s25 =	simm.s32 $0xE00;
	s26 =	simm.s32 $0x4E00  }
0x8d: {  	[tilespmem:s26], [sflag:$0x1] =	stream.indirect.gather [hbm4b:s3+s13], $0x1, s25, s13, $0xb8;
	[tilespmem:$0x8220] =	vst v63  }
0x8e: {  	s25 =	simm.s32 $0x2E00;
	s26 =	simm.s32 $0x6E00  }
0x8f: {  	[tilespmem:s26], [sflag:$0x2] =	stream.indirect.gather [hbm4b:s4+s13], $0x1, s25, s13, $0xb8;
	[tilespmem:$0x8220] =	vst v63  }
0x90: {  	s25 =	simm.s32 $0xE80;
	s26 =	simm.s32 $0x4E80  }
0x91: {  	[tilespmem:s26], [sflag:$0x1] =	stream.indirect.gather [hbm4b:s3+s13], $0x1, s25, s13, $0xb8;
	[tilespmem:$0x8220] =	vst v63  }
0x92: {  	s25 =	simm.s32 $0x2E80;
	s26 =	simm.s32 $0x6E80  }
0x93: {  	[tilespmem:s26], [sflag:$0x2] =	stream.indirect.gather [hbm4b:s4+s13], $0x1, s25, s13, $0xb8;
	[tilespmem:$0x8220] =	vst v63  }
0x94: {  	s25 =	simm.s32 $0xF00;
	s26 =	simm.s32 $0x4F00  }
0x95: {  	[tilespmem:s26], [sflag:$0x1] =	stream.indirect.gather [hbm4b:s3+s13], $0x1, s25, s13, $0xb8;
	[tilespmem:$0x8220] =	vst v63  }
0x96: {  	s25 =	simm.s32 $0x2F00;
	s26 =	simm.s32 $0x6F00  }
0x97: {  	[tilespmem:s26], [sflag:$0x2] =	stream.indirect.gather [hbm4b:s4+s13], $0x1, s25, s13, $0xb8;
	[tilespmem:$0x8220] =	vst v63  }
0x98: {  	s25 =	simm.s32 $0xF80;
	s26 =	simm.s32 $0x4F80  }
0x99: {  	[tilespmem:s26], [sflag:$0x1] =	stream.indirect.gather [hbm4b:s3+s13], $0x1, s25, s13, $0xb8;
	[tilespmem:$0x8220] =	vst v63  }
0x9a: {  	s25 =	simm.s32 $0x2F80;
	s26 =	simm.s32 $0x6F80  }
0x9b: {  	[tilespmem:s26], [sflag:$0x2] =	stream.indirect.gather [hbm4b:s4+s13], $0x1, s25, s13, $0xb8;
	[tilespmem:$0x8220] =	vst v63  }
0x9c: {  	s25 =	simm.s32 $0x1000;
	s26 =	simm.s32 $0x5000  }
0x9d: {  	[tilespmem:s26], [sflag:$0x1] =	stream.indirect.gather [hbm4b:s3+s13], $0x1, s25, s13, $0xb8;
	[tilespmem:$0x8220] =	vst v63  }
0x9e: {  	s25 =	simm.s32 $0x3000;
	s26 =	simm.s32 $0x7000  }
0x9f: {  	[tilespmem:s26], [sflag:$0x2] =	stream.indirect.gather [hbm4b:s4+s13], $0x1, s25, s13, $0xb8;
	[tilespmem:$0x8220] =	vst v63  }
0xa0: {  	s25 =	simm.s32 $0x1080;
	s26 =	simm.s32 $0x5080  }
0xa1: {  	[tilespmem:s26], [sflag:$0x1] =	stream.indirect.gather [hbm4b:s3+s13], $0x1, s25, s13, $0xb8;
	[tilespmem:$0x8220] =	vst v63  }
0xa2: {  	s25 =	simm.s32 $0x3080;
	s26 =	simm.s32 $0x7080  }
0xa3: {  	[tilespmem:s26], [sflag:$0x2] =	stream.indirect.gather [hbm4b:s4+s13], $0x1, s25, s13, $0xb8;
	[tilespmem:$0x8220] =	vst v63  }
0xa4: {  	s25 =	simm.s32 $0x1100;
	s26 =	simm.s32 $0x5100  }
0xa5: {  	[tilespmem:s26], [sflag:$0x1] =	stream.indirect.gather [hbm4b:s3+s13], $0x1, s25, s13, $0xb8;
	[tilespmem:$0x8220] =	vst v63  }
0xa6: {  	s25 =	simm.s32 $0x3100;
	s26 =	simm.s32 $0x7100  }
0xa7: {  	[tilespmem:s26], [sflag:$0x2] =	stream.indirect.gather [hbm4b:s4+s13], $0x1, s25, s13, $0xb8;
	[tilespmem:$0x8220] =	vst v63  }
0xa8: {  	s25 =	simm.s32 $0x1180;
	s26 =	simm.s32 $0x5180  }
0xa9: {  	[tilespmem:s26], [sflag:$0x1] =	stream.indirect.gather [hbm4b:s3+s13], $0x1, s25, s13, $0xb8;
	[tilespmem:$0x8220] =	vst v63  }
0xaa: {  	s25 =	simm.s32 $0x3180;
	s26 =	simm.s32 $0x7180  }
0xab: {  	[tilespmem:s26], [sflag:$0x2] =	stream.indirect.gather [hbm4b:s4+s13], $0x1, s25, s13, $0xb8;
	[tilespmem:$0x8220] =	vst v63  }
0xac: {  	s25 =	simm.s32 $0x1200;
	s26 =	simm.s32 $0x5200  }
0xad: {  	[tilespmem:s26], [sflag:$0x1] =	stream.indirect.gather [hbm4b:s3+s13], $0x1, s25, s13, $0xb8;
	[tilespmem:$0x8220] =	vst v63  }
0xae: {  	s25 =	simm.s32 $0x3200;
	s26 =	simm.s32 $0x7200  }
0xaf: {  	[tilespmem:s26], [sflag:$0x2] =	stream.indirect.gather [hbm4b:s4+s13], $0x1, s25, s13, $0xb8;
	[tilespmem:$0x8220] =	vst v63  }
0xb0: {  	s25 =	simm.s32 $0x1280;
	s26 =	simm.s32 $0x5280  }
0xb1: {  	[tilespmem:s26], [sflag:$0x1] =	stream.indirect.gather [hbm4b:s3+s13], $0x1, s25, s13, $0xb8;
	[tilespmem:$0x8220] =	vst v63  }
0xb2: {  	s25 =	simm.s32 $0x3280;
	s26 =	simm.s32 $0x7280  }
0xb3: {  	[tilespmem:s26], [sflag:$0x2] =	stream.indirect.gather [hbm4b:s4+s13], $0x1, s25, s13, $0xb8;
	[tilespmem:$0x8220] =	vst v63  }
0xb4: {  	s25 =	simm.s32 $0x1300;
	s26 =	simm.s32 $0x5300  }
0xb5: {  	[tilespmem:s26], [sflag:$0x1] =	stream.indirect.gather [hbm4b:s3+s13], $0x1, s25, s13, $0xb8;
	[tilespmem:$0x8220] =	vst v63  }
0xb6: {  	s25 =	simm.s32 $0x3300;
	s26 =	simm.s32 $0x7300  }
0xb7: {  	[tilespmem:s26], [sflag:$0x2] =	stream.indirect.gather [hbm4b:s4+s13], $0x1, s25, s13, $0xb8;
	[tilespmem:$0x8220] =	vst v63  }
0xb8: {  	s25 =	simm.s32 $0x1380;
	s26 =	simm.s32 $0x5380  }
0xb9: {  	[tilespmem:s26], [sflag:$0x1] =	stream.indirect.gather [hbm4b:s3+s13], $0x1, s25, s13, $0xb8;
	[tilespmem:$0x8220] =	vst v63  }
0xba: {  	s25 =	simm.s32 $0x3380;
	s26 =	simm.s32 $0x7380  }
0xbb: {  	[tilespmem:s26], [sflag:$0x2] =	stream.indirect.gather [hbm4b:s4+s13], $0x1, s25, s13, $0xb8;
	[tilespmem:$0x8220] =	vst v63  }
0xbc: {  	s25 =	simm.s32 $0x1400;
	s26 =	simm.s32 $0x5400  }
0xbd: {  	[tilespmem:s26], [sflag:$0x1] =	stream.indirect.gather [hbm4b:s3+s13], $0x1, s25, s13, $0xb8;
	[tilespmem:$0x8220] =	vst v63  }
0xbe: {  	s25 =	simm.s32 $0x3400;
	s26 =	simm.s32 $0x7400  }
0xbf: {  	[tilespmem:s26], [sflag:$0x2] =	stream.indirect.gather [hbm4b:s4+s13], $0x1, s25, s13, $0xb8;
	[tilespmem:$0x8220] =	vst v63  }
0xc0: {  	s25 =	simm.s32 $0x1480;
	s26 =	simm.s32 $0x5480  }
0xc1: {  	[tilespmem:s26], [sflag:$0x1] =	stream.indirect.gather [hbm4b:s3+s13], $0x1, s25, s13, $0xb8;
	[tilespmem:$0x8220] =	vst v63  }
0xc2: {  	s25 =	simm.s32 $0x3480;
	s26 =	simm.s32 $0x7480  }
0xc3: {  	[tilespmem:s26], [sflag:$0x2] =	stream.indirect.gather [hbm4b:s4+s13], $0x1, s25, s13, $0xb8;
	[tilespmem:$0x8220] =	vst v63  }
0xc4: {  	s25 =	simm.s32 $0x1500;
	s26 =	simm.s32 $0x5500  }
0xc5: {  	[tilespmem:s26], [sflag:$0x1] =	stream.indirect.gather [hbm4b:s3+s13], $0x1, s25, s13, $0xb8;
	[tilespmem:$0x8220] =	vst v63  }
0xc6: {  	s25 =	simm.s32 $0x3500;
	s26 =	simm.s32 $0x7500  }
0xc7: {  	[tilespmem:s26], [sflag:$0x2] =	stream.indirect.gather [hbm4b:s4+s13], $0x1, s25, s13, $0xb8;
	[tilespmem:$0x8220] =	vst v63  }
0xc8: {  	s25 =	simm.s32 $0x1580;
	s26 =	simm.s32 $0x5580  }
0xc9: {  	[tilespmem:s26], [sflag:$0x1] =	stream.indirect.gather [hbm4b:s3+s13], $0x1, s25, s13, $0xb8;
	[tilespmem:$0x8220] =	vst v63  }
0xca: {  	s25 =	simm.s32 $0x3580;
	s26 =	simm.s32 $0x7580  }
0xcb: {  	[tilespmem:s26], [sflag:$0x2] =	stream.indirect.gather [hbm4b:s4+s13], $0x1, s25, s13, $0xb8;
	[tilespmem:$0x8220] =	vst v63  }
0xcc: {  	s25 =	simm.s32 $0x1600;
	s26 =	simm.s32 $0x5600  }
0xcd: {  	[tilespmem:s26], [sflag:$0x1] =	stream.indirect.gather [hbm4b:s3+s13], $0x1, s25, s13, $0xb8;
	[tilespmem:$0x8220] =	vst v63  }
0xce: {  	s25 =	simm.s32 $0x3600;
	s26 =	simm.s32 $0x7600  }
0xcf: {  	[tilespmem:s26], [sflag:$0x2] =	stream.indirect.gather [hbm4b:s4+s13], $0x1, s25, s13, $0xb8;
	[tilespmem:$0x8220] =	vst v63  }
0xd0: {  	s25 =	simm.s32 $0x1680;
	s26 =	simm.s32 $0x5680  }
0xd1: {  	[tilespmem:s26], [sflag:$0x1] =	stream.indirect.gather [hbm4b:s3+s13], $0x1, s25, s13, $0xb8;
	[tilespmem:$0x8220] =	vst v63  }
0xd2: {  	s25 =	simm.s32 $0x3680;
	s26 =	simm.s32 $0x7680  }
0xd3: {  	[tilespmem:s26], [sflag:$0x2] =	stream.indirect.gather [hbm4b:s4+s13], $0x1, s25, s13, $0xb8;
	[tilespmem:$0x8220] =	vst v63  }
0xd4: {  	s25 =	simm.s32 $0x1700;
	s26 =	simm.s32 $0x5700  }
0xd5: {  	[tilespmem:s26], [sflag:$0x1] =	stream.indirect.gather [hbm4b:s3+s13], $0x1, s25, s13, $0xb8;
	[tilespmem:$0x8220] =	vst v63  }
0xd6: {  	s25 =	simm.s32 $0x3700;
	s26 =	simm.s32 $0x7700  }
0xd7: {  	[tilespmem:s26], [sflag:$0x2] =	stream.indirect.gather [hbm4b:s4+s13], $0x1, s25, s13, $0xb8;
	[tilespmem:$0x8220] =	vst v63  }
0xd8: {  	s25 =	simm.s32 $0x1780;
	s26 =	simm.s32 $0x5780  }
0xd9: {  	[tilespmem:s26], [sflag:$0x1] =	stream.indirect.gather [hbm4b:s3+s13], $0x1, s25, s13, $0xb8;
	[tilespmem:$0x8220] =	vst v63  }
0xda: {  	s25 =	simm.s32 $0x3780;
	s26 =	simm.s32 $0x7780  }
0xdb: {  	[tilespmem:s26], [sflag:$0x2] =	stream.indirect.gather [hbm4b:s4+s13], $0x1, s25, s13, $0xb8;
	[tilespmem:$0x8220] =	vst v63  }
0xdc: {  	s25 =	simm.s32 $0x1800;
	s26 =	simm.s32 $0x5800  }
0xdd: {  	[tilespmem:s26], [sflag:$0x1] =	stream.indirect.gather [hbm4b:s3+s13], $0x1, s25, s13, $0xb8;
	[tilespmem:$0x8220] =	vst v63  }
0xde: {  	s25 =	simm.s32 $0x3800;
	s26 =	simm.s32 $0x7800  }
0xdf: {  	[tilespmem:s26], [sflag:$0x2] =	stream.indirect.gather [hbm4b:s4+s13], $0x1, s25, s13, $0xb8;
	[tilespmem:$0x8220] =	vst v63  }
0xe0: {  	s25 =	simm.s32 $0x1880;
	s26 =	simm.s32 $0x5880  }
0xe1: {  	[tilespmem:s26], [sflag:$0x1] =	stream.indirect.gather [hbm4b:s3+s13], $0x1, s25, s13, $0xb8;
	[tilespmem:$0x8220] =	vst v63  }
0xe2: {  	s25 =	simm.s32 $0x3880;
	s26 =	simm.s32 $0x7880  }
0xe3: {  	[tilespmem:s26], [sflag:$0x2] =	stream.indirect.gather [hbm4b:s4+s13], $0x1, s25, s13, $0xb8;
	[tilespmem:$0x8220] =	vst v63  }
0xe4: {  	s25 =	simm.s32 $0x1900;
	s26 =	simm.s32 $0x5900  }
0xe5: {  	[tilespmem:s26], [sflag:$0x1] =	stream.indirect.gather [hbm4b:s3+s13], $0x1, s25, s13, $0xb8;
	[tilespmem:$0x8220] =	vst v63  }
0xe6: {  	s25 =	simm.s32 $0x3900;
	s26 =	simm.s32 $0x7900  }
0xe7: {  	[tilespmem:s26], [sflag:$0x2] =	stream.indirect.gather [hbm4b:s4+s13], $0x1, s25, s13, $0xb8;
	[tilespmem:$0x8220] =	vst v63  }
0xe8: {  	s25 =	simm.s32 $0x1980;
	s26 =	simm.s32 $0x5980  }
0xe9: {  	[tilespmem:s26], [sflag:$0x1] =	stream.indirect.gather [hbm4b:s3+s13], $0x1, s25, s13, $0xb8;
	[tilespmem:$0x8220] =	vst v63  }
0xea: {  	s25 =	simm.s32 $0x3980;
	s26 =	simm.s32 $0x7980  }
0xeb: {  	[tilespmem:s26], [sflag:$0x2] =	stream.indirect.gather [hbm4b:s4+s13], $0x1, s25, s13, $0xb8;
	[tilespmem:$0x8220] =	vst v63  }
0xec: {  	s25 =	simm.s32 $0x1A00;
	s26 =	simm.s32 $0x5A00  }
0xed: {  	[tilespmem:s26], [sflag:$0x1] =	stream.indirect.gather [hbm4b:s3+s13], $0x1, s25, s13, $0xb8;
	[tilespmem:$0x8220] =	vst v63  }
0xee: {  	s25 =	simm.s32 $0x3A00;
	s26 =	simm.s32 $0x7A00  }
0xef: {  	[tilespmem:s26], [sflag:$0x2] =	stream.indirect.gather [hbm4b:s4+s13], $0x1, s25, s13, $0xb8;
	[tilespmem:$0x8220] =	vst v63  }
0xf0: {  	s25 =	simm.s32 $0x1A80;
	s26 =	simm.s32 $0x5A80  }
0xf1: {  	[tilespmem:s26], [sflag:$0x1] =	stream.indirect.gather [hbm4b:s3+s13], $0x1, s25, s13, $0xb8;
	[tilespmem:$0x8220] =	vst v63  }
0xf2: {  	s25 =	simm.s32 $0x3A80;
	s26 =	simm.s32 $0x7A80  }
0xf3: {  	[tilespmem:s26], [sflag:$0x2] =	stream.indirect.gather [hbm4b:s4+s13], $0x1, s25, s13, $0xb8;
	[tilespmem:$0x8220] =	vst v63  }
0xf4: {  	s25 =	simm.s32 $0x1B00;
	s26 =	simm.s32 $0x5B00  }
0xf5: {  	[tilespmem:s26], [sflag:$0x1] =	stream.indirect.gather [hbm4b:s3+s13], $0x1, s25, s13, $0xb8;
	[tilespmem:$0x8220] =	vst v63  }
0xf6: {  	s25 =	simm.s32 $0x3B00;
	s26 =	simm.s32 $0x7B00  }
0xf7: {  	[tilespmem:s26], [sflag:$0x2] =	stream.indirect.gather [hbm4b:s4+s13], $0x1, s25, s13, $0xb8;
	[tilespmem:$0x8220] =	vst v63  }
0xf8: {  	s25 =	simm.s32 $0x1B80;
	s26 =	simm.s32 $0x5B80  }
0xf9: {  	[tilespmem:s26], [sflag:$0x1] =	stream.indirect.gather [hbm4b:s3+s13], $0x1, s25, s13, $0xb8;
	[tilespmem:$0x8220] =	vst v63  }
0xfa: {  	s25 =	simm.s32 $0x3B80;
	s26 =	simm.s32 $0x7B80  }
0xfb: {  	[tilespmem:s26], [sflag:$0x2] =	stream.indirect.gather [hbm4b:s4+s13], $0x1, s25, s13, $0xb8;
	[tilespmem:$0x8220] =	vst v63  }
0xfc: {  	s25 =	simm.s32 $0x1C00;
	s26 =	simm.s32 $0x5C00  }
0xfd: {  	[tilespmem:s26], [sflag:$0x1] =	stream.indirect.gather [hbm4b:s3+s13], $0x1, s25, s13, $0xb8;
	[tilespmem:$0x8220] =	vst v63  }
0xfe: {  	s25 =	simm.s32 $0x3C00;
	s26 =	simm.s32 $0x7C00  }
0xff: {  	[tilespmem:s26], [sflag:$0x2] =	stream.indirect.gather [hbm4b:s4+s13], $0x1, s25, s13, $0xb8;
	[tilespmem:$0x8220] =	vst v63  }
0x100: {  	s25 =	simm.s32 $0x1C80;
	s26 =	simm.s32 $0x5C80  }
0x101: {  	[tilespmem:s26], [sflag:$0x1] =	stream.indirect.gather [hbm4b:s3+s13], $0x1, s25, s13, $0xb8;
	[tilespmem:$0x8220] =	vst v63  }
0x102: {  	s25 =	simm.s32 $0x3C80;
	s26 =	simm.s32 $0x7C80  }
0x103: {  	[tilespmem:s26], [sflag:$0x2] =	stream.indirect.gather [hbm4b:s4+s13], $0x1, s25, s13, $0xb8;
	[tilespmem:$0x8220] =	vst v63  }
0x104: {  	s25 =	simm.s32 $0x1D00;
	s26 =	simm.s32 $0x5D00  }
0x105: {  	[tilespmem:s26], [sflag:$0x1] =	stream.indirect.gather [hbm4b:s3+s13], $0x1, s25, s13, $0xb8;
	[tilespmem:$0x8220] =	vst v63  }
0x106: {  	s25 =	simm.s32 $0x3D00;
	s26 =	simm.s32 $0x7D00  }
0x107: {  	[tilespmem:s26], [sflag:$0x2] =	stream.indirect.gather [hbm4b:s4+s13], $0x1, s25, s13, $0xb8;
	[tilespmem:$0x8220] =	vst v63  }
0x108: {  	s25 =	simm.s32 $0x1D80;
	s26 =	simm.s32 $0x5D80  }
0x109: {  	[tilespmem:s26], [sflag:$0x1] =	stream.indirect.gather [hbm4b:s3+s13], $0x1, s25, s13, $0xb8;
	[tilespmem:$0x8220] =	vst v63  }
0x10a: {  	s25 =	simm.s32 $0x3D80;
	s26 =	simm.s32 $0x7D80  }
0x10b: {  	[tilespmem:s26], [sflag:$0x2] =	stream.indirect.gather [hbm4b:s4+s13], $0x1, s25, s13, $0xb8;
	[tilespmem:$0x8220] =	vst v63  }
0x10c: {  	s25 =	simm.s32 $0x1E00;
	s26 =	simm.s32 $0x5E00  }
0x10d: {  	[tilespmem:s26], [sflag:$0x1] =	stream.indirect.gather [hbm4b:s3+s13], $0x1, s25, s13, $0xb8;
	[tilespmem:$0x8220] =	vst v63  }
0x10e: {  	s25 =	simm.s32 $0x3E00;
	s26 =	simm.s32 $0x7E00  }
0x10f: {  	[tilespmem:s26], [sflag:$0x2] =	stream.indirect.gather [hbm4b:s4+s13], $0x1, s25, s13, $0xb8;
	[tilespmem:$0x8220] =	vst v63  }
0x110: {  	_ = 	snop  }
0x111: {  	[tilespmem:s29], [sflag:$0x1] =	stream.indirect.gather [hbm4b:s3+s13], $0x1, s28, s13, $0xb8;
	[tilespmem:$0x8220] =	vst v63  }
0x112: {  	_ = 	snop  }
0x113: {  	[tilespmem:s31], [sflag:$0x2] =	stream.indirect.gather [hbm4b:s4+s13], $0x1, s30, s13, $0xb8;
	[tilespmem:$0x8220] =	vst v63  }
0x114: {  	_ = 	snop  }
0x115: {  	[tilespmem:s1], [sflag:$0x1] =	stream.indirect.gather [hbm4b:s3+s13], $0x1, s0, s13, $0xb8;
	[tilespmem:$0x8220] =	vst v63  }
0x116: {  	_ = 	snop  }
0x117: {  	[tilespmem:s15], [sflag:$0x2] =	stream.indirect.gather [hbm4b:s4+s13], $0x1, s14, s13, $0xb8;
	[tilespmem:$0x8220] =	vst v63  }
0x118: {  	_ = 	snop  }
0x119: {  	[tilespmem:s17], [sflag:$0x1] =	stream.indirect.gather [hbm4b:s3+s13], $0x1, s16, s13, $0xb8;
	[tilespmem:$0x8220] =	vst v63  }
0x11a: {  	_ = 	snop  }
0x11b: {  	[tilespmem:s19], [sflag:$0x2] =	stream.indirect.gather [hbm4b:s4+s13], $0x1, s18, s13, $0xb8;
	[tilespmem:$0x8220] =	vst v63  }
0x11c: {  	_ =	swait.ge [sflag:s20], $0x80  }
0x11d: {  	[sflag:s20] =	ssyncset.done $0x0  }
0x11e: {  	[sflag:s20] =	ssyncadd.s32 $0xFFFFFF80  }
0x11f: {  	_ =	swait.ge [sflag:s21], $0x80  }
0x120: {  	[sflag:s21] =	ssyncset.done $0x0  }
0x121: {  	[sflag:s21] =	ssyncadd.s32 $0xFFFFFF80  }
0x122: {  	_ =	swait.ge [sflag:s20], $0x80  }
0x123: {  	[sflag:s20] =	ssyncset.done $0x0  }
0x124: {  	[sflag:s20] =	ssyncadd.s32 $0xFFFFFF80  }
0x125: {  	_ =	swait.ge [sflag:s21], $0x80  }
0x126: {  	[sflag:s21] =	ssyncset.done $0x0  }
0x127: {  	[sflag:s21] =	ssyncadd.s32 $0xFFFFFF80  }
0x128: {  	_ =	swait.ge [sflag:s20], $0x80  }
0x129: {  	[sflag:s20] =	ssyncset.done $0x0  }
0x12a: {  	[sflag:s20] =	ssyncadd.s32 $0xFFFFFF80  }
0x12b: {  	_ =	swait.ge [sflag:s21], $0x80  }
0x12c: {  	[sflag:s21] =	ssyncset.done $0x0  }
0x12d: {  	[sflag:s21] =	ssyncadd.s32 $0xFFFFFF80  }
0x12e: {  	_ =	swait.ge [sflag:s20], $0x80  }
0x12f: {  	[sflag:s20] =	ssyncset.done $0x0  }
0x130: {  	[sflag:s20] =	ssyncadd.s32 $0xFFFFFF80  }
0x131: {  	_ =	swait.ge [sflag:s21], $0x80  }
0x132: {  	[sflag:s21] =	ssyncset.done $0x0  }
0x133: {  	[sflag:s21] =	ssyncadd.s32 $0xFFFFFF80  }
0x134: {  	_ =	swait.ge [sflag:s20], $0x80  }
0x135: {  	[sflag:s20] =	ssyncset.done $0x0  }
0x136: {  	[sflag:s20] =	ssyncadd.s32 $0xFFFFFF80  }
0x137: {  	_ =	swait.ge [sflag:s21], $0x80  }
0x138: {  	[sflag:s21] =	ssyncset.done $0x0  }
0x139: {  	[sflag:s21] =	ssyncadd.s32 $0xFFFFFF80  }
0x13a: {  	_ =	swait.ge [sflag:s20], $0x80  }
0x13b: {  	[sflag:s20] =	ssyncset.done $0x0  }
0x13c: {  	[sflag:s20] =	ssyncadd.s32 $0xFFFFFF80  }
0x13d: {  	_ =	swait.ge [sflag:s21], $0x80  }
0x13e: {  	[sflag:s21] =	ssyncset.done $0x0  }
0x13f: {  	[sflag:s21] =	ssyncadd.s32 $0xFFFFFF80  }
0x140: {  	_ =	swait.ge [sflag:s20], $0x80  }
0x141: {  	[sflag:s20] =	ssyncset.done $0x0  }
0x142: {  	[sflag:s20] =	ssyncadd.s32 $0xFFFFFF80  }
0x143: {  	_ =	swait.ge [sflag:s21], $0x80  }
0x144: {  	[sflag:s21] =	ssyncset.done $0x0  }
0x145: {  	[sflag:s21] =	ssyncadd.s32 $0xFFFFFF80  }
0x146: {  	_ =	swait.ge [sflag:s20], $0x80  }
0x147: {  	[sflag:s20] =	ssyncset.done $0x0  }
0x148: {  	[sflag:s20] =	ssyncadd.s32 $0xFFFFFF80  }
0x149: {  	_ =	swait.ge [sflag:s21], $0x80  }
0x14a: {  	[sflag:s21] =	ssyncset.done $0x0  }
0x14b: {  	[sflag:s21] =	ssyncadd.s32 $0xFFFFFF80  }
0x14c: {  	_ =	swait.ge [sflag:s20], $0x80  }
0x14d: {  	[sflag:s20] =	ssyncset.done $0x0  }
0x14e: {  	[sflag:s20] =	ssyncadd.s32 $0xFFFFFF80  }
0x14f: {  	_ =	swait.ge [sflag:s21], $0x80  }
0x150: {  	[sflag:s21] =	ssyncset.done $0x0  }
0x151: {  	[sflag:s21] =	ssyncadd.s32 $0xFFFFFF80  }
0x152: {  	_ =	swait.ge [sflag:s20], $0x80  }
0x153: {  	[sflag:s20] =	ssyncset.done $0x0  }
0x154: {  	[sflag:s20] =	ssyncadd.s32 $0xFFFFFF80  }
0x155: {  	_ =	swait.ge [sflag:s21], $0x80  }
0x156: {  	[sflag:s21] =	ssyncset.done $0x0  }
0x157: {  	[sflag:s21] =	ssyncadd.s32 $0xFFFFFF80  }
0x158: {  	_ =	swait.ge [sflag:s20], $0x80  }
0x159: {  	[sflag:s20] =	ssyncset.done $0x0  }
0x15a: {  	[sflag:s20] =	ssyncadd.s32 $0xFFFFFF80  }
0x15b: {  	_ =	swait.ge [sflag:s21], $0x80  }
0x15c: {  	[sflag:s21] =	ssyncset.done $0x0  }
0x15d: {  	[sflag:s21] =	ssyncadd.s32 $0xFFFFFF80  }
0x15e: {  	_ =	swait.ge [sflag:s20], $0x80  }
0x15f: {  	[sflag:s20] =	ssyncset.done $0x0  }
0x160: {  	[sflag:s20] =	ssyncadd.s32 $0xFFFFFF80  }
0x161: {  	_ =	swait.ge [sflag:s21], $0x80  }
0x162: {  	[sflag:s21] =	ssyncset.done $0x0  }
0x163: {  	[sflag:s21] =	ssyncadd.s32 $0xFFFFFF80  }
0x164: {  	_ =	swait.ge [sflag:s20], $0x80  }
0x165: {  	[sflag:s20] =	ssyncset.done $0x0  }
0x166: {  	[sflag:s20] =	ssyncadd.s32 $0xFFFFFF80  }
0x167: {  	_ =	swait.ge [sflag:s21], $0x80  }
0x168: {  	[sflag:s21] =	ssyncset.done $0x0  }
0x169: {  	[sflag:s21] =	ssyncadd.s32 $0xFFFFFF80  }
0x16a: {  	_ =	swait.ge [sflag:s20], $0x80  }
0x16b: {  	[sflag:s20] =	ssyncset.done $0x0  }
0x16c: {  	[sflag:s20] =	ssyncadd.s32 $0xFFFFFF80  }
0x16d: {  	_ =	swait.ge [sflag:s21], $0x80  }
0x16e: {  	[sflag:s21] =	ssyncset.done $0x0  }
0x16f: {  	[sflag:s21] =	ssyncadd.s32 $0xFFFFFF80  }
0x170: {  	_ =	swait.ge [sflag:s20], $0x80  }
0x171: {  	[sflag:s20] =	ssyncset.done $0x0  }
0x172: {  	[sflag:s20] =	ssyncadd.s32 $0xFFFFFF80  }
0x173: {  	_ =	swait.ge [sflag:s21], $0x80  }
0x174: {  	[sflag:s21] =	ssyncset.done $0x0  }
0x175: {  	[sflag:s21] =	ssyncadd.s32 $0xFFFFFF80  }
0x176: {  	_ =	swait.ge [sflag:s20], $0x80  }
0x177: {  	[sflag:s20] =	ssyncset.done $0x0  }
0x178: {  	[sflag:s20] =	ssyncadd.s32 $0xFFFFFF80  }
0x179: {  	_ =	swait.ge [sflag:s21], $0x80  }
0x17a: {  	[sflag:s21] =	ssyncset.done $0x0  }
0x17b: {  	[sflag:s21] =	ssyncadd.s32 $0xFFFFFF80  }
0x17c: {  	_ =	swait.ge [sflag:s20], $0x80  }
0x17d: {  	[sflag:s20] =	ssyncset.done $0x0  }
0x17e: {  	[sflag:s20] =	ssyncadd.s32 $0xFFFFFF80  }
0x17f: {  	_ =	swait.ge [sflag:s21], $0x80  }
0x180: {  	[sflag:s21] =	ssyncset.done $0x0  }
0x181: {  	[sflag:s21] =	ssyncadd.s32 $0xFFFFFF80  }
0x182: {  	_ =	swait.ge [sflag:s20], $0x80  }
0x183: {  	[sflag:s20] =	ssyncset.done $0x0  }
0x184: {  	[sflag:s20] =	ssyncadd.s32 $0xFFFFFF80  }
0x185: {  	_ =	swait.ge [sflag:s21], $0x80  }
0x186: {  	[sflag:s21] =	ssyncset.done $0x0  }
0x187: {  	[sflag:s21] =	ssyncadd.s32 $0xFFFFFF80  }
0x188: {  	_ =	swait.ge [sflag:s20], $0x80  }
0x189: {  	[sflag:s20] =	ssyncset.done $0x0  }
0x18a: {  	[sflag:s20] =	ssyncadd.s32 $0xFFFFFF80  }
0x18b: {  	_ =	swait.ge [sflag:s21], $0x80  }
0x18c: {  	[sflag:s21] =	ssyncset.done $0x0  }
0x18d: {  	[sflag:s21] =	ssyncadd.s32 $0xFFFFFF80  }
0x18e: {  	_ =	swait.ge [sflag:s20], $0x80  }
0x18f: {  	[sflag:s20] =	ssyncset.done $0x0  }
0x190: {  	[sflag:s20] =	ssyncadd.s32 $0xFFFFFF80  }
0x191: {  	_ =	swait.ge [sflag:s21], $0x80  }
0x192: {  	[sflag:s21] =	ssyncset.done $0x0  }
0x193: {  	[sflag:s21] =	ssyncadd.s32 $0xFFFFFF80  }
0x194: {  	_ =	swait.ge [sflag:s20], $0x80  }
0x195: {  	[sflag:s20] =	ssyncset.done $0x0  }
0x196: {  	[sflag:s20] =	ssyncadd.s32 $0xFFFFFF80  }
0x197: {  	_ =	swait.ge [sflag:s21], $0x80  }
0x198: {  	[sflag:s21] =	ssyncset.done $0x0  }
0x199: {  	[sflag:s21] =	ssyncadd.s32 $0xFFFFFF80  }
0x19a: {  	_ =	swait.ge [sflag:s20], $0x80  }
0x19b: {  	[sflag:s20] =	ssyncset.done $0x0  }
0x19c: {  	[sflag:s20] =	ssyncadd.s32 $0xFFFFFF80  }
0x19d: {  	_ =	swait.ge [sflag:s21], $0x80  }
0x19e: {  	[sflag:s21] =	ssyncset.done $0x0  }
0x19f: {  	[sflag:s21] =	ssyncadd.s32 $0xFFFFFF80  }
0x1a0: {  	_ =	swait.ge [sflag:s20], $0x80  }
0x1a1: {  	[sflag:s20] =	ssyncset.done $0x0  }
0x1a2: {  	[sflag:s20] =	ssyncadd.s32 $0xFFFFFF80  }
0x1a3: {  	_ =	swait.ge [sflag:s21], $0x80  }
0x1a4: {  	[sflag:s21] =	ssyncset.done $0x0  }
0x1a5: {  	[sflag:s21] =	ssyncadd.s32 $0xFFFFFF80  }
0x1a6: {  	_ =	swait.ge [sflag:s20], $0x80  }
0x1a7: {  	[sflag:s20] =	ssyncset.done $0x0  }
0x1a8: {  	[sflag:s20] =	ssyncadd.s32 $0xFFFFFF80  }
0x1a9: {  	_ =	swait.ge [sflag:s21], $0x80  }
0x1aa: {  	[sflag:s21] =	ssyncset.done $0x0  }
0x1ab: {  	[sflag:s21] =	ssyncadd.s32 $0xFFFFFF80  }
0x1ac: {  	_ =	swait.ge [sflag:s20], $0x80  }
0x1ad: {  	[sflag:s20] =	ssyncset.done $0x0  }
0x1ae: {  	[sflag:s20] =	ssyncadd.s32 $0xFFFFFF80  }
0x1af: {  	_ =	swait.ge [sflag:s21], $0x80  }
0x1b0: {  	[sflag:s21] =	ssyncset.done $0x0  }
0x1b1: {  	[sflag:s21] =	ssyncadd.s32 $0xFFFFFF80  }
0x1b2: {  	_ =	swait.ge [sflag:s20], $0x80  }
0x1b3: {  	[sflag:s20] =	ssyncset.done $0x0  }
0x1b4: {  	[sflag:s20] =	ssyncadd.s32 $0xFFFFFF80  }
0x1b5: {  	_ =	swait.ge [sflag:s21], $0x80  }
0x1b6: {  	[sflag:s21] =	ssyncset.done $0x0  }
0x1b7: {  	[sflag:s21] =	ssyncadd.s32 $0xFFFFFF80  }
0x1b8: {  	_ =	swait.ge [sflag:s20], $0x80  }
0x1b9: {  	[sflag:s20] =	ssyncset.done $0x0  }
0x1ba: {  	[sflag:s20] =	ssyncadd.s32 $0xFFFFFF80  }
0x1bb: {  	_ =	swait.ge [sflag:s21], $0x80  }
0x1bc: {  	[sflag:s21] =	ssyncset.done $0x0  }
0x1bd: {  	[sflag:s21] =	ssyncadd.s32 $0xFFFFFF80  }
0x1be: {  	_ =	swait.ge [sflag:s20], $0x80  }
0x1bf: {  	[sflag:s20] =	ssyncset.done $0x0  }
0x1c0: {  	[sflag:s20] =	ssyncadd.s32 $0xFFFFFF80  }
0x1c1: {  	_ =	swait.ge [sflag:s21], $0x80  }
0x1c2: {  	[sflag:s21] =	ssyncset.done $0x0  }
0x1c3: {  	[sflag:s21] =	ssyncadd.s32 $0xFFFFFF80  }
0x1c4: {  	_ =	swait.ge [sflag:s20], $0x80  }
0x1c5: {  	[sflag:s20] =	ssyncset.done $0x0  }
0x1c6: {  	[sflag:s20] =	ssyncadd.s32 $0xFFFFFF80  }
0x1c7: {  	_ =	swait.ge [sflag:s21], $0x80  }
0x1c8: {  	[sflag:s21] =	ssyncset.done $0x0  }
0x1c9: {  	[sflag:s21] =	ssyncadd.s32 $0xFFFFFF80  }
0x1ca: {  	_ =	swait.ge [sflag:s20], $0x80  }
0x1cb: {  	[sflag:s20] =	ssyncset.done $0x0  }
0x1cc: {  	[sflag:s20] =	ssyncadd.s32 $0xFFFFFF80  }
0x1cd: {  	_ =	swait.ge [sflag:s21], $0x80  }
0x1ce: {  	[sflag:s21] =	ssyncset.done $0x0  }
0x1cf: {  	[sflag:s21] =	ssyncadd.s32 $0xFFFFFF80  }
0x1d0: {  	_ =	swait.ge [sflag:s20], $0x80  }
0x1d1: {  	[sflag:s20] =	ssyncset.done $0x0  }
0x1d2: {  	[sflag:s20] =	ssyncadd.s32 $0xFFFFFF80  }
0x1d3: {  	_ =	swait.ge [sflag:s21], $0x80  }
0x1d4: {  	[sflag:s21] =	ssyncset.done $0x0  }
0x1d5: {  	[sflag:s21] =	ssyncadd.s32 $0xFFFFFF80  }
0x1d6: {  	_ =	swait.ge [sflag:s20], $0x80  }
0x1d7: {  	[sflag:s20] =	ssyncset.done $0x0  }
0x1d8: {  	[sflag:s20] =	ssyncadd.s32 $0xFFFFFF80  }
0x1d9: {  	_ =	swait.ge [sflag:s21], $0x80  }
0x1da: {  	[sflag:s21] =	ssyncset.done $0x0  }
0x1db: {  	[sflag:s21] =	ssyncadd.s32 $0xFFFFFF80  }
0x1dc: {  	_ =	swait.ge [sflag:s20], $0x80  }
0x1dd: {  	[sflag:s20] =	ssyncset.done $0x0  }
0x1de: {  	[sflag:s20] =	ssyncadd.s32 $0xFFFFFF80  }
0x1df: {  	_ =	swait.ge [sflag:s21], $0x80  }
0x1e0: {  	[sflag:s21] =	ssyncset.done $0x0  }
0x1e1: {  	[sflag:s21] =	ssyncadd.s32 $0xFFFFFF80  }
0x1e2: {  	_ =	swait.ge [sflag:s20], $0x80  }
0x1e3: {  	[sflag:s20] =	ssyncset.done $0x0  }
0x1e4: {  	[sflag:s20] =	ssyncadd.s32 $0xFFFFFF80  }
0x1e5: {  	_ =	swait.ge [sflag:s21], $0x80  }
0x1e6: {  	[sflag:s21] =	ssyncset.done $0x0  }
0x1e7: {  	[sflag:s21] =	ssyncadd.s32 $0xFFFFFF80  }
0x1e8: {  	_ =	swait.ge [sflag:s20], $0x80  }
0x1e9: {  	[sflag:s20] =	ssyncset.done $0x0  }
0x1ea: {  	[sflag:s20] =	ssyncadd.s32 $0xFFFFFF80  }
0x1eb: {  	_ =	swait.ge [sflag:s21], $0x80  }
0x1ec: {  	[sflag:s21] =	ssyncset.done $0x0  }
0x1ed: {  	[sflag:s21] =	ssyncadd.s32 $0xFFFFFF80  }
0x1ee: {  	_ =	swait.ge [sflag:s20], $0x80  }
0x1ef: {  	[sflag:s20] =	ssyncset.done $0x0  }
0x1f0: {  	[sflag:s20] =	ssyncadd.s32 $0xFFFFFF80  }
0x1f1: {  	_ =	swait.ge [sflag:s21], $0x80  }
0x1f2: {  	[sflag:s21] =	ssyncset.done $0x0  }
0x1f3: {  	[sflag:s21] =	ssyncadd.s32 $0xFFFFFF80  }
0x1f4: {  	_ =	swait.ge [sflag:s20], $0x80  }
0x1f5: {  	[sflag:s20] =	ssyncset.done $0x0  }
0x1f6: {  	[sflag:s20] =	ssyncadd.s32 $0xFFFFFF80  }
0x1f7: {  	_ =	swait.ge [sflag:s21], $0x80  }
0x1f8: {  	[sflag:s21] =	ssyncset.done $0x0  }
0x1f9: {  	[sflag:s21] =	ssyncadd.s32 $0xFFFFFF80  }
0x1fa: {  	_ =	swait.ge [sflag:s20], $0x80  }
0x1fb: {  	[sflag:s20] =	ssyncset.done $0x0  }
0x1fc: {  	[sflag:s20] =	ssyncadd.s32 $0xFFFFFF80  }
0x1fd: {  	_ =	swait.ge [sflag:s21], $0x80  }
0x1fe: {  	[sflag:s21] =	ssyncset.done $0x0  }
0x1ff: {  	[sflag:s21] =	ssyncadd.s32 $0xFFFFFF80  }
0x200: {  	_ =	swait.ge [sflag:s20], $0x80  }
0x201: {  	[sflag:s20] =	ssyncset.done $0x0  }
0x202: {  	[sflag:s20] =	ssyncadd.s32 $0xFFFFFF80  }
0x203: {  	_ =	swait.ge [sflag:s21], $0x80  }
0x204: {  	[sflag:s21] =	ssyncset.done $0x0  }
0x205: {  	[sflag:s21] =	ssyncadd.s32 $0xFFFFFF80  }
0x206: {  	_ =	swait.ge [sflag:s20], $0x80  }
0x207: {  	[sflag:s20] =	ssyncset.done $0x0  }
0x208: {  	[sflag:s20] =	ssyncadd.s32 $0xFFFFFF80  }
0x209: {  	_ =	swait.ge [sflag:s21], $0x80  }
0x20a: {  	[sflag:s21] =	ssyncset.done $0x0  }
0x20b: {  	[sflag:s21] =	ssyncadd.s32 $0xFFFFFF80  }
0x20c: {  	_ =	swait.ge [sflag:s20], $0x80  }
0x20d: {  	[sflag:s20] =	ssyncset.done $0x0  }
0x20e: {  	[sflag:s20] =	ssyncadd.s32 $0xFFFFFF80  }
0x20f: {  	_ =	swait.ge [sflag:s21], $0x80  }
0x210: {  	[sflag:s21] =	ssyncset.done $0x0  }
0x211: {  	[sflag:s21] =	ssyncadd.s32 $0xFFFFFF80  }
0x212: {  	_ =	swait.ge [sflag:s20], $0x80  }
0x213: {  	[sflag:s20] =	ssyncset.done $0x0  }
0x214: {  	[sflag:s20] =	ssyncadd.s32 $0xFFFFFF80  }
0x215: {  	_ =	swait.ge [sflag:s21], $0x80  }
0x216: {  	[sflag:s21] =	ssyncset.done $0x0  }
0x217: {  	[sflag:s21] =	ssyncadd.s32 $0xFFFFFF80  }
0x218: {  	_ =	swait.ge [sflag:s20], $0x80  }
0x219: {  	[sflag:s20] =	ssyncset.done $0x0  }
0x21a: {  	[sflag:s20] =	ssyncadd.s32 $0xFFFFFF80  }
0x21b: {  	_ =	swait.ge [sflag:s21], $0x80  }
0x21c: {  	[sflag:s21] =	ssyncset.done $0x0  }
0x21d: {  	[sflag:s21] =	ssyncadd.s32 $0xFFFFFF80  }
0x21e: {  	_ =	swait.ge [sflag:s20], $0x80  }
0x21f: {  	[sflag:s20] =	ssyncset.done $0x0  }
0x220: {  	[sflag:s20] =	ssyncadd.s32 $0xFFFFFF80  }
0x221: {  	_ =	swait.ge [sflag:s21], $0x80  }
0x222: {  	[sflag:s21] =	ssyncset.done $0x0  }
0x223: {  	[sflag:s21] =	ssyncadd.s32 $0xFFFFFF80  }
0x224: {  	_ =	swait.ge [sflag:s20], $0x80  }
0x225: {  	[sflag:s20] =	ssyncset.done $0x0  }
0x226: {  	[sflag:s20] =	ssyncadd.s32 $0xFFFFFF80  }
0x227: {  	_ =	swait.ge [sflag:s21], $0x80  }
0x228: {  	[sflag:s21] =	ssyncset.done $0x0  }
0x229: {  	[sflag:s21] =	ssyncadd.s32 $0xFFFFFF80  }
0x22a: {  	_ =	swait.ge [sflag:s20], $0x80  }
0x22b: {  	[sflag:s20] =	ssyncset.done $0x0  }
0x22c: {  	[sflag:s20] =	ssyncadd.s32 $0xFFFFFF80  }
0x22d: {  	_ =	swait.ge [sflag:s21], $0x80  }
0x22e: {  	[sflag:s21] =	ssyncset.done $0x0  }
0x22f: {  	[sflag:s21] =	ssyncadd.s32 $0xFFFFFF80  }
0x230: {  	_ =	swait.ge [sflag:s20], $0x80  }
0x231: {  	[sflag:s20] =	ssyncset.done $0x0  }
0x232: {  	[sflag:s20] =	ssyncadd.s32 $0xFFFFFF80  }
0x233: {  	_ =	swait.ge [sflag:s21], $0x80  }
0x234: {  	[sflag:s21] =	ssyncset.done $0x0  }
0x235: {  	[sflag:s21] =	ssyncadd.s32 $0xFFFFFF80  }
0x236: {  	_ =	swait.ge [sflag:s20], $0x80  }
0x237: {  	[sflag:s20] =	ssyncset.done $0x0  }
0x238: {  	[sflag:s20] =	ssyncadd.s32 $0xFFFFFF80  }
0x239: {  	_ =	swait.ge [sflag:s21], $0x80  }
0x23a: {  	[sflag:s21] =	ssyncset.done $0x0  }
0x23b: {  	[sflag:s21] =	ssyncadd.s32 $0xFFFFFF80  }
0x23c: {  	_ =	swait.ge [sflag:s20], $0x80  }
0x23d: {  	[sflag:s20] =	ssyncset.done $0x0  }
0x23e: {  	[sflag:s20] =	ssyncadd.s32 $0xFFFFFF80  }
0x23f: {  	_ =	swait.ge [sflag:s21], $0x80  }
0x240: {  	[sflag:s21] =	ssyncset.done $0x0  }
0x241: {  	[sflag:s21] =	ssyncadd.s32 $0xFFFFFF80  }
0x242: {  	_ =	swait.ge [sflag:s20], $0x80  }
0x243: {  	[sflag:s20] =	ssyncset.done $0x0  }
0x244: {  	[sflag:s20] =	ssyncadd.s32 $0xFFFFFF80  }
0x245: {  	_ =	swait.ge [sflag:s21], $0x80  }
0x246: {  	[sflag:s21] =	ssyncset.done $0x0  }
0x247: {  	[sflag:s21] =	ssyncadd.s32 $0xFFFFFF80  }
0x248: {  	_ =	swait.ge [sflag:s20], $0x80  }
0x249: {  	[sflag:s20] =	ssyncset.done $0x0  }
0x24a: {  	[sflag:s20] =	ssyncadd.s32 $0xFFFFFF80  }
0x24b: {  	_ =	swait.ge [sflag:s21], $0x80  }
0x24c: {  	[sflag:s21] =	ssyncset.done $0x0  }
0x24d: {  	[sflag:s21] =	ssyncadd.s32 $0xFFFFFF80  }
0x24e: {  	_ =	swait.ge [sflag:s20], $0x80  }
0x24f: {  	[sflag:s20] =	ssyncset.done $0x0  }
0x250: {  	[sflag:s20] =	ssyncadd.s32 $0xFFFFFF80  }
0x251: {  	_ =	swait.ge [sflag:s21], $0x80  }
0x252: {  	[sflag:s21] =	ssyncset.done $0x0  }
0x253: {  	[sflag:s21] =	ssyncadd.s32 $0xFFFFFF80  }
0x254: {  	_ =	swait.ge [sflag:s20], $0x80  }
0x255: {  	[sflag:s20] =	ssyncset.done $0x0  }
0x256: {  	[sflag:s20] =	ssyncadd.s32 $0xFFFFFF80  }
0x257: {  	_ =	swait.ge [sflag:s21], $0x80  }
0x258: {  	[sflag:s21] =	ssyncset.done $0x0  }
0x259: {  	[sflag:s21] =	ssyncadd.s32 $0xFFFFFF80  }
0x25a: {  	_ =	swait.ge [sflag:s20], $0x80  }
0x25b: {  	[sflag:s20] =	ssyncset.done $0x0  }
0x25c: {  	[sflag:s20] =	ssyncadd.s32 $0xFFFFFF80  }
0x25d: {  	_ =	swait.ge [sflag:s21], $0x80  }
0x25e: {  	[sflag:s21] =	ssyncset.done $0x0  }
0x25f: {  	[sflag:s21] =	ssyncadd.s32 $0xFFFFFF80  }
0x260: {  	_ =	swait.ge [sflag:s20], $0x80  }
0x261: {  	[sflag:s20] =	ssyncset.done $0x0  }
0x262: {  	[sflag:s20] =	ssyncadd.s32 $0xFFFFFF80  }
0x263: {  	_ =	swait.ge [sflag:s21], $0x80  }
0x264: {  	[sflag:s21] =	ssyncset.done $0x0  }
0x265: {  	[sflag:s21] =	ssyncadd.s32 $0xFFFFFF80  }
0x266: {  	_ =	swait.ge [sflag:s20], $0x80  }
0x267: {  	[sflag:s20] =	ssyncset.done $0x0  }
0x268: {  	[sflag:s20] =	ssyncadd.s32 $0xFFFFFF80  }
0x269: {  	_ =	swait.ge [sflag:s21], $0x80  }
0x26a: {  	[sflag:s21] =	ssyncset.done $0x0  }
0x26b: {  	[sflag:s21] =	ssyncadd.s32 $0xFFFFFF80  }
0x26c: {  	_ =	swait.ge [sflag:s20], $0x80  }
0x26d: {  	[sflag:s20] =	ssyncset.done $0x0  }
0x26e: {  	[sflag:s20] =	ssyncadd.s32 $0xFFFFFF80  }
0x26f: {  	_ =	swait.ge [sflag:s21], $0x80  }
0x270: {  	[sflag:s21] =	ssyncset.done $0x0  }
0x271: {  	[sflag:s21] =	ssyncadd.s32 $0xFFFFFF80  }
0x272: {  	_ =	swait.ge [sflag:s20], $0x80  }
0x273: {  	[sflag:s20] =	ssyncset.done $0x0  }
0x274: {  	[sflag:s20] =	ssyncadd.s32 $0xFFFFFF80  }
0x275: {  	_ =	swait.ge [sflag:s21], $0x80  }
0x276: {  	[sflag:s21] =	ssyncset.done $0x0  }
0x277: {  	[sflag:s21] =	ssyncadd.s32 $0xFFFFFF80  }
0x278: {  	_ =	swait.ge [sflag:s20], $0x80  }
0x279: {  	[sflag:s20] =	ssyncset.done $0x0  }
0x27a: {  	[sflag:s20] =	ssyncadd.s32 $0xFFFFFF80  }
0x27b: {  	_ =	swait.ge [sflag:s21], $0x80  }
0x27c: {  	[sflag:s21] =	ssyncset.done $0x0  }
0x27d: {  	[sflag:s21] =	ssyncadd.s32 $0xFFFFFF80  }
0x27e: {  	_ =	swait.ge [sflag:s20], $0x80  }
0x27f: {  	[sflag:s20] =	ssyncset.done $0x0  }
0x280: {  	[sflag:s20] =	ssyncadd.s32 $0xFFFFFF80  }
0x281: {  	_ =	swait.ge [sflag:s21], $0x80  }
0x282: {  	[sflag:s21] =	ssyncset.done $0x0  }
0x283: {  	[sflag:s21] =	ssyncadd.s32 $0xFFFFFF80  }
0x284: {  	_ =	swait.ge [sflag:s20], $0x80  }
0x285: {  	[sflag:s20] =	ssyncset.done $0x0  }
0x286: {  	[sflag:s20] =	ssyncadd.s32 $0xFFFFFF80  }
0x287: {  	_ =	swait.ge [sflag:s21], $0x80  }
0x288: {  	[sflag:s21] =	ssyncset.done $0x0  }
0x289: {  	[sflag:s21] =	ssyncadd.s32 $0xFFFFFF80  }
0x28a: {  	_ =	swait.ge [sflag:s20], $0x80  }
0x28b: {  	[sflag:s20] =	ssyncset.done $0x0  }
0x28c: {  	[sflag:s20] =	ssyncadd.s32 $0xFFFFFF80  }
0x28d: {  	_ =	swait.ge [sflag:s21], $0x80  }
0x28e: {  	[sflag:s21] =	ssyncset.done $0x0  }
0x28f: {  	[sflag:s21] =	ssyncadd.s32 $0xFFFFFF80  }
0x290: {  	_ =	swait.ge [sflag:s20], $0x80  }
0x291: {  	[sflag:s20] =	ssyncset.done $0x0  }
0x292: {  	[sflag:s20] =	ssyncadd.s32 $0xFFFFFF80  }
0x293: {  	_ =	swait.ge [sflag:s21], $0x80  }
0x294: {  	[sflag:s21] =	ssyncset.done $0x0  }
0x295: {  	[sflag:s21] =	ssyncadd.s32 $0xFFFFFF80  }
0x296: {  	_ =	swait.ge [sflag:s20], $0x80  }
0x297: {  	[sflag:s20] =	ssyncset.done $0x0  }
0x298: {  	[sflag:s20] =	ssyncadd.s32 $0xFFFFFF80  }
0x299: {  	_ =	swait.ge [sflag:s21], $0x80  }
0x29a: {  	[sflag:s21] =	ssyncset.done $0x0  }
0x29b: {  	[sflag:s21] =	ssyncadd.s32 $0xFFFFFF80  }
0x29c: {  	v28 =	vld [tilespmem:$0x8210]  }
0x29d: {  	v30 =	vld.msk [tilespmem:s10+$0x0], $0xffff  }
0x29e: {  	v29 =	vld.idx.msk [tilespmem:v0+s10+$0x0], $0xffff  }
0x29f: {  	v27 =	vld.idx.msk [tilespmem:v1+s10+$0x0], $0xffff  }
0x2a0: {  	v26 =	vld.idx.msk [tilespmem:v2+s10+$0x0], $0xffff  }
0x2a1: {  	v25 =	vld.idx.msk [tilespmem:v3+s10+$0x0], $0xffff  }
0x2a2: {  	v24 =	vld.idx.msk [tilespmem:v4+s10+$0x0], $0xffff  }
0x2a3: {  	v23 =	vld.idx.msk [tilespmem:v5+s10+$0x0], $0xffff  }
0x2a4: {  	v22 =	vld.idx.msk [tilespmem:v6+s10+$0x0], $0xffff  }
0x2a5: {  	v21 =	vld.idx.msk [tilespmem:v7+s10+$0x0], $0xffff  }
0x2a6: {  	v20 =	vld.idx.msk [tilespmem:v8+s10+$0x0], $0xffff  }
0x2a7: {  	v19 =	vld.idx.msk [tilespmem:v9+s10+$0x0], $0xffff  }
0x2a8: {  	v18 =	vld.idx.msk [tilespmem:v10+s10+$0x0], $0xffff  }
0x2a9: {  	v17 =	vld.idx.msk [tilespmem:v11+s10+$0x0], $0xffff  }
0x2aa: {  	v16 =	vld.idx.msk [tilespmem:v12+s10+$0x0], $0xffff  }
0x2ab: {  	s26 =	simm.s32 $0x0;
	v15 =	vld.idx.msk [tilespmem:v13+s10+$0x0], $0xffff  }
0x2ac: {  	v31 =	vld [tilespmem:s26+$0x6000]  }
0x2ad: {  	v32 =	vld [tilespmem:s26+$0x4000]  }
0x2ae: {  	v33 =	vld [tilespmem:s26+$0x4010]  }
0x2af: {  	v34 =	vld [tilespmem:s26+$0x6010]  }
0x2b0: {  	v35 =	vld [tilespmem:s26+$0x4020]  }
0x2b1: {  	v36 =	vld [tilespmem:s26+$0x6020]  }
0x2b2: {  	v62 =	vld [tilespmem:s26+$0x4030];
	v31 =	vmul.f32 v31, v32  }
0x2b3: {  	v37 =	vld [tilespmem:s26+$0x6030]  }
0x2b4: {  	v63 =	vld [tilespmem:s26+$0x4040];
	v33 =	vmul.f32 v34, v33;
	v31 =	vmul.f32 v31, v30  }
0x2b5: {  	v38 =	vld [tilespmem:s26+$0x6040]  }
0x2b6: {  	v42 =	vld [tilespmem:s26+$0x4050];
	v35 =	vmul.f32 v36, v35;
	v33 =	vmul.f32 v33, v29;
	v31 =	vadd.f32 v31, v28  }
0x2b7: {  	v39 =	vld [tilespmem:s26+$0x6050]  }
0x2b8: {  	v44 =	vld [tilespmem:s26+$0x4060];
	v32 =	vmul.f32 v37, v62;
	v43 =	vmul.f32 v35, v27;
	v31 =	vadd.f32 v33, v31  }
0x2b9: {  	v45 =	vld [tilespmem:s26+$0x6060]  }
0x2ba: {  	v47 =	vld [tilespmem:s26+$0x4070];
	v46 =	vmul.f32 v38, v63;
	v32 =	vmul.f32 v32, v26;
	v31 =	vadd.f32 v43, v31  }
0x2bb: {  	v48 =	vld [tilespmem:s26+$0x6070]  }
0x2bc: {  	v51 =	vld [tilespmem:s26+$0x4080];
	v50 =	vmul.f32 v39, v42;
	v49 =	vmul.f32 v46, v25;
	v31 =	vadd.f32 v32, v31  }
0x2bd: {  	v52 =	vld [tilespmem:s26+$0x6080]  }
0x2be: {  	v55 =	vld [tilespmem:s26+$0x4090];
	v54 =	vmul.f32 v45, v44;
	v53 =	vmul.f32 v50, v24;
	v31 =	vadd.f32 v49, v31  }
0x2bf: {  	v56 =	vld [tilespmem:s26+$0x6090]  }
0x2c0: {  	v59 =	vld [tilespmem:s26+$0x40A0];
	v58 =	vmul.f32 v48, v47;
	v57 =	vmul.f32 v54, v23;
	v31 =	vadd.f32 v53, v31  }
0x2c1: {  	v60 =	vld [tilespmem:s26+$0x60A0]  }
0x2c2: {  	v62 =	vmul.f32 v52, v51;
	v63 =	vld [tilespmem:s26+$0x40B0];
	v61 =	vmul.f32 v58, v22;
	v31 =	vadd.f32 v57, v31  }
0x2c3: {  	v42 =	vld [tilespmem:s26+$0x60B0]  }
0x2c4: {  	v44 =	vmul.f32 v56, v55;
	v45 =	vld [tilespmem:s26+$0x40C0];
	v43 =	vmul.f32 v62, v21;
	v31 =	vadd.f32 v61, v31  }
0x2c5: {  	v46 =	vld [tilespmem:s26+$0x60C0]  }
0x2c6: {  	v48 =	vmul.f32 v60, v59;
	v47 =	vmul.f32 v44, v20;
	v50 =	vld [tilespmem:s26+$0x60D0];
	v31 =	vadd.f32 v43, v31  }
0x2c7: {  	v49 =	vld [tilespmem:s26+$0x40D0]  }
0x2c8: {  	v51 =	vmul.f32 v48, v19;
	v54 =	vld [tilespmem:s26+$0x60E0];
	v52 =	vmul.f32 v42, v63;
	v31 =	vadd.f32 v47, v31  }
0x2c9: {  	v53 =	vld [tilespmem:s26+$0x40E0]  }
0x2ca: {  	v58 =	vld [tilespmem:s26+$0x60F0];
	v55 =	vmul.f32 v52, v18;
	v56 =	vmul.f32 v46, v45;
	v31 =	vadd.f32 v51, v31  }
0x2cb: {  	v57 =	vld [tilespmem:s26+$0x40F0]  }
0x2cc: {  	v33 =	vmul.f32 v56, v17;
	v34 =	vmul.f32 v50, v49;
	v32 =	vadd.f32 v55, v31  }
0x2cd: {  	v31 =	vld.idx.msk [tilespmem:v14+s10+$0x0], $0xffff  }
0x2ce: {  	v59 =	vmul.f32 v34, v16;
	v60 =	vmul.f32 v54, v53;
	v32 =	vadd.f32 v33, v32;
	_ =	sdelay $0x1  }
0x2cf: {  	v61 =	vmul.f32 v60, v15;
	v62 =	vmul.f32 v58, v57;
	v32 =	vadd.f32 v59, v32;
	_ =	sdelay $0x1  }
0x2d0: {  	v63 =	vmul.f32 v62, v31;
	v32 =	vadd.f32 v61, v32;
	_ =	sdelay $0x1  }
0x2d1: {  	v32 =	vadd.f32 v63, v32;
	_ =	sdelay $0x1  }
0x2d2: {  	v32 =	vmax.f32 v32, $0.0e+00  }
0x2d3: {  	s25 =	simm.s32 $0x100;
	[tilespmem:s22+$0x0] =	vst v32  }
0x2d4: {  	s24 =	simm.s32 $0x8000;
	s26 =	simm.s32 $0x800;
	v32 =	vld [tilespmem:s25+$0x6000]  }
.LBB2_2:
0x2d5: {  	p0 =	sne.s32 s26, $0x7C00;
	v33 =	vld [tilespmem:s25+$0x4000]  }
0x2d6: {  	v34 =	vld [tilespmem:s25+$0x4010]  }
0x2d7: {  	v35 =	vld [tilespmem:s25+$0x6010]  }
0x2d8: {  	v36 =	vld [tilespmem:s25+$0x4020]  }
0x2d9: {  	v37 =	vld [tilespmem:s25+$0x6020]  }
0x2da: {  	v32 =	vmul.f32 v32, v33;
	v33 =	vld [tilespmem:s25+$0x4030]  }
0x2db: {  	v38 =	vld [tilespmem:s25+$0x6030]  }
0x2dc: {  	v32 =	vmul.f32 v32, v30;
	v34 =	vmul.f32 v35, v34;
	v35 =	vld [tilespmem:s25+$0x4040]  }
0x2dd: {  	v39 =	vld [tilespmem:s25+$0x6040]  }
0x2de: {  	v32 =	vadd.f32 v32, v28;
	v34 =	vmul.f32 v34, v29;
	v36 =	vmul.f32 v37, v36;
	v37 =	vld [tilespmem:s25+$0x4050]  }
0x2df: {  	v40 =	vld [tilespmem:s25+$0x6050]  }
0x2e0: {  	v32 =	vadd.f32 v34, v32;
	v34 =	vmul.f32 v36, v27;
	v33 =	vmul.f32 v38, v33;
	v36 =	vld [tilespmem:s25+$0x4060]  }
0x2e1: {  	v38 =	vld [tilespmem:s25+$0x6060]  }
0x2e2: {  	v32 =	vadd.f32 v34, v32;
	v33 =	vmul.f32 v33, v26;
	v34 =	vmul.f32 v39, v35;
	v35 =	vld [tilespmem:s25+$0x4070]  }
0x2e3: {  	v39 =	vld [tilespmem:s25+$0x6070]  }
0x2e4: {  	v32 =	vadd.f32 v33, v32;
	v33 =	vmul.f32 v34, v25;
	v34 =	vmul.f32 v40, v37;
	v37 =	vld [tilespmem:s25+$0x4080]  }
0x2e5: {  	v40 =	vld [tilespmem:s25+$0x6080]  }
0x2e6: {  	v32 =	vadd.f32 v33, v32;
	v33 =	vmul.f32 v34, v24;
	v34 =	vmul.f32 v38, v36;
	v36 =	vld [tilespmem:s25+$0x4090]  }
0x2e7: {  	v38 =	vld [tilespmem:s25+$0x6090]  }
0x2e8: {  	v32 =	vadd.f32 v33, v32;
	v33 =	vmul.f32 v34, v23;
	v34 =	vmul.f32 v39, v35;
	v35 =	vld [tilespmem:s25+$0x40A0]  }
0x2e9: {  	v39 =	vld [tilespmem:s25+$0x60A0]  }
0x2ea: {  	v32 =	vadd.f32 v33, v32;
	v33 =	vmul.f32 v34, v22;
	v34 =	vmul.f32 v40, v37;
	v37 =	vld [tilespmem:s25+$0x40B0]  }
0x2eb: {  	v40 =	vld [tilespmem:s25+$0x60B0]  }
0x2ec: {  	v32 =	vadd.f32 v33, v32;
	v33 =	vmul.f32 v34, v21;
	v34 =	vmul.f32 v38, v36;
	v36 =	vld [tilespmem:s25+$0x40C0]  }
0x2ed: {  	v38 =	vld [tilespmem:s25+$0x60C0]  }
0x2ee: {  	v32 =	vadd.f32 v33, v32;
	v33 =	vmul.f32 v34, v20;
	v34 =	vmul.f32 v39, v35;
	v35 =	vld [tilespmem:s25+$0x40D0]  }
0x2ef: {  	v39 =	vld [tilespmem:s25+$0x60D0]  }
0x2f0: {  	v32 =	vadd.f32 v33, v32;
	v33 =	vmul.f32 v34, v19;
	v34 =	vmul.f32 v40, v37;
	v37 =	vld [tilespmem:s25+$0x40E0]  }
0x2f1: {  	v40 =	vld [tilespmem:s25+$0x60E0]  }
0x2f2: {  	v32 =	vadd.f32 v33, v32;
	v33 =	vmul.f32 v34, v18;
	v34 =	vmul.f32 v38, v36;
	v36 =	vld [tilespmem:s25+$0x40F0]  }
0x2f3: {  	v38 =	vld [tilespmem:s25+$0x60F0]  }
0x2f4: {  	v32 =	vadd.f32 v33, v32;
	v33 =	vmul.f32 v34, v17;
	v34 =	vmul.f32 v39, v35;
	_ =	sdelay $0x1  }
0x2f5: {  	v32 =	vadd.f32 v33, v32;
	v33 =	vmul.f32 v34, v16;
	v34 =	vmul.f32 v40, v37;
	_ =	sdelay $0x1  }
0x2f6: {  	v32 =	vadd.f32 v33, v32;
	v33 =	vmul.f32 v34, v15;
	v34 =	vmul.f32 v38, v36;
	_ =	sdelay $0x1  }
0x2f7: {  	v32 =	vadd.f32 v33, v32;
	v33 =	vmul.f32 v34, v31;
	_ =	sdelay $0x1  }
.Ltmp0:
0x2f8: {  	v32 =	vadd.f32 v33, v32;
	(pc) =	sbr.rel @p0 .LBB2_2-.Ltmp0, $4  }
0x2f9: {  	_ = 	snop  }
0x2fa: {  	s24 =	sadd.s32 $0x10, s24;
	v32 =	vmax.f32 v32, $0.0e+00  }
0x2fb: {  	s25 =	sshra.s32 s26, $0x2;
	[tilespmem:s24+$0x0] =	vst v32  }
0x2fc: {  	s26 =	sadd.s32 $0x400, s26;
	v32 =	vld [tilespmem:s25+$0x6000]  }
0x2fd: {  	v33 =	vld [tilespmem:s25+$0x4000]  }
0x2fe: {  	v34 =	vld [tilespmem:s25+$0x4010]  }
0x2ff: {  	v35 =	vld [tilespmem:s25+$0x6010]  }
0x300: {  	v36 =	vld [tilespmem:s25+$0x4020]  }
0x301: {  	v37 =	vld [tilespmem:s25+$0x6020]  }
0x302: {  	v51 =	vld [tilespmem:s25+$0x4030];
	v32 =	vmul.f32 v32, v33  }
0x303: {  	v38 =	vld [tilespmem:s25+$0x6030]  }
0x304: {  	v53 =	vld [tilespmem:s25+$0x4040];
	v52 =	vmul.f32 v35, v34;
	v30 =	vmul.f32 v32, v30  }
0x305: {  	v54 =	vld [tilespmem:s25+$0x6040]  }
0x306: {  	v56 =	vld [tilespmem:s25+$0x4050];
	v55 =	vmul.f32 v37, v36;
	v29 =	vmul.f32 v52, v29;
	v28 =	vadd.f32 v30, v28  }
0x307: {  	v57 =	vld [tilespmem:s25+$0x6050]  }
0x308: {  	v59 =	vld [tilespmem:s25+$0x4060];
	v58 =	vmul.f32 v38, v51;
	v27 =	vmul.f32 v55, v27;
	v28 =	vadd.f32 v29, v28  }
0x309: {  	v60 =	vld [tilespmem:s25+$0x6060]  }
0x30a: {  	v62 =	vld [tilespmem:s25+$0x4070];
	v61 =	vmul.f32 v54, v53;
	v26 =	vmul.f32 v58, v26;
	v27 =	vadd.f32 v27, v28  }
0x30b: {  	v63 =	vld [tilespmem:s25+$0x6070]  }
0x30c: {  	v36 =	vmul.f32 v57, v56;
	v37 =	vld [tilespmem:s25+$0x4080];
	v25 =	vmul.f32 v61, v25;
	v26 =	vadd.f32 v26, v27  }
0x30d: {  	v38 =	vld [tilespmem:s25+$0x6080]  }
0x30e: {  	v40 =	vld [tilespmem:s25+$0x4090];
	v39 =	vmul.f32 v60, v59;
	v24 =	vmul.f32 v36, v24;
	v25 =	vadd.f32 v25, v26  }
0x30f: {  	v41 =	vld [tilespmem:s25+$0x6090]  }
0x310: {  	v43 =	vld [tilespmem:s25+$0x40A0];
	v42 =	vmul.f32 v63, v62;
	v23 =	vmul.f32 v39, v23;
	v24 =	vadd.f32 v24, v25  }
0x311: {  	v44 =	vld [tilespmem:s25+$0x60A0]  }
0x312: {  	v46 =	vld [tilespmem:s25+$0x40B0];
	v22 =	vmul.f32 v42, v22;
	v45 =	vmul.f32 v38, v37;
	v23 =	vadd.f32 v23, v24  }
0x313: {  	v47 =	vld [tilespmem:s25+$0x60B0]  }
0x314: {  	v49 =	vld [tilespmem:s25+$0x40C0];
	v48 =	vmul.f32 v41, v40;
	v21 =	vmul.f32 v45, v21;
	v22 =	vadd.f32 v22, v23  }
0x315: {  	v50 =	vld [tilespmem:s25+$0x60C0]  }
0x316: {  	v51 =	vmul.f32 v44, v43;
	v53 =	vld [tilespmem:s25+$0x60D0];
	v20 =	vmul.f32 v48, v20;
	v21 =	vadd.f32 v21, v22  }
0x317: {  	v52 =	vld [tilespmem:s25+$0x40D0]  }
0x318: {  	v54 =	vmul.f32 v47, v46;
	v56 =	vld [tilespmem:s25+$0x60E0];
	v19 =	vmul.f32 v51, v19;
	v20 =	vadd.f32 v20, v21  }
0x319: {  	v55 =	vld [tilespmem:s25+$0x40E0]  }
0x31a: {  	v57 =	vmul.f32 v50, v49;
	v59 =	vld [tilespmem:s25+$0x60F0];
	v18 =	vmul.f32 v54, v18;
	v19 =	vadd.f32 v19, v20  }
0x31b: {  	v58 =	vld [tilespmem:s25+$0x40F0]  }
0x31c: {  	v17 =	vmul.f32 v57, v17;
	v60 =	vmul.f32 v53, v52;
	v18 =	vadd.f32 v18, v19;
	_ =	sdelay $0x1  }
0x31d: {  	v61 =	vmul.f32 v56, v55;
	v16 =	vmul.f32 v60, v16;
	v17 =	vadd.f32 v17, v18;
	_ =	sdelay $0x1  }
0x31e: {  	v62 =	vmul.f32 v59, v58;
	v15 =	vmul.f32 v61, v15;
	v16 =	vadd.f32 v16, v17;
	_ =	sdelay $0x1  }
0x31f: {  	v63 =	vmul.f32 v62, v31;
	v15 =	vadd.f32 v15, v16;
	_ =	sdelay $0x1  }
0x320: {  	v15 =	vadd.f32 v63, v15  }
0x321: {  	s23 =	sadd.s32 $0x1, s23  }
0x322: {  	s24 =	sadd.s32 $0x10, s24;
	p0 =	sne.s32 s23, s9;
	v15 =	vmax.f32 v15, $0.0e+00  }
.Ltmp1:
0x323: {  	[tilespmem:s24+$0x0] =	vst v15;
	(pc) =	sbr.rel @p0 .LBB2_1-.Ltmp1, $4  }
0x324: {  	[hbm4b:s8+s2] =	stream.linear.scatter [tilespmem:s22], [sflag:$0x3], $0x200, $0x38;
	[tilespmem:$0x8220] =	vst v63  }
0x325: {  	_ =	swait.ge [sflag:s11], $0x200  }
0x326: {  	[sflag:s11] =	ssyncset.done $0x0  }
0x327: {  	[sflag:s11] =	ssyncadd.s32 $0xFFFFFE00  }
0x328: {  	_ =	sfence.sel $0x180000  }
0x329: {  	[bflag:$0x0] =	sbarrier.arrive $0xFFFF  }
0x32a: {  	_ =	strace $0x90000047  }
0x32b: {  	s0 =	stileid.u32;
	[bflag:$0x2] =	sbarrier.arrive $0xFFFF  }
0x32c: {  	p0 =	sne.s32 s0, $0x0;
	s0 =	rddreg [dreg:$0x2]  }
0x32d: {  	s0 =	sadd.s32 @!p0 $0x100000, s0  }
0x32e: {  	[sflag:s0] =	ssyncadd.tile.s32 @!p0 $0x1;
	_ =	shalt  }
.Lfunc_end2:
_tile_overlayer_lowered:
.L_overlay_start_2:
0x32f: {  	(tag) =	ssettag $0x2  }
0x330: {  	s0 =	rddreg [dreg:$0x0];
	s2 =	stileid.u32  }
0x331: {  	s1 =	rddreg [dreg:$0x1];
	p0 =	sne.s32 s2, $0x0  }
0x332: {  	s3 =	rddreg [dreg:$0x2];
	[bflag:$0x3] =	sbarrier.arrive $0xFFFF;
	s2 =	simm.s32 @!p0 $0x1C03  }
0x333: {  	[timem:s3], [sflag:s2] =	dma.local @!p0 [hbm:s0], s1  }
0x334: {  	s0 =	simm.s32 @!p0 $0x3  }
0x335: {  	_ =	swait.ge @!p0 [sflag:s0], s1  }
0x336: {  	s1 =	ssub.s32 @!p0 $0x0, s1;
	[sflag:s0] =	ssyncset.done @!p0 $0x0  }
0x337: {  	[sflag:s0] =	ssyncadd.s32 @!p0 s1  }
0x338: {  	[bflag:$0x3] =	sbarrier.arrive $0xFFFF  }
0x339: {  	_ =	shalt  }

</sc_bundles>
